<compile_context>
chip_gen: v7x
topology: tpu7x:2x2x1
jax: 0.10.2.dev20260603
libtpu: 0.0.44.dev20260713+nightly
codegen_flags: <defaults>
</compile_context>

<pallas_src>
import functools

import jax
import jax.numpy as jnp
from jax import lax
from jax.experimental import pallas as pl
from jax.experimental.pallas import tpu as pltpu
from jax.experimental.pallas import tpu_sc as plsc

NC = 2
NS = 16
LANES = 16


def _sc_mesh():
    return plsc.VectorSubcoreMesh(core_axis_name="c", subcore_axis_name="s",
                                  num_cores=NC, num_subcores=NS)


_SC_PARAMS = pltpu.CompilerParams(use_tc_tiling_on_sc=False)


def _build_deg_kernel(n_pad, nchunk, ch):
    nps = n_pad // NS
    sr = 128
    nrep = nps // sr
    f32 = jnp.float32

    @functools.partial(
        pl.kernel,
        out_type=jax.ShapeDtypeStruct((NC, n_pad, LANES), f32),
        mesh=_sc_mesh(),
        compiler_params=_SC_PARAMS,
        scratch_types=[
            pltpu.VMEM((nchunk, ch), jnp.int32),
            pltpu.VMEM((ch, LANES), f32),
            pltpu.VMEM((sr, LANES), f32),
            pltpu.VMEM_SHARED((n_pad, LANES), f32),
        ],
    )
    def deg_kernel(rows_hbm, deg_hbm, rowbuf, onesbuf, stage, acc):
        c = lax.axis_index("c")
        s = lax.axis_index("s")

        ones_v = jnp.ones((LANES,), f32)
        zero_v = jnp.zeros((LANES,), f32)

        def init_ones(i, carry):
            onesbuf[i, :] = ones_v
            stage[i, :] = zero_v
            return carry
        lax.fori_loop(0, max(ch, sr), init_ones, 0)

        for r in range(nrep):
            pltpu.sync_copy(stage, acc.at[pl.ds(s * nps + r * sr, sr)])
        plsc.subcore_barrier()

        pltpu.sync_copy(rows_hbm.at[c, s], rowbuf)

        def chunk(j, carry):
            pltpu.sync_copy(onesbuf, acc.at[rowbuf.at[j]], add=True)
            return carry
        lax.fori_loop(0, nchunk, chunk, 0)

        plsc.subcore_barrier()
        for r in range(nrep):
            pltpu.sync_copy(acc.at[pl.ds(s * nps + r * sr, sr)], stage)
            pltpu.sync_copy(stage, deg_hbm.at[c, pl.ds(s * nps + r * sr, sr)])

    return deg_kernel


def _build_agg_kernel(n_pad, d, nchunk, ch):
    nps = n_pad // NS
    sr = 16
    nrep = nps // sr
    f32 = jnp.float32
    dh = d // 2
    kgroups = dh // LANES

    @functools.partial(
        pl.kernel,
        out_type=jax.ShapeDtypeStruct((NC, n_pad, d), f32),
        mesh=_sc_mesh(),
        compiler_params=_SC_PARAMS,
        scratch_types=[
            pltpu.VMEM((nchunk, ch), jnp.int32),
            pltpu.VMEM((ch,), jnp.int32),
            pltpu.VMEM((ch,), jnp.int32),
            pltpu.VMEM((ch, d), f32),
            pltpu.VMEM((ch, d), f32),
            pltpu.VMEM((sr, d), f32),
            pltpu.VMEM_SHARED((n_pad, d), f32),
            pltpu.SemaphoreType.DMA,
            pltpu.SemaphoreType.DMA,
        ],
    )
    def agg_kernel(rows_hbm, cols_hbm, types_hbm, xs_hbm, rel_hbm, agg_hbm,
                   rowtab, colbuf, typbuf, xrows, rrows, stage, acc,
                   semx, semr):
        c = lax.axis_index("c")
        s = lax.axis_index("s")

        zero_v = jnp.zeros((LANES,), f32)

        def init_zero(i, carry):
            for k in range(d // LANES):
                stage[i, pl.ds(k * LANES, LANES)] = zero_v
            return carry
        lax.fori_loop(0, sr, init_zero, 0)

        for r in range(nrep):
            pltpu.sync_copy(stage, acc.at[pl.ds(s * nps + r * sr, sr)])
        plsc.subcore_barrier()

        pltpu.sync_copy(rows_hbm.at[c, s], rowtab)

        def chunk(j, carry):
            pltpu.sync_copy(cols_hbm.at[c, s, j], colbuf)
            pltpu.sync_copy(types_hbm.at[c, s, j], typbuf)
            cx = pltpu.async_copy(xs_hbm.at[colbuf], xrows, semx)
            cr = pltpu.async_copy(rel_hbm.at[typbuf], rrows, semr)
            cx.wait()
            cr.wait()

            def rot(e, carry2):
                for k in range(kgroups):
                    lo = pl.ds(k * LANES, LANES)
                    hi = pl.ds(dh + k * LANES, LANES)
                    hre = xrows[e, lo]
                    him = xrows[e, hi]
                    rre = rrows[e, lo]
                    rim = rrows[e, hi]
                    xrows[e, lo] = hre * rre - him * rim
                    xrows[e, hi] = hre * rim + him * rre
                return carry2
            lax.fori_loop(0, ch, rot, 0)

            pltpu.sync_copy(xrows, acc.at[rowtab.at[j]], add=True)
            return carry
        lax.fori_loop(0, nchunk, chunk, 0)

        plsc.subcore_barrier()
        for r in range(nrep):
            pltpu.sync_copy(acc.at[pl.ds(s * nps + r * sr, sr)], stage)
            pltpu.sync_copy(stage, agg_hbm.at[c, pl.ds(s * nps + r * sr, sr)])

    return agg_kernel


def _scale_body(x_ref, deg_ref, xs_ref):
    x = x_ref[...]
    for c in range(NC):
        deg = deg_ref[c][:, 0:1]
        dinv = jnp.where(deg > 0, lax.rsqrt(deg), 0.0)
        xs_ref[c] = x * dinv


def _dense_body(agg_ref, deg_ref, x_ref, rel_ref, win_ref, wout_ref,
                wloop_ref, wrel_ref, lrel_ref, bias_ref, g_ref, b_ref,
                ent_ref, rout_ref):
    f32 = jnp.float32
    n = deg_ref.shape[1]
    deg_in = deg_ref[0][:, 0:1]
    deg_out = deg_ref[1][:, 0:1]
    dinv_in = jnp.where(deg_in > 0, lax.rsqrt(deg_in), 0.0)
    dinv_out = jnp.where(deg_out > 0, lax.rsqrt(deg_out), 0.0)
    a_in = agg_ref[0][:n] * dinv_in
    a_out = agg_ref[1][:n] * dinv_out

    x = x_ref[...]
    d = x.shape[1]
    dh = d // 2
    lr = lrel_ref[0]
    hre, him = x[:, :dh], x[:, dh:]
    rre, rim = lr[:dh], lr[dh:]
    loop_m = jnp.concatenate([hre * rre - him * rim, hre * rim + him * rre],
                             axis=1)

    t = (jnp.dot(a_in, win_ref[...], preferred_element_type=f32)
         + jnp.dot(a_out, wout_ref[...], preferred_element_type=f32)
         + jnp.dot(loop_m, wloop_ref[...], preferred_element_type=f32))
    t = t * (1.0 / 3.0) + bias_ref[0]

    mean = jnp.mean(t, axis=0, keepdims=True)
    var = jnp.mean((t - mean) ** 2, axis=0, keepdims=True)
    ent_ref[...] = jnp.tanh((t - mean) * lax.rsqrt(var + 1e-5) * g_ref[0]
                            + b_ref[0])

    n_rel = rout_ref.shape[0]
    rout_ref[...] = jnp.dot(rel_ref[...], wrel_ref[...],
                            preferred_element_type=f32)[:n_rel]


def kernel(x, edge_index, edge_type, rel_embed, w_in, w_out, w_loop, w_rel,
           loop_rel, bias, bn_gamma, bn_beta):
    n_ent, d = x.shape
    e = edge_index.shape[1]
    eh = e // 2
    per_sub = eh // NS
    assert eh % NS == 0 and n_ent % NS == 0

    n_pad = -(-n_ent // (NS * 128)) * (NS * 128)
    ch = 128
    nchunk = -(-per_sub // ch)
    per_sub_pad = nchunk * ch
    padw = per_sub_pad - per_sub
    dummy = n_ent

    rows3 = edge_index[0].reshape(NC, NS, per_sub)
    cols3 = edge_index[1].reshape(NC, NS, per_sub)
    types3 = edge_type.reshape(NC, NS, per_sub)
    pw = ((0, 0), (0, 0), (0, padw))
    rows4 = jnp.pad(rows3, pw, constant_values=dummy).reshape(
        NC, NS, nchunk, ch)
    cols4 = jnp.pad(cols3, pw).reshape(NC, NS, nchunk, ch)
    types4 = jnp.pad(types3, pw).reshape(NC, NS, nchunk, ch)
    cols4 = cols4 + (jnp.arange(NC, dtype=jnp.int32) * n_pad)[
        :, None, None, None]
    rel_full = jnp.concatenate([rel_embed, loop_rel], axis=0)

    deg2 = _build_deg_kernel(n_pad, nchunk, ch)(rows4)[:, :n_ent]

    xs2 = pl.pallas_call(
        _scale_body,
        out_shape=jax.ShapeDtypeStruct((NC, n_ent, d), jnp.float32),
    )(x, deg2)

    xs_pad = jnp.pad(xs2, ((0, 0), (0, n_pad - n_ent), (0, 0)))
    agg2 = _build_agg_kernel(n_pad, d, nchunk, ch)(
        rows4, cols4, types4, xs_pad.reshape(NC * n_pad, d), rel_full)

    ent, rel_out = pl.pallas_call(
        _dense_body,
        out_shape=(
            jax.ShapeDtypeStruct((n_ent, d), jnp.float32),
            jax.ShapeDtypeStruct((rel_embed.shape[0], d), jnp.float32),
        ),
    )(agg2, deg2, x, rel_full, w_in, w_out, w_loop, w_rel, loop_rel,
      bias.reshape(1, d), bn_gamma.reshape(1, d), bn_beta.reshape(1, d))

    return ent, rel_out

# --- scband reference (transcript-rebuilt; emitter-appended) ---
"""Pipeline reference for scband-star-eencoder-52467320487979 (READ-ONLY COPY).

The authoritative reference and input builder live on the scoring server;
editing this copy changes nothing except your own understanding.
"""

import jax, jax.numpy as jnp
import numpy as np

N_ENT = 10000
D = 128
E = 320000
N_REL = 400  # includes inverse relations


def rotate(h, r):
    d = h.shape[-1]
    h_re, h_im = h[..., : d // 2], h[..., d // 2 :]
    r_re, r_im = r[..., : d // 2], r[..., d // 2 :]
    return jnp.concatenate([h_re * r_re - h_im * r_im, h_re * r_im + h_im * r_re], axis=-1)


def xavier(k, shape):
    std = (2.0 / (shape[0] + shape[1])) ** 0.5
    return std * jax.random.normal(k, shape, dtype=jnp.float32)


def setup_inputs(seed: int = 0) -> dict:
    key = jax.random.key(seed)
    ks = jax.random.split(key, 12)
    return {
        "x": jax.random.normal(ks[0], (N_ENT, D), dtype=jnp.float32),
        "edge_index": jax.random.randint(ks[1], (2, E), 0, N_ENT, dtype=jnp.int32),
        "edge_type": jax.random.randint(ks[2], (E,), 0, N_REL, dtype=jnp.int32),
        "rel_embed": jax.random.normal(ks[3], (N_REL, D), dtype=jnp.float32),
        "w_in": xavier(ks[4], (D, D)),
        "w_out": xavier(ks[5], (D, D)),
        "w_loop": xavier(ks[6], (D, D)),
        "w_rel": xavier(ks[7], (D, D)),
        "loop_rel": xavier(ks[8], (1, D)),
        "bias": jnp.zeros((D,), dtype=jnp.float32),
        "bn_gamma": jnp.ones((D,), dtype=jnp.float32),
        "bn_beta": jnp.zeros((D,), dtype=jnp.float32),
    }


def compute_norm(edge_index, num_ent):
    row, col = edge_index[0], edge_index[1]
    w = jnp.ones((row.shape[0],), dtype=jnp.float32)
    deg = jax.ops.segment_sum(w, row, num_segments=num_ent)
    deg_inv = jnp.where(deg > 0, deg ** -0.5, 0.0)
    return deg_inv[row] * w * deg_inv[col]


def reference(x, edge_index, edge_type, rel_embed, w_in, w_out, w_loop, w_rel, loop_rel, bias, bn_gamma, bn_beta):
    num_ent = x.shape[0]
    rel_full = jnp.concatenate([rel_embed, loop_rel], axis=0)
    num_edges = edge_index.shape[1] // 2
    in_index, out_index = edge_index[:, :num_edges], edge_index[:, num_edges:]
    in_type, out_type = edge_type[:num_edges], edge_type[num_edges:]
    in_norm = compute_norm(in_index, num_ent)
    out_norm = compute_norm(out_index, num_ent)

    def propagate(index, etype, w, norm):
        # flow='target_to_source': x_j = x[index[1]], aggregate at index[0]
        x_j = jnp.take(x, index[1], axis=0)
        rel = jnp.take(rel_full, etype, axis=0)
        m = rotate(x_j, rel) @ w
        if norm is not None:
            m = m * norm[:, None]
        return jax.ops.segment_sum(m, index[0], num_segments=num_ent)

    in_res = propagate(in_index, in_type, w_in, in_norm)
    out_res = propagate(out_index, out_type, w_out, out_norm)
    loop_rel_b = jnp.broadcast_to(rel_full[-1][None, :], x.shape)
    loop_res = rotate(x, loop_rel_b) @ w_loop

    out = (in_res + out_res + loop_res) * (1.0 / 3.0) + bias
    # BatchNorm1d, training-mode batch statistics (biased variance, as torch)
    mean = out.mean(axis=0)
    var = out.var(axis=0)
    out = (out - mean) / jnp.sqrt(var + 1e-5) * bn_gamma + bn_beta
    ent_out = jnp.tanh(out)
    rel_out = (rel_full @ w_rel)[:-1]
    return ent_out, rel_out

if __name__ == "__main__":
    import jax
    _d = setup_inputs()
    print(jax.jit(kernel)(*tuple(_d.values())))

</pallas_src>

<mosaic_0001>
#map = affine_map<(d0, d1) -> (0, 0, 0, 0)>
#map1 = affine_map<(d0, d1) -> (0, 0, 0)>
module attributes {stable_mosaic.version = 14 : i64} {
  func.func @deg_kernel(%arg0: i32, %arg1: i32, %arg2: memref<2x16x79x128xi32, #tpu.memory_space<hbm>>, %arg3: memref<2x10240x16xf32, #tpu.memory_space<hbm>>, %arg4: memref<79x128xi32, #tpu.memory_space<vmem>>, %arg5: memref<128x16xf32, #tpu.memory_space<vmem>>, %arg6: memref<128x16xf32, #tpu.memory_space<vmem>>, %arg7: memref<10240x16xf32, #tpu.memory_space<vmem_shared>>) attributes {dimension_semantics = [#tpu.dimension_semantics<core_parallel>, #tpu.dimension_semantics<subcore_parallel>], iteration_bounds = array<i64: 2, 16>, scalar_prefetch = 0 : i64, scratch_operands = 4 : i64, tpu.core_type = #tpu.core_type<sc_vector_subcore>, window_params = [{transform_indices = #map}, {transform_indices = #map1}]} {
    %broadcast_in_dim3A = arith.constant 1.000000e+00 : f32
    %broadcast_in_dim3A_0 = vector.broadcast %broadcast_in_dim3A : f32 to vector<16xf32>
    %broadcast_in_dim3A_1 = arith.constant 0.000000e+00 : f32
    %broadcast_in_dim3A_2 = vector.broadcast %broadcast_in_dim3A_1 : f32 to vector<16xf32>
    %scan3A = arith.constant 0 : i32
    %scan3A_3 = arith.constant 0 : i32
    %scan3A_4 = arith.constant 128 : i32
    %scan3A_5 = arith.addi %scan3A_3, %scan3A_4 : i32
    %scan3A_6 = arith.constant 1 : i32
    scf.for %scan3A_73 = %scan3A_3 to %scan3A_5 step %scan3A_6  : i32 {
      %swap3A = arith.index_cast %scan3A_73 : i32 to index
      %swap3A_74 = arith.constant 0 : index
      %swap3A_75 = tpu.vector_load %arg5[%swap3A, %swap3A_74] {strides = array<i32>} : memref<128x16xf32, #tpu.memory_space<vmem>>, vector<1x16xf32>,
      %swap3A_76 = vector.shape_cast %swap3A_75 : vector<1x16xf32> to vector<16xf32>
      %swap3A_77 = vector.shape_cast %broadcast_in_dim3A_0 : vector<16xf32> to vector<1x16xf32>
      tpu.vector_store %arg5[%swap3A, %swap3A_74], %swap3A_77 {strides = array<i32>} : memref<128x16xf32, #tpu.memory_space<vmem>>, vector<1x16xf32>,
      %swap3A_78 = arith.index_cast %scan3A_73 : i32 to index
      %swap3A_79 = arith.constant 0 : index
      %swap3A_80 = tpu.vector_load %arg6[%swap3A_78, %swap3A_79] {strides = array<i32>} : memref<128x16xf32, #tpu.memory_space<vmem>>, vector<1x16xf32>,
      %swap3A_81 = vector.shape_cast %swap3A_80 : vector<1x16xf32> to vector<16xf32>
      %swap3A_82 = vector.shape_cast %broadcast_in_dim3A_2 : vector<16xf32> to vector<1x16xf32>
      tpu.vector_store %arg6[%swap3A_78, %swap3A_79], %swap3A_82 {strides = array<i32>} : memref<128x16xf32, #tpu.memory_space<vmem>>, vector<1x16xf32>,
    }
    %scan3A_7 = arith.constant 128 : i32
    %mul3A = arith.constant 640 : i32
    %mul3A_8 = arith.muli %arg1, %mul3A : i32
    %add3A = arith.constant 0 : i32
    %add3A_9 = arith.addi %mul3A_8, %add3A : i32
    "tpu.region"() ({
      %run_scoped3A = tpu.sem_alloc : memref<!tpu.dma_semaphore, #tpu.memory_space<semaphore_mem>>
      %dma_start3A = arith.constant 0 : i32
      %dma_start3A_73 = tpu.memref_slice %arg7[%add3A_9, %dma_start3A] : memref<10240x16xf32, #tpu.memory_space<vmem_shared>> -> memref<128x16xf32, #tpu.memory_space<vmem_shared>>
      %dma_start3A_74 = arith.constant 0 : i32
      %dma_start3A_75 = tpu.memref_slice %arg7[%add3A_9, %dma_start3A_74] : memref<10240x16xf32, #tpu.memory_space<vmem_shared>> -> memref<128x16xf32, #tpu.memory_space<vmem_shared>>
      tpu.enqueue_dma source(%arg6 : memref<128x16xf32, #tpu.memory_space<vmem>>) target(%dma_start3A_75 : memref<128x16xf32, #tpu.memory_space<vmem_shared>>) target_semaphore(%run_scoped3A : memref<!tpu.dma_semaphore, #tpu.memory_space<semaphore_mem>>)
      %dma_wait3A = arith.constant 0 : i32
      %dma_wait3A_76 = tpu.memref_slice %arg7[%add3A_9, %dma_wait3A] : memref<10240x16xf32, #tpu.memory_space<vmem_shared>> -> memref<128x16xf32, #tpu.memory_space<vmem_shared>>
      %dma_wait3A_77 = arith.constant 0 : i32
      %dma_wait3A_78 = tpu.memref_slice %arg7[%add3A_9, %dma_wait3A_77] : memref<10240x16xf32, #tpu.memory_space<vmem_shared>> -> memref<128x16xf32, #tpu.memory_space<vmem_shared>>
      tpu.wait_dma2 semaphore(%run_scoped3A : memref<!tpu.dma_semaphore, #tpu.memory_space<semaphore_mem>>) src(%arg6 : memref<128x16xf32, #tpu.memory_space<vmem>>) dst(%dma_wait3A_78 : memref<128x16xf32, #tpu.memory_space<vmem_shared>>)
      tpu.yield
    }) : () -> ()
    %mul3A_10 = arith.constant 640 : i32
    %mul3A_11 = arith.muli %arg1, %mul3A_10 : i32
    %add3A_12 = arith.constant 128 : i32
    %add3A_13 = arith.addi %mul3A_11, %add3A_12 : i32
    "tpu.region"() ({
      %run_scoped3A = tpu.sem_alloc : memref<!tpu.dma_semaphore, #tpu.memory_space<semaphore_mem>>
      %dma_start3A = arith.constant 0 : i32
      %dma_start3A_73 = tpu.memref_slice %arg7[%add3A_13, %dma_start3A] : memref<10240x16xf32, #tpu.memory_space<vmem_shared>> -> memref<128x16xf32, #tpu.memory_space<vmem_shared>>
      %dma_start3A_74 = arith.constant 0 : i32
      %dma_start3A_75 = tpu.memref_slice %arg7[%add3A_13, %dma_start3A_74] : memref<10240x16xf32, #tpu.memory_space<vmem_shared>> -> memref<128x16xf32, #tpu.memory_space<vmem_shared>>
      tpu.enqueue_dma source(%arg6 : memref<128x16xf32, #tpu.memory_space<vmem>>) target(%dma_start3A_75 : memref<128x16xf32, #tpu.memory_space<vmem_shared>>) target_semaphore(%run_scoped3A : memref<!tpu.dma_semaphore, #tpu.memory_space<semaphore_mem>>)
      %dma_wait3A = arith.constant 0 : i32
      %dma_wait3A_76 = tpu.memref_slice %arg7[%add3A_13, %dma_wait3A] : memref<10240x16xf32, #tpu.memory_space<vmem_shared>> -> memref<128x16xf32, #tpu.memory_space<vmem_shared>>
      %dma_wait3A_77 = arith.constant 0 : i32
      %dma_wait3A_78 = tpu.memref_slice %arg7[%add3A_13, %dma_wait3A_77] : memref<10240x16xf32, #tpu.memory_space<vmem_shared>> -> memref<128x16xf32, #tpu.memory_space<vmem_shared>>
      tpu.wait_dma2 semaphore(%run_scoped3A : memref<!tpu.dma_semaphore, #tpu.memory_space<semaphore_mem>>) src(%arg6 : memref<128x16xf32, #tpu.memory_space<vmem>>) dst(%dma_wait3A_78 : memref<128x16xf32, #tpu.memory_space<vmem_shared>>)
      tpu.yield
    }) : () -> ()
    %mul3A_14 = arith.constant 640 : i32
    %mul3A_15 = arith.muli %arg1, %mul3A_14 : i32
    %add3A_16 = arith.constant 256 : i32
    %add3A_17 = arith.addi %mul3A_15, %add3A_16 : i32
    "tpu.region"() ({
      %run_scoped3A = tpu.sem_alloc : memref<!tpu.dma_semaphore, #tpu.memory_space<semaphore_mem>>
      %dma_start3A = arith.constant 0 : i32
      %dma_start3A_73 = tpu.memref_slice %arg7[%add3A_17, %dma_start3A] : memref<10240x16xf32, #tpu.memory_space<vmem_shared>> -> memref<128x16xf32, #tpu.memory_space<vmem_shared>>
      %dma_start3A_74 = arith.constant 0 : i32
      %dma_start3A_75 = tpu.memref_slice %arg7[%add3A_17, %dma_start3A_74] : memref<10240x16xf32, #tpu.memory_space<vmem_shared>> -> memref<128x16xf32, #tpu.memory_space<vmem_shared>>
      tpu.enqueue_dma source(%arg6 : memref<128x16xf32, #tpu.memory_space<vmem>>) target(%dma_start3A_75 : memref<128x16xf32, #tpu.memory_space<vmem_shared>>) target_semaphore(%run_scoped3A : memref<!tpu.dma_semaphore, #tpu.memory_space<semaphore_mem>>)
      %dma_wait3A = arith.constant 0 : i32
      %dma_wait3A_76 = tpu.memref_slice %arg7[%add3A_17, %dma_wait3A] : memref<10240x16xf32, #tpu.memory_space<vmem_shared>> -> memref<128x16xf32, #tpu.memory_space<vmem_shared>>
      %dma_wait3A_77 = arith.constant 0 : i32
      %dma_wait3A_78 = tpu.memref_slice %arg7[%add3A_17, %dma_wait3A_77] : memref<10240x16xf32, #tpu.memory_space<vmem_shared>> -> memref<128x16xf32, #tpu.memory_space<vmem_shared>>
      tpu.wait_dma2 semaphore(%run_scoped3A : memref<!tpu.dma_semaphore, #tpu.memory_space<semaphore_mem>>) src(%arg6 : memref<128x16xf32, #tpu.memory_space<vmem>>) dst(%dma_wait3A_78 : memref<128x16xf32, #tpu.memory_space<vmem_shared>>)
      tpu.yield
    }) : () -> ()
    %mul3A_18 = arith.constant 640 : i32
    %mul3A_19 = arith.muli %arg1, %mul3A_18 : i32
    %add3A_20 = arith.constant 384 : i32
    %add3A_21 = arith.addi %mul3A_19, %add3A_20 : i32
    "tpu.region"() ({
      %run_scoped3A = tpu.sem_alloc : memref<!tpu.dma_semaphore, #tpu.memory_space<semaphore_mem>>
      %dma_start3A = arith.constant 0 : i32
      %dma_start3A_73 = tpu.memref_slice %arg7[%add3A_21, %dma_start3A] : memref<10240x16xf32, #tpu.memory_space<vmem_shared>> -> memref<128x16xf32, #tpu.memory_space<vmem_shared>>
      %dma_start3A_74 = arith.constant 0 : i32
      %dma_start3A_75 = tpu.memref_slice %arg7[%add3A_21, %dma_start3A_74] : memref<10240x16xf32, #tpu.memory_space<vmem_shared>> -> memref<128x16xf32, #tpu.memory_space<vmem_shared>>
      tpu.enqueue_dma source(%arg6 : memref<128x16xf32, #tpu.memory_space<vmem>>) target(%dma_start3A_75 : memref<128x16xf32, #tpu.memory_space<vmem_shared>>) target_semaphore(%run_scoped3A : memref<!tpu.dma_semaphore, #tpu.memory_space<semaphore_mem>>)
      %dma_wait3A = arith.constant 0 : i32
      %dma_wait3A_76 = tpu.memref_slice %arg7[%add3A_21, %dma_wait3A] : memref<10240x16xf32, #tpu.memory_space<vmem_shared>> -> memref<128x16xf32, #tpu.memory_space<vmem_shared>>
      %dma_wait3A_77 = arith.constant 0 : i32
      %dma_wait3A_78 = tpu.memref_slice %arg7[%add3A_21, %dma_wait3A_77] : memref<10240x16xf32, #tpu.memory_space<vmem_shared>> -> memref<128x16xf32, #tpu.memory_space<vmem_shared>>
      tpu.wait_dma2 semaphore(%run_scoped3A : memref<!tpu.dma_semaphore, #tpu.memory_space<semaphore_mem>>) src(%arg6 : memref<128x16xf32, #tpu.memory_space<vmem>>) dst(%dma_wait3A_78 : memref<128x16xf32, #tpu.memory_space<vmem_shared>>)
      tpu.yield
    }) : () -> ()
    %mul3A_22 = arith.constant 640 : i32
    %mul3A_23 = arith.muli %arg1, %mul3A_22 : i32
    %add3A_24 = arith.constant 512 : i32
    %add3A_25 = arith.addi %mul3A_23, %add3A_24 : i32
    "tpu.region"() ({
      %run_scoped3A = tpu.sem_alloc : memref<!tpu.dma_semaphore, #tpu.memory_space<semaphore_mem>>
      %dma_start3A = arith.constant 0 : i32
      %dma_start3A_73 = tpu.memref_slice %arg7[%add3A_25, %dma_start3A] : memref<10240x16xf32, #tpu.memory_space<vmem_shared>> -> memref<128x16xf32, #tpu.memory_space<vmem_shared>>
      %dma_start3A_74 = arith.constant 0 : i32
      %dma_start3A_75 = tpu.memref_slice %arg7[%add3A_25, %dma_start3A_74] : memref<10240x16xf32, #tpu.memory_space<vmem_shared>> -> memref<128x16xf32, #tpu.memory_space<vmem_shared>>
      tpu.enqueue_dma source(%arg6 : memref<128x16xf32, #tpu.memory_space<vmem>>) target(%dma_start3A_75 : memref<128x16xf32, #tpu.memory_space<vmem_shared>>) target_semaphore(%run_scoped3A : memref<!tpu.dma_semaphore, #tpu.memory_space<semaphore_mem>>)
      %dma_wait3A = arith.constant 0 : i32
      %dma_wait3A_76 = tpu.memref_slice %arg7[%add3A_25, %dma_wait3A] : memref<10240x16xf32, #tpu.memory_space<vmem_shared>> -> memref<128x16xf32, #tpu.memory_space<vmem_shared>>
      %dma_wait3A_77 = arith.constant 0 : i32
      %dma_wait3A_78 = tpu.memref_slice %arg7[%add3A_25, %dma_wait3A_77] : memref<10240x16xf32, #tpu.memory_space<vmem_shared>> -> memref<128x16xf32, #tpu.memory_space<vmem_shared>>
      tpu.wait_dma2 semaphore(%run_scoped3A : memref<!tpu.dma_semaphore, #tpu.memory_space<semaphore_mem>>) src(%arg6 : memref<128x16xf32, #tpu.memory_space<vmem>>) dst(%dma_wait3A_78 : memref<128x16xf32, #tpu.memory_space<vmem_shared>>)
      tpu.yield
    }) : () -> ()
    %barrier3A = arith.constant 0 : index
    tpu.barrier barrier_id(%barrier3A)
    "tpu.region"() ({
      %run_scoped3A = tpu.sem_alloc : memref<!tpu.dma_semaphore, #tpu.memory_space<semaphore_mem>>
      %dma_start3A = arith.constant 0 : i32
      %dma_start3A_73 = arith.constant 0 : i32
      %dma_start3A_74 = tpu.memref_slice %arg2[%arg0, %arg1, %dma_start3A, %dma_start3A_73] : memref<2x16x79x128xi32, #tpu.memory_space<hbm>> -> memref<1x1x79x128xi32, #tpu.memory_space<hbm>>
      %dma_start3A_75 = tpu.memref_squeeze %dma_start3A_74 : memref<1x1x79x128xi32, #tpu.memory_space<hbm>> -> memref<79x128xi32, #tpu.memory_space<hbm>>
      %dma_start3A_76 = arith.constant 0 : i32
      %dma_start3A_77 = arith.constant 0 : i32
      %dma_start3A_78 = tpu.memref_slice %arg2[%arg0, %arg1, %dma_start3A_76, %dma_start3A_77] : memref<2x16x79x128xi32, #tpu.memory_space<hbm>> -> memref<1x1x79x128xi32, #tpu.memory_space<hbm>>
      %dma_start3A_79 = tpu.memref_squeeze %dma_start3A_78 : memref<1x1x79x128xi32, #tpu.memory_space<hbm>> -> memref<79x128xi32, #tpu.memory_space<hbm>>
      tpu.enqueue_dma source(%dma_start3A_79 : memref<79x128xi32, #tpu.memory_space<hbm>>) target(%arg4 : memref<79x128xi32, #tpu.memory_space<vmem>>) target_semaphore(%run_scoped3A : memref<!tpu.dma_semaphore, #tpu.memory_space<semaphore_mem>>)
      %dma_wait3A = arith.constant 0 : i32
      %dma_wait3A_80 = arith.constant 0 : i32
      %dma_wait3A_81 = tpu.memref_slice %arg2[%arg0, %arg1, %dma_wait3A, %dma_wait3A_80] : memref<2x16x79x128xi32, #tpu.memory_space<hbm>> -> memref<1x1x79x128xi32, #tpu.memory_space<hbm>>
      %dma_wait3A_82 = tpu.memref_squeeze %dma_wait3A_81 : memref<1x1x79x128xi32, #tpu.memory_space<hbm>> -> memref<79x128xi32, #tpu.memory_space<hbm>>
      %dma_wait3A_83 = arith.constant 0 : i32
      %dma_wait3A_84 = arith.constant 0 : i32
      %dma_wait3A_85 = tpu.memref_slice %arg2[%arg0, %arg1, %dma_wait3A_83, %dma_wait3A_84] : memref<2x16x79x128xi32, #tpu.memory_space<hbm>> -> memref<1x1x79x128xi32, #tpu.memory_space<hbm>>
      %dma_wait3A_86 = tpu.memref_squeeze %dma_wait3A_85 : memref<1x1x79x128xi32, #tpu.memory_space<hbm>> -> memref<79x128xi32, #tpu.memory_space<hbm>>
      tpu.wait_dma2 semaphore(%run_scoped3A : memref<!tpu.dma_semaphore, #tpu.memory_space<semaphore_mem>>) src(%dma_wait3A_86 : memref<79x128xi32, #tpu.memory_space<hbm>>) dst(%arg4 : memref<79x128xi32, #tpu.memory_space<vmem>>)
      tpu.yield
    }) : () -> ()
    %scan3A_26 = arith.constant 0 : i32
    %scan3A_27 = arith.constant 0 : i32
    %scan3A_28 = arith.constant 79 : i32
    %scan3A_29 = arith.addi %scan3A_27, %scan3A_28 : i32
    %scan3A_30 = arith.constant 1 : i32
    scf.for %scan3A_73 = %scan3A_27 to %scan3A_29 step %scan3A_30  : i32 {
      "tpu.region"() ({
        %run_scoped3A = tpu.sem_alloc : memref<!tpu.dma_semaphore, #tpu.memory_space<semaphore_mem>>
        %dma_start3A = arith.constant 0 : i32
        %dma_start3A_74 = tpu.memref_slice %arg4[%scan3A_73, %dma_start3A] : memref<79x128xi32, #tpu.memory_space<vmem>> -> memref<1x128xi32, #tpu.memory_space<vmem>>
        %dma_start3A_75 = tpu.memref_squeeze %dma_start3A_74 : memref<1x128xi32, #tpu.memory_space<vmem>> -> memref<128xi32, #tpu.memory_space<vmem>>
        %dma_start3A_76 = arith.constant 0 : i32
        %dma_start3A_77 = arith.constant 0 : i32
        %dma_start3A_78 = tpu.memref_slice %arg7[%dma_start3A_76, %dma_start3A_77] : memref<10240x16xf32, #tpu.memory_space<vmem_shared>> -> memref<10240x16xf32, #tpu.memory_space<vmem_shared>>
        tpu.enqueue_indirect_dma source(%arg5 : memref<128x16xf32, #tpu.memory_space<vmem>>) target(%dma_start3A_78 : memref<10240x16xf32, #tpu.memory_space<vmem_shared>>) offsets(%dma_start3A_75 : memref<128xi32, #tpu.memory_space<vmem>>) semaphore(%run_scoped3A : memref<!tpu.dma_semaphore, #tpu.memory_space<semaphore_mem>>) {add = true}
        %dma_wait3A = arith.constant 0 : i32
        %dma_wait3A_79 = tpu.memref_slice %arg4[%scan3A_73, %dma_wait3A] : memref<79x128xi32, #tpu.memory_space<vmem>> -> memref<1x128xi32, #tpu.memory_space<vmem>>
        %dma_wait3A_80 = tpu.memref_squeeze %dma_wait3A_79 : memref<1x128xi32, #tpu.memory_space<vmem>> -> memref<128xi32, #tpu.memory_space<vmem>>
        %dma_wait3A_81 = arith.constant 0 : i32
        %dma_wait3A_82 = arith.constant 0 : i32
        %dma_wait3A_83 = tpu.memref_slice %arg7[%dma_wait3A_81, %dma_wait3A_82] : memref<10240x16xf32, #tpu.memory_space<vmem_shared>> -> memref<10240x16xf32, #tpu.memory_space<vmem_shared>>
        tpu.wait_indirect_dma semaphore(%run_scoped3A : memref<!tpu.dma_semaphore, #tpu.memory_space<semaphore_mem>>) src(%arg5 : memref<128x16xf32, #tpu.memory_space<vmem>>) dst(%dma_wait3A_83 : memref<10240x16xf32, #tpu.memory_space<vmem_shared>>)
        tpu.yield
      }) : () -> ()
    }
    %scan3A_31 = arith.constant 79 : i32
    %barrier3A_32 = arith.constant 0 : index
    tpu.barrier barrier_id(%barrier3A_32)
    %mul3A_33 = arith.constant 640 : i32
    %mul3A_34 = arith.muli %arg1, %mul3A_33 : i32
    %add3A_35 = arith.constant 0 : i32
    %add3A_36 = arith.addi %mul3A_34, %add3A_35 : i32
    "tpu.region"() ({
      %run_scoped3A = tpu.sem_alloc : memref<!tpu.dma_semaphore, #tpu.memory_space<semaphore_mem>>
      %dma_start3A = arith.constant 0 : i32
      %dma_start3A_73 = tpu.memref_slice %arg7[%add3A_36, %dma_start3A] : memref<10240x16xf32, #tpu.memory_space<vmem_shared>> -> memref<128x16xf32, #tpu.memory_space<vmem_shared>>
      %dma_start3A_74 = arith.constant 0 : i32
      %dma_start3A_75 = tpu.memref_slice %arg7[%add3A_36, %dma_start3A_74] : memref<10240x16xf32, #tpu.memory_space<vmem_shared>> -> memref<128x16xf32, #tpu.memory_space<vmem_shared>>
      tpu.enqueue_dma source(%dma_start3A_75 : memref<128x16xf32, #tpu.memory_space<vmem_shared>>) target(%arg6 : memref<128x16xf32, #tpu.memory_space<vmem>>) target_semaphore(%run_scoped3A : memref<!tpu.dma_semaphore, #tpu.memory_space<semaphore_mem>>)
      %dma_wait3A = arith.constant 0 : i32
      %dma_wait3A_76 = tpu.memref_slice %arg7[%add3A_36, %dma_wait3A] : memref<10240x16xf32, #tpu.memory_space<vmem_shared>> -> memref<128x16xf32, #tpu.memory_space<vmem_shared>>
      %dma_wait3A_77 = arith.constant 0 : i32
      %dma_wait3A_78 = tpu.memref_slice %arg7[%add3A_36, %dma_wait3A_77] : memref<10240x16xf32, #tpu.memory_space<vmem_shared>> -> memref<128x16xf32, #tpu.memory_space<vmem_shared>>
      tpu.wait_dma2 semaphore(%run_scoped3A : memref<!tpu.dma_semaphore, #tpu.memory_space<semaphore_mem>>) src(%dma_wait3A_78 : memref<128x16xf32, #tpu.memory_space<vmem_shared>>) dst(%arg6 : memref<128x16xf32, #tpu.memory_space<vmem>>)
      tpu.yield
    }) : () -> ()
    %mul3A_37 = arith.constant 640 : i32
    %mul3A_38 = arith.muli %arg1, %mul3A_37 : i32
    %add3A_39 = arith.constant 0 : i32
    %add3A_40 = arith.addi %mul3A_38, %add3A_39 : i32
    "tpu.region"() ({
      %run_scoped3A = tpu.sem_alloc : memref<!tpu.dma_semaphore, #tpu.memory_space<semaphore_mem>>
      %dma_start3A = arith.constant 0 : i32
      %dma_start3A_73 = tpu.memref_slice %arg3[%arg0, %add3A_40, %dma_start3A] : memref<2x10240x16xf32, #tpu.memory_space<hbm>> -> memref<1x128x16xf32, #tpu.memory_space<hbm>>
      %dma_start3A_74 = tpu.memref_squeeze %dma_start3A_73 : memref<1x128x16xf32, #tpu.memory_space<hbm>> -> memref<128x16xf32, #tpu.memory_space<hbm>>
      %dma_start3A_75 = arith.constant 0 : i32
      %dma_start3A_76 = tpu.memref_slice %arg3[%arg0, %add3A_40, %dma_start3A_75] : memref<2x10240x16xf32, #tpu.memory_space<hbm>> -> memref<1x128x16xf32, #tpu.memory_space<hbm>>
      %dma_start3A_77 = tpu.memref_squeeze %dma_start3A_76 : memref<1x128x16xf32, #tpu.memory_space<hbm>> -> memref<128x16xf32, #tpu.memory_space<hbm>>
      tpu.enqueue_dma source(%arg6 : memref<128x16xf32, #tpu.memory_space<vmem>>) target(%dma_start3A_77 : memref<128x16xf32, #tpu.memory_space<hbm>>) target_semaphore(%run_scoped3A : memref<!tpu.dma_semaphore, #tpu.memory_space<semaphore_mem>>)
      %dma_wait3A = arith.constant 0 : i32
      %dma_wait3A_78 = tpu.memref_slice %arg3[%arg0, %add3A_40, %dma_wait3A] : memref<2x10240x16xf32, #tpu.memory_space<hbm>> -> memref<1x128x16xf32, #tpu.memory_space<hbm>>
      %dma_wait3A_79 = tpu.memref_squeeze %dma_wait3A_78 : memref<1x128x16xf32, #tpu.memory_space<hbm>> -> memref<128x16xf32, #tpu.memory_space<hbm>>
      %dma_wait3A_80 = arith.constant 0 : i32
      %dma_wait3A_81 = tpu.memref_slice %arg3[%arg0, %add3A_40, %dma_wait3A_80] : memref<2x10240x16xf32, #tpu.memory_space<hbm>> -> memref<1x128x16xf32, #tpu.memory_space<hbm>>
      %dma_wait3A_82 = tpu.memref_squeeze %dma_wait3A_81 : memref<1x128x16xf32, #tpu.memory_space<hbm>> -> memref<128x16xf32, #tpu.memory_space<hbm>>
      tpu.wait_dma2 semaphore(%run_scoped3A : memref<!tpu.dma_semaphore, #tpu.memory_space<semaphore_mem>>) src(%arg6 : memref<128x16xf32, #tpu.memory_space<vmem>>) dst(%dma_wait3A_82 : memref<128x16xf32, #tpu.memory_space<hbm>>)
      tpu.yield
    }) : () -> ()
    %mul3A_41 = arith.constant 640 : i32
    %mul3A_42 = arith.muli %arg1, %mul3A_41 : i32
    %add3A_43 = arith.constant 128 : i32
    %add3A_44 = arith.addi %mul3A_42, %add3A_43 : i32
    "tpu.region"() ({
      %run_scoped3A = tpu.sem_alloc : memref<!tpu.dma_semaphore, #tpu.memory_space<semaphore_mem>>
      %dma_start3A = arith.constant 0 : i32
      %dma_start3A_73 = tpu.memref_slice %arg7[%add3A_44, %dma_start3A] : memref<10240x16xf32, #tpu.memory_space<vmem_shared>> -> memref<128x16xf32, #tpu.memory_space<vmem_shared>>
      %dma_start3A_74 = arith.constant 0 : i32
      %dma_start3A_75 = tpu.memref_slice %arg7[%add3A_44, %dma_start3A_74] : memref<10240x16xf32, #tpu.memory_space<vmem_shared>> -> memref<128x16xf32, #tpu.memory_space<vmem_shared>>
      tpu.enqueue_dma source(%dma_start3A_75 : memref<128x16xf32, #tpu.memory_space<vmem_shared>>) target(%arg6 : memref<128x16xf32, #tpu.memory_space<vmem>>) target_semaphore(%run_scoped3A : memref<!tpu.dma_semaphore, #tpu.memory_space<semaphore_mem>>)
      %dma_wait3A = arith.constant 0 : i32
      %dma_wait3A_76 = tpu.memref_slice %arg7[%add3A_44, %dma_wait3A] : memref<10240x16xf32, #tpu.memory_space<vmem_shared>> -> memref<128x16xf32, #tpu.memory_space<vmem_shared>>
      %dma_wait3A_77 = arith.constant 0 : i32
      %dma_wait3A_78 = tpu.memref_slice %arg7[%add3A_44, %dma_wait3A_77] : memref<10240x16xf32, #tpu.memory_space<vmem_shared>> -> memref<128x16xf32, #tpu.memory_space<vmem_shared>>
      tpu.wait_dma2 semaphore(%run_scoped3A : memref<!tpu.dma_semaphore, #tpu.memory_space<semaphore_mem>>) src(%dma_wait3A_78 : memref<128x16xf32, #tpu.memory_space<vmem_shared>>) dst(%arg6 : memref<128x16xf32, #tpu.memory_space<vmem>>)
      tpu.yield
    }) : () -> ()
    %mul3A_45 = arith.constant 640 : i32
    %mul3A_46 = arith.muli %arg1, %mul3A_45 : i32
    %add3A_47 = arith.constant 128 : i32
    %add3A_48 = arith.addi %mul3A_46, %add3A_47 : i32
    "tpu.region"() ({
      %run_scoped3A = tpu.sem_alloc : memref<!tpu.dma_semaphore, #tpu.memory_space<semaphore_mem>>
      %dma_start3A = arith.constant 0 : i32
      %dma_start3A_73 = tpu.memref_slice %arg3[%arg0, %add3A_48, %dma_start3A] : memref<2x10240x16xf32, #tpu.memory_space<hbm>> -> memref<1x128x16xf32, #tpu.memory_space<hbm>>
      %dma_start3A_74 = tpu.memref_squeeze %dma_start3A_73 : memref<1x128x16xf32, #tpu.memory_space<hbm>> -> memref<128x16xf32, #tpu.memory_space<hbm>>
      %dma_start3A_75 = arith.constant 0 : i32
      %dma_start3A_76 = tpu.memref_slice %arg3[%arg0, %add3A_48, %dma_start3A_75] : memref<2x10240x16xf32, #tpu.memory_space<hbm>> -> memref<1x128x16xf32, #tpu.memory_space<hbm>>
      %dma_start3A_77 = tpu.memref_squeeze %dma_start3A_76 : memref<1x128x16xf32, #tpu.memory_space<hbm>> -> memref<128x16xf32, #tpu.memory_space<hbm>>
      tpu.enqueue_dma source(%arg6 : memref<128x16xf32, #tpu.memory_space<vmem>>) target(%dma_start3A_77 : memref<128x16xf32, #tpu.memory_space<hbm>>) target_semaphore(%run_scoped3A : memref<!tpu.dma_semaphore, #tpu.memory_space<semaphore_mem>>)
      %dma_wait3A = arith.constant 0 : i32
      %dma_wait3A_78 = tpu.memref_slice %arg3[%arg0, %add3A_48, %dma_wait3A] : memref<2x10240x16xf32, #tpu.memory_space<hbm>> -> memref<1x128x16xf32, #tpu.memory_space<hbm>>
      %dma_wait3A_79 = tpu.memref_squeeze %dma_wait3A_78 : memref<1x128x16xf32, #tpu.memory_space<hbm>> -> memref<128x16xf32, #tpu.memory_space<hbm>>
      %dma_wait3A_80 = arith.constant 0 : i32
      %dma_wait3A_81 = tpu.memref_slice %arg3[%arg0, %add3A_48, %dma_wait3A_80] : memref<2x10240x16xf32, #tpu.memory_space<hbm>> -> memref<1x128x16xf32, #tpu.memory_space<hbm>>
      %dma_wait3A_82 = tpu.memref_squeeze %dma_wait3A_81 : memref<1x128x16xf32, #tpu.memory_space<hbm>> -> memref<128x16xf32, #tpu.memory_space<hbm>>
      tpu.wait_dma2 semaphore(%run_scoped3A : memref<!tpu.dma_semaphore, #tpu.memory_space<semaphore_mem>>) src(%arg6 : memref<128x16xf32, #tpu.memory_space<vmem>>) dst(%dma_wait3A_82 : memref<128x16xf32, #tpu.memory_space<hbm>>)
      tpu.yield
    }) : () -> ()
    %mul3A_49 = arith.constant 640 : i32
    %mul3A_50 = arith.muli %arg1, %mul3A_49 : i32
    %add3A_51 = arith.constant 256 : i32
    %add3A_52 = arith.addi %mul3A_50, %add3A_51 : i32
    "tpu.region"() ({
      %run_scoped3A = tpu.sem_alloc : memref<!tpu.dma_semaphore, #tpu.memory_space<semaphore_mem>>
      %dma_start3A = arith.constant 0 : i32
      %dma_start3A_73 = tpu.memref_slice %arg7[%add3A_52, %dma_start3A] : memref<10240x16xf32, #tpu.memory_space<vmem_shared>> -> memref<128x16xf32, #tpu.memory_space<vmem_shared>>
      %dma_start3A_74 = arith.constant 0 : i32
      %dma_start3A_75 = tpu.memref_slice %arg7[%add3A_52, %dma_start3A_74] : memref<10240x16xf32, #tpu.memory_space<vmem_shared>> -> memref<128x16xf32, #tpu.memory_space<vmem_shared>>
      tpu.enqueue_dma source(%dma_start3A_75 : memref<128x16xf32, #tpu.memory_space<vmem_shared>>) target(%arg6 : memref<128x16xf32, #tpu.memory_space<vmem>>) target_semaphore(%run_scoped3A : memref<!tpu.dma_semaphore, #tpu.memory_space<semaphore_mem>>)
      %dma_wait3A = arith.constant 0 : i32
      %dma_wait3A_76 = tpu.memref_slice %arg7[%add3A_52, %dma_wait3A] : memref<10240x16xf32, #tpu.memory_space<vmem_shared>> -> memref<128x16xf32, #tpu.memory_space<vmem_shared>>
      %dma_wait3A_77 = arith.constant 0 : i32
      %dma_wait3A_78 = tpu.memref_slice %arg7[%add3A_52, %dma_wait3A_77] : memref<10240x16xf32, #tpu.memory_space<vmem_shared>> -> memref<128x16xf32, #tpu.memory_space<vmem_shared>>
      tpu.wait_dma2 semaphore(%run_scoped3A : memref<!tpu.dma_semaphore, #tpu.memory_space<semaphore_mem>>) src(%dma_wait3A_78 : memref<128x16xf32, #tpu.memory_space<vmem_shared>>) dst(%arg6 : memref<128x16xf32, #tpu.memory_space<vmem>>)
      tpu.yield
    }) : () -> ()
    %mul3A_53 = arith.constant 640 : i32
    %mul3A_54 = arith.muli %arg1, %mul3A_53 : i32
    %add3A_55 = arith.constant 256 : i32
    %add3A_56 = arith.addi %mul3A_54, %add3A_55 : i32
    "tpu.region"() ({
      %run_scoped3A = tpu.sem_alloc : memref<!tpu.dma_semaphore, #tpu.memory_space<semaphore_mem>>
      %dma_start3A = arith.constant 0 : i32
      %dma_start3A_73 = tpu.memref_slice %arg3[%arg0, %add3A_56, %dma_start3A] : memref<2x10240x16xf32, #tpu.memory_space<hbm>> -> memref<1x128x16xf32, #tpu.memory_space<hbm>>
      %dma_start3A_74 = tpu.memref_squeeze %dma_start3A_73 : memref<1x128x16xf32, #tpu.memory_space<hbm>> -> memref<128x16xf32, #tpu.memory_space<hbm>>
      %dma_start3A_75 = arith.constant 0 : i32
      %dma_start3A_76 = tpu.memref_slice %arg3[%arg0, %add3A_56, %dma_start3A_75] : memref<2x10240x16xf32, #tpu.memory_space<hbm>> -> memref<1x128x16xf32, #tpu.memory_space<hbm>>
      %dma_start3A_77 = tpu.memref_squeeze %dma_start3A_76 : memref<1x128x16xf32, #tpu.memory_space<hbm>> -> memref<128x16xf32, #tpu.memory_space<hbm>>
      tpu.enqueue_dma source(%arg6 : memref<128x16xf32, #tpu.memory_space<vmem>>) target(%dma_start3A_77 : memref<128x16xf32, #tpu.memory_space<hbm>>) target_semaphore(%run_scoped3A : memref<!tpu.dma_semaphore, #tpu.memory_space<semaphore_mem>>)
      %dma_wait3A = arith.constant 0 : i32
      %dma_wait3A_78 = tpu.memref_slice %arg3[%arg0, %add3A_56, %dma_wait3A] : memref<2x10240x16xf32, #tpu.memory_space<hbm>> -> memref<1x128x16xf32, #tpu.memory_space<hbm>>
      %dma_wait3A_79 = tpu.memref_squeeze %dma_wait3A_78 : memref<1x128x16xf32, #tpu.memory_space<hbm>> -> memref<128x16xf32, #tpu.memory_space<hbm>>
      %dma_wait3A_80 = arith.constant 0 : i32
      %dma_wait3A_81 = tpu.memref_slice %arg3[%arg0, %add3A_56, %dma_wait3A_80] : memref<2x10240x16xf32, #tpu.memory_space<hbm>> -> memref<1x128x16xf32, #tpu.memory_space<hbm>>
      %dma_wait3A_82 = tpu.memref_squeeze %dma_wait3A_81 : memref<1x128x16xf32, #tpu.memory_space<hbm>> -> memref<128x16xf32, #tpu.memory_space<hbm>>
      tpu.wait_dma2 semaphore(%run_scoped3A : memref<!tpu.dma_semaphore, #tpu.memory_space<semaphore_mem>>) src(%arg6 : memref<128x16xf32, #tpu.memory_space<vmem>>) dst(%dma_wait3A_82 : memref<128x16xf32, #tpu.memory_space<hbm>>)
      tpu.yield
    }) : () -> ()
    %mul3A_57 = arith.constant 640 : i32
    %mul3A_58 = arith.muli %arg1, %mul3A_57 : i32
    %add3A_59 = arith.constant 384 : i32
    %add3A_60 = arith.addi %mul3A_58, %add3A_59 : i32
    "tpu.region"() ({
      %run_scoped3A = tpu.sem_alloc : memref<!tpu.dma_semaphore, #tpu.memory_space<semaphore_mem>>
      %dma_start3A = arith.constant 0 : i32
      %dma_start3A_73 = tpu.memref_slice %arg7[%add3A_60, %dma_start3A] : memref<10240x16xf32, #tpu.memory_space<vmem_shared>> -> memref<128x16xf32, #tpu.memory_space<vmem_shared>>
      %dma_start3A_74 = arith.constant 0 : i32
      %dma_start3A_75 = tpu.memref_slice %arg7[%add3A_60, %dma_start3A_74] : memref<10240x16xf32, #tpu.memory_space<vmem_shared>> -> memref<128x16xf32, #tpu.memory_space<vmem_shared>>
      tpu.enqueue_dma source(%dma_start3A_75 : memref<128x16xf32, #tpu.memory_space<vmem_shared>>) target(%arg6 : memref<128x16xf32, #tpu.memory_space<vmem>>) target_semaphore(%run_scoped3A : memref<!tpu.dma_semaphore, #tpu.memory_space<semaphore_mem>>)
      %dma_wait3A = arith.constant 0 : i32
      %dma_wait3A_76 = tpu.memref_slice %arg7[%add3A_60, %dma_wait3A] : memref<10240x16xf32, #tpu.memory_space<vmem_shared>> -> memref<128x16xf32, #tpu.memory_space<vmem_shared>>
      %dma_wait3A_77 = arith.constant 0 : i32
      %dma_wait3A_78 = tpu.memref_slice %arg7[%add3A_60, %dma_wait3A_77] : memref<10240x16xf32, #tpu.memory_space<vmem_shared>> -> memref<128x16xf32, #tpu.memory_space<vmem_shared>>
      tpu.wait_dma2 semaphore(%run_scoped3A : memref<!tpu.dma_semaphore, #tpu.memory_space<semaphore_mem>>) src(%dma_wait3A_78 : memref<128x16xf32, #tpu.memory_space<vmem_shared>>) dst(%arg6 : memref<128x16xf32, #tpu.memory_space<vmem>>)
      tpu.yield
    }) : () -> ()
    %mul3A_61 = arith.constant 640 : i32
    %mul3A_62 = arith.muli %arg1, %mul3A_61 : i32
    %add3A_63 = arith.constant 384 : i32
    %add3A_64 = arith.addi %mul3A_62, %add3A_63 : i32
    "tpu.region"() ({
      %run_scoped3A = tpu.sem_alloc : memref<!tpu.dma_semaphore, #tpu.memory_space<semaphore_mem>>
      %dma_start3A = arith.constant 0 : i32
      %dma_start3A_73 = tpu.memref_slice %arg3[%arg0, %add3A_64, %dma_start3A] : memref<2x10240x16xf32, #tpu.memory_space<hbm>> -> memref<1x128x16xf32, #tpu.memory_space<hbm>>
      %dma_start3A_74 = tpu.memref_squeeze %dma_start3A_73 : memref<1x128x16xf32, #tpu.memory_space<hbm>> -> memref<128x16xf32, #tpu.memory_space<hbm>>
      %dma_start3A_75 = arith.constant 0 : i32
      %dma_start3A_76 = tpu.memref_slice %arg3[%arg0, %add3A_64, %dma_start3A_75] : memref<2x10240x16xf32, #tpu.memory_space<hbm>> -> memref<1x128x16xf32, #tpu.memory_space<hbm>>
      %dma_start3A_77 = tpu.memref_squeeze %dma_start3A_76 : memref<1x128x16xf32, #tpu.memory_space<hbm>> -> memref<128x16xf32, #tpu.memory_space<hbm>>
      tpu.enqueue_dma source(%arg6 : memref<128x16xf32, #tpu.memory_space<vmem>>) target(%dma_start3A_77 : memref<128x16xf32, #tpu.memory_space<hbm>>) target_semaphore(%run_scoped3A : memref<!tpu.dma_semaphore, #tpu.memory_space<semaphore_mem>>)
      %dma_wait3A = arith.constant 0 : i32
      %dma_wait3A_78 = tpu.memref_slice %arg3[%arg0, %add3A_64, %dma_wait3A] : memref<2x10240x16xf32, #tpu.memory_space<hbm>> -> memref<1x128x16xf32, #tpu.memory_space<hbm>>
      %dma_wait3A_79 = tpu.memref_squeeze %dma_wait3A_78 : memref<1x128x16xf32, #tpu.memory_space<hbm>> -> memref<128x16xf32, #tpu.memory_space<hbm>>
      %dma_wait3A_80 = arith.constant 0 : i32
      %dma_wait3A_81 = tpu.memref_slice %arg3[%arg0, %add3A_64, %dma_wait3A_80] : memref<2x10240x16xf32, #tpu.memory_space<hbm>> -> memref<1x128x16xf32, #tpu.memory_space<hbm>>
      %dma_wait3A_82 = tpu.memref_squeeze %dma_wait3A_81 : memref<1x128x16xf32, #tpu.memory_space<hbm>> -> memref<128x16xf32, #tpu.memory_space<hbm>>
      tpu.wait_dma2 semaphore(%run_scoped3A : memref<!tpu.dma_semaphore, #tpu.memory_space<semaphore_mem>>) src(%arg6 : memref<128x16xf32, #tpu.memory_space<vmem>>) dst(%dma_wait3A_82 : memref<128x16xf32, #tpu.memory_space<hbm>>)
      tpu.yield
    }) : () -> ()
    %mul3A_65 = arith.constant 640 : i32
    %mul3A_66 = arith.muli %arg1, %mul3A_65 : i32
    %add3A_67 = arith.constant 512 : i32
    %add3A_68 = arith.addi %mul3A_66, %add3A_67 : i32
    "tpu.region"() ({
      %run_scoped3A = tpu.sem_alloc : memref<!tpu.dma_semaphore, #tpu.memory_space<semaphore_mem>>
      %dma_start3A = arith.constant 0 : i32
      %dma_start3A_73 = tpu.memref_slice %arg7[%add3A_68, %dma_start3A] : memref<10240x16xf32, #tpu.memory_space<vmem_shared>> -> memref<128x16xf32, #tpu.memory_space<vmem_shared>>
      %dma_start3A_74 = arith.constant 0 : i32
      %dma_start3A_75 = tpu.memref_slice %arg7[%add3A_68, %dma_start3A_74] : memref<10240x16xf32, #tpu.memory_space<vmem_shared>> -> memref<128x16xf32, #tpu.memory_space<vmem_shared>>
      tpu.enqueue_dma source(%dma_start3A_75 : memref<128x16xf32, #tpu.memory_space<vmem_shared>>) target(%arg6 : memref<128x16xf32, #tpu.memory_space<vmem>>) target_semaphore(%run_scoped3A : memref<!tpu.dma_semaphore, #tpu.memory_space<semaphore_mem>>)
      %dma_wait3A = arith.constant 0 : i32
      %dma_wait3A_76 = tpu.memref_slice %arg7[%add3A_68, %dma_wait3A] : memref<10240x16xf32, #tpu.memory_space<vmem_shared>> -> memref<128x16xf32, #tpu.memory_space<vmem_shared>>
      %dma_wait3A_77 = arith.constant 0 : i32
      %dma_wait3A_78 = tpu.memref_slice %arg7[%add3A_68, %dma_wait3A_77] : memref<10240x16xf32, #tpu.memory_space<vmem_shared>> -> memref<128x16xf32, #tpu.memory_space<vmem_shared>>
      tpu.wait_dma2 semaphore(%run_scoped3A : memref<!tpu.dma_semaphore, #tpu.memory_space<semaphore_mem>>) src(%dma_wait3A_78 : memref<128x16xf32, #tpu.memory_space<vmem_shared>>) dst(%arg6 : memref<128x16xf32, #tpu.memory_space<vmem>>)
      tpu.yield
    }) : () -> ()
    %mul3A_69 = arith.constant 640 : i32
    %mul3A_70 = arith.muli %arg1, %mul3A_69 : i32
    %add3A_71 = arith.constant 512 : i32
    %add3A_72 = arith.addi %mul3A_70, %add3A_71 : i32
    "tpu.region"() ({
      %run_scoped3A = tpu.sem_alloc : memref<!tpu.dma_semaphore, #tpu.memory_space<semaphore_mem>>
      %dma_start3A = arith.constant 0 : i32
      %dma_start3A_73 = tpu.memref_slice %arg3[%arg0, %add3A_72, %dma_start3A] : memref<2x10240x16xf32, #tpu.memory_space<hbm>> -> memref<1x128x16xf32, #tpu.memory_space<hbm>>
      %dma_start3A_74 = tpu.memref_squeeze %dma_start3A_73 : memref<1x128x16xf32, #tpu.memory_space<hbm>> -> memref<128x16xf32, #tpu.memory_space<hbm>>
      %dma_start3A_75 = arith.constant 0 : i32
      %dma_start3A_76 = tpu.memref_slice %arg3[%arg0, %add3A_72, %dma_start3A_75] : memref<2x10240x16xf32, #tpu.memory_space<hbm>> -> memref<1x128x16xf32, #tpu.memory_space<hbm>>
      %dma_start3A_77 = tpu.memref_squeeze %dma_start3A_76 : memref<1x128x16xf32, #tpu.memory_space<hbm>> -> memref<128x16xf32, #tpu.memory_space<hbm>>
      tpu.enqueue_dma source(%arg6 : memref<128x16xf32, #tpu.memory_space<vmem>>) target(%dma_start3A_77 : memref<128x16xf32, #tpu.memory_space<hbm>>) target_semaphore(%run_scoped3A : memref<!tpu.dma_semaphore, #tpu.memory_space<semaphore_mem>>)
      %dma_wait3A = arith.constant 0 : i32
      %dma_wait3A_78 = tpu.memref_slice %arg3[%arg0, %add3A_72, %dma_wait3A] : memref<2x10240x16xf32, #tpu.memory_space<hbm>> -> memref<1x128x16xf32, #tpu.memory_space<hbm>>
      %dma_wait3A_79 = tpu.memref_squeeze %dma_wait3A_78 : memref<1x128x16xf32, #tpu.memory_space<hbm>> -> memref<128x16xf32, #tpu.memory_space<hbm>>
      %dma_wait3A_80 = arith.constant 0 : i32
      %dma_wait3A_81 = tpu.memref_slice %arg3[%arg0, %add3A_72, %dma_wait3A_80] : memref<2x10240x16xf32, #tpu.memory_space<hbm>> -> memref<1x128x16xf32, #tpu.memory_space<hbm>>
      %dma_wait3A_82 = tpu.memref_squeeze %dma_wait3A_81 : memref<1x128x16xf32, #tpu.memory_space<hbm>> -> memref<128x16xf32, #tpu.memory_space<hbm>>
      tpu.wait_dma2 semaphore(%run_scoped3A : memref<!tpu.dma_semaphore, #tpu.memory_space<semaphore_mem>>) src(%arg6 : memref<128x16xf32, #tpu.memory_space<vmem>>) dst(%dma_wait3A_82 : memref<128x16xf32, #tpu.memory_space<hbm>>)
      tpu.yield
    }) : () -> ()
    return
  }
}

#map = affine_map<(d0, d1) -> (0, 0, 0, 0)>
#map1 = affine_map<(d0, d1) -> (0, 0)>
#map2 = affine_map<(d0, d1) -> (0, 0, 0)>
module attributes {stable_mosaic.version = 14 : i64} {
  func.func @agg_kernel(%arg0: i32, %arg1: i32, %arg2: memref<2x16x79x128xi32, #tpu.memory_space<hbm>>, %arg3: memref<2x16x79x128xi32, #tpu.memory_space<hbm>>, %arg4: memref<2x16x79x128xi32, #tpu.memory_space<hbm>>, %arg5: memref<20480x128xf32, #tpu.memory_space<hbm>>, %arg6: memref<401x128xf32, #tpu.memory_space<hbm>>, %arg7: memref<2x10240x128xf32, #tpu.memory_space<hbm>>, %arg8: memref<79x128xi32, #tpu.memory_space<vmem>>, %arg9: memref<128xi32, #tpu.memory_space<vmem>>, %arg10: memref<128xi32, #tpu.memory_space<vmem>>, %arg11: memref<128x128xf32, #tpu.memory_space<vmem>>, %arg12: memref<128x128xf32, #tpu.memory_space<vmem>>, %arg13: memref<16x128xf32, #tpu.memory_space<vmem>>, %arg14: memref<10240x128xf32, #tpu.memory_space<vmem_shared>>, %arg15: memref<!tpu.dma_semaphore, #tpu.memory_space<semaphore_mem>>, %arg16: memref<!tpu.dma_semaphore, #tpu.memory_space<semaphore_mem>>) attributes {dimension_semantics = [#tpu.dimension_semantics<core_parallel>, #tpu.dimension_semantics<subcore_parallel>], iteration_bounds = array<i64: 2, 16>, scalar_prefetch = 0 : i64, scratch_operands = 9 : i64, tpu.core_type = #tpu.core_type<sc_vector_subcore>, window_params = [{transform_indices = #map}, {transform_indices = #map}, {transform_indices = #map}, {transform_indices = #map1}, {transform_indices = #map1}, {transform_indices = #map2}]} {
    %broadcast_in_dim3A = arith.constant 0.000000e+00 : f32
    %broadcast_in_dim3A_0 = vector.broadcast %broadcast_in_dim3A : f32 to vector<16xf32>
    %scan3A = arith.constant 0 : i32
    %scan3A_1 = arith.constant 0 : i32
    %scan3A_2 = arith.constant 16 : i32
    %scan3A_3 = arith.addi %scan3A_1, %scan3A_2 : i32
    %scan3A_4 = arith.constant 1 : i32
    scf.for %scan3A_491 = %scan3A_1 to %scan3A_3 step %scan3A_4  : i32 {
      %swap3A = arith.index_cast %scan3A_491 : i32 to index
      %swap3A_492 = arith.constant 0 : index
      %swap3A_493 = tpu.vector_load %arg13[%swap3A, %swap3A_492] {strides = array<i32>} : memref<16x128xf32, #tpu.memory_space<vmem>>, vector<1x16xf32>,
      %swap3A_494 = vector.shape_cast %swap3A_493 : vector<1x16xf32> to vector<16xf32>
      %swap3A_495 = vector.shape_cast %broadcast_in_dim3A_0 : vector<16xf32> to vector<1x16xf32>
      tpu.vector_store %arg13[%swap3A, %swap3A_492], %swap3A_495 {strides = array<i32>} : memref<16x128xf32, #tpu.memory_space<vmem>>, vector<1x16xf32>,
      %swap3A_496 = arith.index_cast %scan3A_491 : i32 to index
      %swap3A_497 = arith.constant 16 : index
      %swap3A_498 = tpu.vector_load %arg13[%swap3A_496, %swap3A_497] {strides = array<i32>} : memref<16x128xf32, #tpu.memory_space<vmem>>, vector<1x16xf32>,
      %swap3A_499 = vector.shape_cast %swap3A_498 : vector<1x16xf32> to vector<16xf32>
      %swap3A_500 = vector.shape_cast %broadcast_in_dim3A_0 : vector<16xf32> to vector<1x16xf32>
      tpu.vector_store %arg13[%swap3A_496, %swap3A_497], %swap3A_500 {strides = array<i32>} : memref<16x128xf32, #tpu.memory_space<vmem>>, vector<1x16xf32>,
      %swap3A_501 = arith.index_cast %scan3A_491 : i32 to index
      %swap3A_502 = arith.constant 32 : index
      %swap3A_503 = tpu.vector_load %arg13[%swap3A_501, %swap3A_502] {strides = array<i32>} : memref<16x128xf32, #tpu.memory_space<vmem>>, vector<1x16xf32>,
      %swap3A_504 = vector.shape_cast %swap3A_503 : vector<1x16xf32> to vector<16xf32>
      %swap3A_505 = vector.shape_cast %broadcast_in_dim3A_0 : vector<16xf32> to vector<1x16xf32>
      tpu.vector_store %arg13[%swap3A_501, %swap3A_502], %swap3A_505 {strides = array<i32>} : memref<16x128xf32, #tpu.memory_space<vmem>>, vector<1x16xf32>,
      %swap3A_506 = arith.index_cast %scan3A_491 : i32 to index
      %swap3A_507 = arith.constant 48 : index
      %swap3A_508 = tpu.vector_load %arg13[%swap3A_506, %swap3A_507] {strides = array<i32>} : memref<16x128xf32, #tpu.memory_space<vmem>>, vector<1x16xf32>,
      %swap3A_509 = vector.shape_cast %swap3A_508 : vector<1x16xf32> to vector<16xf32>
      %swap3A_510 = vector.shape_cast %broadcast_in_dim3A_0 : vector<16xf32> to vector<1x16xf32>
      tpu.vector_store %arg13[%swap3A_506, %swap3A_507], %swap3A_510 {strides = array<i32>} : memref<16x128xf32, #tpu.memory_space<vmem>>, vector<1x16xf32>,
      %swap3A_511 = arith.index_cast %scan3A_491 : i32 to index
      %swap3A_512 = arith.constant 64 : index
      %swap3A_513 = tpu.vector_load %arg13[%swap3A_511, %swap3A_512] {strides = array<i32>} : memref<16x128xf32, #tpu.memory_space<vmem>>, vector<1x16xf32>,
      %swap3A_514 = vector.shape_cast %swap3A_513 : vector<1x16xf32> to vector<16xf32>
      %swap3A_515 = vector.shape_cast %broadcast_in_dim3A_0 : vector<16xf32> to vector<1x16xf32>
      tpu.vector_store %arg13[%swap3A_511, %swap3A_512], %swap3A_515 {strides = array<i32>} : memref<16x128xf32, #tpu.memory_space<vmem>>, vector<1x16xf32>,
      %swap3A_516 = arith.index_cast %scan3A_491 : i32 to index
      %swap3A_517 = arith.constant 80 : index
      %swap3A_518 = tpu.vector_load %arg13[%swap3A_516, %swap3A_517] {strides = array<i32>} : memref<16x128xf32, #tpu.memory_space<vmem>>, vector<1x16xf32>,
      %swap3A_519 = vector.shape_cast %swap3A_518 : vector<1x16xf32> to vector<16xf32>
      %swap3A_520 = vector.shape_cast %broadcast_in_dim3A_0 : vector<16xf32> to vector<1x16xf32>
      tpu.vector_store %arg13[%swap3A_516, %swap3A_517], %swap3A_520 {strides = array<i32>} : memref<16x128xf32, #tpu.memory_space<vmem>>, vector<1x16xf32>,
      %swap3A_521 = arith.index_cast %scan3A_491 : i32 to index
      %swap3A_522 = arith.constant 96 : index
      %swap3A_523 = tpu.vector_load %arg13[%swap3A_521, %swap3A_522] {strides = array<i32>} : memref<16x128xf32, #tpu.memory_space<vmem>>, vector<1x16xf32>,
      %swap3A_524 = vector.shape_cast %swap3A_523 : vector<1x16xf32> to vector<16xf32>
      %swap3A_525 = vector.shape_cast %broadcast_in_dim3A_0 : vector<16xf32> to vector<1x16xf32>
      tpu.vector_store %arg13[%swap3A_521, %swap3A_522], %swap3A_525 {strides = array<i32>} : memref<16x128xf32, #tpu.memory_space<vmem>>, vector<1x16xf32>,
      %swap3A_526 = arith.index_cast %scan3A_491 : i32 to index
      %swap3A_527 = arith.constant 112 : index
      %swap3A_528 = tpu.vector_load %arg13[%swap3A_526, %swap3A_527] {strides = array<i32>} : memref<16x128xf32, #tpu.memory_space<vmem>>, vector<1x16xf32>,
      %swap3A_529 = vector.shape_cast %swap3A_528 : vector<1x16xf32> to vector<16xf32>
      %swap3A_530 = vector.shape_cast %broadcast_in_dim3A_0 : vector<16xf32> to vector<1x16xf32>
      tpu.vector_store %arg13[%swap3A_526, %swap3A_527], %swap3A_530 {strides = array<i32>} : memref<16x128xf32, #tpu.memory_space<vmem>>, vector<1x16xf32>,
    }
    %scan3A_5 = arith.constant 16 : i32
    %mul3A = arith.constant 640 : i32
    %mul3A_6 = arith.muli %arg1, %mul3A : i32
    %add3A = arith.constant 0 : i32
    %add3A_7 = arith.addi %mul3A_6, %add3A : i32
    "tpu.region"() ({
      %run_scoped3A = tpu.sem_alloc : memref<!tpu.dma_semaphore, #tpu.memory_space<semaphore_mem>>
      %dma_start3A = arith.constant 0 : i32
      %dma_start3A_491 = tpu.memref_slice %arg14[%add3A_7, %dma_start3A] : memref<10240x128xf32, #tpu.memory_space<vmem_shared>> -> memref<16x128xf32, #tpu.memory_space<vmem_shared>>
      %dma_start3A_492 = arith.constant 0 : i32
      %dma_start3A_493 = tpu.memref_slice %arg14[%add3A_7, %dma_start3A_492] : memref<10240x128xf32, #tpu.memory_space<vmem_shared>> -> memref<16x128xf32, #tpu.memory_space<vmem_shared>>
      tpu.enqueue_dma source(%arg13 : memref<16x128xf32, #tpu.memory_space<vmem>>) target(%dma_start3A_493 : memref<16x128xf32, #tpu.memory_space<vmem_shared>>) target_semaphore(%run_scoped3A : memref<!tpu.dma_semaphore, #tpu.memory_space<semaphore_mem>>)
      %dma_wait3A = arith.constant 0 : i32
      %dma_wait3A_494 = tpu.memref_slice %arg14[%add3A_7, %dma_wait3A] : memref<10240x128xf32, #tpu.memory_space<vmem_shared>> -> memref<16x128xf32, #tpu.memory_space<vmem_shared>>
      %dma_wait3A_495 = arith.constant 0 : i32
      %dma_wait3A_496 = tpu.memref_slice %arg14[%add3A_7, %dma_wait3A_495] : memref<10240x128xf32, #tpu.memory_space<vmem_shared>> -> memref<16x128xf32, #tpu.memory_space<vmem_shared>>
      tpu.wait_dma2 semaphore(%run_scoped3A : memref<!tpu.dma_semaphore, #tpu.memory_space<semaphore_mem>>) src(%arg13 : memref<16x128xf32, #tpu.memory_space<vmem>>) dst(%dma_wait3A_496 : memref<16x128xf32, #tpu.memory_space<vmem_shared>>)
      tpu.yield
    }) : () -> ()
    %mul3A_8 = arith.constant 640 : i32
    %mul3A_9 = arith.muli %arg1, %mul3A_8 : i32
    %add3A_10 = arith.constant 16 : i32
    %add3A_11 = arith.addi %mul3A_9, %add3A_10 : i32
    "tpu.region"() ({
      %run_scoped3A = tpu.sem_alloc : memref<!tpu.dma_semaphore, #tpu.memory_space<semaphore_mem>>
      %dma_start3A = arith.constant 0 : i32
      %dma_start3A_491 = tpu.memref_slice %arg14[%add3A_11, %dma_start3A] : memref<10240x128xf32, #tpu.memory_space<vmem_shared>> -> memref<16x128xf32, #tpu.memory_space<vmem_shared>>
      %dma_start3A_492 = arith.constant 0 : i32
      %dma_start3A_493 = tpu.memref_slice %arg14[%add3A_11, %dma_start3A_492] : memref<10240x128xf32, #tpu.memory_space<vmem_shared>> -> memref<16x128xf32, #tpu.memory_space<vmem_shared>>
      tpu.enqueue_dma source(%arg13 : memref<16x128xf32, #tpu.memory_space<vmem>>) target(%dma_start3A_493 : memref<16x128xf32, #tpu.memory_space<vmem_shared>>) target_semaphore(%run_scoped3A : memref<!tpu.dma_semaphore, #tpu.memory_space<semaphore_mem>>)
      %dma_wait3A = arith.constant 0 : i32
      %dma_wait3A_494 = tpu.memref_slice %arg14[%add3A_11, %dma_wait3A] : memref<10240x128xf32, #tpu.memory_space<vmem_shared>> -> memref<16x128xf32, #tpu.memory_space<vmem_shared>>
      %dma_wait3A_495 = arith.constant 0 : i32
      %dma_wait3A_496 = tpu.memref_slice %arg14[%add3A_11, %dma_wait3A_495] : memref<10240x128xf32, #tpu.memory_space<vmem_shared>> -> memref<16x128xf32, #tpu.memory_space<vmem_shared>>
      tpu.wait_dma2 semaphore(%run_scoped3A : memref<!tpu.dma_semaphore, #tpu.memory_space<semaphore_mem>>) src(%arg13 : memref<16x128xf32, #tpu.memory_space<vmem>>) dst(%dma_wait3A_496 : memref<16x128xf32, #tpu.memory_space<vmem_shared>>)
      tpu.yield
    }) : () -> ()
    %mul3A_12 = arith.constant 640 : i32
    %mul3A_13 = arith.muli %arg1, %mul3A_12 : i32
    %add3A_14 = arith.constant 32 : i32
    %add3A_15 = arith.addi %mul3A_13, %add3A_14 : i32
    "tpu.region"() ({
      %run_scoped3A = tpu.sem_alloc : memref<!tpu.dma_semaphore, #tpu.memory_space<semaphore_mem>>
      %dma_start3A = arith.constant 0 : i32
      %dma_start3A_491 = tpu.memref_slice %arg14[%add3A_15, %dma_start3A] : memref<10240x128xf32, #tpu.memory_space<vmem_shared>> -> memref<16x128xf32, #tpu.memory_space<vmem_shared>>
      %dma_start3A_492 = arith.constant 0 : i32
      %dma_start3A_493 = tpu.memref_slice %arg14[%add3A_15, %dma_start3A_492] : memref<10240x128xf32, #tpu.memory_space<vmem_shared>> -> memref<16x128xf32, #tpu.memory_space<vmem_shared>>
      tpu.enqueue_dma source(%arg13 : memref<16x128xf32, #tpu.memory_space<vmem>>) target(%dma_start3A_493 : memref<16x128xf32, #tpu.memory_space<vmem_shared>>) target_semaphore(%run_scoped3A : memref<!tpu.dma_semaphore, #tpu.memory_space<semaphore_mem>>)
      %dma_wait3A = arith.constant 0 : i32
      %dma_wait3A_494 = tpu.memref_slice %arg14[%add3A_15, %dma_wait3A] : memref<10240x128xf32, #tpu.memory_space<vmem_shared>> -> memref<16x128xf32, #tpu.memory_space<vmem_shared>>
      %dma_wait3A_495 = arith.constant 0 : i32
      %dma_wait3A_496 = tpu.memref_slice %arg14[%add3A_15, %dma_wait3A_495] : memref<10240x128xf32, #tpu.memory_space<vmem_shared>> -> memref<16x128xf32, #tpu.memory_space<vmem_shared>>
      tpu.wait_dma2 semaphore(%run_scoped3A : memref<!tpu.dma_semaphore, #tpu.memory_space<semaphore_mem>>) src(%arg13 : memref<16x128xf32, #tpu.memory_space<vmem>>) dst(%dma_wait3A_496 : memref<16x128xf32, #tpu.memory_space<vmem_shared>>)
      tpu.yield
    }) : () -> ()
    %mul3A_16 = arith.constant 640 : i32
    %mul3A_17 = arith.muli %arg1, %mul3A_16 : i32
    %add3A_18 = arith.constant 48 : i32
    %add3A_19 = arith.addi %mul3A_17, %add3A_18 : i32
    "tpu.region"() ({
      %run_scoped3A = tpu.sem_alloc : memref<!tpu.dma_semaphore, #tpu.memory_space<semaphore_mem>>
      %dma_start3A = arith.constant 0 : i32
      %dma_start3A_491 = tpu.memref_slice %arg14[%add3A_19, %dma_start3A] : memref<10240x128xf32, #tpu.memory_space<vmem_shared>> -> memref<16x128xf32, #tpu.memory_space<vmem_shared>>
      %dma_start3A_492 = arith.constant 0 : i32
      %dma_start3A_493 = tpu.memref_slice %arg14[%add3A_19, %dma_start3A_492] : memref<10240x128xf32, #tpu.memory_space<vmem_shared>> -> memref<16x128xf32, #tpu.memory_space<vmem_shared>>
      tpu.enqueue_dma source(%arg13 : memref<16x128xf32, #tpu.memory_space<vmem>>) target(%dma_start3A_493 : memref<16x128xf32, #tpu.memory_space<vmem_shared>>) target_semaphore(%run_scoped3A : memref<!tpu.dma_semaphore, #tpu.memory_space<semaphore_mem>>)
      %dma_wait3A = arith.constant 0 : i32
      %dma_wait3A_494 = tpu.memref_slice %arg14[%add3A_19, %dma_wait3A] : memref<10240x128xf32, #tpu.memory_space<vmem_shared>> -> memref<16x128xf32, #tpu.memory_space<vmem_shared>>
      %dma_wait3A_495 = arith.constant 0 : i32
      %dma_wait3A_496 = tpu.memref_slice %arg14[%add3A_19, %dma_wait3A_495] : memref<10240x128xf32, #tpu.memory_space<vmem_shared>> -> memref<16x128xf32, #tpu.memory_space<vmem_shared>>
      tpu.wait_dma2 semaphore(%run_scoped3A : memref<!tpu.dma_semaphore, #tpu.memory_space<semaphore_mem>>) src(%arg13 : memref<16x128xf32, #tpu.memory_space<vmem>>) dst(%dma_wait3A_496 : memref<16x128xf32, #tpu.memory_space<vmem_shared>>)
      tpu.yield
    }) : () -> ()
    %mul3A_20 = arith.constant 640 : i32
    %mul3A_21 = arith.muli %arg1, %mul3A_20 : i32
    %add3A_22 = arith.constant 64 : i32
    %add3A_23 = arith.addi %mul3A_21, %add3A_22 : i32
    "tpu.region"() ({
      %run_scoped3A = tpu.sem_alloc : memref<!tpu.dma_semaphore, #tpu.memory_space<semaphore_mem>>
      %dma_start3A = arith.constant 0 : i32
      %dma_start3A_491 = tpu.memref_slice %arg14[%add3A_23, %dma_start3A] : memref<10240x128xf32, #tpu.memory_space<vmem_shared>> -> memref<16x128xf32, #tpu.memory_space<vmem_shared>>
      %dma_start3A_492 = arith.constant 0 : i32
      %dma_start3A_493 = tpu.memref_slice %arg14[%add3A_23, %dma_start3A_492] : memref<10240x128xf32, #tpu.memory_space<vmem_shared>> -> memref<16x128xf32, #tpu.memory_space<vmem_shared>>
      tpu.enqueue_dma source(%arg13 : memref<16x128xf32, #tpu.memory_space<vmem>>) target(%dma_start3A_493 : memref<16x128xf32, #tpu.memory_space<vmem_shared>>) target_semaphore(%run_scoped3A : memref<!tpu.dma_semaphore, #tpu.memory_space<semaphore_mem>>)
      %dma_wait3A = arith.constant 0 : i32
      %dma_wait3A_494 = tpu.memref_slice %arg14[%add3A_23, %dma_wait3A] : memref<10240x128xf32, #tpu.memory_space<vmem_shared>> -> memref<16x128xf32, #tpu.memory_space<vmem_shared>>
      %dma_wait3A_495 = arith.constant 0 : i32
      %dma_wait3A_496 = tpu.memref_slice %arg14[%add3A_23, %dma_wait3A_495] : memref<10240x128xf32, #tpu.memory_space<vmem_shared>> -> memref<16x128xf32, #tpu.memory_space<vmem_shared>>
      tpu.wait_dma2 semaphore(%run_scoped3A : memref<!tpu.dma_semaphore, #tpu.memory_space<semaphore_mem>>) src(%arg13 : memref<16x128xf32, #tpu.memory_space<vmem>>) dst(%dma_wait3A_496 : memref<16x128xf32, #tpu.memory_space<vmem_shared>>)
      tpu.yield
    }) : () -> ()
    %mul3A_24 = arith.constant 640 : i32
    %mul3A_25 = arith.muli %arg1, %mul3A_24 : i32
    %add3A_26 = arith.constant 80 : i32
    %add3A_27 = arith.addi %mul3A_25, %add3A_26 : i32
    "tpu.region"() ({
      %run_scoped3A = tpu.sem_alloc : memref<!tpu.dma_semaphore, #tpu.memory_space<semaphore_mem>>
      %dma_start3A = arith.constant 0 : i32
      %dma_start3A_491 = tpu.memref_slice %arg14[%add3A_27, %dma_start3A] : memref<10240x128xf32, #tpu.memory_space<vmem_shared>> -> memref<16x128xf32, #tpu.memory_space<vmem_shared>>
      %dma_start3A_492 = arith.constant 0 : i32
      %dma_start3A_493 = tpu.memref_slice %arg14[%add3A_27, %dma_start3A_492] : memref<10240x128xf32, #tpu.memory_space<vmem_shared>> -> memref<16x128xf32, #tpu.memory_space<vmem_shared>>
      tpu.enqueue_dma source(%arg13 : memref<16x128xf32, #tpu.memory_space<vmem>>) target(%dma_start3A_493 : memref<16x128xf32, #tpu.memory_space<vmem_shared>>) target_semaphore(%run_scoped3A : memref<!tpu.dma_semaphore, #tpu.memory_space<semaphore_mem>>)
      %dma_wait3A = arith.constant 0 : i32
      %dma_wait3A_494 = tpu.memref_slice %arg14[%add3A_27, %dma_wait3A] : memref<10240x128xf32, #tpu.memory_space<vmem_shared>> -> memref<16x128xf32, #tpu.memory_space<vmem_shared>>
      %dma_wait3A_495 = arith.constant 0 : i32
      %dma_wait3A_496 = tpu.memref_slice %arg14[%add3A_27, %dma_wait3A_495] : memref<10240x128xf32, #tpu.memory_space<vmem_shared>> -> memref<16x128xf32, #tpu.memory_space<vmem_shared>>
      tpu.wait_dma2 semaphore(%run_scoped3A : memref<!tpu.dma_semaphore, #tpu.memory_space<semaphore_mem>>) src(%arg13 : memref<16x128xf32, #tpu.memory_space<vmem>>) dst(%dma_wait3A_496 : memref<16x128xf32, #tpu.memory_space<vmem_shared>>)
      tpu.yield
    }) : () -> ()
    %mul3A_28 = arith.constant 640 : i32
    %mul3A_29 = arith.muli %arg1, %mul3A_28 : i32
    %add3A_30 = arith.constant 96 : i32
    %add3A_31 = arith.addi %mul3A_29, %add3A_30 : i32
    "tpu.region"() ({
      %run_scoped3A = tpu.sem_alloc : memref<!tpu.dma_semaphore, #tpu.memory_space<semaphore_mem>>
      %dma_start3A = arith.constant 0 : i32
      %dma_start3A_491 = tpu.memref_slice %arg14[%add3A_31, %dma_start3A] : memref<10240x128xf32, #tpu.memory_space<vmem_shared>> -> memref<16x128xf32, #tpu.memory_space<vmem_shared>>
      %dma_start3A_492 = arith.constant 0 : i32
      %dma_start3A_493 = tpu.memref_slice %arg14[%add3A_31, %dma_start3A_492] : memref<10240x128xf32, #tpu.memory_space<vmem_shared>> -> memref<16x128xf32, #tpu.memory_space<vmem_shared>>
      tpu.enqueue_dma source(%arg13 : memref<16x128xf32, #tpu.memory_space<vmem>>) target(%dma_start3A_493 : memref<16x128xf32, #tpu.memory_space<vmem_shared>>) target_semaphore(%run_scoped3A : memref<!tpu.dma_semaphore, #tpu.memory_space<semaphore_mem>>)
      %dma_wait3A = arith.constant 0 : i32
      %dma_wait3A_494 = tpu.memref_slice %arg14[%add3A_31, %dma_wait3A] : memref<10240x128xf32, #tpu.memory_space<vmem_shared>> -> memref<16x128xf32, #tpu.memory_space<vmem_shared>>
      %dma_wait3A_495 = arith.constant 0 : i32
      %dma_wait3A_496 = tpu.memref_slice %arg14[%add3A_31, %dma_wait3A_495] : memref<10240x128xf32, #tpu.memory_space<vmem_shared>> -> memref<16x128xf32, #tpu.memory_space<vmem_shared>>
      tpu.wait_dma2 semaphore(%run_scoped3A : memref<!tpu.dma_semaphore, #tpu.memory_space<semaphore_mem>>) src(%arg13 : memref<16x128xf32, #tpu.memory_space<vmem>>) dst(%dma_wait3A_496 : memref<16x128xf32, #tpu.memory_space<vmem_shared>>)
      tpu.yield
    }) : () -> ()
    %mul3A_32 = arith.constant 640 : i32
    %mul3A_33 = arith.muli %arg1, %mul3A_32 : i32
    %add3A_34 = arith.constant 112 : i32
    %add3A_35 = arith.addi %mul3A_33, %add3A_34 : i32
    "tpu.region"() ({
      %run_scoped3A = tpu.sem_alloc : memref<!tpu.dma_semaphore, #tpu.memory_space<semaphore_mem>>
      %dma_start3A = arith.constant 0 : i32
      %dma_start3A_491 = tpu.memref_slice %arg14[%add3A_35, %dma_start3A] : memref<10240x128xf32, #tpu.memory_space<vmem_shared>> -> memref<16x128xf32, #tpu.memory_space<vmem_shared>>
      %dma_start3A_492 = arith.constant 0 : i32
      %dma_start3A_493 = tpu.memref_slice %arg14[%add3A_35, %dma_start3A_492] : memref<10240x128xf32, #tpu.memory_space<vmem_shared>> -> memref<16x128xf32, #tpu.memory_space<vmem_shared>>
      tpu.enqueue_dma source(%arg13 : memref<16x128xf32, #tpu.memory_space<vmem>>) target(%dma_start3A_493 : memref<16x128xf32, #tpu.memory_space<vmem_shared>>) target_semaphore(%run_scoped3A : memref<!tpu.dma_semaphore, #tpu.memory_space<semaphore_mem>>)
      %dma_wait3A = arith.constant 0 : i32
      %dma_wait3A_494 = tpu.memref_slice %arg14[%add3A_35, %dma_wait3A] : memref<10240x128xf32, #tpu.memory_space<vmem_shared>> -> memref<16x128xf32, #tpu.memory_space<vmem_shared>>
      %dma_wait3A_495 = arith.constant 0 : i32
      %dma_wait3A_496 = tpu.memref_slice %arg14[%add3A_35, %dma_wait3A_495] : memref<10240x128xf32, #tpu.memory_space<vmem_shared>> -> memref<16x128xf32, #tpu.memory_space<vmem_shared>>
      tpu.wait_dma2 semaphore(%run_scoped3A : memref<!tpu.dma_semaphore, #tpu.memory_space<semaphore_mem>>) src(%arg13 : memref<16x128xf32, #tpu.memory_space<vmem>>) dst(%dma_wait3A_496 : memref<16x128xf32, #tpu.memory_space<vmem_shared>>)
      tpu.yield
    }) : () -> ()
    %mul3A_36 = arith.constant 640 : i32
    %mul3A_37 = arith.muli %arg1, %mul3A_36 : i32
    %add3A_38 = arith.constant 128 : i32
    %add3A_39 = arith.addi %mul3A_37, %add3A_38 : i32
    "tpu.region"() ({
      %run_scoped3A = tpu.sem_alloc : memref<!tpu.dma_semaphore, #tpu.memory_space<semaphore_mem>>
      %dma_start3A = arith.constant 0 : i32
      %dma_start3A_491 = tpu.memref_slice %arg14[%add3A_39, %dma_start3A] : memref<10240x128xf32, #tpu.memory_space<vmem_shared>> -> memref<16x128xf32, #tpu.memory_space<vmem_shared>>
      %dma_start3A_492 = arith.constant 0 : i32
      %dma_start3A_493 = tpu.memref_slice %arg14[%add3A_39, %dma_start3A_492] : memref<10240x128xf32, #tpu.memory_space<vmem_shared>> -> memref<16x128xf32, #tpu.memory_space<vmem_shared>>
      tpu.enqueue_dma source(%arg13 : memref<16x128xf32, #tpu.memory_space<vmem>>) target(%dma_start3A_493 : memref<16x128xf32, #tpu.memory_space<vmem_shared>>) target_semaphore(%run_scoped3A : memref<!tpu.dma_semaphore, #tpu.memory_space<semaphore_mem>>)
      %dma_wait3A = arith.constant 0 : i32
      %dma_wait3A_494 = tpu.memref_slice %arg14[%add3A_39, %dma_wait3A] : memref<10240x128xf32, #tpu.memory_space<vmem_shared>> -> memref<16x128xf32, #tpu.memory_space<vmem_shared>>
      %dma_wait3A_495 = arith.constant 0 : i32
      %dma_wait3A_496 = tpu.memref_slice %arg14[%add3A_39, %dma_wait3A_495] : memref<10240x128xf32, #tpu.memory_space<vmem_shared>> -> memref<16x128xf32, #tpu.memory_space<vmem_shared>>
      tpu.wait_dma2 semaphore(%run_scoped3A : memref<!tpu.dma_semaphore, #tpu.memory_space<semaphore_mem>>) src(%arg13 : memref<16x128xf32, #tpu.memory_space<vmem>>) dst(%dma_wait3A_496 : memref<16x128xf32, #tpu.memory_space<vmem_shared>>)
      tpu.yield
    }) : () -> ()
    %mul3A_40 = arith.constant 640 : i32
    %mul3A_41 = arith.muli %arg1, %mul3A_40 : i32
    %add3A_42 = arith.constant 144 : i32
    %add3A_43 = arith.addi %mul3A_41, %add3A_42 : i32
    "tpu.region"() ({
      %run_scoped3A = tpu.sem_alloc : memref<!tpu.dma_semaphore, #tpu.memory_space<semaphore_mem>>
      %dma_start3A = arith.constant 0 : i32
      %dma_start3A_491 = tpu.memref_slice %arg14[%add3A_43, %dma_start3A] : memref<10240x128xf32, #tpu.memory_space<vmem_shared>> -> memref<16x128xf32, #tpu.memory_space<vmem_shared>>
      %dma_start3A_492 = arith.constant 0 : i32
      %dma_start3A_493 = tpu.memref_slice %arg14[%add3A_43, %dma_start3A_492] : memref<10240x128xf32, #tpu.memory_space<vmem_shared>> -> memref<16x128xf32, #tpu.memory_space<vmem_shared>>
      tpu.enqueue_dma source(%arg13 : memref<16x128xf32, #tpu.memory_space<vmem>>) target(%dma_start3A_493 : memref<16x128xf32, #tpu.memory_space<vmem_shared>>) target_semaphore(%run_scoped3A : memref<!tpu.dma_semaphore, #tpu.memory_space<semaphore_mem>>)
      %dma_wait3A = arith.constant 0 : i32
      %dma_wait3A_494 = tpu.memref_slice %arg14[%add3A_43, %dma_wait3A] : memref<10240x128xf32, #tpu.memory_space<vmem_shared>> -> memref<16x128xf32, #tpu.memory_space<vmem_shared>>
      %dma_wait3A_495 = arith.constant 0 : i32
      %dma_wait3A_496 = tpu.memref_slice %arg14[%add3A_43, %dma_wait3A_495] : memref<10240x128xf32, #tpu.memory_space<vmem_shared>> -> memref<16x128xf32, #tpu.memory_space<vmem_shared>>
      tpu.wait_dma2 semaphore(%run_scoped3A : memref<!tpu.dma_semaphore, #tpu.memory_space<semaphore_mem>>) src(%arg13 : memref<16x128xf32, #tpu.memory_space<vmem>>) dst(%dma_wait3A_496 : memref<16x128xf32, #tpu.memory_space<vmem_shared>>)
      tpu.yield
    }) : () -> ()
    %mul3A_44 = arith.constant 640 : i32
    %mul3A_45 = arith.muli %arg1, %mul3A_44 : i32
    %add3A_46 = arith.constant 160 : i32
    %add3A_47 = arith.addi %mul3A_45, %add3A_46 : i32
    "tpu.region"() ({
      %run_scoped3A = tpu.sem_alloc : memref<!tpu.dma_semaphore, #tpu.memory_space<semaphore_mem>>
      %dma_start3A = arith.constant 0 : i32
      %dma_start3A_491 = tpu.memref_slice %arg14[%add3A_47, %dma_start3A] : memref<10240x128xf32, #tpu.memory_space<vmem_shared>> -> memref<16x128xf32, #tpu.memory_space<vmem_shared>>
      %dma_start3A_492 = arith.constant 0 : i32
      %dma_start3A_493 = tpu.memref_slice %arg14[%add3A_47, %dma_start3A_492] : memref<10240x128xf32, #tpu.memory_space<vmem_shared>> -> memref<16x128xf32, #tpu.memory_space<vmem_shared>>
      tpu.enqueue_dma source(%arg13 : memref<16x128xf32, #tpu.memory_space<vmem>>) target(%dma_start3A_493 : memref<16x128xf32, #tpu.memory_space<vmem_shared>>) target_semaphore(%run_scoped3A : memref<!tpu.dma_semaphore, #tpu.memory_space<semaphore_mem>>)
      %dma_wait3A = arith.constant 0 : i32
      %dma_wait3A_494 = tpu.memref_slice %arg14[%add3A_47, %dma_wait3A] : memref<10240x128xf32, #tpu.memory_space<vmem_shared>> -> memref<16x128xf32, #tpu.memory_space<vmem_shared>>
      %dma_wait3A_495 = arith.constant 0 : i32
      %dma_wait3A_496 = tpu.memref_slice %arg14[%add3A_47, %dma_wait3A_495] : memref<10240x128xf32, #tpu.memory_space<vmem_shared>> -> memref<16x128xf32, #tpu.memory_space<vmem_shared>>
      tpu.wait_dma2 semaphore(%run_scoped3A : memref<!tpu.dma_semaphore, #tpu.memory_space<semaphore_mem>>) src(%arg13 : memref<16x128xf32, #tpu.memory_space<vmem>>) dst(%dma_wait3A_496 : memref<16x128xf32, #tpu.memory_space<vmem_shared>>)
      tpu.yield
    }) : () -> ()
    %mul3A_48 = arith.constant 640 : i32
    %mul3A_49 = arith.muli %arg1, %mul3A_48 : i32
    %add3A_50 = arith.constant 176 : i32
    %add3A_51 = arith.addi %mul3A_49, %add3A_50 : i32
    "tpu.region"() ({
      %run_scoped3A = tpu.sem_alloc : memref<!tpu.dma_semaphore, #tpu.memory_space<semaphore_mem>>
      %dma_start3A = arith.constant 0 : i32
      %dma_start3A_491 = tpu.memref_slice %arg14[%add3A_51, %dma_start3A] : memref<10240x128xf32, #tpu.memory_space<vmem_shared>> -> memref<16x128xf32, #tpu.memory_space<vmem_shared>>
      %dma_start3A_492 = arith.constant 0 : i32
      %dma_start3A_493 = tpu.memref_slice %arg14[%add3A_51, %dma_start3A_492] : memref<10240x128xf32, #tpu.memory_space<vmem_shared>> -> memref<16x128xf32, #tpu.memory_space<vmem_shared>>
      tpu.enqueue_dma source(%arg13 : memref<16x128xf32, #tpu.memory_space<vmem>>) target(%dma_start3A_493 : memref<16x128xf32, #tpu.memory_space<vmem_shared>>) target_semaphore(%run_scoped3A : memref<!tpu.dma_semaphore, #tpu.memory_space<semaphore_mem>>)
      %dma_wait3A = arith.constant 0 : i32
      %dma_wait3A_494 = tpu.memref_slice %arg14[%add3A_51, %dma_wait3A] : memref<10240x128xf32, #tpu.memory_space<vmem_shared>> -> memref<16x128xf32, #tpu.memory_space<vmem_shared>>
      %dma_wait3A_495 = arith.constant 0 : i32
      %dma_wait3A_496 = tpu.memref_slice %arg14[%add3A_51, %dma_wait3A_495] : memref<10240x128xf32, #tpu.memory_space<vmem_shared>> -> memref<16x128xf32, #tpu.memory_space<vmem_shared>>
      tpu.wait_dma2 semaphore(%run_scoped3A : memref<!tpu.dma_semaphore, #tpu.memory_space<semaphore_mem>>) src(%arg13 : memref<16x128xf32, #tpu.memory_space<vmem>>) dst(%dma_wait3A_496 : memref<16x128xf32, #tpu.memory_space<vmem_shared>>)
      tpu.yield
    }) : () -> ()
    %mul3A_52 = arith.constant 640 : i32
    %mul3A_53 = arith.muli %arg1, %mul3A_52 : i32
    %add3A_54 = arith.constant 192 : i32
    %add3A_55 = arith.addi %mul3A_53, %add3A_54 : i32
    "tpu.region"() ({
      %run_scoped3A = tpu.sem_alloc : memref<!tpu.dma_semaphore, #tpu.memory_space<semaphore_mem>>
      %dma_start3A = arith.constant 0 : i32
      %dma_start3A_491 = tpu.memref_slice %arg14[%add3A_55, %dma_start3A] : memref<10240x128xf32, #tpu.memory_space<vmem_shared>> -> memref<16x128xf32, #tpu.memory_space<vmem_shared>>
      %dma_start3A_492 = arith.constant 0 : i32
      %dma_start3A_493 = tpu.memref_slice %arg14[%add3A_55, %dma_start3A_492] : memref<10240x128xf32, #tpu.memory_space<vmem_shared>> -> memref<16x128xf32, #tpu.memory_space<vmem_shared>>
      tpu.enqueue_dma source(%arg13 : memref<16x128xf32, #tpu.memory_space<vmem>>) target(%dma_start3A_493 : memref<16x128xf32, #tpu.memory_space<vmem_shared>>) target_semaphore(%run_scoped3A : memref<!tpu.dma_semaphore, #tpu.memory_space<semaphore_mem>>)
      %dma_wait3A = arith.constant 0 : i32
      %dma_wait3A_494 = tpu.memref_slice %arg14[%add3A_55, %dma_wait3A] : memref<10240x128xf32, #tpu.memory_space<vmem_shared>> -> memref<16x128xf32, #tpu.memory_space<vmem_shared>>
      %dma_wait3A_495 = arith.constant 0 : i32
      %dma_wait3A_496 = tpu.memref_slice %arg14[%add3A_55, %dma_wait3A_495] : memref<10240x128xf32, #tpu.memory_space<vmem_shared>> -> memref<16x128xf32, #tpu.memory_space<vmem_shared>>
      tpu.wait_dma2 semaphore(%run_scoped3A : memref<!tpu.dma_semaphore, #tpu.memory_space<semaphore_mem>>) src(%arg13 : memref<16x128xf32, #tpu.memory_space<vmem>>) dst(%dma_wait3A_496 : memref<16x128xf32, #tpu.memory_space<vmem_shared>>)
      tpu.yield
    }) : () -> ()
    %mul3A_56 = arith.constant 640 : i32
    %mul3A_57 = arith.muli %arg1, %mul3A_56 : i32
    %add3A_58 = arith.constant 208 : i32
    %add3A_59 = arith.addi %mul3A_57, %add3A_58 : i32
    "tpu.region"() ({
      %run_scoped3A = tpu.sem_alloc : memref<!tpu.dma_semaphore, #tpu.memory_space<semaphore_mem>>
      %dma_start3A = arith.constant 0 : i32
      %dma_start3A_491 = tpu.memref_slice %arg14[%add3A_59, %dma_start3A] : memref<10240x128xf32, #tpu.memory_space<vmem_shared>> -> memref<16x128xf32, #tpu.memory_space<vmem_shared>>
      %dma_start3A_492 = arith.constant 0 : i32
      %dma_start3A_493 = tpu.memref_slice %arg14[%add3A_59, %dma_start3A_492] : memref<10240x128xf32, #tpu.memory_space<vmem_shared>> -> memref<16x128xf32, #tpu.memory_space<vmem_shared>>
      tpu.enqueue_dma source(%arg13 : memref<16x128xf32, #tpu.memory_space<vmem>>) target(%dma_start3A_493 : memref<16x128xf32, #tpu.memory_space<vmem_shared>>) target_semaphore(%run_scoped3A : memref<!tpu.dma_semaphore, #tpu.memory_space<semaphore_mem>>)
      %dma_wait3A = arith.constant 0 : i32
      %dma_wait3A_494 = tpu.memref_slice %arg14[%add3A_59, %dma_wait3A] : memref<10240x128xf32, #tpu.memory_space<vmem_shared>> -> memref<16x128xf32, #tpu.memory_space<vmem_shared>>
      %dma_wait3A_495 = arith.constant 0 : i32
      %dma_wait3A_496 = tpu.memref_slice %arg14[%add3A_59, %dma_wait3A_495] : memref<10240x128xf32, #tpu.memory_space<vmem_shared>> -> memref<16x128xf32, #tpu.memory_space<vmem_shared>>
      tpu.wait_dma2 semaphore(%run_scoped3A : memref<!tpu.dma_semaphore, #tpu.memory_space<semaphore_mem>>) src(%arg13 : memref<16x128xf32, #tpu.memory_space<vmem>>) dst(%dma_wait3A_496 : memref<16x128xf32, #tpu.memory_space<vmem_shared>>)
      tpu.yield
    }) : () -> ()
    %mul3A_60 = arith.constant 640 : i32
    %mul3A_61 = arith.muli %arg1, %mul3A_60 : i32
    %add3A_62 = arith.constant 224 : i32
    %add3A_63 = arith.addi %mul3A_61, %add3A_62 : i32
    "tpu.region"() ({
      %run_scoped3A = tpu.sem_alloc : memref<!tpu.dma_semaphore, #tpu.memory_space<semaphore_mem>>
      %dma_start3A = arith.constant 0 : i32
      %dma_start3A_491 = tpu.memref_slice %arg14[%add3A_63, %dma_start3A] : memref<10240x128xf32, #tpu.memory_space<vmem_shared>> -> memref<16x128xf32, #tpu.memory_space<vmem_shared>>
      %dma_start3A_492 = arith.constant 0 : i32
      %dma_start3A_493 = tpu.memref_slice %arg14[%add3A_63, %dma_start3A_492] : memref<10240x128xf32, #tpu.memory_space<vmem_shared>> -> memref<16x128xf32, #tpu.memory_space<vmem_shared>>
      tpu.enqueue_dma source(%arg13 : memref<16x128xf32, #tpu.memory_space<vmem>>) target(%dma_start3A_493 : memref<16x128xf32, #tpu.memory_space<vmem_shared>>) target_semaphore(%run_scoped3A : memref<!tpu.dma_semaphore, #tpu.memory_space<semaphore_mem>>)
      %dma_wait3A = arith.constant 0 : i32
      %dma_wait3A_494 = tpu.memref_slice %arg14[%add3A_63, %dma_wait3A] : memref<10240x128xf32, #tpu.memory_space<vmem_shared>> -> memref<16x128xf32, #tpu.memory_space<vmem_shared>>
      %dma_wait3A_495 = arith.constant 0 : i32
      %dma_wait3A_496 = tpu.memref_slice %arg14[%add3A_63, %dma_wait3A_495] : memref<10240x128xf32, #tpu.memory_space<vmem_shared>> -> memref<16x128xf32, #tpu.memory_space<vmem_shared>>
      tpu.wait_dma2 semaphore(%run_scoped3A : memref<!tpu.dma_semaphore, #tpu.memory_space<semaphore_mem>>) src(%arg13 : memref<16x128xf32, #tpu.memory_space<vmem>>) dst(%dma_wait3A_496 : memref<16x128xf32, #tpu.memory_space<vmem_shared>>)
      tpu.yield
    }) : () -> ()
    %mul3A_64 = arith.constant 640 : i32
    %mul3A_65 = arith.muli %arg1, %mul3A_64 : i32
    %add3A_66 = arith.constant 240 : i32
    %add3A_67 = arith.addi %mul3A_65, %add3A_66 : i32
    "tpu.region"() ({
      %run_scoped3A = tpu.sem_alloc : memref<!tpu.dma_semaphore, #tpu.memory_space<semaphore_mem>>
      %dma_start3A = arith.constant 0 : i32
      %dma_start3A_491 = tpu.memref_slice %arg14[%add3A_67, %dma_start3A] : memref<10240x128xf32, #tpu.memory_space<vmem_shared>> -> memref<16x128xf32, #tpu.memory_space<vmem_shared>>
      %dma_start3A_492 = arith.constant 0 : i32
      %dma_start3A_493 = tpu.memref_slice %arg14[%add3A_67, %dma_start3A_492] : memref<10240x128xf32, #tpu.memory_space<vmem_shared>> -> memref<16x128xf32, #tpu.memory_space<vmem_shared>>
      tpu.enqueue_dma source(%arg13 : memref<16x128xf32, #tpu.memory_space<vmem>>) target(%dma_start3A_493 : memref<16x128xf32, #tpu.memory_space<vmem_shared>>) target_semaphore(%run_scoped3A : memref<!tpu.dma_semaphore, #tpu.memory_space<semaphore_mem>>)
      %dma_wait3A = arith.constant 0 : i32
      %dma_wait3A_494 = tpu.memref_slice %arg14[%add3A_67, %dma_wait3A] : memref<10240x128xf32, #tpu.memory_space<vmem_shared>> -> memref<16x128xf32, #tpu.memory_space<vmem_shared>>
      %dma_wait3A_495 = arith.constant 0 : i32
      %dma_wait3A_496 = tpu.memref_slice %arg14[%add3A_67, %dma_wait3A_495] : memref<10240x128xf32, #tpu.memory_space<vmem_shared>> -> memref<16x128xf32, #tpu.memory_space<vmem_shared>>
      tpu.wait_dma2 semaphore(%run_scoped3A : memref<!tpu.dma_semaphore, #tpu.memory_space<semaphore_mem>>) src(%arg13 : memref<16x128xf32, #tpu.memory_space<vmem>>) dst(%dma_wait3A_496 : memref<16x128xf32, #tpu.memory_space<vmem_shared>>)
      tpu.yield
    }) : () -> ()
    %mul3A_68 = arith.constant 640 : i32
    %mul3A_69 = arith.muli %arg1, %mul3A_68 : i32
    %add3A_70 = arith.constant 256 : i32
    %add3A_71 = arith.addi %mul3A_69, %add3A_70 : i32
    "tpu.region"() ({
      %run_scoped3A = tpu.sem_alloc : memref<!tpu.dma_semaphore, #tpu.memory_space<semaphore_mem>>
      %dma_start3A = arith.constant 0 : i32
      %dma_start3A_491 = tpu.memref_slice %arg14[%add3A_71, %dma_start3A] : memref<10240x128xf32, #tpu.memory_space<vmem_shared>> -> memref<16x128xf32, #tpu.memory_space<vmem_shared>>
      %dma_start3A_492 = arith.constant 0 : i32
      %dma_start3A_493 = tpu.memref_slice %arg14[%add3A_71, %dma_start3A_492] : memref<10240x128xf32, #tpu.memory_space<vmem_shared>> -> memref<16x128xf32, #tpu.memory_space<vmem_shared>>
      tpu.enqueue_dma source(%arg13 : memref<16x128xf32, #tpu.memory_space<vmem>>) target(%dma_start3A_493 : memref<16x128xf32, #tpu.memory_space<vmem_shared>>) target_semaphore(%run_scoped3A : memref<!tpu.dma_semaphore, #tpu.memory_space<semaphore_mem>>)
      %dma_wait3A = arith.constant 0 : i32
      %dma_wait3A_494 = tpu.memref_slice %arg14[%add3A_71, %dma_wait3A] : memref<10240x128xf32, #tpu.memory_space<vmem_shared>> -> memref<16x128xf32, #tpu.memory_space<vmem_shared>>
      %dma_wait3A_495 = arith.constant 0 : i32
      %dma_wait3A_496 = tpu.memref_slice %arg14[%add3A_71, %dma_wait3A_495] : memref<10240x128xf32, #tpu.memory_space<vmem_shared>> -> memref<16x128xf32, #tpu.memory_space<vmem_shared>>
      tpu.wait_dma2 semaphore(%run_scoped3A : memref<!tpu.dma_semaphore, #tpu.memory_space<semaphore_mem>>) src(%arg13 : memref<16x128xf32, #tpu.memory_space<vmem>>) dst(%dma_wait3A_496 : memref<16x128xf32, #tpu.memory_space<vmem_shared>>)
      tpu.yield
    }) : () -> ()
    %mul3A_72 = arith.constant 640 : i32
    %mul3A_73 = arith.muli %arg1, %mul3A_72 : i32
    %add3A_74 = arith.constant 272 : i32
    %add3A_75 = arith.addi %mul3A_73, %add3A_74 : i32
    "tpu.region"() ({
      %run_scoped3A = tpu.sem_alloc : memref<!tpu.dma_semaphore, #tpu.memory_space<semaphore_mem>>
      %dma_start3A = arith.constant 0 : i32
      %dma_start3A_491 = tpu.memref_slice %arg14[%add3A_75, %dma_start3A] : memref<10240x128xf32, #tpu.memory_space<vmem_shared>> -> memref<16x128xf32, #tpu.memory_space<vmem_shared>>
      %dma_start3A_492 = arith.constant 0 : i32
      %dma_start3A_493 = tpu.memref_slice %arg14[%add3A_75, %dma_start3A_492] : memref<10240x128xf32, #tpu.memory_space<vmem_shared>> -> memref<16x128xf32, #tpu.memory_space<vmem_shared>>
      tpu.enqueue_dma source(%arg13 : memref<16x128xf32, #tpu.memory_space<vmem>>) target(%dma_start3A_493 : memref<16x128xf32, #tpu.memory_space<vmem_shared>>) target_semaphore(%run_scoped3A : memref<!tpu.dma_semaphore, #tpu.memory_space<semaphore_mem>>)
      %dma_wait3A = arith.constant 0 : i32
      %dma_wait3A_494 = tpu.memref_slice %arg14[%add3A_75, %dma_wait3A] : memref<10240x128xf32, #tpu.memory_space<vmem_shared>> -> memref<16x128xf32, #tpu.memory_space<vmem_shared>>
      %dma_wait3A_495 = arith.constant 0 : i32
      %dma_wait3A_496 = tpu.memref_slice %arg14[%add3A_75, %dma_wait3A_495] : memref<10240x128xf32, #tpu.memory_space<vmem_shared>> -> memref<16x128xf32, #tpu.memory_space<vmem_shared>>
      tpu.wait_dma2 semaphore(%run_scoped3A : memref<!tpu.dma_semaphore, #tpu.memory_space<semaphore_mem>>) src(%arg13 : memref<16x128xf32, #tpu.memory_space<vmem>>) dst(%dma_wait3A_496 : memref<16x128xf32, #tpu.memory_space<vmem_shared>>)
      tpu.yield
    }) : () -> ()
    %mul3A_76 = arith.constant 640 : i32
    %mul3A_77 = arith.muli %arg1, %mul3A_76 : i32
    %add3A_78 = arith.constant 288 : i32
    %add3A_79 = arith.addi %mul3A_77, %add3A_78 : i32
    "tpu.region"() ({
      %run_scoped3A = tpu.sem_alloc : memref<!tpu.dma_semaphore, #tpu.memory_space<semaphore_mem>>
      %dma_start3A = arith.constant 0 : i32
      %dma_start3A_491 = tpu.memref_slice %arg14[%add3A_79, %dma_start3A] : memref<10240x128xf32, #tpu.memory_space<vmem_shared>> -> memref<16x128xf32, #tpu.memory_space<vmem_shared>>
      %dma_start3A_492 = arith.constant 0 : i32
      %dma_start3A_493 = tpu.memref_slice %arg14[%add3A_79, %dma_start3A_492] : memref<10240x128xf32, #tpu.memory_space<vmem_shared>> -> memref<16x128xf32, #tpu.memory_space<vmem_shared>>
      tpu.enqueue_dma source(%arg13 : memref<16x128xf32, #tpu.memory_space<vmem>>) target(%dma_start3A_493 : memref<16x128xf32, #tpu.memory_space<vmem_shared>>) target_semaphore(%run_scoped3A : memref<!tpu.dma_semaphore, #tpu.memory_space<semaphore_mem>>)
      %dma_wait3A = arith.constant 0 : i32
      %dma_wait3A_494 = tpu.memref_slice %arg14[%add3A_79, %dma_wait3A] : memref<10240x128xf32, #tpu.memory_space<vmem_shared>> -> memref<16x128xf32, #tpu.memory_space<vmem_shared>>
      %dma_wait3A_495 = arith.constant 0 : i32
      %dma_wait3A_496 = tpu.memref_slice %arg14[%add3A_79, %dma_wait3A_495] : memref<10240x128xf32, #tpu.memory_space<vmem_shared>> -> memref<16x128xf32, #tpu.memory_space<vmem_shared>>
      tpu.wait_dma2 semaphore(%run_scoped3A : memref<!tpu.dma_semaphore, #tpu.memory_space<semaphore_mem>>) src(%arg13 : memref<16x128xf32, #tpu.memory_space<vmem>>) dst(%dma_wait3A_496 : memref<16x128xf32, #tpu.memory_space<vmem_shared>>)
      tpu.yield
    }) : () -> ()
    %mul3A_80 = arith.constant 640 : i32
    %mul3A_81 = arith.muli %arg1, %mul3A_80 : i32
    %add3A_82 = arith.constant 304 : i32
    %add3A_83 = arith.addi %mul3A_81, %add3A_82 : i32
    "tpu.region"() ({
      %run_scoped3A = tpu.sem_alloc : memref<!tpu.dma_semaphore, #tpu.memory_space<semaphore_mem>>
      %dma_start3A = arith.constant 0 : i32
      %dma_start3A_491 = tpu.memref_slice %arg14[%add3A_83, %dma_start3A] : memref<10240x128xf32, #tpu.memory_space<vmem_shared>> -> memref<16x128xf32, #tpu.memory_space<vmem_shared>>
      %dma_start3A_492 = arith.constant 0 : i32
      %dma_start3A_493 = tpu.memref_slice %arg14[%add3A_83, %dma_start3A_492] : memref<10240x128xf32, #tpu.memory_space<vmem_shared>> -> memref<16x128xf32, #tpu.memory_space<vmem_shared>>
      tpu.enqueue_dma source(%arg13 : memref<16x128xf32, #tpu.memory_space<vmem>>) target(%dma_start3A_493 : memref<16x128xf32, #tpu.memory_space<vmem_shared>>) target_semaphore(%run_scoped3A : memref<!tpu.dma_semaphore, #tpu.memory_space<semaphore_mem>>)
      %dma_wait3A = arith.constant 0 : i32
      %dma_wait3A_494 = tpu.memref_slice %arg14[%add3A_83, %dma_wait3A] : memref<10240x128xf32, #tpu.memory_space<vmem_shared>> -> memref<16x128xf32, #tpu.memory_space<vmem_shared>>
      %dma_wait3A_495 = arith.constant 0 : i32
      %dma_wait3A_496 = tpu.memref_slice %arg14[%add3A_83, %dma_wait3A_495] : memref<10240x128xf32, #tpu.memory_space<vmem_shared>> -> memref<16x128xf32, #tpu.memory_space<vmem_shared>>
      tpu.wait_dma2 semaphore(%run_scoped3A : memref<!tpu.dma_semaphore, #tpu.memory_space<semaphore_mem>>) src(%arg13 : memref<16x128xf32, #tpu.memory_space<vmem>>) dst(%dma_wait3A_496 : memref<16x128xf32, #tpu.memory_space<vmem_shared>>)
      tpu.yield
    }) : () -> ()
    %mul3A_84 = arith.constant 640 : i32
    %mul3A_85 = arith.muli %arg1, %mul3A_84 : i32
    %add3A_86 = arith.constant 320 : i32
    %add3A_87 = arith.addi %mul3A_85, %add3A_86 : i32
    "tpu.region"() ({
      %run_scoped3A = tpu.sem_alloc : memref<!tpu.dma_semaphore, #tpu.memory_space<semaphore_mem>>
      %dma_start3A = arith.constant 0 : i32
      %dma_start3A_491 = tpu.memref_slice %arg14[%add3A_87, %dma_start3A] : memref<10240x128xf32, #tpu.memory_space<vmem_shared>> -> memref<16x128xf32, #tpu.memory_space<vmem_shared>>
      %dma_start3A_492 = arith.constant 0 : i32
      %dma_start3A_493 = tpu.memref_slice %arg14[%add3A_87, %dma_start3A_492] : memref<10240x128xf32, #tpu.memory_space<vmem_shared>> -> memref<16x128xf32, #tpu.memory_space<vmem_shared>>
      tpu.enqueue_dma source(%arg13 : memref<16x128xf32, #tpu.memory_space<vmem>>) target(%dma_start3A_493 : memref<16x128xf32, #tpu.memory_space<vmem_shared>>) target_semaphore(%run_scoped3A : memref<!tpu.dma_semaphore, #tpu.memory_space<semaphore_mem>>)
      %dma_wait3A = arith.constant 0 : i32
      %dma_wait3A_494 = tpu.memref_slice %arg14[%add3A_87, %dma_wait3A] : memref<10240x128xf32, #tpu.memory_space<vmem_shared>> -> memref<16x128xf32, #tpu.memory_space<vmem_shared>>
      %dma_wait3A_495 = arith.constant 0 : i32
      %dma_wait3A_496 = tpu.memref_slice %arg14[%add3A_87, %dma_wait3A_495] : memref<10240x128xf32, #tpu.memory_space<vmem_shared>> -> memref<16x128xf32, #tpu.memory_space<vmem_shared>>
      tpu.wait_dma2 semaphore(%run_scoped3A : memref<!tpu.dma_semaphore, #tpu.memory_space<semaphore_mem>>) src(%arg13 : memref<16x128xf32, #tpu.memory_space<vmem>>) dst(%dma_wait3A_496 : memref<16x128xf32, #tpu.memory_space<vmem_shared>>)
      tpu.yield
    }) : () -> ()
    %mul3A_88 = arith.constant 640 : i32
    %mul3A_89 = arith.muli %arg1, %mul3A_88 : i32
    %add3A_90 = arith.constant 336 : i32
    %add3A_91 = arith.addi %mul3A_89, %add3A_90 : i32
    "tpu.region"() ({
      %run_scoped3A = tpu.sem_alloc : memref<!tpu.dma_semaphore, #tpu.memory_space<semaphore_mem>>
      %dma_start3A = arith.constant 0 : i32
      %dma_start3A_491 = tpu.memref_slice %arg14[%add3A_91, %dma_start3A] : memref<10240x128xf32, #tpu.memory_space<vmem_shared>> -> memref<16x128xf32, #tpu.memory_space<vmem_shared>>
      %dma_start3A_492 = arith.constant 0 : i32
      %dma_start3A_493 = tpu.memref_slice %arg14[%add3A_91, %dma_start3A_492] : memref<10240x128xf32, #tpu.memory_space<vmem_shared>> -> memref<16x128xf32, #tpu.memory_space<vmem_shared>>
      tpu.enqueue_dma source(%arg13 : memref<16x128xf32, #tpu.memory_space<vmem>>) target(%dma_start3A_493 : memref<16x128xf32, #tpu.memory_space<vmem_shared>>) target_semaphore(%run_scoped3A : memref<!tpu.dma_semaphore, #tpu.memory_space<semaphore_mem>>)
      %dma_wait3A = arith.constant 0 : i32
      %dma_wait3A_494 = tpu.memref_slice %arg14[%add3A_91, %dma_wait3A] : memref<10240x128xf32, #tpu.memory_space<vmem_shared>> -> memref<16x128xf32, #tpu.memory_space<vmem_shared>>
      %dma_wait3A_495 = arith.constant 0 : i32
      %dma_wait3A_496 = tpu.memref_slice %arg14[%add3A_91, %dma_wait3A_495] : memref<10240x128xf32, #tpu.memory_space<vmem_shared>> -> memref<16x128xf32, #tpu.memory_space<vmem_shared>>
      tpu.wait_dma2 semaphore(%run_scoped3A : memref<!tpu.dma_semaphore, #tpu.memory_space<semaphore_mem>>) src(%arg13 : memref<16x128xf32, #tpu.memory_space<vmem>>) dst(%dma_wait3A_496 : memref<16x128xf32, #tpu.memory_space<vmem_shared>>)
      tpu.yield
    }) : () -> ()
    %mul3A_92 = arith.constant 640 : i32
    %mul3A_93 = arith.muli %arg1, %mul3A_92 : i32
    %add3A_94 = arith.constant 352 : i32
    %add3A_95 = arith.addi %mul3A_93, %add3A_94 : i32
    "tpu.region"() ({
      %run_scoped3A = tpu.sem_alloc : memref<!tpu.dma_semaphore, #tpu.memory_space<semaphore_mem>>
      %dma_start3A = arith.constant 0 : i32
      %dma_start3A_491 = tpu.memref_slice %arg14[%add3A_95, %dma_start3A] : memref<10240x128xf32, #tpu.memory_space<vmem_shared>> -> memref<16x128xf32, #tpu.memory_space<vmem_shared>>
      %dma_start3A_492 = arith.constant 0 : i32
      %dma_start3A_493 = tpu.memref_slice %arg14[%add3A_95, %dma_start3A_492] : memref<10240x128xf32, #tpu.memory_space<vmem_shared>> -> memref<16x128xf32, #tpu.memory_space<vmem_shared>>
      tpu.enqueue_dma source(%arg13 : memref<16x128xf32, #tpu.memory_space<vmem>>) target(%dma_start3A_493 : memref<16x128xf32, #tpu.memory_space<vmem_shared>>) target_semaphore(%run_scoped3A : memref<!tpu.dma_semaphore, #tpu.memory_space<semaphore_mem>>)
      %dma_wait3A = arith.constant 0 : i32
      %dma_wait3A_494 = tpu.memref_slice %arg14[%add3A_95, %dma_wait3A] : memref<10240x128xf32, #tpu.memory_space<vmem_shared>> -> memref<16x128xf32, #tpu.memory_space<vmem_shared>>
      %dma_wait3A_495 = arith.constant 0 : i32
      %dma_wait3A_496 = tpu.memref_slice %arg14[%add3A_95, %dma_wait3A_495] : memref<10240x128xf32, #tpu.memory_space<vmem_shared>> -> memref<16x128xf32, #tpu.memory_space<vmem_shared>>
      tpu.wait_dma2 semaphore(%run_scoped3A : memref<!tpu.dma_semaphore, #tpu.memory_space<semaphore_mem>>) src(%arg13 : memref<16x128xf32, #tpu.memory_space<vmem>>) dst(%dma_wait3A_496 : memref<16x128xf32, #tpu.memory_space<vmem_shared>>)
      tpu.yield
    }) : () -> ()
    %mul3A_96 = arith.constant 640 : i32
    %mul3A_97 = arith.muli %arg1, %mul3A_96 : i32
    %add3A_98 = arith.constant 368 : i32
    %add3A_99 = arith.addi %mul3A_97, %add3A_98 : i32
    "tpu.region"() ({
      %run_scoped3A = tpu.sem_alloc : memref<!tpu.dma_semaphore, #tpu.memory_space<semaphore_mem>>
      %dma_start3A = arith.constant 0 : i32
      %dma_start3A_491 = tpu.memref_slice %arg14[%add3A_99, %dma_start3A] : memref<10240x128xf32, #tpu.memory_space<vmem_shared>> -> memref<16x128xf32, #tpu.memory_space<vmem_shared>>
      %dma_start3A_492 = arith.constant 0 : i32
      %dma_start3A_493 = tpu.memref_slice %arg14[%add3A_99, %dma_start3A_492] : memref<10240x128xf32, #tpu.memory_space<vmem_shared>> -> memref<16x128xf32, #tpu.memory_space<vmem_shared>>
      tpu.enqueue_dma source(%arg13 : memref<16x128xf32, #tpu.memory_space<vmem>>) target(%dma_start3A_493 : memref<16x128xf32, #tpu.memory_space<vmem_shared>>) target_semaphore(%run_scoped3A : memref<!tpu.dma_semaphore, #tpu.memory_space<semaphore_mem>>)
      %dma_wait3A = arith.constant 0 : i32
      %dma_wait3A_494 = tpu.memref_slice %arg14[%add3A_99, %dma_wait3A] : memref<10240x128xf32, #tpu.memory_space<vmem_shared>> -> memref<16x128xf32, #tpu.memory_space<vmem_shared>>
      %dma_wait3A_495 = arith.constant 0 : i32
      %dma_wait3A_496 = tpu.memref_slice %arg14[%add3A_99, %dma_wait3A_495] : memref<10240x128xf32, #tpu.memory_space<vmem_shared>> -> memref<16x128xf32, #tpu.memory_space<vmem_shared>>
      tpu.wait_dma2 semaphore(%run_scoped3A : memref<!tpu.dma_semaphore, #tpu.memory_space<semaphore_mem>>) src(%arg13 : memref<16x128xf32, #tpu.memory_space<vmem>>) dst(%dma_wait3A_496 : memref<16x128xf32, #tpu.memory_space<vmem_shared>>)
      tpu.yield
    }) : () -> ()
    %mul3A_100 = arith.constant 640 : i32
    %mul3A_101 = arith.muli %arg1, %mul3A_100 : i32
    %add3A_102 = arith.constant 384 : i32
    %add3A_103 = arith.addi %mul3A_101, %add3A_102 : i32
    "tpu.region"() ({
      %run_scoped3A = tpu.sem_alloc : memref<!tpu.dma_semaphore, #tpu.memory_space<semaphore_mem>>
      %dma_start3A = arith.constant 0 : i32
      %dma_start3A_491 = tpu.memref_slice %arg14[%add3A_103, %dma_start3A] : memref<10240x128xf32, #tpu.memory_space<vmem_shared>> -> memref<16x128xf32, #tpu.memory_space<vmem_shared>>
      %dma_start3A_492 = arith.constant 0 : i32
      %dma_start3A_493 = tpu.memref_slice %arg14[%add3A_103, %dma_start3A_492] : memref<10240x128xf32, #tpu.memory_space<vmem_shared>> -> memref<16x128xf32, #tpu.memory_space<vmem_shared>>
      tpu.enqueue_dma source(%arg13 : memref<16x128xf32, #tpu.memory_space<vmem>>) target(%dma_start3A_493 : memref<16x128xf32, #tpu.memory_space<vmem_shared>>) target_semaphore(%run_scoped3A : memref<!tpu.dma_semaphore, #tpu.memory_space<semaphore_mem>>)
      %dma_wait3A = arith.constant 0 : i32
      %dma_wait3A_494 = tpu.memref_slice %arg14[%add3A_103, %dma_wait3A] : memref<10240x128xf32, #tpu.memory_space<vmem_shared>> -> memref<16x128xf32, #tpu.memory_space<vmem_shared>>
      %dma_wait3A_495 = arith.constant 0 : i32
      %dma_wait3A_496 = tpu.memref_slice %arg14[%add3A_103, %dma_wait3A_495] : memref<10240x128xf32, #tpu.memory_space<vmem_shared>> -> memref<16x128xf32, #tpu.memory_space<vmem_shared>>
      tpu.wait_dma2 semaphore(%run_scoped3A : memref<!tpu.dma_semaphore, #tpu.memory_space<semaphore_mem>>) src(%arg13 : memref<16x128xf32, #tpu.memory_space<vmem>>) dst(%dma_wait3A_496 : memref<16x128xf32, #tpu.memory_space<vmem_shared>>)
      tpu.yield
    }) : () -> ()
    %mul3A_104 = arith.constant 640 : i32
    %mul3A_105 = arith.muli %arg1, %mul3A_104 : i32
    %add3A_106 = arith.constant 400 : i32
    %add3A_107 = arith.addi %mul3A_105, %add3A_106 : i32
    "tpu.region"() ({
      %run_scoped3A = tpu.sem_alloc : memref<!tpu.dma_semaphore, #tpu.memory_space<semaphore_mem>>
      %dma_start3A = arith.constant 0 : i32
      %dma_start3A_491 = tpu.memref_slice %arg14[%add3A_107, %dma_start3A] : memref<10240x128xf32, #tpu.memory_space<vmem_shared>> -> memref<16x128xf32, #tpu.memory_space<vmem_shared>>
      %dma_start3A_492 = arith.constant 0 : i32
      %dma_start3A_493 = tpu.memref_slice %arg14[%add3A_107, %dma_start3A_492] : memref<10240x128xf32, #tpu.memory_space<vmem_shared>> -> memref<16x128xf32, #tpu.memory_space<vmem_shared>>
      tpu.enqueue_dma source(%arg13 : memref<16x128xf32, #tpu.memory_space<vmem>>) target(%dma_start3A_493 : memref<16x128xf32, #tpu.memory_space<vmem_shared>>) target_semaphore(%run_scoped3A : memref<!tpu.dma_semaphore, #tpu.memory_space<semaphore_mem>>)
      %dma_wait3A = arith.constant 0 : i32
      %dma_wait3A_494 = tpu.memref_slice %arg14[%add3A_107, %dma_wait3A] : memref<10240x128xf32, #tpu.memory_space<vmem_shared>> -> memref<16x128xf32, #tpu.memory_space<vmem_shared>>
      %dma_wait3A_495 = arith.constant 0 : i32
      %dma_wait3A_496 = tpu.memref_slice %arg14[%add3A_107, %dma_wait3A_495] : memref<10240x128xf32, #tpu.memory_space<vmem_shared>> -> memref<16x128xf32, #tpu.memory_space<vmem_shared>>
      tpu.wait_dma2 semaphore(%run_scoped3A : memref<!tpu.dma_semaphore, #tpu.memory_space<semaphore_mem>>) src(%arg13 : memref<16x128xf32, #tpu.memory_space<vmem>>) dst(%dma_wait3A_496 : memref<16x128xf32, #tpu.memory_space<vmem_shared>>)
      tpu.yield
    }) : () -> ()
    %mul3A_108 = arith.constant 640 : i32
    %mul3A_109 = arith.muli %arg1, %mul3A_108 : i32
    %add3A_110 = arith.constant 416 : i32
    %add3A_111 = arith.addi %mul3A_109, %add3A_110 : i32
    "tpu.region"() ({
      %run_scoped3A = tpu.sem_alloc : memref<!tpu.dma_semaphore, #tpu.memory_space<semaphore_mem>>
      %dma_start3A = arith.constant 0 : i32
      %dma_start3A_491 = tpu.memref_slice %arg14[%add3A_111, %dma_start3A] : memref<10240x128xf32, #tpu.memory_space<vmem_shared>> -> memref<16x128xf32, #tpu.memory_space<vmem_shared>>
      %dma_start3A_492 = arith.constant 0 : i32
      %dma_start3A_493 = tpu.memref_slice %arg14[%add3A_111, %dma_start3A_492] : memref<10240x128xf32, #tpu.memory_space<vmem_shared>> -> memref<16x128xf32, #tpu.memory_space<vmem_shared>>
      tpu.enqueue_dma source(%arg13 : memref<16x128xf32, #tpu.memory_space<vmem>>) target(%dma_start3A_493 : memref<16x128xf32, #tpu.memory_space<vmem_shared>>) target_semaphore(%run_scoped3A : memref<!tpu.dma_semaphore, #tpu.memory_space<semaphore_mem>>)
      %dma_wait3A = arith.constant 0 : i32
      %dma_wait3A_494 = tpu.memref_slice %arg14[%add3A_111, %dma_wait3A] : memref<10240x128xf32, #tpu.memory_space<vmem_shared>> -> memref<16x128xf32, #tpu.memory_space<vmem_shared>>
      %dma_wait3A_495 = arith.constant 0 : i32
      %dma_wait3A_496 = tpu.memref_slice %arg14[%add3A_111, %dma_wait3A_495] : memref<10240x128xf32, #tpu.memory_space<vmem_shared>> -> memref<16x128xf32, #tpu.memory_space<vmem_shared>>
      tpu.wait_dma2 semaphore(%run_scoped3A : memref<!tpu.dma_semaphore, #tpu.memory_space<semaphore_mem>>) src(%arg13 : memref<16x128xf32, #tpu.memory_space<vmem>>) dst(%dma_wait3A_496 : memref<16x128xf32, #tpu.memory_space<vmem_shared>>)
      tpu.yield
    }) : () -> ()
    %mul3A_112 = arith.constant 640 : i32
    %mul3A_113 = arith.muli %arg1, %mul3A_112 : i32
    %add3A_114 = arith.constant 432 : i32
    %add3A_115 = arith.addi %mul3A_113, %add3A_114 : i32
    "tpu.region"() ({
      %run_scoped3A = tpu.sem_alloc : memref<!tpu.dma_semaphore, #tpu.memory_space<semaphore_mem>>
      %dma_start3A = arith.constant 0 : i32
      %dma_start3A_491 = tpu.memref_slice %arg14[%add3A_115, %dma_start3A] : memref<10240x128xf32, #tpu.memory_space<vmem_shared>> -> memref<16x128xf32, #tpu.memory_space<vmem_shared>>
      %dma_start3A_492 = arith.constant 0 : i32
      %dma_start3A_493 = tpu.memref_slice %arg14[%add3A_115, %dma_start3A_492] : memref<10240x128xf32, #tpu.memory_space<vmem_shared>> -> memref<16x128xf32, #tpu.memory_space<vmem_shared>>
      tpu.enqueue_dma source(%arg13 : memref<16x128xf32, #tpu.memory_space<vmem>>) target(%dma_start3A_493 : memref<16x128xf32, #tpu.memory_space<vmem_shared>>) target_semaphore(%run_scoped3A : memref<!tpu.dma_semaphore, #tpu.memory_space<semaphore_mem>>)
      %dma_wait3A = arith.constant 0 : i32
      %dma_wait3A_494 = tpu.memref_slice %arg14[%add3A_115, %dma_wait3A] : memref<10240x128xf32, #tpu.memory_space<vmem_shared>> -> memref<16x128xf32, #tpu.memory_space<vmem_shared>>
      %dma_wait3A_495 = arith.constant 0 : i32
      %dma_wait3A_496 = tpu.memref_slice %arg14[%add3A_115, %dma_wait3A_495] : memref<10240x128xf32, #tpu.memory_space<vmem_shared>> -> memref<16x128xf32, #tpu.memory_space<vmem_shared>>
      tpu.wait_dma2 semaphore(%run_scoped3A : memref<!tpu.dma_semaphore, #tpu.memory_space<semaphore_mem>>) src(%arg13 : memref<16x128xf32, #tpu.memory_space<vmem>>) dst(%dma_wait3A_496 : memref<16x128xf32, #tpu.memory_space<vmem_shared>>)
      tpu.yield
    }) : () -> ()
    %mul3A_116 = arith.constant 640 : i32
    %mul3A_117 = arith.muli %arg1, %mul3A_116 : i32
    %add3A_118 = arith.constant 448 : i32
    %add3A_119 = arith.addi %mul3A_117, %add3A_118 : i32
    "tpu.region"() ({
      %run_scoped3A = tpu.sem_alloc : memref<!tpu.dma_semaphore, #tpu.memory_space<semaphore_mem>>
      %dma_start3A = arith.constant 0 : i32
      %dma_start3A_491 = tpu.memref_slice %arg14[%add3A_119, %dma_start3A] : memref<10240x128xf32, #tpu.memory_space<vmem_shared>> -> memref<16x128xf32, #tpu.memory_space<vmem_shared>>
      %dma_start3A_492 = arith.constant 0 : i32
      %dma_start3A_493 = tpu.memref_slice %arg14[%add3A_119, %dma_start3A_492] : memref<10240x128xf32, #tpu.memory_space<vmem_shared>> -> memref<16x128xf32, #tpu.memory_space<vmem_shared>>
      tpu.enqueue_dma source(%arg13 : memref<16x128xf32, #tpu.memory_space<vmem>>) target(%dma_start3A_493 : memref<16x128xf32, #tpu.memory_space<vmem_shared>>) target_semaphore(%run_scoped3A : memref<!tpu.dma_semaphore, #tpu.memory_space<semaphore_mem>>)
      %dma_wait3A = arith.constant 0 : i32
      %dma_wait3A_494 = tpu.memref_slice %arg14[%add3A_119, %dma_wait3A] : memref<10240x128xf32, #tpu.memory_space<vmem_shared>> -> memref<16x128xf32, #tpu.memory_space<vmem_shared>>
      %dma_wait3A_495 = arith.constant 0 : i32
      %dma_wait3A_496 = tpu.memref_slice %arg14[%add3A_119, %dma_wait3A_495] : memref<10240x128xf32, #tpu.memory_space<vmem_shared>> -> memref<16x128xf32, #tpu.memory_space<vmem_shared>>
      tpu.wait_dma2 semaphore(%run_scoped3A : memref<!tpu.dma_semaphore, #tpu.memory_space<semaphore_mem>>) src(%arg13 : memref<16x128xf32, #tpu.memory_space<vmem>>) dst(%dma_wait3A_496 : memref<16x128xf32, #tpu.memory_space<vmem_shared>>)
      tpu.yield
    }) : () -> ()
    %mul3A_120 = arith.constant 640 : i32
    %mul3A_121 = arith.muli %arg1, %mul3A_120 : i32
    %add3A_122 = arith.constant 464 : i32
    %add3A_123 = arith.addi %mul3A_121, %add3A_122 : i32
    "tpu.region"() ({
      %run_scoped3A = tpu.sem_alloc : memref<!tpu.dma_semaphore, #tpu.memory_space<semaphore_mem>>
      %dma_start3A = arith.constant 0 : i32
      %dma_start3A_491 = tpu.memref_slice %arg14[%add3A_123, %dma_start3A] : memref<10240x128xf32, #tpu.memory_space<vmem_shared>> -> memref<16x128xf32, #tpu.memory_space<vmem_shared>>
      %dma_start3A_492 = arith.constant 0 : i32
      %dma_start3A_493 = tpu.memref_slice %arg14[%add3A_123, %dma_start3A_492] : memref<10240x128xf32, #tpu.memory_space<vmem_shared>> -> memref<16x128xf32, #tpu.memory_space<vmem_shared>>
      tpu.enqueue_dma source(%arg13 : memref<16x128xf32, #tpu.memory_space<vmem>>) target(%dma_start3A_493 : memref<16x128xf32, #tpu.memory_space<vmem_shared>>) target_semaphore(%run_scoped3A : memref<!tpu.dma_semaphore, #tpu.memory_space<semaphore_mem>>)
      %dma_wait3A = arith.constant 0 : i32
      %dma_wait3A_494 = tpu.memref_slice %arg14[%add3A_123, %dma_wait3A] : memref<10240x128xf32, #tpu.memory_space<vmem_shared>> -> memref<16x128xf32, #tpu.memory_space<vmem_shared>>
      %dma_wait3A_495 = arith.constant 0 : i32
      %dma_wait3A_496 = tpu.memref_slice %arg14[%add3A_123, %dma_wait3A_495] : memref<10240x128xf32, #tpu.memory_space<vmem_shared>> -> memref<16x128xf32, #tpu.memory_space<vmem_shared>>
      tpu.wait_dma2 semaphore(%run_scoped3A : memref<!tpu.dma_semaphore, #tpu.memory_space<semaphore_mem>>) src(%arg13 : memref<16x128xf32, #tpu.memory_space<vmem>>) dst(%dma_wait3A_496 : memref<16x128xf32, #tpu.memory_space<vmem_shared>>)
      tpu.yield
    }) : () -> ()
    %mul3A_124 = arith.constant 640 : i32
    %mul3A_125 = arith.muli %arg1, %mul3A_124 : i32
    %add3A_126 = arith.constant 480 : i32
    %add3A_127 = arith.addi %mul3A_125, %add3A_126 : i32
    "tpu.region"() ({
      %run_scoped3A = tpu.sem_alloc : memref<!tpu.dma_semaphore, #tpu.memory_space<semaphore_mem>>
      %dma_start3A = arith.constant 0 : i32
      %dma_start3A_491 = tpu.memref_slice %arg14[%add3A_127, %dma_start3A] : memref<10240x128xf32, #tpu.memory_space<vmem_shared>> -> memref<16x128xf32, #tpu.memory_space<vmem_shared>>
      %dma_start3A_492 = arith.constant 0 : i32
      %dma_start3A_493 = tpu.memref_slice %arg14[%add3A_127, %dma_start3A_492] : memref<10240x128xf32, #tpu.memory_space<vmem_shared>> -> memref<16x128xf32, #tpu.memory_space<vmem_shared>>
      tpu.enqueue_dma source(%arg13 : memref<16x128xf32, #tpu.memory_space<vmem>>) target(%dma_start3A_493 : memref<16x128xf32, #tpu.memory_space<vmem_shared>>) target_semaphore(%run_scoped3A : memref<!tpu.dma_semaphore, #tpu.memory_space<semaphore_mem>>)
      %dma_wait3A = arith.constant 0 : i32
      %dma_wait3A_494 = tpu.memref_slice %arg14[%add3A_127, %dma_wait3A] : memref<10240x128xf32, #tpu.memory_space<vmem_shared>> -> memref<16x128xf32, #tpu.memory_space<vmem_shared>>
      %dma_wait3A_495 = arith.constant 0 : i32
      %dma_wait3A_496 = tpu.memref_slice %arg14[%add3A_127, %dma_wait3A_495] : memref<10240x128xf32, #tpu.memory_space<vmem_shared>> -> memref<16x128xf32, #tpu.memory_space<vmem_shared>>
      tpu.wait_dma2 semaphore(%run_scoped3A : memref<!tpu.dma_semaphore, #tpu.memory_space<semaphore_mem>>) src(%arg13 : memref<16x128xf32, #tpu.memory_space<vmem>>) dst(%dma_wait3A_496 : memref<16x128xf32, #tpu.memory_space<vmem_shared>>)
      tpu.yield
    }) : () -> ()
    %mul3A_128 = arith.constant 640 : i32
    %mul3A_129 = arith.muli %arg1, %mul3A_128 : i32
    %add3A_130 = arith.constant 496 : i32
    %add3A_131 = arith.addi %mul3A_129, %add3A_130 : i32
    "tpu.region"() ({
      %run_scoped3A = tpu.sem_alloc : memref<!tpu.dma_semaphore, #tpu.memory_space<semaphore_mem>>
      %dma_start3A = arith.constant 0 : i32
      %dma_start3A_491 = tpu.memref_slice %arg14[%add3A_131, %dma_start3A] : memref<10240x128xf32, #tpu.memory_space<vmem_shared>> -> memref<16x128xf32, #tpu.memory_space<vmem_shared>>
      %dma_start3A_492 = arith.constant 0 : i32
      %dma_start3A_493 = tpu.memref_slice %arg14[%add3A_131, %dma_start3A_492] : memref<10240x128xf32, #tpu.memory_space<vmem_shared>> -> memref<16x128xf32, #tpu.memory_space<vmem_shared>>
      tpu.enqueue_dma source(%arg13 : memref<16x128xf32, #tpu.memory_space<vmem>>) target(%dma_start3A_493 : memref<16x128xf32, #tpu.memory_space<vmem_shared>>) target_semaphore(%run_scoped3A : memref<!tpu.dma_semaphore, #tpu.memory_space<semaphore_mem>>)
      %dma_wait3A = arith.constant 0 : i32
      %dma_wait3A_494 = tpu.memref_slice %arg14[%add3A_131, %dma_wait3A] : memref<10240x128xf32, #tpu.memory_space<vmem_shared>> -> memref<16x128xf32, #tpu.memory_space<vmem_shared>>
      %dma_wait3A_495 = arith.constant 0 : i32
      %dma_wait3A_496 = tpu.memref_slice %arg14[%add3A_131, %dma_wait3A_495] : memref<10240x128xf32, #tpu.memory_space<vmem_shared>> -> memref<16x128xf32, #tpu.memory_space<vmem_shared>>
      tpu.wait_dma2 semaphore(%run_scoped3A : memref<!tpu.dma_semaphore, #tpu.memory_space<semaphore_mem>>) src(%arg13 : memref<16x128xf32, #tpu.memory_space<vmem>>) dst(%dma_wait3A_496 : memref<16x128xf32, #tpu.memory_space<vmem_shared>>)
      tpu.yield
    }) : () -> ()
    %mul3A_132 = arith.constant 640 : i32
    %mul3A_133 = arith.muli %arg1, %mul3A_132 : i32
    %add3A_134 = arith.constant 512 : i32
    %add3A_135 = arith.addi %mul3A_133, %add3A_134 : i32
    "tpu.region"() ({
      %run_scoped3A = tpu.sem_alloc : memref<!tpu.dma_semaphore, #tpu.memory_space<semaphore_mem>>
      %dma_start3A = arith.constant 0 : i32
      %dma_start3A_491 = tpu.memref_slice %arg14[%add3A_135, %dma_start3A] : memref<10240x128xf32, #tpu.memory_space<vmem_shared>> -> memref<16x128xf32, #tpu.memory_space<vmem_shared>>
      %dma_start3A_492 = arith.constant 0 : i32
      %dma_start3A_493 = tpu.memref_slice %arg14[%add3A_135, %dma_start3A_492] : memref<10240x128xf32, #tpu.memory_space<vmem_shared>> -> memref<16x128xf32, #tpu.memory_space<vmem_shared>>
      tpu.enqueue_dma source(%arg13 : memref<16x128xf32, #tpu.memory_space<vmem>>) target(%dma_start3A_493 : memref<16x128xf32, #tpu.memory_space<vmem_shared>>) target_semaphore(%run_scoped3A : memref<!tpu.dma_semaphore, #tpu.memory_space<semaphore_mem>>)
      %dma_wait3A = arith.constant 0 : i32
      %dma_wait3A_494 = tpu.memref_slice %arg14[%add3A_135, %dma_wait3A] : memref<10240x128xf32, #tpu.memory_space<vmem_shared>> -> memref<16x128xf32, #tpu.memory_space<vmem_shared>>
      %dma_wait3A_495 = arith.constant 0 : i32
      %dma_wait3A_496 = tpu.memref_slice %arg14[%add3A_135, %dma_wait3A_495] : memref<10240x128xf32, #tpu.memory_space<vmem_shared>> -> memref<16x128xf32, #tpu.memory_space<vmem_shared>>
      tpu.wait_dma2 semaphore(%run_scoped3A : memref<!tpu.dma_semaphore, #tpu.memory_space<semaphore_mem>>) src(%arg13 : memref<16x128xf32, #tpu.memory_space<vmem>>) dst(%dma_wait3A_496 : memref<16x128xf32, #tpu.memory_space<vmem_shared>>)
      tpu.yield
    }) : () -> ()
    %mul3A_136 = arith.constant 640 : i32
    %mul3A_137 = arith.muli %arg1, %mul3A_136 : i32
    %add3A_138 = arith.constant 528 : i32
    %add3A_139 = arith.addi %mul3A_137, %add3A_138 : i32
    "tpu.region"() ({
      %run_scoped3A = tpu.sem_alloc : memref<!tpu.dma_semaphore, #tpu.memory_space<semaphore_mem>>
      %dma_start3A = arith.constant 0 : i32
      %dma_start3A_491 = tpu.memref_slice %arg14[%add3A_139, %dma_start3A] : memref<10240x128xf32, #tpu.memory_space<vmem_shared>> -> memref<16x128xf32, #tpu.memory_space<vmem_shared>>
      %dma_start3A_492 = arith.constant 0 : i32
      %dma_start3A_493 = tpu.memref_slice %arg14[%add3A_139, %dma_start3A_492] : memref<10240x128xf32, #tpu.memory_space<vmem_shared>> -> memref<16x128xf32, #tpu.memory_space<vmem_shared>>
      tpu.enqueue_dma source(%arg13 : memref<16x128xf32, #tpu.memory_space<vmem>>) target(%dma_start3A_493 : memref<16x128xf32, #tpu.memory_space<vmem_shared>>) target_semaphore(%run_scoped3A : memref<!tpu.dma_semaphore, #tpu.memory_space<semaphore_mem>>)
      %dma_wait3A = arith.constant 0 : i32
      %dma_wait3A_494 = tpu.memref_slice %arg14[%add3A_139, %dma_wait3A] : memref<10240x128xf32, #tpu.memory_space<vmem_shared>> -> memref<16x128xf32, #tpu.memory_space<vmem_shared>>
      %dma_wait3A_495 = arith.constant 0 : i32
      %dma_wait3A_496 = tpu.memref_slice %arg14[%add3A_139, %dma_wait3A_495] : memref<10240x128xf32, #tpu.memory_space<vmem_shared>> -> memref<16x128xf32, #tpu.memory_space<vmem_shared>>
      tpu.wait_dma2 semaphore(%run_scoped3A : memref<!tpu.dma_semaphore, #tpu.memory_space<semaphore_mem>>) src(%arg13 : memref<16x128xf32, #tpu.memory_space<vmem>>) dst(%dma_wait3A_496 : memref<16x128xf32, #tpu.memory_space<vmem_shared>>)
      tpu.yield
    }) : () -> ()
    %mul3A_140 = arith.constant 640 : i32
    %mul3A_141 = arith.muli %arg1, %mul3A_140 : i32
    %add3A_142 = arith.constant 544 : i32
    %add3A_143 = arith.addi %mul3A_141, %add3A_142 : i32
    "tpu.region"() ({
      %run_scoped3A = tpu.sem_alloc : memref<!tpu.dma_semaphore, #tpu.memory_space<semaphore_mem>>
      %dma_start3A = arith.constant 0 : i32
      %dma_start3A_491 = tpu.memref_slice %arg14[%add3A_143, %dma_start3A] : memref<10240x128xf32, #tpu.memory_space<vmem_shared>> -> memref<16x128xf32, #tpu.memory_space<vmem_shared>>
      %dma_start3A_492 = arith.constant 0 : i32
      %dma_start3A_493 = tpu.memref_slice %arg14[%add3A_143, %dma_start3A_492] : memref<10240x128xf32, #tpu.memory_space<vmem_shared>> -> memref<16x128xf32, #tpu.memory_space<vmem_shared>>
      tpu.enqueue_dma source(%arg13 : memref<16x128xf32, #tpu.memory_space<vmem>>) target(%dma_start3A_493 : memref<16x128xf32, #tpu.memory_space<vmem_shared>>) target_semaphore(%run_scoped3A : memref<!tpu.dma_semaphore, #tpu.memory_space<semaphore_mem>>)
      %dma_wait3A = arith.constant 0 : i32
      %dma_wait3A_494 = tpu.memref_slice %arg14[%add3A_143, %dma_wait3A] : memref<10240x128xf32, #tpu.memory_space<vmem_shared>> -> memref<16x128xf32, #tpu.memory_space<vmem_shared>>
      %dma_wait3A_495 = arith.constant 0 : i32
      %dma_wait3A_496 = tpu.memref_slice %arg14[%add3A_143, %dma_wait3A_495] : memref<10240x128xf32, #tpu.memory_space<vmem_shared>> -> memref<16x128xf32, #tpu.memory_space<vmem_shared>>
      tpu.wait_dma2 semaphore(%run_scoped3A : memref<!tpu.dma_semaphore, #tpu.memory_space<semaphore_mem>>) src(%arg13 : memref<16x128xf32, #tpu.memory_space<vmem>>) dst(%dma_wait3A_496 : memref<16x128xf32, #tpu.memory_space<vmem_shared>>)
      tpu.yield
    }) : () -> ()
    %mul3A_144 = arith.constant 640 : i32
    %mul3A_145 = arith.muli %arg1, %mul3A_144 : i32
    %add3A_146 = arith.constant 560 : i32
    %add3A_147 = arith.addi %mul3A_145, %add3A_146 : i32
    "tpu.region"() ({
      %run_scoped3A = tpu.sem_alloc : memref<!tpu.dma_semaphore, #tpu.memory_space<semaphore_mem>>
      %dma_start3A = arith.constant 0 : i32
      %dma_start3A_491 = tpu.memref_slice %arg14[%add3A_147, %dma_start3A] : memref<10240x128xf32, #tpu.memory_space<vmem_shared>> -> memref<16x128xf32, #tpu.memory_space<vmem_shared>>
      %dma_start3A_492 = arith.constant 0 : i32
      %dma_start3A_493 = tpu.memref_slice %arg14[%add3A_147, %dma_start3A_492] : memref<10240x128xf32, #tpu.memory_space<vmem_shared>> -> memref<16x128xf32, #tpu.memory_space<vmem_shared>>
      tpu.enqueue_dma source(%arg13 : memref<16x128xf32, #tpu.memory_space<vmem>>) target(%dma_start3A_493 : memref<16x128xf32, #tpu.memory_space<vmem_shared>>) target_semaphore(%run_scoped3A : memref<!tpu.dma_semaphore, #tpu.memory_space<semaphore_mem>>)
      %dma_wait3A = arith.constant 0 : i32
      %dma_wait3A_494 = tpu.memref_slice %arg14[%add3A_147, %dma_wait3A] : memref<10240x128xf32, #tpu.memory_space<vmem_shared>> -> memref<16x128xf32, #tpu.memory_space<vmem_shared>>
      %dma_wait3A_495 = arith.constant 0 : i32
      %dma_wait3A_496 = tpu.memref_slice %arg14[%add3A_147, %dma_wait3A_495] : memref<10240x128xf32, #tpu.memory_space<vmem_shared>> -> memref<16x128xf32, #tpu.memory_space<vmem_shared>>
      tpu.wait_dma2 semaphore(%run_scoped3A : memref<!tpu.dma_semaphore, #tpu.memory_space<semaphore_mem>>) src(%arg13 : memref<16x128xf32, #tpu.memory_space<vmem>>) dst(%dma_wait3A_496 : memref<16x128xf32, #tpu.memory_space<vmem_shared>>)
      tpu.yield
    }) : () -> ()
    %mul3A_148 = arith.constant 640 : i32
    %mul3A_149 = arith.muli %arg1, %mul3A_148 : i32
    %add3A_150 = arith.constant 576 : i32
    %add3A_151 = arith.addi %mul3A_149, %add3A_150 : i32
    "tpu.region"() ({
      %run_scoped3A = tpu.sem_alloc : memref<!tpu.dma_semaphore, #tpu.memory_space<semaphore_mem>>
      %dma_start3A = arith.constant 0 : i32
      %dma_start3A_491 = tpu.memref_slice %arg14[%add3A_151, %dma_start3A] : memref<10240x128xf32, #tpu.memory_space<vmem_shared>> -> memref<16x128xf32, #tpu.memory_space<vmem_shared>>
      %dma_start3A_492 = arith.constant 0 : i32
      %dma_start3A_493 = tpu.memref_slice %arg14[%add3A_151, %dma_start3A_492] : memref<10240x128xf32, #tpu.memory_space<vmem_shared>> -> memref<16x128xf32, #tpu.memory_space<vmem_shared>>
      tpu.enqueue_dma source(%arg13 : memref<16x128xf32, #tpu.memory_space<vmem>>) target(%dma_start3A_493 : memref<16x128xf32, #tpu.memory_space<vmem_shared>>) target_semaphore(%run_scoped3A : memref<!tpu.dma_semaphore, #tpu.memory_space<semaphore_mem>>)
      %dma_wait3A = arith.constant 0 : i32
      %dma_wait3A_494 = tpu.memref_slice %arg14[%add3A_151, %dma_wait3A] : memref<10240x128xf32, #tpu.memory_space<vmem_shared>> -> memref<16x128xf32, #tpu.memory_space<vmem_shared>>
      %dma_wait3A_495 = arith.constant 0 : i32
      %dma_wait3A_496 = tpu.memref_slice %arg14[%add3A_151, %dma_wait3A_495] : memref<10240x128xf32, #tpu.memory_space<vmem_shared>> -> memref<16x128xf32, #tpu.memory_space<vmem_shared>>
      tpu.wait_dma2 semaphore(%run_scoped3A : memref<!tpu.dma_semaphore, #tpu.memory_space<semaphore_mem>>) src(%arg13 : memref<16x128xf32, #tpu.memory_space<vmem>>) dst(%dma_wait3A_496 : memref<16x128xf32, #tpu.memory_space<vmem_shared>>)
      tpu.yield
    }) : () -> ()
    %mul3A_152 = arith.constant 640 : i32
    %mul3A_153 = arith.muli %arg1, %mul3A_152 : i32
    %add3A_154 = arith.constant 592 : i32
    %add3A_155 = arith.addi %mul3A_153, %add3A_154 : i32
    "tpu.region"() ({
      %run_scoped3A = tpu.sem_alloc : memref<!tpu.dma_semaphore, #tpu.memory_space<semaphore_mem>>
      %dma_start3A = arith.constant 0 : i32
      %dma_start3A_491 = tpu.memref_slice %arg14[%add3A_155, %dma_start3A] : memref<10240x128xf32, #tpu.memory_space<vmem_shared>> -> memref<16x128xf32, #tpu.memory_space<vmem_shared>>
      %dma_start3A_492 = arith.constant 0 : i32
      %dma_start3A_493 = tpu.memref_slice %arg14[%add3A_155, %dma_start3A_492] : memref<10240x128xf32, #tpu.memory_space<vmem_shared>> -> memref<16x128xf32, #tpu.memory_space<vmem_shared>>
      tpu.enqueue_dma source(%arg13 : memref<16x128xf32, #tpu.memory_space<vmem>>) target(%dma_start3A_493 : memref<16x128xf32, #tpu.memory_space<vmem_shared>>) target_semaphore(%run_scoped3A : memref<!tpu.dma_semaphore, #tpu.memory_space<semaphore_mem>>)
      %dma_wait3A = arith.constant 0 : i32
      %dma_wait3A_494 = tpu.memref_slice %arg14[%add3A_155, %dma_wait3A] : memref<10240x128xf32, #tpu.memory_space<vmem_shared>> -> memref<16x128xf32, #tpu.memory_space<vmem_shared>>
      %dma_wait3A_495 = arith.constant 0 : i32
      %dma_wait3A_496 = tpu.memref_slice %arg14[%add3A_155, %dma_wait3A_495] : memref<10240x128xf32, #tpu.memory_space<vmem_shared>> -> memref<16x128xf32, #tpu.memory_space<vmem_shared>>
      tpu.wait_dma2 semaphore(%run_scoped3A : memref<!tpu.dma_semaphore, #tpu.memory_space<semaphore_mem>>) src(%arg13 : memref<16x128xf32, #tpu.memory_space<vmem>>) dst(%dma_wait3A_496 : memref<16x128xf32, #tpu.memory_space<vmem_shared>>)
      tpu.yield
    }) : () -> ()
    %mul3A_156 = arith.constant 640 : i32
    %mul3A_157 = arith.muli %arg1, %mul3A_156 : i32
    %add3A_158 = arith.constant 608 : i32
    %add3A_159 = arith.addi %mul3A_157, %add3A_158 : i32
    "tpu.region"() ({
      %run_scoped3A = tpu.sem_alloc : memref<!tpu.dma_semaphore, #tpu.memory_space<semaphore_mem>>
      %dma_start3A = arith.constant 0 : i32
      %dma_start3A_491 = tpu.memref_slice %arg14[%add3A_159, %dma_start3A] : memref<10240x128xf32, #tpu.memory_space<vmem_shared>> -> memref<16x128xf32, #tpu.memory_space<vmem_shared>>
      %dma_start3A_492 = arith.constant 0 : i32
      %dma_start3A_493 = tpu.memref_slice %arg14[%add3A_159, %dma_start3A_492] : memref<10240x128xf32, #tpu.memory_space<vmem_shared>> -> memref<16x128xf32, #tpu.memory_space<vmem_shared>>
      tpu.enqueue_dma source(%arg13 : memref<16x128xf32, #tpu.memory_space<vmem>>) target(%dma_start3A_493 : memref<16x128xf32, #tpu.memory_space<vmem_shared>>) target_semaphore(%run_scoped3A : memref<!tpu.dma_semaphore, #tpu.memory_space<semaphore_mem>>)
      %dma_wait3A = arith.constant 0 : i32
      %dma_wait3A_494 = tpu.memref_slice %arg14[%add3A_159, %dma_wait3A] : memref<10240x128xf32, #tpu.memory_space<vmem_shared>> -> memref<16x128xf32, #tpu.memory_space<vmem_shared>>
      %dma_wait3A_495 = arith.constant 0 : i32
      %dma_wait3A_496 = tpu.memref_slice %arg14[%add3A_159, %dma_wait3A_495] : memref<10240x128xf32, #tpu.memory_space<vmem_shared>> -> memref<16x128xf32, #tpu.memory_space<vmem_shared>>
      tpu.wait_dma2 semaphore(%run_scoped3A : memref<!tpu.dma_semaphore, #tpu.memory_space<semaphore_mem>>) src(%arg13 : memref<16x128xf32, #tpu.memory_space<vmem>>) dst(%dma_wait3A_496 : memref<16x128xf32, #tpu.memory_space<vmem_shared>>)
      tpu.yield
    }) : () -> ()
    %mul3A_160 = arith.constant 640 : i32
    %mul3A_161 = arith.muli %arg1, %mul3A_160 : i32
    %add3A_162 = arith.constant 624 : i32
    %add3A_163 = arith.addi %mul3A_161, %add3A_162 : i32
    "tpu.region"() ({
      %run_scoped3A = tpu.sem_alloc : memref<!tpu.dma_semaphore, #tpu.memory_space<semaphore_mem>>
      %dma_start3A = arith.constant 0 : i32
      %dma_start3A_491 = tpu.memref_slice %arg14[%add3A_163, %dma_start3A] : memref<10240x128xf32, #tpu.memory_space<vmem_shared>> -> memref<16x128xf32, #tpu.memory_space<vmem_shared>>
      %dma_start3A_492 = arith.constant 0 : i32
      %dma_start3A_493 = tpu.memref_slice %arg14[%add3A_163, %dma_start3A_492] : memref<10240x128xf32, #tpu.memory_space<vmem_shared>> -> memref<16x128xf32, #tpu.memory_space<vmem_shared>>
      tpu.enqueue_dma source(%arg13 : memref<16x128xf32, #tpu.memory_space<vmem>>) target(%dma_start3A_493 : memref<16x128xf32, #tpu.memory_space<vmem_shared>>) target_semaphore(%run_scoped3A : memref<!tpu.dma_semaphore, #tpu.memory_space<semaphore_mem>>)
      %dma_wait3A = arith.constant 0 : i32
      %dma_wait3A_494 = tpu.memref_slice %arg14[%add3A_163, %dma_wait3A] : memref<10240x128xf32, #tpu.memory_space<vmem_shared>> -> memref<16x128xf32, #tpu.memory_space<vmem_shared>>
      %dma_wait3A_495 = arith.constant 0 : i32
      %dma_wait3A_496 = tpu.memref_slice %arg14[%add3A_163, %dma_wait3A_495] : memref<10240x128xf32, #tpu.memory_space<vmem_shared>> -> memref<16x128xf32, #tpu.memory_space<vmem_shared>>
      tpu.wait_dma2 semaphore(%run_scoped3A : memref<!tpu.dma_semaphore, #tpu.memory_space<semaphore_mem>>) src(%arg13 : memref<16x128xf32, #tpu.memory_space<vmem>>) dst(%dma_wait3A_496 : memref<16x128xf32, #tpu.memory_space<vmem_shared>>)
      tpu.yield
    }) : () -> ()
    %barrier3A = arith.constant 0 : index
    tpu.barrier barrier_id(%barrier3A)
    "tpu.region"() ({
      %run_scoped3A = tpu.sem_alloc : memref<!tpu.dma_semaphore, #tpu.memory_space<semaphore_mem>>
      %dma_start3A = arith.constant 0 : i32
      %dma_start3A_491 = arith.constant 0 : i32
      %dma_start3A_492 = tpu.memref_slice %arg2[%arg0, %arg1, %dma_start3A, %dma_start3A_491] : memref<2x16x79x128xi32, #tpu.memory_space<hbm>> -> memref<1x1x79x128xi32, #tpu.memory_space<hbm>>
      %dma_start3A_493 = tpu.memref_squeeze %dma_start3A_492 : memref<1x1x79x128xi32, #tpu.memory_space<hbm>> -> memref<79x128xi32, #tpu.memory_space<hbm>>
      %dma_start3A_494 = arith.constant 0 : i32
      %dma_start3A_495 = arith.constant 0 : i32
      %dma_start3A_496 = tpu.memref_slice %arg2[%arg0, %arg1, %dma_start3A_494, %dma_start3A_495] : memref<2x16x79x128xi32, #tpu.memory_space<hbm>> -> memref<1x1x79x128xi32, #tpu.memory_space<hbm>>
      %dma_start3A_497 = tpu.memref_squeeze %dma_start3A_496 : memref<1x1x79x128xi32, #tpu.memory_space<hbm>> -> memref<79x128xi32, #tpu.memory_space<hbm>>
      tpu.enqueue_dma source(%dma_start3A_497 : memref<79x128xi32, #tpu.memory_space<hbm>>) target(%arg8 : memref<79x128xi32, #tpu.memory_space<vmem>>) target_semaphore(%run_scoped3A : memref<!tpu.dma_semaphore, #tpu.memory_space<semaphore_mem>>)
      %dma_wait3A = arith.constant 0 : i32
      %dma_wait3A_498 = arith.constant 0 : i32
      %dma_wait3A_499 = tpu.memref_slice %arg2[%arg0, %arg1, %dma_wait3A, %dma_wait3A_498] : memref<2x16x79x128xi32, #tpu.memory_space<hbm>> -> memref<1x1x79x128xi32, #tpu.memory_space<hbm>>
      %dma_wait3A_500 = tpu.memref_squeeze %dma_wait3A_499 : memref<1x1x79x128xi32, #tpu.memory_space<hbm>> -> memref<79x128xi32, #tpu.memory_space<hbm>>
      %dma_wait3A_501 = arith.constant 0 : i32
      %dma_wait3A_502 = arith.constant 0 : i32
      %dma_wait3A_503 = tpu.memref_slice %arg2[%arg0, %arg1, %dma_wait3A_501, %dma_wait3A_502] : memref<2x16x79x128xi32, #tpu.memory_space<hbm>> -> memref<1x1x79x128xi32, #tpu.memory_space<hbm>>
      %dma_wait3A_504 = tpu.memref_squeeze %dma_wait3A_503 : memref<1x1x79x128xi32, #tpu.memory_space<hbm>> -> memref<79x128xi32, #tpu.memory_space<hbm>>
      tpu.wait_dma2 semaphore(%run_scoped3A : memref<!tpu.dma_semaphore, #tpu.memory_space<semaphore_mem>>) src(%dma_wait3A_504 : memref<79x128xi32, #tpu.memory_space<hbm>>) dst(%arg8 : memref<79x128xi32, #tpu.memory_space<vmem>>)
      tpu.yield
    }) : () -> ()
    %scan3A_164 = arith.constant 0 : i32
    %scan3A_165 = arith.constant 0 : i32
    %scan3A_166 = arith.constant 79 : i32
    %scan3A_167 = arith.addi %scan3A_165, %scan3A_166 : i32
    %scan3A_168 = arith.constant 1 : i32
    scf.for %scan3A_491 = %scan3A_165 to %scan3A_167 step %scan3A_168  : i32 {
      "tpu.region"() ({
        %run_scoped3A = tpu.sem_alloc : memref<!tpu.dma_semaphore, #tpu.memory_space<semaphore_mem>>
        %dma_start3A_508 = arith.constant 0 : i32
        %dma_start3A_509 = tpu.memref_slice %arg3[%arg0, %arg1, %scan3A_491, %dma_start3A_508] : memref<2x16x79x128xi32, #tpu.memory_space<hbm>> -> memref<1x1x1x128xi32, #tpu.memory_space<hbm>>
        %dma_start3A_510 = tpu.memref_squeeze %dma_start3A_509 : memref<1x1x1x128xi32, #tpu.memory_space<hbm>> -> memref<128xi32, #tpu.memory_space<hbm>>
        %dma_start3A_511 = arith.constant 0 : i32
        %dma_start3A_512 = tpu.memref_slice %arg3[%arg0, %arg1, %scan3A_491, %dma_start3A_511] : memref<2x16x79x128xi32, #tpu.memory_space<hbm>> -> memref<1x1x1x128xi32, #tpu.memory_space<hbm>>
        %dma_start3A_513 = tpu.memref_squeeze %dma_start3A_512 : memref<1x1x1x128xi32, #tpu.memory_space<hbm>> -> memref<128xi32, #tpu.memory_space<hbm>>
        tpu.enqueue_dma source(%dma_start3A_513 : memref<128xi32, #tpu.memory_space<hbm>>) target(%arg9 : memref<128xi32, #tpu.memory_space<vmem>>) target_semaphore(%run_scoped3A : memref<!tpu.dma_semaphore, #tpu.memory_space<semaphore_mem>>)
        %dma_wait3A_514 = arith.constant 0 : i32
        %dma_wait3A_515 = tpu.memref_slice %arg3[%arg0, %arg1, %scan3A_491, %dma_wait3A_514] : memref<2x16x79x128xi32, #tpu.memory_space<hbm>> -> memref<1x1x1x128xi32, #tpu.memory_space<hbm>>
        %dma_wait3A_516 = tpu.memref_squeeze %dma_wait3A_515 : memref<1x1x1x128xi32, #tpu.memory_space<hbm>> -> memref<128xi32, #tpu.memory_space<hbm>>
        %dma_wait3A_517 = arith.constant 0 : i32
        %dma_wait3A_518 = tpu.memref_slice %arg3[%arg0, %arg1, %scan3A_491, %dma_wait3A_517] : memref<2x16x79x128xi32, #tpu.memory_space<hbm>> -> memref<1x1x1x128xi32, #tpu.memory_space<hbm>>
        %dma_wait3A_519 = tpu.memref_squeeze %dma_wait3A_518 : memref<1x1x1x128xi32, #tpu.memory_space<hbm>> -> memref<128xi32, #tpu.memory_space<hbm>>
        tpu.wait_dma2 semaphore(%run_scoped3A : memref<!tpu.dma_semaphore, #tpu.memory_space<semaphore_mem>>) src(%dma_wait3A_519 : memref<128xi32, #tpu.memory_space<hbm>>) dst(%arg9 : memref<128xi32, #tpu.memory_space<vmem>>)
        tpu.yield
      }) : () -> ()
      "tpu.region"() ({
        %run_scoped3A = tpu.sem_alloc : memref<!tpu.dma_semaphore, #tpu.memory_space<semaphore_mem>>
        %dma_start3A_508 = arith.constant 0 : i32
        %dma_start3A_509 = tpu.memref_slice %arg4[%arg0, %arg1, %scan3A_491, %dma_start3A_508] : memref<2x16x79x128xi32, #tpu.memory_space<hbm>> -> memref<1x1x1x128xi32, #tpu.memory_space<hbm>>
        %dma_start3A_510 = tpu.memref_squeeze %dma_start3A_509 : memref<1x1x1x128xi32, #tpu.memory_space<hbm>> -> memref<128xi32, #tpu.memory_space<hbm>>
        %dma_start3A_511 = arith.constant 0 : i32
        %dma_start3A_512 = tpu.memref_slice %arg4[%arg0, %arg1, %scan3A_491, %dma_start3A_511] : memref<2x16x79x128xi32, #tpu.memory_space<hbm>> -> memref<1x1x1x128xi32, #tpu.memory_space<hbm>>
        %dma_start3A_513 = tpu.memref_squeeze %dma_start3A_512 : memref<1x1x1x128xi32, #tpu.memory_space<hbm>> -> memref<128xi32, #tpu.memory_space<hbm>>
        tpu.enqueue_dma source(%dma_start3A_513 : memref<128xi32, #tpu.memory_space<hbm>>) target(%arg10 : memref<128xi32, #tpu.memory_space<vmem>>) target_semaphore(%run_scoped3A : memref<!tpu.dma_semaphore, #tpu.memory_space<semaphore_mem>>)
        %dma_wait3A_514 = arith.constant 0 : i32
        %dma_wait3A_515 = tpu.memref_slice %arg4[%arg0, %arg1, %scan3A_491, %dma_wait3A_514] : memref<2x16x79x128xi32, #tpu.memory_space<hbm>> -> memref<1x1x1x128xi32, #tpu.memory_space<hbm>>
        %dma_wait3A_516 = tpu.memref_squeeze %dma_wait3A_515 : memref<1x1x1x128xi32, #tpu.memory_space<hbm>> -> memref<128xi32, #tpu.memory_space<hbm>>
        %dma_wait3A_517 = arith.constant 0 : i32
        %dma_wait3A_518 = tpu.memref_slice %arg4[%arg0, %arg1, %scan3A_491, %dma_wait3A_517] : memref<2x16x79x128xi32, #tpu.memory_space<hbm>> -> memref<1x1x1x128xi32, #tpu.memory_space<hbm>>
        %dma_wait3A_519 = tpu.memref_squeeze %dma_wait3A_518 : memref<1x1x1x128xi32, #tpu.memory_space<hbm>> -> memref<128xi32, #tpu.memory_space<hbm>>
        tpu.wait_dma2 semaphore(%run_scoped3A : memref<!tpu.dma_semaphore, #tpu.memory_space<semaphore_mem>>) src(%dma_wait3A_519 : memref<128xi32, #tpu.memory_space<hbm>>) dst(%arg10 : memref<128xi32, #tpu.memory_space<vmem>>)
        tpu.yield
      }) : () -> ()
      %dma_start3A = arith.constant 0 : i32
      %dma_start3A_492 = arith.constant 0 : i32
      %dma_start3A_493 = tpu.memref_slice %arg5[%dma_start3A, %dma_start3A_492] : memref<20480x128xf32, #tpu.memory_space<hbm>> -> memref<20480x128xf32, #tpu.memory_space<hbm>>
      tpu.enqueue_indirect_dma source(%dma_start3A_493 : memref<20480x128xf32, #tpu.memory_space<hbm>>) target(%arg11 : memref<128x128xf32, #tpu.memory_space<vmem>>) offsets(%arg9 : memref<128xi32, #tpu.memory_space<vmem>>) semaphore(%arg15 : memref<!tpu.dma_semaphore, #tpu.memory_space<semaphore_mem>>)
      %dma_start3A_494 = arith.constant 0 : i32
      %dma_start3A_495 = arith.constant 0 : i32
      %dma_start3A_496 = tpu.memref_slice %arg6[%dma_start3A_494, %dma_start3A_495] : memref<401x128xf32, #tpu.memory_space<hbm>> -> memref<401x128xf32, #tpu.memory_space<hbm>>
      tpu.enqueue_indirect_dma source(%dma_start3A_496 : memref<401x128xf32, #tpu.memory_space<hbm>>) target(%arg12 : memref<128x128xf32, #tpu.memory_space<vmem>>) offsets(%arg10 : memref<128xi32, #tpu.memory_space<vmem>>) semaphore(%arg16 : memref<!tpu.dma_semaphore, #tpu.memory_space<semaphore_mem>>)
      %dma_wait3A = arith.constant 0 : i32
      %dma_wait3A_497 = arith.constant 0 : i32
      %dma_wait3A_498 = tpu.memref_slice %arg5[%dma_wait3A, %dma_wait3A_497] : memref<20480x128xf32, #tpu.memory_space<hbm>> -> memref<20480x128xf32, #tpu.memory_space<hbm>>
      tpu.wait_indirect_dma semaphore(%arg15 : memref<!tpu.dma_semaphore, #tpu.memory_space<semaphore_mem>>) src(%dma_wait3A_498 : memref<20480x128xf32, #tpu.memory_space<hbm>>) dst(%arg11 : memref<128x128xf32, #tpu.memory_space<vmem>>)
      %dma_wait3A_499 = arith.constant 0 : i32
      %dma_wait3A_500 = arith.constant 0 : i32
      %dma_wait3A_501 = tpu.memref_slice %arg6[%dma_wait3A_499, %dma_wait3A_500] : memref<401x128xf32, #tpu.memory_space<hbm>> -> memref<401x128xf32, #tpu.memory_space<hbm>>
      tpu.wait_indirect_dma semaphore(%arg16 : memref<!tpu.dma_semaphore, #tpu.memory_space<semaphore_mem>>) src(%dma_wait3A_501 : memref<401x128xf32, #tpu.memory_space<hbm>>) dst(%arg12 : memref<128x128xf32, #tpu.memory_space<vmem>>)
      %scan3A_502 = arith.constant 0 : i32
      %scan3A_503 = arith.constant 0 : i32
      %scan3A_504 = arith.constant 128 : i32
      %scan3A_505 = arith.addi %scan3A_503, %scan3A_504 : i32
      %scan3A_506 = arith.constant 1 : i32
      scf.for %scan3A_508 = %scan3A_503 to %scan3A_505 step %scan3A_506  : i32 {
        %get3A = arith.index_cast %scan3A_508 : i32 to index
        %get3A_509 = arith.constant 0 : index
        %get3A_510 = tpu.vector_load %arg11[%get3A, %get3A_509] {strides = array<i32>} : memref<128x128xf32, #tpu.memory_space<vmem>>, vector<1x16xf32>,
        %get3A_511 = vector.shape_cast %get3A_510 : vector<1x16xf32> to vector<16xf32>
        %get3A_512 = arith.index_cast %scan3A_508 : i32 to index
        %get3A_513 = arith.constant 64 : index
        %get3A_514 = tpu.vector_load %arg11[%get3A_512, %get3A_513] {strides = array<i32>} : memref<128x128xf32, #tpu.memory_space<vmem>>, vector<1x16xf32>,
        %get3A_515 = vector.shape_cast %get3A_514 : vector<1x16xf32> to vector<16xf32>
        %get3A_516 = arith.index_cast %scan3A_508 : i32 to index
        %get3A_517 = arith.constant 0 : index
        %get3A_518 = tpu.vector_load %arg12[%get3A_516, %get3A_517] {strides = array<i32>} : memref<128x128xf32, #tpu.memory_space<vmem>>, vector<1x16xf32>,
        %get3A_519 = vector.shape_cast %get3A_518 : vector<1x16xf32> to vector<16xf32>
        %get3A_520 = arith.index_cast %scan3A_508 : i32 to index
        %get3A_521 = arith.constant 64 : index
        %get3A_522 = tpu.vector_load %arg12[%get3A_520, %get3A_521] {strides = array<i32>} : memref<128x128xf32, #tpu.memory_space<vmem>>, vector<1x16xf32>,
        %get3A_523 = vector.shape_cast %get3A_522 : vector<1x16xf32> to vector<16xf32>
        %mul3A_524 = arith.mulf %get3A_511, %get3A_519 : vector<16xf32>
        %mul3A_525 = arith.mulf %get3A_515, %get3A_523 : vector<16xf32>
        %sub3A = arith.subf %mul3A_524, %mul3A_525 : vector<16xf32>
        %swap3A = arith.index_cast %scan3A_508 : i32 to index
        %swap3A_526 = arith.constant 0 : index
        %swap3A_527 = tpu.vector_load %arg11[%swap3A, %swap3A_526] {strides = array<i32>} : memref<128x128xf32, #tpu.memory_space<vmem>>, vector<1x16xf32>,
        %swap3A_528 = vector.shape_cast %swap3A_527 : vector<1x16xf32> to vector<16xf32>
        %swap3A_529 = vector.shape_cast %sub3A : vector<16xf32> to vector<1x16xf32>
        tpu.vector_store %arg11[%swap3A, %swap3A_526], %swap3A_529 {strides = array<i32>} : memref<128x128xf32, #tpu.memory_space<vmem>>, vector<1x16xf32>,
        %mul3A_530 = arith.mulf %get3A_511, %get3A_523 : vector<16xf32>
        %mul3A_531 = arith.mulf %get3A_515, %get3A_519 : vector<16xf32>
        %add3A_532 = arith.addf %mul3A_530, %mul3A_531 : vector<16xf32>
        %swap3A_533 = arith.index_cast %scan3A_508 : i32 to index
        %swap3A_534 = arith.constant 64 : index
        %swap3A_535 = tpu.vector_load %arg11[%swap3A_533, %swap3A_534] {strides = array<i32>} : memref<128x128xf32, #tpu.memory_space<vmem>>, vector<1x16xf32>,
        %swap3A_536 = vector.shape_cast %swap3A_535 : vector<1x16xf32> to vector<16xf32>
        %swap3A_537 = vector.shape_cast %add3A_532 : vector<16xf32> to vector<1x16xf32>
        tpu.vector_store %arg11[%swap3A_533, %swap3A_534], %swap3A_537 {strides = array<i32>} : memref<128x128xf32, #tpu.memory_space<vmem>>, vector<1x16xf32>,
        %get3A_538 = arith.index_cast %scan3A_508 : i32 to index
        %get3A_539 = arith.constant 16 : index
        %get3A_540 = tpu.vector_load %arg11[%get3A_538, %get3A_539] {strides = array<i32>} : memref<128x128xf32, #tpu.memory_space<vmem>>, vector<1x16xf32>,
        %get3A_541 = vector.shape_cast %get3A_540 : vector<1x16xf32> to vector<16xf32>
        %get3A_542 = arith.index_cast %scan3A_508 : i32 to index
        %get3A_543 = arith.constant 80 : index
        %get3A_544 = tpu.vector_load %arg11[%get3A_542, %get3A_543] {strides = array<i32>} : memref<128x128xf32, #tpu.memory_space<vmem>>, vector<1x16xf32>,
        %get3A_545 = vector.shape_cast %get3A_544 : vector<1x16xf32> to vector<16xf32>
        %get3A_546 = arith.index_cast %scan3A_508 : i32 to index
        %get3A_547 = arith.constant 16 : index
        %get3A_548 = tpu.vector_load %arg12[%get3A_546, %get3A_547] {strides = array<i32>} : memref<128x128xf32, #tpu.memory_space<vmem>>, vector<1x16xf32>,
        %get3A_549 = vector.shape_cast %get3A_548 : vector<1x16xf32> to vector<16xf32>
        %get3A_550 = arith.index_cast %scan3A_508 : i32 to index
        %get3A_551 = arith.constant 80 : index
        %get3A_552 = tpu.vector_load %arg12[%get3A_550, %get3A_551] {strides = array<i32>} : memref<128x128xf32, #tpu.memory_space<vmem>>, vector<1x16xf32>,
        %get3A_553 = vector.shape_cast %get3A_552 : vector<1x16xf32> to vector<16xf32>
        %mul3A_554 = arith.mulf %get3A_541, %get3A_549 : vector<16xf32>
        %mul3A_555 = arith.mulf %get3A_545, %get3A_553 : vector<16xf32>
        %sub3A_556 = arith.subf %mul3A_554, %mul3A_555 : vector<16xf32>
        %swap3A_557 = arith.index_cast %scan3A_508 : i32 to index
        %swap3A_558 = arith.constant 16 : index
        %swap3A_559 = tpu.vector_load %arg11[%swap3A_557, %swap3A_558] {strides = array<i32>} : memref<128x128xf32, #tpu.memory_space<vmem>>, vector<1x16xf32>,
        %swap3A_560 = vector.shape_cast %swap3A_559 : vector<1x16xf32> to vector<16xf32>
        %swap3A_561 = vector.shape_cast %sub3A_556 : vector<16xf32> to vector<1x16xf32>
        tpu.vector_store %arg11[%swap3A_557, %swap3A_558], %swap3A_561 {strides = array<i32>} : memref<128x128xf32, #tpu.memory_space<vmem>>, vector<1x16xf32>,
        %mul3A_562 = arith.mulf %get3A_541, %get3A_553 : vector<16xf32>
        %mul3A_563 = arith.mulf %get3A_545, %get3A_549 : vector<16xf32>
        %add3A_564 = arith.addf %mul3A_562, %mul3A_563 : vector<16xf32>
        %swap3A_565 = arith.index_cast %scan3A_508 : i32 to index
        %swap3A_566 = arith.constant 80 : index
        %swap3A_567 = tpu.vector_load %arg11[%swap3A_565, %swap3A_566] {strides = array<i32>} : memref<128x128xf32, #tpu.memory_space<vmem>>, vector<1x16xf32>,
        %swap3A_568 = vector.shape_cast %swap3A_567 : vector<1x16xf32> to vector<16xf32>
        %swap3A_569 = vector.shape_cast %add3A_564 : vector<16xf32> to vector<1x16xf32>
        tpu.vector_store %arg11[%swap3A_565, %swap3A_566], %swap3A_569 {strides = array<i32>} : memref<128x128xf32, #tpu.memory_space<vmem>>, vector<1x16xf32>,
        %get3A_570 = arith.index_cast %scan3A_508 : i32 to index
        %get3A_571 = arith.constant 32 : index
        %get3A_572 = tpu.vector_load %arg11[%get3A_570, %get3A_571] {strides = array<i32>} : memref<128x128xf32, #tpu.memory_space<vmem>>, vector<1x16xf32>,
        %get3A_573 = vector.shape_cast %get3A_572 : vector<1x16xf32> to vector<16xf32>
        %get3A_574 = arith.index_cast %scan3A_508 : i32 to index
        %get3A_575 = arith.constant 96 : index
        %get3A_576 = tpu.vector_load %arg11[%get3A_574, %get3A_575] {strides = array<i32>} : memref<128x128xf32, #tpu.memory_space<vmem>>, vector<1x16xf32>,
        %get3A_577 = vector.shape_cast %get3A_576 : vector<1x16xf32> to vector<16xf32>
        %get3A_578 = arith.index_cast %scan3A_508 : i32 to index
        %get3A_579 = arith.constant 32 : index
        %get3A_580 = tpu.vector_load %arg12[%get3A_578, %get3A_579] {strides = array<i32>} : memref<128x128xf32, #tpu.memory_space<vmem>>, vector<1x16xf32>,
        %get3A_581 = vector.shape_cast %get3A_580 : vector<1x16xf32> to vector<16xf32>
        %get3A_582 = arith.index_cast %scan3A_508 : i32 to index
        %get3A_583 = arith.constant 96 : index
        %get3A_584 = tpu.vector_load %arg12[%get3A_582, %get3A_583] {strides = array<i32>} : memref<128x128xf32, #tpu.memory_space<vmem>>, vector<1x16xf32>,
        %get3A_585 = vector.shape_cast %get3A_584 : vector<1x16xf32> to vector<16xf32>
        %mul3A_586 = arith.mulf %get3A_573, %get3A_581 : vector<16xf32>
        %mul3A_587 = arith.mulf %get3A_577, %get3A_585 : vector<16xf32>
        %sub3A_588 = arith.subf %mul3A_586, %mul3A_587 : vector<16xf32>
        %swap3A_589 = arith.index_cast %scan3A_508 : i32 to index
        %swap3A_590 = arith.constant 32 : index
        %swap3A_591 = tpu.vector_load %arg11[%swap3A_589, %swap3A_590] {strides = array<i32>} : memref<128x128xf32, #tpu.memory_space<vmem>>, vector<1x16xf32>,
        %swap3A_592 = vector.shape_cast %swap3A_591 : vector<1x16xf32> to vector<16xf32>
        %swap3A_593 = vector.shape_cast %sub3A_588 : vector<16xf32> to vector<1x16xf32>
        tpu.vector_store %arg11[%swap3A_589, %swap3A_590], %swap3A_593 {strides = array<i32>} : memref<128x128xf32, #tpu.memory_space<vmem>>, vector<1x16xf32>,
        %mul3A_594 = arith.mulf %get3A_573, %get3A_585 : vector<16xf32>
        %mul3A_595 = arith.mulf %get3A_577, %get3A_581 : vector<16xf32>
        %add3A_596 = arith.addf %mul3A_594, %mul3A_595 : vector<16xf32>
        %swap3A_597 = arith.index_cast %scan3A_508 : i32 to index
        %swap3A_598 = arith.constant 96 : index
        %swap3A_599 = tpu.vector_load %arg11[%swap3A_597, %swap3A_598] {strides = array<i32>} : memref<128x128xf32, #tpu.memory_space<vmem>>, vector<1x16xf32>,
        %swap3A_600 = vector.shape_cast %swap3A_599 : vector<1x16xf32> to vector<16xf32>
        %swap3A_601 = vector.shape_cast %add3A_596 : vector<16xf32> to vector<1x16xf32>
        tpu.vector_store %arg11[%swap3A_597, %swap3A_598], %swap3A_601 {strides = array<i32>} : memref<128x128xf32, #tpu.memory_space<vmem>>, vector<1x16xf32>,
        %get3A_602 = arith.index_cast %scan3A_508 : i32 to index
        %get3A_603 = arith.constant 48 : index
        %get3A_604 = tpu.vector_load %arg11[%get3A_602, %get3A_603] {strides = array<i32>} : memref<128x128xf32, #tpu.memory_space<vmem>>, vector<1x16xf32>,
        %get3A_605 = vector.shape_cast %get3A_604 : vector<1x16xf32> to vector<16xf32>
        %get3A_606 = arith.index_cast %scan3A_508 : i32 to index
        %get3A_607 = arith.constant 112 : index
        %get3A_608 = tpu.vector_load %arg11[%get3A_606, %get3A_607] {strides = array<i32>} : memref<128x128xf32, #tpu.memory_space<vmem>>, vector<1x16xf32>,
        %get3A_609 = vector.shape_cast %get3A_608 : vector<1x16xf32> to vector<16xf32>
        %get3A_610 = arith.index_cast %scan3A_508 : i32 to index
        %get3A_611 = arith.constant 48 : index
        %get3A_612 = tpu.vector_load %arg12[%get3A_610, %get3A_611] {strides = array<i32>} : memref<128x128xf32, #tpu.memory_space<vmem>>, vector<1x16xf32>,
        %get3A_613 = vector.shape_cast %get3A_612 : vector<1x16xf32> to vector<16xf32>
        %get3A_614 = arith.index_cast %scan3A_508 : i32 to index
        %get3A_615 = arith.constant 112 : index
        %get3A_616 = tpu.vector_load %arg12[%get3A_614, %get3A_615] {strides = array<i32>} : memref<128x128xf32, #tpu.memory_space<vmem>>, vector<1x16xf32>,
        %get3A_617 = vector.shape_cast %get3A_616 : vector<1x16xf32> to vector<16xf32>
        %mul3A_618 = arith.mulf %get3A_605, %get3A_613 : vector<16xf32>
        %mul3A_619 = arith.mulf %get3A_609, %get3A_617 : vector<16xf32>
        %sub3A_620 = arith.subf %mul3A_618, %mul3A_619 : vector<16xf32>
        %swap3A_621 = arith.index_cast %scan3A_508 : i32 to index
        %swap3A_622 = arith.constant 48 : index
        %swap3A_623 = tpu.vector_load %arg11[%swap3A_621, %swap3A_622] {strides = array<i32>} : memref<128x128xf32, #tpu.memory_space<vmem>>, vector<1x16xf32>,
        %swap3A_624 = vector.shape_cast %swap3A_623 : vector<1x16xf32> to vector<16xf32>
        %swap3A_625 = vector.shape_cast %sub3A_620 : vector<16xf32> to vector<1x16xf32>
        tpu.vector_store %arg11[%swap3A_621, %swap3A_622], %swap3A_625 {strides = array<i32>} : memref<128x128xf32, #tpu.memory_space<vmem>>, vector<1x16xf32>,
        %mul3A_626 = arith.mulf %get3A_605, %get3A_617 : vector<16xf32>
        %mul3A_627 = arith.mulf %get3A_609, %get3A_613 : vector<16xf32>
        %add3A_628 = arith.addf %mul3A_626, %mul3A_627 : vector<16xf32>
        %swap3A_629 = arith.index_cast %scan3A_508 : i32 to index
        %swap3A_630 = arith.constant 112 : index
        %swap3A_631 = tpu.vector_load %arg11[%swap3A_629, %swap3A_630] {strides = array<i32>} : memref<128x128xf32, #tpu.memory_space<vmem>>, vector<1x16xf32>,
        %swap3A_632 = vector.shape_cast %swap3A_631 : vector<1x16xf32> to vector<16xf32>
        %swap3A_633 = vector.shape_cast %add3A_628 : vector<16xf32> to vector<1x16xf32>
        tpu.vector_store %arg11[%swap3A_629, %swap3A_630], %swap3A_633 {strides = array<i32>} : memref<128x128xf32, #tpu.memory_space<vmem>>, vector<1x16xf32>,
      }
      %scan3A_507 = arith.constant 128 : i32
      "tpu.region"() ({
        %run_scoped3A = tpu.sem_alloc : memref<!tpu.dma_semaphore, #tpu.memory_space<semaphore_mem>>
        %dma_start3A_508 = arith.constant 0 : i32
        %dma_start3A_509 = tpu.memref_slice %arg8[%scan3A_491, %dma_start3A_508] : memref<79x128xi32, #tpu.memory_space<vmem>> -> memref<1x128xi32, #tpu.memory_space<vmem>>
        %dma_start3A_510 = tpu.memref_squeeze %dma_start3A_509 : memref<1x128xi32, #tpu.memory_space<vmem>> -> memref<128xi32, #tpu.memory_space<vmem>>
        %dma_start3A_511 = arith.constant 0 : i32
        %dma_start3A_512 = arith.constant 0 : i32
        %dma_start3A_513 = tpu.memref_slice %arg14[%dma_start3A_511, %dma_start3A_512] : memref<10240x128xf32, #tpu.memory_space<vmem_shared>> -> memref<10240x128xf32, #tpu.memory_space<vmem_shared>>
        tpu.enqueue_indirect_dma source(%arg11 : memref<128x128xf32, #tpu.memory_space<vmem>>) target(%dma_start3A_513 : memref<10240x128xf32, #tpu.memory_space<vmem_shared>>) offsets(%dma_start3A_510 : memref<128xi32, #tpu.memory_space<vmem>>) semaphore(%run_scoped3A : memref<!tpu.dma_semaphore, #tpu.memory_space<semaphore_mem>>) {add = true}
        %dma_wait3A_514 = arith.constant 0 : i32
        %dma_wait3A_515 = tpu.memref_slice %arg8[%scan3A_491, %dma_wait3A_514] : memref<79x128xi32, #tpu.memory_space<vmem>> -> memref<1x128xi32, #tpu.memory_space<vmem>>
        %dma_wait3A_516 = tpu.memref_squeeze %dma_wait3A_515 : memref<1x128xi32, #tpu.memory_space<vmem>> -> memref<128xi32, #tpu.memory_space<vmem>>
        %dma_wait3A_517 = arith.constant 0 : i32
        %dma_wait3A_518 = arith.constant 0 : i32
        %dma_wait3A_519 = tpu.memref_slice %arg14[%dma_wait3A_517, %dma_wait3A_518] : memref<10240x128xf32, #tpu.memory_space<vmem_shared>> -> memref<10240x128xf32, #tpu.memory_space<vmem_shared>>
        tpu.wait_indirect_dma semaphore(%run_scoped3A : memref<!tpu.dma_semaphore, #tpu.memory_space<semaphore_mem>>) src(%arg11 : memref<128x128xf32, #tpu.memory_space<vmem>>) dst(%dma_wait3A_519 : memref<10240x128xf32, #tpu.memory_space<vmem_shared>>)
        tpu.yield
      }) : () -> ()
    }
    %scan3A_169 = arith.constant 79 : i32
    %barrier3A_170 = arith.constant 0 : index
    tpu.barrier barrier_id(%barrier3A_170)
    %mul3A_171 = arith.constant 640 : i32
    %mul3A_172 = arith.muli %arg1, %mul3A_171 : i32
    %add3A_173 = arith.constant 0 : i32
    %add3A_174 = arith.addi %mul3A_172, %add3A_173 : i32
    "tpu.region"() ({
      %run_scoped3A = tpu.sem_alloc : memref<!tpu.dma_semaphore, #tpu.memory_space<semaphore_mem>>
      %dma_start3A = arith.constant 0 : i32
      %dma_start3A_491 = tpu.memref_slice %arg14[%add3A_174, %dma_start3A] : memref<10240x128xf32, #tpu.memory_space<vmem_shared>> -> memref<16x128xf32, #tpu.memory_space<vmem_shared>>
      %dma_start3A_492 = arith.constant 0 : i32
      %dma_start3A_493 = tpu.memref_slice %arg14[%add3A_174, %dma_start3A_492] : memref<10240x128xf32, #tpu.memory_space<vmem_shared>> -> memref<16x128xf32, #tpu.memory_space<vmem_shared>>
      tpu.enqueue_dma source(%dma_start3A_493 : memref<16x128xf32, #tpu.memory_space<vmem_shared>>) target(%arg13 : memref<16x128xf32, #tpu.memory_space<vmem>>) target_semaphore(%run_scoped3A : memref<!tpu.dma_semaphore, #tpu.memory_space<semaphore_mem>>)
      %dma_wait3A = arith.constant 0 : i32
      %dma_wait3A_494 = tpu.memref_slice %arg14[%add3A_174, %dma_wait3A] : memref<10240x128xf32, #tpu.memory_space<vmem_shared>> -> memref<16x128xf32, #tpu.memory_space<vmem_shared>>
      %dma_wait3A_495 = arith.constant 0 : i32
      %dma_wait3A_496 = tpu.memref_slice %arg14[%add3A_174, %dma_wait3A_495] : memref<10240x128xf32, #tpu.memory_space<vmem_shared>> -> memref<16x128xf32, #tpu.memory_space<vmem_shared>>
      tpu.wait_dma2 semaphore(%run_scoped3A : memref<!tpu.dma_semaphore, #tpu.memory_space<semaphore_mem>>) src(%dma_wait3A_496 : memref<16x128xf32, #tpu.memory_space<vmem_shared>>) dst(%arg13 : memref<16x128xf32, #tpu.memory_space<vmem>>)
      tpu.yield
    }) : () -> ()
    %mul3A_175 = arith.constant 640 : i32
    %mul3A_176 = arith.muli %arg1, %mul3A_175 : i32
    %add3A_177 = arith.constant 0 : i32
    %add3A_178 = arith.addi %mul3A_176, %add3A_177 : i32
    "tpu.region"() ({
      %run_scoped3A = tpu.sem_alloc : memref<!tpu.dma_semaphore, #tpu.memory_space<semaphore_mem>>
      %dma_start3A = arith.constant 0 : i32
      %dma_start3A_491 = tpu.memref_slice %arg7[%arg0, %add3A_178, %dma_start3A] : memref<2x10240x128xf32, #tpu.memory_space<hbm>> -> memref<1x16x128xf32, #tpu.memory_space<hbm>>
      %dma_start3A_492 = tpu.memref_squeeze %dma_start3A_491 : memref<1x16x128xf32, #tpu.memory_space<hbm>> -> memref<16x128xf32, #tpu.memory_space<hbm>>
      %dma_start3A_493 = arith.constant 0 : i32
      %dma_start3A_494 = tpu.memref_slice %arg7[%arg0, %add3A_178, %dma_start3A_493] : memref<2x10240x128xf32, #tpu.memory_space<hbm>> -> memref<1x16x128xf32, #tpu.memory_space<hbm>>
      %dma_start3A_495 = tpu.memref_squeeze %dma_start3A_494 : memref<1x16x128xf32, #tpu.memory_space<hbm>> -> memref<16x128xf32, #tpu.memory_space<hbm>>
      tpu.enqueue_dma source(%arg13 : memref<16x128xf32, #tpu.memory_space<vmem>>) target(%dma_start3A_495 : memref<16x128xf32, #tpu.memory_space<hbm>>) target_semaphore(%run_scoped3A : memref<!tpu.dma_semaphore, #tpu.memory_space<semaphore_mem>>)
      %dma_wait3A = arith.constant 0 : i32
      %dma_wait3A_496 = tpu.memref_slice %arg7[%arg0, %add3A_178, %dma_wait3A] : memref<2x10240x128xf32, #tpu.memory_space<hbm>> -> memref<1x16x128xf32, #tpu.memory_space<hbm>>
      %dma_wait3A_497 = tpu.memref_squeeze %dma_wait3A_496 : memref<1x16x128xf32, #tpu.memory_space<hbm>> -> memref<16x128xf32, #tpu.memory_space<hbm>>
      %dma_wait3A_498 = arith.constant 0 : i32
      %dma_wait3A_499 = tpu.memref_slice %arg7[%arg0, %add3A_178, %dma_wait3A_498] : memref<2x10240x128xf32, #tpu.memory_space<hbm>> -> memref<1x16x128xf32, #tpu.memory_space<hbm>>
      %dma_wait3A_500 = tpu.memref_squeeze %dma_wait3A_499 : memref<1x16x128xf32, #tpu.memory_space<hbm>> -> memref<16x128xf32, #tpu.memory_space<hbm>>
      tpu.wait_dma2 semaphore(%run_scoped3A : memref<!tpu.dma_semaphore, #tpu.memory_space<semaphore_mem>>) src(%arg13 : memref<16x128xf32, #tpu.memory_space<vmem>>) dst(%dma_wait3A_500 : memref<16x128xf32, #tpu.memory_space<hbm>>)
      tpu.yield
    }) : () -> ()
    %mul3A_179 = arith.constant 640 : i32
    %mul3A_180 = arith.muli %arg1, %mul3A_179 : i32
    %add3A_181 = arith.constant 16 : i32
    %add3A_182 = arith.addi %mul3A_180, %add3A_181 : i32
    "tpu.region"() ({
      %run_scoped3A = tpu.sem_alloc : memref<!tpu.dma_semaphore, #tpu.memory_space<semaphore_mem>>
      %dma_start3A = arith.constant 0 : i32
      %dma_start3A_491 = tpu.memref_slice %arg14[%add3A_182, %dma_start3A] : memref<10240x128xf32, #tpu.memory_space<vmem_shared>> -> memref<16x128xf32, #tpu.memory_space<vmem_shared>>
      %dma_start3A_492 = arith.constant 0 : i32
      %dma_start3A_493 = tpu.memref_slice %arg14[%add3A_182, %dma_start3A_492] : memref<10240x128xf32, #tpu.memory_space<vmem_shared>> -> memref<16x128xf32, #tpu.memory_space<vmem_shared>>
      tpu.enqueue_dma source(%dma_start3A_493 : memref<16x128xf32, #tpu.memory_space<vmem_shared>>) target(%arg13 : memref<16x128xf32, #tpu.memory_space<vmem>>) target_semaphore(%run_scoped3A : memref<!tpu.dma_semaphore, #tpu.memory_space<semaphore_mem>>)
      %dma_wait3A = arith.constant 0 : i32
      %dma_wait3A_494 = tpu.memref_slice %arg14[%add3A_182, %dma_wait3A] : memref<10240x128xf32, #tpu.memory_space<vmem_shared>> -> memref<16x128xf32, #tpu.memory_space<vmem_shared>>
      %dma_wait3A_495 = arith.constant 0 : i32
      %dma_wait3A_496 = tpu.memref_slice %arg14[%add3A_182, %dma_wait3A_495] : memref<10240x128xf32, #tpu.memory_space<vmem_shared>> -> memref<16x128xf32, #tpu.memory_space<vmem_shared>>
      tpu.wait_dma2 semaphore(%run_scoped3A : memref<!tpu.dma_semaphore, #tpu.memory_space<semaphore_mem>>) src(%dma_wait3A_496 : memref<16x128xf32, #tpu.memory_space<vmem_shared>>) dst(%arg13 : memref<16x128xf32, #tpu.memory_space<vmem>>)
      tpu.yield
    }) : () -> ()
    %mul3A_183 = arith.constant 640 : i32
    %mul3A_184 = arith.muli %arg1, %mul3A_183 : i32
    %add3A_185 = arith.constant 16 : i32
    %add3A_186 = arith.addi %mul3A_184, %add3A_185 : i32
    "tpu.region"() ({
      %run_scoped3A = tpu.sem_alloc : memref<!tpu.dma_semaphore, #tpu.memory_space<semaphore_mem>>
      %dma_start3A = arith.constant 0 : i32
      %dma_start3A_491 = tpu.memref_slice %arg7[%arg0, %add3A_186, %dma_start3A] : memref<2x10240x128xf32, #tpu.memory_space<hbm>> -> memref<1x16x128xf32, #tpu.memory_space<hbm>>
      %dma_start3A_492 = tpu.memref_squeeze %dma_start3A_491 : memref<1x16x128xf32, #tpu.memory_space<hbm>> -> memref<16x128xf32, #tpu.memory_space<hbm>>
      %dma_start3A_493 = arith.constant 0 : i32
      %dma_start3A_494 = tpu.memref_slice %arg7[%arg0, %add3A_186, %dma_start3A_493] : memref<2x10240x128xf32, #tpu.memory_space<hbm>> -> memref<1x16x128xf32, #tpu.memory_space<hbm>>
      %dma_start3A_495 = tpu.memref_squeeze %dma_start3A_494 : memref<1x16x128xf32, #tpu.memory_space<hbm>> -> memref<16x128xf32, #tpu.memory_space<hbm>>
      tpu.enqueue_dma source(%arg13 : memref<16x128xf32, #tpu.memory_space<vmem>>) target(%dma_start3A_495 : memref<16x128xf32, #tpu.memory_space<hbm>>) target_semaphore(%run_scoped3A : memref<!tpu.dma_semaphore, #tpu.memory_space<semaphore_mem>>)
      %dma_wait3A = arith.constant 0 : i32
      %dma_wait3A_496 = tpu.memref_slice %arg7[%arg0, %add3A_186, %dma_wait3A] : memref<2x10240x128xf32, #tpu.memory_space<hbm>> -> memref<1x16x128xf32, #tpu.memory_space<hbm>>
      %dma_wait3A_497 = tpu.memref_squeeze %dma_wait3A_496 : memref<1x16x128xf32, #tpu.memory_space<hbm>> -> memref<16x128xf32, #tpu.memory_space<hbm>>
      %dma_wait3A_498 = arith.constant 0 : i32
      %dma_wait3A_499 = tpu.memref_slice %arg7[%arg0, %add3A_186, %dma_wait3A_498] : memref<2x10240x128xf32, #tpu.memory_space<hbm>> -> memref<1x16x128xf32, #tpu.memory_space<hbm>>
      %dma_wait3A_500 = tpu.memref_squeeze %dma_wait3A_499 : memref<1x16x128xf32, #tpu.memory_space<hbm>> -> memref<16x128xf32, #tpu.memory_space<hbm>>
      tpu.wait_dma2 semaphore(%run_scoped3A : memref<!tpu.dma_semaphore, #tpu.memory_space<semaphore_mem>>) src(%arg13 : memref<16x128xf32, #tpu.memory_space<vmem>>) dst(%dma_wait3A_500 : memref<16x128xf32, #tpu.memory_space<hbm>>)
      tpu.yield
    }) : () -> ()
    %mul3A_187 = arith.constant 640 : i32
    %mul3A_188 = arith.muli %arg1, %mul3A_187 : i32
    %add3A_189 = arith.constant 32 : i32
    %add3A_190 = arith.addi %mul3A_188, %add3A_189 : i32
    "tpu.region"() ({
      %run_scoped3A = tpu.sem_alloc : memref<!tpu.dma_semaphore, #tpu.memory_space<semaphore_mem>>
      %dma_start3A = arith.constant 0 : i32
      %dma_start3A_491 = tpu.memref_slice %arg14[%add3A_190, %dma_start3A] : memref<10240x128xf32, #tpu.memory_space<vmem_shared>> -> memref<16x128xf32, #tpu.memory_space<vmem_shared>>
      %dma_start3A_492 = arith.constant 0 : i32
      %dma_start3A_493 = tpu.memref_slice %arg14[%add3A_190, %dma_start3A_492] : memref<10240x128xf32, #tpu.memory_space<vmem_shared>> -> memref<16x128xf32, #tpu.memory_space<vmem_shared>>
      tpu.enqueue_dma source(%dma_start3A_493 : memref<16x128xf32, #tpu.memory_space<vmem_shared>>) target(%arg13 : memref<16x128xf32, #tpu.memory_space<vmem>>) target_semaphore(%run_scoped3A : memref<!tpu.dma_semaphore, #tpu.memory_space<semaphore_mem>>)
      %dma_wait3A = arith.constant 0 : i32
      %dma_wait3A_494 = tpu.memref_slice %arg14[%add3A_190, %dma_wait3A] : memref<10240x128xf32, #tpu.memory_space<vmem_shared>> -> memref<16x128xf32, #tpu.memory_space<vmem_shared>>
      %dma_wait3A_495 = arith.constant 0 : i32
      %dma_wait3A_496 = tpu.memref_slice %arg14[%add3A_190, %dma_wait3A_495] : memref<10240x128xf32, #tpu.memory_space<vmem_shared>> -> memref<16x128xf32, #tpu.memory_space<vmem_shared>>
      tpu.wait_dma2 semaphore(%run_scoped3A : memref<!tpu.dma_semaphore, #tpu.memory_space<semaphore_mem>>) src(%dma_wait3A_496 : memref<16x128xf32, #tpu.memory_space<vmem_shared>>) dst(%arg13 : memref<16x128xf32, #tpu.memory_space<vmem>>)
      tpu.yield
    }) : () -> ()
    %mul3A_191 = arith.constant 640 : i32
    %mul3A_192 = arith.muli %arg1, %mul3A_191 : i32
    %add3A_193 = arith.constant 32 : i32
    %add3A_194 = arith.addi %mul3A_192, %add3A_193 : i32
    "tpu.region"() ({
      %run_scoped3A = tpu.sem_alloc : memref<!tpu.dma_semaphore, #tpu.memory_space<semaphore_mem>>
      %dma_start3A = arith.constant 0 : i32
      %dma_start3A_491 = tpu.memref_slice %arg7[%arg0, %add3A_194, %dma_start3A] : memref<2x10240x128xf32, #tpu.memory_space<hbm>> -> memref<1x16x128xf32, #tpu.memory_space<hbm>>
      %dma_start3A_492 = tpu.memref_squeeze %dma_start3A_491 : memref<1x16x128xf32, #tpu.memory_space<hbm>> -> memref<16x128xf32, #tpu.memory_space<hbm>>
      %dma_start3A_493 = arith.constant 0 : i32
      %dma_start3A_494 = tpu.memref_slice %arg7[%arg0, %add3A_194, %dma_start3A_493] : memref<2x10240x128xf32, #tpu.memory_space<hbm>> -> memref<1x16x128xf32, #tpu.memory_space<hbm>>
      %dma_start3A_495 = tpu.memref_squeeze %dma_start3A_494 : memref<1x16x128xf32, #tpu.memory_space<hbm>> -> memref<16x128xf32, #tpu.memory_space<hbm>>
      tpu.enqueue_dma source(%arg13 : memref<16x128xf32, #tpu.memory_space<vmem>>) target(%dma_start3A_495 : memref<16x128xf32, #tpu.memory_space<hbm>>) target_semaphore(%run_scoped3A : memref<!tpu.dma_semaphore, #tpu.memory_space<semaphore_mem>>)
      %dma_wait3A = arith.constant 0 : i32
      %dma_wait3A_496 = tpu.memref_slice %arg7[%arg0, %add3A_194, %dma_wait3A] : memref<2x10240x128xf32, #tpu.memory_space<hbm>> -> memref<1x16x128xf32, #tpu.memory_space<hbm>>
      %dma_wait3A_497 = tpu.memref_squeeze %dma_wait3A_496 : memref<1x16x128xf32, #tpu.memory_space<hbm>> -> memref<16x128xf32, #tpu.memory_space<hbm>>
      %dma_wait3A_498 = arith.constant 0 : i32
      %dma_wait3A_499 = tpu.memref_slice %arg7[%arg0, %add3A_194, %dma_wait3A_498] : memref<2x10240x128xf32, #tpu.memory_space<hbm>> -> memref<1x16x128xf32, #tpu.memory_space<hbm>>
      %dma_wait3A_500 = tpu.memref_squeeze %dma_wait3A_499 : memref<1x16x128xf32, #tpu.memory_space<hbm>> -> memref<16x128xf32, #tpu.memory_space<hbm>>
      tpu.wait_dma2 semaphore(%run_scoped3A : memref<!tpu.dma_semaphore, #tpu.memory_space<semaphore_mem>>) src(%arg13 : memref<16x128xf32, #tpu.memory_space<vmem>>) dst(%dma_wait3A_500 : memref<16x128xf32, #tpu.memory_space<hbm>>)
      tpu.yield
    }) : () -> ()
    %mul3A_195 = arith.constant 640 : i32
    %mul3A_196 = arith.muli %arg1, %mul3A_195 : i32
    %add3A_197 = arith.constant 48 : i32
    %add3A_198 = arith.addi %mul3A_196, %add3A_197 : i32
    "tpu.region"() ({
      %run_scoped3A = tpu.sem_alloc : memref<!tpu.dma_semaphore, #tpu.memory_space<semaphore_mem>>
      %dma_start3A = arith.constant 0 : i32
      %dma_start3A_491 = tpu.memref_slice %arg14[%add3A_198, %dma_start3A] : memref<10240x128xf32, #tpu.memory_space<vmem_shared>> -> memref<16x128xf32, #tpu.memory_space<vmem_shared>>
      %dma_start3A_492 = arith.constant 0 : i32
      %dma_start3A_493 = tpu.memref_slice %arg14[%add3A_198, %dma_start3A_492] : memref<10240x128xf32, #tpu.memory_space<vmem_shared>> -> memref<16x128xf32, #tpu.memory_space<vmem_shared>>
      tpu.enqueue_dma source(%dma_start3A_493 : memref<16x128xf32, #tpu.memory_space<vmem_shared>>) target(%arg13 : memref<16x128xf32, #tpu.memory_space<vmem>>) target_semaphore(%run_scoped3A : memref<!tpu.dma_semaphore, #tpu.memory_space<semaphore_mem>>)
      %dma_wait3A = arith.constant 0 : i32
      %dma_wait3A_494 = tpu.memref_slice %arg14[%add3A_198, %dma_wait3A] : memref<10240x128xf32, #tpu.memory_space<vmem_shared>> -> memref<16x128xf32, #tpu.memory_space<vmem_shared>>
      %dma_wait3A_495 = arith.constant 0 : i32
      %dma_wait3A_496 = tpu.memref_slice %arg14[%add3A_198, %dma_wait3A_495] : memref<10240x128xf32, #tpu.memory_space<vmem_shared>> -> memref<16x128xf32, #tpu.memory_space<vmem_shared>>
      tpu.wait_dma2 semaphore(%run_scoped3A : memref<!tpu.dma_semaphore, #tpu.memory_space<semaphore_mem>>) src(%dma_wait3A_496 : memref<16x128xf32, #tpu.memory_space<vmem_shared>>) dst(%arg13 : memref<16x128xf32, #tpu.memory_space<vmem>>)
      tpu.yield
    }) : () -> ()
    %mul3A_199 = arith.constant 640 : i32
    %mul3A_200 = arith.muli %arg1, %mul3A_199 : i32
    %add3A_201 = arith.constant 48 : i32
    %add3A_202 = arith.addi %mul3A_200, %add3A_201 : i32
    "tpu.region"() ({
      %run_scoped3A = tpu.sem_alloc : memref<!tpu.dma_semaphore, #tpu.memory_space<semaphore_mem>>
      %dma_start3A = arith.constant 0 : i32
      %dma_start3A_491 = tpu.memref_slice %arg7[%arg0, %add3A_202, %dma_start3A] : memref<2x10240x128xf32, #tpu.memory_space<hbm>> -> memref<1x16x128xf32, #tpu.memory_space<hbm>>
      %dma_start3A_492 = tpu.memref_squeeze %dma_start3A_491 : memref<1x16x128xf32, #tpu.memory_space<hbm>> -> memref<16x128xf32, #tpu.memory_space<hbm>>
      %dma_start3A_493 = arith.constant 0 : i32
      %dma_start3A_494 = tpu.memref_slice %arg7[%arg0, %add3A_202, %dma_start3A_493] : memref<2x10240x128xf32, #tpu.memory_space<hbm>> -> memref<1x16x128xf32, #tpu.memory_space<hbm>>
      %dma_start3A_495 = tpu.memref_squeeze %dma_start3A_494 : memref<1x16x128xf32, #tpu.memory_space<hbm>> -> memref<16x128xf32, #tpu.memory_space<hbm>>
      tpu.enqueue_dma source(%arg13 : memref<16x128xf32, #tpu.memory_space<vmem>>) target(%dma_start3A_495 : memref<16x128xf32, #tpu.memory_space<hbm>>) target_semaphore(%run_scoped3A : memref<!tpu.dma_semaphore, #tpu.memory_space<semaphore_mem>>)
      %dma_wait3A = arith.constant 0 : i32
      %dma_wait3A_496 = tpu.memref_slice %arg7[%arg0, %add3A_202, %dma_wait3A] : memref<2x10240x128xf32, #tpu.memory_space<hbm>> -> memref<1x16x128xf32, #tpu.memory_space<hbm>>
      %dma_wait3A_497 = tpu.memref_squeeze %dma_wait3A_496 : memref<1x16x128xf32, #tpu.memory_space<hbm>> -> memref<16x128xf32, #tpu.memory_space<hbm>>
      %dma_wait3A_498 = arith.constant 0 : i32
      %dma_wait3A_499 = tpu.memref_slice %arg7[%arg0, %add3A_202, %dma_wait3A_498] : memref<2x10240x128xf32, #tpu.memory_space<hbm>> -> memref<1x16x128xf32, #tpu.memory_space<hbm>>
      %dma_wait3A_500 = tpu.memref_squeeze %dma_wait3A_499 : memref<1x16x128xf32, #tpu.memory_space<hbm>> -> memref<16x128xf32, #tpu.memory_space<hbm>>
      tpu.wait_dma2 semaphore(%run_scoped3A : memref<!tpu.dma_semaphore, #tpu.memory_space<semaphore_mem>>) src(%arg13 : memref<16x128xf32, #tpu.memory_space<vmem>>) dst(%dma_wait3A_500 : memref<16x128xf32, #tpu.memory_space<hbm>>)
      tpu.yield
    }) : () -> ()
    %mul3A_203 = arith.constant 640 : i32
    %mul3A_204 = arith.muli %arg1, %mul3A_203 : i32
    %add3A_205 = arith.constant 64 : i32
    %add3A_206 = arith.addi %mul3A_204, %add3A_205 : i32
    "tpu.region"() ({
      %run_scoped3A = tpu.sem_alloc : memref<!tpu.dma_semaphore, #tpu.memory_space<semaphore_mem>>
      %dma_start3A = arith.constant 0 : i32
      %dma_start3A_491 = tpu.memref_slice %arg14[%add3A_206, %dma_start3A] : memref<10240x128xf32, #tpu.memory_space<vmem_shared>> -> memref<16x128xf32, #tpu.memory_space<vmem_shared>>
      %dma_start3A_492 = arith.constant 0 : i32
      %dma_start3A_493 = tpu.memref_slice %arg14[%add3A_206, %dma_start3A_492] : memref<10240x128xf32, #tpu.memory_space<vmem_shared>> -> memref<16x128xf32, #tpu.memory_space<vmem_shared>>
      tpu.enqueue_dma source(%dma_start3A_493 : memref<16x128xf32, #tpu.memory_space<vmem_shared>>) target(%arg13 : memref<16x128xf32, #tpu.memory_space<vmem>>) target_semaphore(%run_scoped3A : memref<!tpu.dma_semaphore, #tpu.memory_space<semaphore_mem>>)
      %dma_wait3A = arith.constant 0 : i32
      %dma_wait3A_494 = tpu.memref_slice %arg14[%add3A_206, %dma_wait3A] : memref<10240x128xf32, #tpu.memory_space<vmem_shared>> -> memref<16x128xf32, #tpu.memory_space<vmem_shared>>
      %dma_wait3A_495 = arith.constant 0 : i32
      %dma_wait3A_496 = tpu.memref_slice %arg14[%add3A_206, %dma_wait3A_495] : memref<10240x128xf32, #tpu.memory_space<vmem_shared>> -> memref<16x128xf32, #tpu.memory_space<vmem_shared>>
      tpu.wait_dma2 semaphore(%run_scoped3A : memref<!tpu.dma_semaphore, #tpu.memory_space<semaphore_mem>>) src(%dma_wait3A_496 : memref<16x128xf32, #tpu.memory_space<vmem_shared>>) dst(%arg13 : memref<16x128xf32, #tpu.memory_space<vmem>>)
      tpu.yield
    }) : () -> ()
    %mul3A_207 = arith.constant 640 : i32
    %mul3A_208 = arith.muli %arg1, %mul3A_207 : i32
    %add3A_209 = arith.constant 64 : i32
    %add3A_210 = arith.addi %mul3A_208, %add3A_209 : i32
    "tpu.region"() ({
      %run_scoped3A = tpu.sem_alloc : memref<!tpu.dma_semaphore, #tpu.memory_space<semaphore_mem>>
      %dma_start3A = arith.constant 0 : i32
      %dma_start3A_491 = tpu.memref_slice %arg7[%arg0, %add3A_210, %dma_start3A] : memref<2x10240x128xf32, #tpu.memory_space<hbm>> -> memref<1x16x128xf32, #tpu.memory_space<hbm>>
      %dma_start3A_492 = tpu.memref_squeeze %dma_start3A_491 : memref<1x16x128xf32, #tpu.memory_space<hbm>> -> memref<16x128xf32, #tpu.memory_space<hbm>>
      %dma_start3A_493 = arith.constant 0 : i32
      %dma_start3A_494 = tpu.memref_slice %arg7[%arg0, %add3A_210, %dma_start3A_493] : memref<2x10240x128xf32, #tpu.memory_space<hbm>> -> memref<1x16x128xf32, #tpu.memory_space<hbm>>
      %dma_start3A_495 = tpu.memref_squeeze %dma_start3A_494 : memref<1x16x128xf32, #tpu.memory_space<hbm>> -> memref<16x128xf32, #tpu.memory_space<hbm>>
      tpu.enqueue_dma source(%arg13 : memref<16x128xf32, #tpu.memory_space<vmem>>) target(%dma_start3A_495 : memref<16x128xf32, #tpu.memory_space<hbm>>) target_semaphore(%run_scoped3A : memref<!tpu.dma_semaphore, #tpu.memory_space<semaphore_mem>>)
      %dma_wait3A = arith.constant 0 : i32
      %dma_wait3A_496 = tpu.memref_slice %arg7[%arg0, %add3A_210, %dma_wait3A] : memref<2x10240x128xf32, #tpu.memory_space<hbm>> -> memref<1x16x128xf32, #tpu.memory_space<hbm>>
      %dma_wait3A_497 = tpu.memref_squeeze %dma_wait3A_496 : memref<1x16x128xf32, #tpu.memory_space<hbm>> -> memref<16x128xf32, #tpu.memory_space<hbm>>
      %dma_wait3A_498 = arith.constant 0 : i32
      %dma_wait3A_499 = tpu.memref_slice %arg7[%arg0, %add3A_210, %dma_wait3A_498] : memref<2x10240x128xf32, #tpu.memory_space<hbm>> -> memref<1x16x128xf32, #tpu.memory_space<hbm>>
      %dma_wait3A_500 = tpu.memref_squeeze %dma_wait3A_499 : memref<1x16x128xf32, #tpu.memory_space<hbm>> -> memref<16x128xf32, #tpu.memory_space<hbm>>
      tpu.wait_dma2 semaphore(%run_scoped3A : memref<!tpu.dma_semaphore, #tpu.memory_space<semaphore_mem>>) src(%arg13 : memref<16x128xf32, #tpu.memory_space<vmem>>) dst(%dma_wait3A_500 : memref<16x128xf32, #tpu.memory_space<hbm>>)
      tpu.yield
    }) : () -> ()
    %mul3A_211 = arith.constant 640 : i32
    %mul3A_212 = arith.muli %arg1, %mul3A_211 : i32
    %add3A_213 = arith.constant 80 : i32
    %add3A_214 = arith.addi %mul3A_212, %add3A_213 : i32
    "tpu.region"() ({
      %run_scoped3A = tpu.sem_alloc : memref<!tpu.dma_semaphore, #tpu.memory_space<semaphore_mem>>
      %dma_start3A = arith.constant 0 : i32
      %dma_start3A_491 = tpu.memref_slice %arg14[%add3A_214, %dma_start3A] : memref<10240x128xf32, #tpu.memory_space<vmem_shared>> -> memref<16x128xf32, #tpu.memory_space<vmem_shared>>
      %dma_start3A_492 = arith.constant 0 : i32
      %dma_start3A_493 = tpu.memref_slice %arg14[%add3A_214, %dma_start3A_492] : memref<10240x128xf32, #tpu.memory_space<vmem_shared>> -> memref<16x128xf32, #tpu.memory_space<vmem_shared>>
      tpu.enqueue_dma source(%dma_start3A_493 : memref<16x128xf32, #tpu.memory_space<vmem_shared>>) target(%arg13 : memref<16x128xf32, #tpu.memory_space<vmem>>) target_semaphore(%run_scoped3A : memref<!tpu.dma_semaphore, #tpu.memory_space<semaphore_mem>>)
      %dma_wait3A = arith.constant 0 : i32
      %dma_wait3A_494 = tpu.memref_slice %arg14[%add3A_214, %dma_wait3A] : memref<10240x128xf32, #tpu.memory_space<vmem_shared>> -> memref<16x128xf32, #tpu.memory_space<vmem_shared>>
      %dma_wait3A_495 = arith.constant 0 : i32
      %dma_wait3A_496 = tpu.memref_slice %arg14[%add3A_214, %dma_wait3A_495] : memref<10240x128xf32, #tpu.memory_space<vmem_shared>> -> memref<16x128xf32, #tpu.memory_space<vmem_shared>>
      tpu.wait_dma2 semaphore(%run_scoped3A : memref<!tpu.dma_semaphore, #tpu.memory_space<semaphore_mem>>) src(%dma_wait3A_496 : memref<16x128xf32, #tpu.memory_space<vmem_shared>>) dst(%arg13 : memref<16x128xf32, #tpu.memory_space<vmem>>)
      tpu.yield
    }) : () -> ()
    %mul3A_215 = arith.constant 640 : i32
    %mul3A_216 = arith.muli %arg1, %mul3A_215 : i32
    %add3A_217 = arith.constant 80 : i32
    %add3A_218 = arith.addi %mul3A_216, %add3A_217 : i32
    "tpu.region"() ({
      %run_scoped3A = tpu.sem_alloc : memref<!tpu.dma_semaphore, #tpu.memory_space<semaphore_mem>>
      %dma_start3A = arith.constant 0 : i32
      %dma_start3A_491 = tpu.memref_slice %arg7[%arg0, %add3A_218, %dma_start3A] : memref<2x10240x128xf32, #tpu.memory_space<hbm>> -> memref<1x16x128xf32, #tpu.memory_space<hbm>>
      %dma_start3A_492 = tpu.memref_squeeze %dma_start3A_491 : memref<1x16x128xf32, #tpu.memory_space<hbm>> -> memref<16x128xf32, #tpu.memory_space<hbm>>
      %dma_start3A_493 = arith.constant 0 : i32
      %dma_start3A_494 = tpu.memref_slice %arg7[%arg0, %add3A_218, %dma_start3A_493] : memref<2x10240x128xf32, #tpu.memory_space<hbm>> -> memref<1x16x128xf32, #tpu.memory_space<hbm>>
      %dma_start3A_495 = tpu.memref_squeeze %dma_start3A_494 : memref<1x16x128xf32, #tpu.memory_space<hbm>> -> memref<16x128xf32, #tpu.memory_space<hbm>>
      tpu.enqueue_dma source(%arg13 : memref<16x128xf32, #tpu.memory_space<vmem>>) target(%dma_start3A_495 : memref<16x128xf32, #tpu.memory_space<hbm>>) target_semaphore(%run_scoped3A : memref<!tpu.dma_semaphore, #tpu.memory_space<semaphore_mem>>)
      %dma_wait3A = arith.constant 0 : i32
      %dma_wait3A_496 = tpu.memref_slice %arg7[%arg0, %add3A_218, %dma_wait3A] : memref<2x10240x128xf32, #tpu.memory_space<hbm>> -> memref<1x16x128xf32, #tpu.memory_space<hbm>>
      %dma_wait3A_497 = tpu.memref_squeeze %dma_wait3A_496 : memref<1x16x128xf32, #tpu.memory_space<hbm>> -> memref<16x128xf32, #tpu.memory_space<hbm>>
      %dma_wait3A_498 = arith.constant 0 : i32
      %dma_wait3A_499 = tpu.memref_slice %arg7[%arg0, %add3A_218, %dma_wait3A_498] : memref<2x10240x128xf32, #tpu.memory_space<hbm>> -> memref<1x16x128xf32, #tpu.memory_space<hbm>>
      %dma_wait3A_500 = tpu.memref_squeeze %dma_wait3A_499 : memref<1x16x128xf32, #tpu.memory_space<hbm>> -> memref<16x128xf32, #tpu.memory_space<hbm>>
      tpu.wait_dma2 semaphore(%run_scoped3A : memref<!tpu.dma_semaphore, #tpu.memory_space<semaphore_mem>>) src(%arg13 : memref<16x128xf32, #tpu.memory_space<vmem>>) dst(%dma_wait3A_500 : memref<16x128xf32, #tpu.memory_space<hbm>>)
      tpu.yield
    }) : () -> ()
    %mul3A_219 = arith.constant 640 : i32
    %mul3A_220 = arith.muli %arg1, %mul3A_219 : i32
    %add3A_221 = arith.constant 96 : i32
    %add3A_222 = arith.addi %mul3A_220, %add3A_221 : i32
    "tpu.region"() ({
      %run_scoped3A = tpu.sem_alloc : memref<!tpu.dma_semaphore, #tpu.memory_space<semaphore_mem>>
      %dma_start3A = arith.constant 0 : i32
      %dma_start3A_491 = tpu.memref_slice %arg14[%add3A_222, %dma_start3A] : memref<10240x128xf32, #tpu.memory_space<vmem_shared>> -> memref<16x128xf32, #tpu.memory_space<vmem_shared>>
      %dma_start3A_492 = arith.constant 0 : i32
      %dma_start3A_493 = tpu.memref_slice %arg14[%add3A_222, %dma_start3A_492] : memref<10240x128xf32, #tpu.memory_space<vmem_shared>> -> memref<16x128xf32, #tpu.memory_space<vmem_shared>>
      tpu.enqueue_dma source(%dma_start3A_493 : memref<16x128xf32, #tpu.memory_space<vmem_shared>>) target(%arg13 : memref<16x128xf32, #tpu.memory_space<vmem>>) target_semaphore(%run_scoped3A : memref<!tpu.dma_semaphore, #tpu.memory_space<semaphore_mem>>)
      %dma_wait3A = arith.constant 0 : i32
      %dma_wait3A_494 = tpu.memref_slice %arg14[%add3A_222, %dma_wait3A] : memref<10240x128xf32, #tpu.memory_space<vmem_shared>> -> memref<16x128xf32, #tpu.memory_space<vmem_shared>>
      %dma_wait3A_495 = arith.constant 0 : i32
      %dma_wait3A_496 = tpu.memref_slice %arg14[%add3A_222, %dma_wait3A_495] : memref<10240x128xf32, #tpu.memory_space<vmem_shared>> -> memref<16x128xf32, #tpu.memory_space<vmem_shared>>
      tpu.wait_dma2 semaphore(%run_scoped3A : memref<!tpu.dma_semaphore, #tpu.memory_space<semaphore_mem>>) src(%dma_wait3A_496 : memref<16x128xf32, #tpu.memory_space<vmem_shared>>) dst(%arg13 : memref<16x128xf32, #tpu.memory_space<vmem>>)
      tpu.yield
    }) : () -> ()
    %mul3A_223 = arith.constant 640 : i32
    %mul3A_224 = arith.muli %arg1, %mul3A_223 : i32
    %add3A_225 = arith.constant 96 : i32
    %add3A_226 = arith.addi %mul3A_224, %add3A_225 : i32
    "tpu.region"() ({
      %run_scoped3A = tpu.sem_alloc : memref<!tpu.dma_semaphore, #tpu.memory_space<semaphore_mem>>
      %dma_start3A = arith.constant 0 : i32
      %dma_start3A_491 = tpu.memref_slice %arg7[%arg0, %add3A_226, %dma_start3A] : memref<2x10240x128xf32, #tpu.memory_space<hbm>> -> memref<1x16x128xf32, #tpu.memory_space<hbm>>
      %dma_start3A_492 = tpu.memref_squeeze %dma_start3A_491 : memref<1x16x128xf32, #tpu.memory_space<hbm>> -> memref<16x128xf32, #tpu.memory_space<hbm>>
      %dma_start3A_493 = arith.constant 0 : i32
      %dma_start3A_494 = tpu.memref_slice %arg7[%arg0, %add3A_226, %dma_start3A_493] : memref<2x10240x128xf32, #tpu.memory_space<hbm>> -> memref<1x16x128xf32, #tpu.memory_space<hbm>>
      %dma_start3A_495 = tpu.memref_squeeze %dma_start3A_494 : memref<1x16x128xf32, #tpu.memory_space<hbm>> -> memref<16x128xf32, #tpu.memory_space<hbm>>
      tpu.enqueue_dma source(%arg13 : memref<16x128xf32, #tpu.memory_space<vmem>>) target(%dma_start3A_495 : memref<16x128xf32, #tpu.memory_space<hbm>>) target_semaphore(%run_scoped3A : memref<!tpu.dma_semaphore, #tpu.memory_space<semaphore_mem>>)
      %dma_wait3A = arith.constant 0 : i32
      %dma_wait3A_496 = tpu.memref_slice %arg7[%arg0, %add3A_226, %dma_wait3A] : memref<2x10240x128xf32, #tpu.memory_space<hbm>> -> memref<1x16x128xf32, #tpu.memory_space<hbm>>
      %dma_wait3A_497 = tpu.memref_squeeze %dma_wait3A_496 : memref<1x16x128xf32, #tpu.memory_space<hbm>> -> memref<16x128xf32, #tpu.memory_space<hbm>>
      %dma_wait3A_498 = arith.constant 0 : i32
      %dma_wait3A_499 = tpu.memref_slice %arg7[%arg0, %add3A_226, %dma_wait3A_498] : memref<2x10240x128xf32, #tpu.memory_space<hbm>> -> memref<1x16x128xf32, #tpu.memory_space<hbm>>
      %dma_wait3A_500 = tpu.memref_squeeze %dma_wait3A_499 : memref<1x16x128xf32, #tpu.memory_space<hbm>> -> memref<16x128xf32, #tpu.memory_space<hbm>>
      tpu.wait_dma2 semaphore(%run_scoped3A : memref<!tpu.dma_semaphore, #tpu.memory_space<semaphore_mem>>) src(%arg13 : memref<16x128xf32, #tpu.memory_space<vmem>>) dst(%dma_wait3A_500 : memref<16x128xf32, #tpu.memory_space<hbm>>)
      tpu.yield
    }) : () -> ()
    %mul3A_227 = arith.constant 640 : i32
    %mul3A_228 = arith.muli %arg1, %mul3A_227 : i32
    %add3A_229 = arith.constant 112 : i32
    %add3A_230 = arith.addi %mul3A_228, %add3A_229 : i32
    "tpu.region"() ({
      %run_scoped3A = tpu.sem_alloc : memref<!tpu.dma_semaphore, #tpu.memory_space<semaphore_mem>>
      %dma_start3A = arith.constant 0 : i32
      %dma_start3A_491 = tpu.memref_slice %arg14[%add3A_230, %dma_start3A] : memref<10240x128xf32, #tpu.memory_space<vmem_shared>> -> memref<16x128xf32, #tpu.memory_space<vmem_shared>>
      %dma_start3A_492 = arith.constant 0 : i32
      %dma_start3A_493 = tpu.memref_slice %arg14[%add3A_230, %dma_start3A_492] : memref<10240x128xf32, #tpu.memory_space<vmem_shared>> -> memref<16x128xf32, #tpu.memory_space<vmem_shared>>
      tpu.enqueue_dma source(%dma_start3A_493 : memref<16x128xf32, #tpu.memory_space<vmem_shared>>) target(%arg13 : memref<16x128xf32, #tpu.memory_space<vmem>>) target_semaphore(%run_scoped3A : memref<!tpu.dma_semaphore, #tpu.memory_space<semaphore_mem>>)
      %dma_wait3A = arith.constant 0 : i32
      %dma_wait3A_494 = tpu.memref_slice %arg14[%add3A_230, %dma_wait3A] : memref<10240x128xf32, #tpu.memory_space<vmem_shared>> -> memref<16x128xf32, #tpu.memory_space<vmem_shared>>
      %dma_wait3A_495 = arith.constant 0 : i32
      %dma_wait3A_496 = tpu.memref_slice %arg14[%add3A_230, %dma_wait3A_495] : memref<10240x128xf32, #tpu.memory_space<vmem_shared>> -> memref<16x128xf32, #tpu.memory_space<vmem_shared>>
      tpu.wait_dma2 semaphore(%run_scoped3A : memref<!tpu.dma_semaphore, #tpu.memory_space<semaphore_mem>>) src(%dma_wait3A_496 : memref<16x128xf32, #tpu.memory_space<vmem_shared>>) dst(%arg13 : memref<16x128xf32, #tpu.memory_space<vmem>>)
      tpu.yield
    }) : () -> ()
    %mul3A_231 = arith.constant 640 : i32
    %mul3A_232 = arith.muli %arg1, %mul3A_231 : i32
    %add3A_233 = arith.constant 112 : i32
    %add3A_234 = arith.addi %mul3A_232, %add3A_233 : i32
    "tpu.region"() ({
      %run_scoped3A = tpu.sem_alloc : memref<!tpu.dma_semaphore, #tpu.memory_space<semaphore_mem>>
      %dma_start3A = arith.constant 0 : i32
      %dma_start3A_491 = tpu.memref_slice %arg7[%arg0, %add3A_234, %dma_start3A] : memref<2x10240x128xf32, #tpu.memory_space<hbm>> -> memref<1x16x128xf32, #tpu.memory_space<hbm>>
      %dma_start3A_492 = tpu.memref_squeeze %dma_start3A_491 : memref<1x16x128xf32, #tpu.memory_space<hbm>> -> memref<16x128xf32, #tpu.memory_space<hbm>>
      %dma_start3A_493 = arith.constant 0 : i32
      %dma_start3A_494 = tpu.memref_slice %arg7[%arg0, %add3A_234, %dma_start3A_493] : memref<2x10240x128xf32, #tpu.memory_space<hbm>> -> memref<1x16x128xf32, #tpu.memory_space<hbm>>
      %dma_start3A_495 = tpu.memref_squeeze %dma_start3A_494 : memref<1x16x128xf32, #tpu.memory_space<hbm>> -> memref<16x128xf32, #tpu.memory_space<hbm>>
      tpu.enqueue_dma source(%arg13 : memref<16x128xf32, #tpu.memory_space<vmem>>) target(%dma_start3A_495 : memref<16x128xf32, #tpu.memory_space<hbm>>) target_semaphore(%run_scoped3A : memref<!tpu.dma_semaphore, #tpu.memory_space<semaphore_mem>>)
      %dma_wait3A = arith.constant 0 : i32
      %dma_wait3A_496 = tpu.memref_slice %arg7[%arg0, %add3A_234, %dma_wait3A] : memref<2x10240x128xf32, #tpu.memory_space<hbm>> -> memref<1x16x128xf32, #tpu.memory_space<hbm>>
      %dma_wait3A_497 = tpu.memref_squeeze %dma_wait3A_496 : memref<1x16x128xf32, #tpu.memory_space<hbm>> -> memref<16x128xf32, #tpu.memory_space<hbm>>
      %dma_wait3A_498 = arith.constant 0 : i32
      %dma_wait3A_499 = tpu.memref_slice %arg7[%arg0, %add3A_234, %dma_wait3A_498] : memref<2x10240x128xf32, #tpu.memory_space<hbm>> -> memref<1x16x128xf32, #tpu.memory_space<hbm>>
      %dma_wait3A_500 = tpu.memref_squeeze %dma_wait3A_499 : memref<1x16x128xf32, #tpu.memory_space<hbm>> -> memref<16x128xf32, #tpu.memory_space<hbm>>
      tpu.wait_dma2 semaphore(%run_scoped3A : memref<!tpu.dma_semaphore, #tpu.memory_space<semaphore_mem>>) src(%arg13 : memref<16x128xf32, #tpu.memory_space<vmem>>) dst(%dma_wait3A_500 : memref<16x128xf32, #tpu.memory_space<hbm>>)
      tpu.yield
    }) : () -> ()
    %mul3A_235 = arith.constant 640 : i32
    %mul3A_236 = arith.muli %arg1, %mul3A_235 : i32
    %add3A_237 = arith.constant 128 : i32
    %add3A_238 = arith.addi %mul3A_236, %add3A_237 : i32
    "tpu.region"() ({
      %run_scoped3A = tpu.sem_alloc : memref<!tpu.dma_semaphore, #tpu.memory_space<semaphore_mem>>
      %dma_start3A = arith.constant 0 : i32
      %dma_start3A_491 = tpu.memref_slice %arg14[%add3A_238, %dma_start3A] : memref<10240x128xf32, #tpu.memory_space<vmem_shared>> -> memref<16x128xf32, #tpu.memory_space<vmem_shared>>
      %dma_start3A_492 = arith.constant 0 : i32
      %dma_start3A_493 = tpu.memref_slice %arg14[%add3A_238, %dma_start3A_492] : memref<10240x128xf32, #tpu.memory_space<vmem_shared>> -> memref<16x128xf32, #tpu.memory_space<vmem_shared>>
      tpu.enqueue_dma source(%dma_start3A_493 : memref<16x128xf32, #tpu.memory_space<vmem_shared>>) target(%arg13 : memref<16x128xf32, #tpu.memory_space<vmem>>) target_semaphore(%run_scoped3A : memref<!tpu.dma_semaphore, #tpu.memory_space<semaphore_mem>>)
      %dma_wait3A = arith.constant 0 : i32
      %dma_wait3A_494 = tpu.memref_slice %arg14[%add3A_238, %dma_wait3A] : memref<10240x128xf32, #tpu.memory_space<vmem_shared>> -> memref<16x128xf32, #tpu.memory_space<vmem_shared>>
      %dma_wait3A_495 = arith.constant 0 : i32
      %dma_wait3A_496 = tpu.memref_slice %arg14[%add3A_238, %dma_wait3A_495] : memref<10240x128xf32, #tpu.memory_space<vmem_shared>> -> memref<16x128xf32, #tpu.memory_space<vmem_shared>>
      tpu.wait_dma2 semaphore(%run_scoped3A : memref<!tpu.dma_semaphore, #tpu.memory_space<semaphore_mem>>) src(%dma_wait3A_496 : memref<16x128xf32, #tpu.memory_space<vmem_shared>>) dst(%arg13 : memref<16x128xf32, #tpu.memory_space<vmem>>)
      tpu.yield
    }) : () -> ()
    %mul3A_239 = arith.constant 640 : i32
    %mul3A_240 = arith.muli %arg1, %mul3A_239 : i32
    %add3A_241 = arith.constant 128 : i32
    %add3A_242 = arith.addi %mul3A_240, %add3A_241 : i32
    "tpu.region"() ({
      %run_scoped3A = tpu.sem_alloc : memref<!tpu.dma_semaphore, #tpu.memory_space<semaphore_mem>>
      %dma_start3A = arith.constant 0 : i32
      %dma_start3A_491 = tpu.memref_slice %arg7[%arg0, %add3A_242, %dma_start3A] : memref<2x10240x128xf32, #tpu.memory_space<hbm>> -> memref<1x16x128xf32, #tpu.memory_space<hbm>>
      %dma_start3A_492 = tpu.memref_squeeze %dma_start3A_491 : memref<1x16x128xf32, #tpu.memory_space<hbm>> -> memref<16x128xf32, #tpu.memory_space<hbm>>
      %dma_start3A_493 = arith.constant 0 : i32
      %dma_start3A_494 = tpu.memref_slice %arg7[%arg0, %add3A_242, %dma_start3A_493] : memref<2x10240x128xf32, #tpu.memory_space<hbm>> -> memref<1x16x128xf32, #tpu.memory_space<hbm>>
      %dma_start3A_495 = tpu.memref_squeeze %dma_start3A_494 : memref<1x16x128xf32, #tpu.memory_space<hbm>> -> memref<16x128xf32, #tpu.memory_space<hbm>>
      tpu.enqueue_dma source(%arg13 : memref<16x128xf32, #tpu.memory_space<vmem>>) target(%dma_start3A_495 : memref<16x128xf32, #tpu.memory_space<hbm>>) target_semaphore(%run_scoped3A : memref<!tpu.dma_semaphore, #tpu.memory_space<semaphore_mem>>)
      %dma_wait3A = arith.constant 0 : i32
      %dma_wait3A_496 = tpu.memref_slice %arg7[%arg0, %add3A_242, %dma_wait3A] : memref<2x10240x128xf32, #tpu.memory_space<hbm>> -> memref<1x16x128xf32, #tpu.memory_space<hbm>>
      %dma_wait3A_497 = tpu.memref_squeeze %dma_wait3A_496 : memref<1x16x128xf32, #tpu.memory_space<hbm>> -> memref<16x128xf32, #tpu.memory_space<hbm>>
      %dma_wait3A_498 = arith.constant 0 : i32
      %dma_wait3A_499 = tpu.memref_slice %arg7[%arg0, %add3A_242, %dma_wait3A_498] : memref<2x10240x128xf32, #tpu.memory_space<hbm>> -> memref<1x16x128xf32, #tpu.memory_space<hbm>>
      %dma_wait3A_500 = tpu.memref_squeeze %dma_wait3A_499 : memref<1x16x128xf32, #tpu.memory_space<hbm>> -> memref<16x128xf32, #tpu.memory_space<hbm>>
      tpu.wait_dma2 semaphore(%run_scoped3A : memref<!tpu.dma_semaphore, #tpu.memory_space<semaphore_mem>>) src(%arg13 : memref<16x128xf32, #tpu.memory_space<vmem>>) dst(%dma_wait3A_500 : memref<16x128xf32, #tpu.memory_space<hbm>>)
      tpu.yield
    }) : () -> ()
    %mul3A_243 = arith.constant 640 : i32
    %mul3A_244 = arith.muli %arg1, %mul3A_243 : i32
    %add3A_245 = arith.constant 144 : i32
    %add3A_246 = arith.addi %mul3A_244, %add3A_245 : i32
    "tpu.region"() ({
      %run_scoped3A = tpu.sem_alloc : memref<!tpu.dma_semaphore, #tpu.memory_space<semaphore_mem>>
      %dma_start3A = arith.constant 0 : i32
      %dma_start3A_491 = tpu.memref_slice %arg14[%add3A_246, %dma_start3A] : memref<10240x128xf32, #tpu.memory_space<vmem_shared>> -> memref<16x128xf32, #tpu.memory_space<vmem_shared>>
      %dma_start3A_492 = arith.constant 0 : i32
      %dma_start3A_493 = tpu.memref_slice %arg14[%add3A_246, %dma_start3A_492] : memref<10240x128xf32, #tpu.memory_space<vmem_shared>> -> memref<16x128xf32, #tpu.memory_space<vmem_shared>>
      tpu.enqueue_dma source(%dma_start3A_493 : memref<16x128xf32, #tpu.memory_space<vmem_shared>>) target(%arg13 : memref<16x128xf32, #tpu.memory_space<vmem>>) target_semaphore(%run_scoped3A : memref<!tpu.dma_semaphore, #tpu.memory_space<semaphore_mem>>)
      %dma_wait3A = arith.constant 0 : i32
      %dma_wait3A_494 = tpu.memref_slice %arg14[%add3A_246, %dma_wait3A] : memref<10240x128xf32, #tpu.memory_space<vmem_shared>> -> memref<16x128xf32, #tpu.memory_space<vmem_shared>>
      %dma_wait3A_495 = arith.constant 0 : i32
      %dma_wait3A_496 = tpu.memref_slice %arg14[%add3A_246, %dma_wait3A_495] : memref<10240x128xf32, #tpu.memory_space<vmem_shared>> -> memref<16x128xf32, #tpu.memory_space<vmem_shared>>
      tpu.wait_dma2 semaphore(%run_scoped3A : memref<!tpu.dma_semaphore, #tpu.memory_space<semaphore_mem>>) src(%dma_wait3A_496 : memref<16x128xf32, #tpu.memory_space<vmem_shared>>) dst(%arg13 : memref<16x128xf32, #tpu.memory_space<vmem>>)
      tpu.yield
    }) : () -> ()
    %mul3A_247 = arith.constant 640 : i32
    %mul3A_248 = arith.muli %arg1, %mul3A_247 : i32
    %add3A_249 = arith.constant 144 : i32
    %add3A_250 = arith.addi %mul3A_248, %add3A_249 : i32
    "tpu.region"() ({
      %run_scoped3A = tpu.sem_alloc : memref<!tpu.dma_semaphore, #tpu.memory_space<semaphore_mem>>
      %dma_start3A = arith.constant 0 : i32
      %dma_start3A_491 = tpu.memref_slice %arg7[%arg0, %add3A_250, %dma_start3A] : memref<2x10240x128xf32, #tpu.memory_space<hbm>> -> memref<1x16x128xf32, #tpu.memory_space<hbm>>
      %dma_start3A_492 = tpu.memref_squeeze %dma_start3A_491 : memref<1x16x128xf32, #tpu.memory_space<hbm>> -> memref<16x128xf32, #tpu.memory_space<hbm>>
      %dma_start3A_493 = arith.constant 0 : i32
      %dma_start3A_494 = tpu.memref_slice %arg7[%arg0, %add3A_250, %dma_start3A_493] : memref<2x10240x128xf32, #tpu.memory_space<hbm>> -> memref<1x16x128xf32, #tpu.memory_space<hbm>>
      %dma_start3A_495 = tpu.memref_squeeze %dma_start3A_494 : memref<1x16x128xf32, #tpu.memory_space<hbm>> -> memref<16x128xf32, #tpu.memory_space<hbm>>
      tpu.enqueue_dma source(%arg13 : memref<16x128xf32, #tpu.memory_space<vmem>>) target(%dma_start3A_495 : memref<16x128xf32, #tpu.memory_space<hbm>>) target_semaphore(%run_scoped3A : memref<!tpu.dma_semaphore, #tpu.memory_space<semaphore_mem>>)
      %dma_wait3A = arith.constant 0 : i32
      %dma_wait3A_496 = tpu.memref_slice %arg7[%arg0, %add3A_250, %dma_wait3A] : memref<2x10240x128xf32, #tpu.memory_space<hbm>> -> memref<1x16x128xf32, #tpu.memory_space<hbm>>
      %dma_wait3A_497 = tpu.memref_squeeze %dma_wait3A_496 : memref<1x16x128xf32, #tpu.memory_space<hbm>> -> memref<16x128xf32, #tpu.memory_space<hbm>>
      %dma_wait3A_498 = arith.constant 0 : i32
      %dma_wait3A_499 = tpu.memref_slice %arg7[%arg0, %add3A_250, %dma_wait3A_498] : memref<2x10240x128xf32, #tpu.memory_space<hbm>> -> memref<1x16x128xf32, #tpu.memory_space<hbm>>
      %dma_wait3A_500 = tpu.memref_squeeze %dma_wait3A_499 : memref<1x16x128xf32, #tpu.memory_space<hbm>> -> memref<16x128xf32, #tpu.memory_space<hbm>>
      tpu.wait_dma2 semaphore(%run_scoped3A : memref<!tpu.dma_semaphore, #tpu.memory_space<semaphore_mem>>) src(%arg13 : memref<16x128xf32, #tpu.memory_space<vmem>>) dst(%dma_wait3A_500 : memref<16x128xf32, #tpu.memory_space<hbm>>)
      tpu.yield
    }) : () -> ()
    %mul3A_251 = arith.constant 640 : i32
    %mul3A_252 = arith.muli %arg1, %mul3A_251 : i32
    %add3A_253 = arith.constant 160 : i32
    %add3A_254 = arith.addi %mul3A_252, %add3A_253 : i32
    "tpu.region"() ({
      %run_scoped3A = tpu.sem_alloc : memref<!tpu.dma_semaphore, #tpu.memory_space<semaphore_mem>>
      %dma_start3A = arith.constant 0 : i32
      %dma_start3A_491 = tpu.memref_slice %arg14[%add3A_254, %dma_start3A] : memref<10240x128xf32, #tpu.memory_space<vmem_shared>> -> memref<16x128xf32, #tpu.memory_space<vmem_shared>>
      %dma_start3A_492 = arith.constant 0 : i32
      %dma_start3A_493 = tpu.memref_slice %arg14[%add3A_254, %dma_start3A_492] : memref<10240x128xf32, #tpu.memory_space<vmem_shared>> -> memref<16x128xf32, #tpu.memory_space<vmem_shared>>
      tpu.enqueue_dma source(%dma_start3A_493 : memref<16x128xf32, #tpu.memory_space<vmem_shared>>) target(%arg13 : memref<16x128xf32, #tpu.memory_space<vmem>>) target_semaphore(%run_scoped3A : memref<!tpu.dma_semaphore, #tpu.memory_space<semaphore_mem>>)
      %dma_wait3A = arith.constant 0 : i32
      %dma_wait3A_494 = tpu.memref_slice %arg14[%add3A_254, %dma_wait3A] : memref<10240x128xf32, #tpu.memory_space<vmem_shared>> -> memref<16x128xf32, #tpu.memory_space<vmem_shared>>
      %dma_wait3A_495 = arith.constant 0 : i32
      %dma_wait3A_496 = tpu.memref_slice %arg14[%add3A_254, %dma_wait3A_495] : memref<10240x128xf32, #tpu.memory_space<vmem_shared>> -> memref<16x128xf32, #tpu.memory_space<vmem_shared>>
      tpu.wait_dma2 semaphore(%run_scoped3A : memref<!tpu.dma_semaphore, #tpu.memory_space<semaphore_mem>>) src(%dma_wait3A_496 : memref<16x128xf32, #tpu.memory_space<vmem_shared>>) dst(%arg13 : memref<16x128xf32, #tpu.memory_space<vmem>>)
      tpu.yield
    }) : () -> ()
    %mul3A_255 = arith.constant 640 : i32
    %mul3A_256 = arith.muli %arg1, %mul3A_255 : i32
    %add3A_257 = arith.constant 160 : i32
    %add3A_258 = arith.addi %mul3A_256, %add3A_257 : i32
    "tpu.region"() ({
      %run_scoped3A = tpu.sem_alloc : memref<!tpu.dma_semaphore, #tpu.memory_space<semaphore_mem>>
      %dma_start3A = arith.constant 0 : i32
      %dma_start3A_491 = tpu.memref_slice %arg7[%arg0, %add3A_258, %dma_start3A] : memref<2x10240x128xf32, #tpu.memory_space<hbm>> -> memref<1x16x128xf32, #tpu.memory_space<hbm>>
      %dma_start3A_492 = tpu.memref_squeeze %dma_start3A_491 : memref<1x16x128xf32, #tpu.memory_space<hbm>> -> memref<16x128xf32, #tpu.memory_space<hbm>>
      %dma_start3A_493 = arith.constant 0 : i32
      %dma_start3A_494 = tpu.memref_slice %arg7[%arg0, %add3A_258, %dma_start3A_493] : memref<2x10240x128xf32, #tpu.memory_space<hbm>> -> memref<1x16x128xf32, #tpu.memory_space<hbm>>
      %dma_start3A_495 = tpu.memref_squeeze %dma_start3A_494 : memref<1x16x128xf32, #tpu.memory_space<hbm>> -> memref<16x128xf32, #tpu.memory_space<hbm>>
      tpu.enqueue_dma source(%arg13 : memref<16x128xf32, #tpu.memory_space<vmem>>) target(%dma_start3A_495 : memref<16x128xf32, #tpu.memory_space<hbm>>) target_semaphore(%run_scoped3A : memref<!tpu.dma_semaphore, #tpu.memory_space<semaphore_mem>>)
      %dma_wait3A = arith.constant 0 : i32
      %dma_wait3A_496 = tpu.memref_slice %arg7[%arg0, %add3A_258, %dma_wait3A] : memref<2x10240x128xf32, #tpu.memory_space<hbm>> -> memref<1x16x128xf32, #tpu.memory_space<hbm>>
      %dma_wait3A_497 = tpu.memref_squeeze %dma_wait3A_496 : memref<1x16x128xf32, #tpu.memory_space<hbm>> -> memref<16x128xf32, #tpu.memory_space<hbm>>
      %dma_wait3A_498 = arith.constant 0 : i32
      %dma_wait3A_499 = tpu.memref_slice %arg7[%arg0, %add3A_258, %dma_wait3A_498] : memref<2x10240x128xf32, #tpu.memory_space<hbm>> -> memref<1x16x128xf32, #tpu.memory_space<hbm>>
      %dma_wait3A_500 = tpu.memref_squeeze %dma_wait3A_499 : memref<1x16x128xf32, #tpu.memory_space<hbm>> -> memref<16x128xf32, #tpu.memory_space<hbm>>
      tpu.wait_dma2 semaphore(%run_scoped3A : memref<!tpu.dma_semaphore, #tpu.memory_space<semaphore_mem>>) src(%arg13 : memref<16x128xf32, #tpu.memory_space<vmem>>) dst(%dma_wait3A_500 : memref<16x128xf32, #tpu.memory_space<hbm>>)
      tpu.yield
    }) : () -> ()
    %mul3A_259 = arith.constant 640 : i32
    %mul3A_260 = arith.muli %arg1, %mul3A_259 : i32
    %add3A_261 = arith.constant 176 : i32
    %add3A_262 = arith.addi %mul3A_260, %add3A_261 : i32
    "tpu.region"() ({
      %run_scoped3A = tpu.sem_alloc : memref<!tpu.dma_semaphore, #tpu.memory_space<semaphore_mem>>
      %dma_start3A = arith.constant 0 : i32
      %dma_start3A_491 = tpu.memref_slice %arg14[%add3A_262, %dma_start3A] : memref<10240x128xf32, #tpu.memory_space<vmem_shared>> -> memref<16x128xf32, #tpu.memory_space<vmem_shared>>
      %dma_start3A_492 = arith.constant 0 : i32
      %dma_start3A_493 = tpu.memref_slice %arg14[%add3A_262, %dma_start3A_492] : memref<10240x128xf32, #tpu.memory_space<vmem_shared>> -> memref<16x128xf32, #tpu.memory_space<vmem_shared>>
      tpu.enqueue_dma source(%dma_start3A_493 : memref<16x128xf32, #tpu.memory_space<vmem_shared>>) target(%arg13 : memref<16x128xf32, #tpu.memory_space<vmem>>) target_semaphore(%run_scoped3A : memref<!tpu.dma_semaphore, #tpu.memory_space<semaphore_mem>>)
      %dma_wait3A = arith.constant 0 : i32
      %dma_wait3A_494 = tpu.memref_slice %arg14[%add3A_262, %dma_wait3A] : memref<10240x128xf32, #tpu.memory_space<vmem_shared>> -> memref<16x128xf32, #tpu.memory_space<vmem_shared>>
      %dma_wait3A_495 = arith.constant 0 : i32
      %dma_wait3A_496 = tpu.memref_slice %arg14[%add3A_262, %dma_wait3A_495] : memref<10240x128xf32, #tpu.memory_space<vmem_shared>> -> memref<16x128xf32, #tpu.memory_space<vmem_shared>>
      tpu.wait_dma2 semaphore(%run_scoped3A : memref<!tpu.dma_semaphore, #tpu.memory_space<semaphore_mem>>) src(%dma_wait3A_496 : memref<16x128xf32, #tpu.memory_space<vmem_shared>>) dst(%arg13 : memref<16x128xf32, #tpu.memory_space<vmem>>)
      tpu.yield
    }) : () -> ()
    %mul3A_263 = arith.constant 640 : i32
    %mul3A_264 = arith.muli %arg1, %mul3A_263 : i32
    %add3A_265 = arith.constant 176 : i32
    %add3A_266 = arith.addi %mul3A_264, %add3A_265 : i32
    "tpu.region"() ({
      %run_scoped3A = tpu.sem_alloc : memref<!tpu.dma_semaphore, #tpu.memory_space<semaphore_mem>>
      %dma_start3A = arith.constant 0 : i32
      %dma_start3A_491 = tpu.memref_slice %arg7[%arg0, %add3A_266, %dma_start3A] : memref<2x10240x128xf32, #tpu.memory_space<hbm>> -> memref<1x16x128xf32, #tpu.memory_space<hbm>>
      %dma_start3A_492 = tpu.memref_squeeze %dma_start3A_491 : memref<1x16x128xf32, #tpu.memory_space<hbm>> -> memref<16x128xf32, #tpu.memory_space<hbm>>
      %dma_start3A_493 = arith.constant 0 : i32
      %dma_start3A_494 = tpu.memref_slice %arg7[%arg0, %add3A_266, %dma_start3A_493] : memref<2x10240x128xf32, #tpu.memory_space<hbm>> -> memref<1x16x128xf32, #tpu.memory_space<hbm>>
      %dma_start3A_495 = tpu.memref_squeeze %dma_start3A_494 : memref<1x16x128xf32, #tpu.memory_space<hbm>> -> memref<16x128xf32, #tpu.memory_space<hbm>>
      tpu.enqueue_dma source(%arg13 : memref<16x128xf32, #tpu.memory_space<vmem>>) target(%dma_start3A_495 : memref<16x128xf32, #tpu.memory_space<hbm>>) target_semaphore(%run_scoped3A : memref<!tpu.dma_semaphore, #tpu.memory_space<semaphore_mem>>)
      %dma_wait3A = arith.constant 0 : i32
      %dma_wait3A_496 = tpu.memref_slice %arg7[%arg0, %add3A_266, %dma_wait3A] : memref<2x10240x128xf32, #tpu.memory_space<hbm>> -> memref<1x16x128xf32, #tpu.memory_space<hbm>>
      %dma_wait3A_497 = tpu.memref_squeeze %dma_wait3A_496 : memref<1x16x128xf32, #tpu.memory_space<hbm>> -> memref<16x128xf32, #tpu.memory_space<hbm>>
      %dma_wait3A_498 = arith.constant 0 : i32
      %dma_wait3A_499 = tpu.memref_slice %arg7[%arg0, %add3A_266, %dma_wait3A_498] : memref<2x10240x128xf32, #tpu.memory_space<hbm>> -> memref<1x16x128xf32, #tpu.memory_space<hbm>>
      %dma_wait3A_500 = tpu.memref_squeeze %dma_wait3A_499 : memref<1x16x128xf32, #tpu.memory_space<hbm>> -> memref<16x128xf32, #tpu.memory_space<hbm>>
      tpu.wait_dma2 semaphore(%run_scoped3A : memref<!tpu.dma_semaphore, #tpu.memory_space<semaphore_mem>>) src(%arg13 : memref<16x128xf32, #tpu.memory_space<vmem>>) dst(%dma_wait3A_500 : memref<16x128xf32, #tpu.memory_space<hbm>>)
      tpu.yield
    }) : () -> ()
    %mul3A_267 = arith.constant 640 : i32
    %mul3A_268 = arith.muli %arg1, %mul3A_267 : i32
    %add3A_269 = arith.constant 192 : i32
    %add3A_270 = arith.addi %mul3A_268, %add3A_269 : i32
    "tpu.region"() ({
      %run_scoped3A = tpu.sem_alloc : memref<!tpu.dma_semaphore, #tpu.memory_space<semaphore_mem>>
      %dma_start3A = arith.constant 0 : i32
      %dma_start3A_491 = tpu.memref_slice %arg14[%add3A_270, %dma_start3A] : memref<10240x128xf32, #tpu.memory_space<vmem_shared>> -> memref<16x128xf32, #tpu.memory_space<vmem_shared>>
      %dma_start3A_492 = arith.constant 0 : i32
      %dma_start3A_493 = tpu.memref_slice %arg14[%add3A_270, %dma_start3A_492] : memref<10240x128xf32, #tpu.memory_space<vmem_shared>> -> memref<16x128xf32, #tpu.memory_space<vmem_shared>>
      tpu.enqueue_dma source(%dma_start3A_493 : memref<16x128xf32, #tpu.memory_space<vmem_shared>>) target(%arg13 : memref<16x128xf32, #tpu.memory_space<vmem>>) target_semaphore(%run_scoped3A : memref<!tpu.dma_semaphore, #tpu.memory_space<semaphore_mem>>)
      %dma_wait3A = arith.constant 0 : i32
      %dma_wait3A_494 = tpu.memref_slice %arg14[%add3A_270, %dma_wait3A] : memref<10240x128xf32, #tpu.memory_space<vmem_shared>> -> memref<16x128xf32, #tpu.memory_space<vmem_shared>>
      %dma_wait3A_495 = arith.constant 0 : i32
      %dma_wait3A_496 = tpu.memref_slice %arg14[%add3A_270, %dma_wait3A_495] : memref<10240x128xf32, #tpu.memory_space<vmem_shared>> -> memref<16x128xf32, #tpu.memory_space<vmem_shared>>
      tpu.wait_dma2 semaphore(%run_scoped3A : memref<!tpu.dma_semaphore, #tpu.memory_space<semaphore_mem>>) src(%dma_wait3A_496 : memref<16x128xf32, #tpu.memory_space<vmem_shared>>) dst(%arg13 : memref<16x128xf32, #tpu.memory_space<vmem>>)
      tpu.yield
    }) : () -> ()
    %mul3A_271 = arith.constant 640 : i32
    %mul3A_272 = arith.muli %arg1, %mul3A_271 : i32
    %add3A_273 = arith.constant 192 : i32
    %add3A_274 = arith.addi %mul3A_272, %add3A_273 : i32
    "tpu.region"() ({
      %run_scoped3A = tpu.sem_alloc : memref<!tpu.dma_semaphore, #tpu.memory_space<semaphore_mem>>
      %dma_start3A = arith.constant 0 : i32
      %dma_start3A_491 = tpu.memref_slice %arg7[%arg0, %add3A_274, %dma_start3A] : memref<2x10240x128xf32, #tpu.memory_space<hbm>> -> memref<1x16x128xf32, #tpu.memory_space<hbm>>
      %dma_start3A_492 = tpu.memref_squeeze %dma_start3A_491 : memref<1x16x128xf32, #tpu.memory_space<hbm>> -> memref<16x128xf32, #tpu.memory_space<hbm>>
      %dma_start3A_493 = arith.constant 0 : i32
      %dma_start3A_494 = tpu.memref_slice %arg7[%arg0, %add3A_274, %dma_start3A_493] : memref<2x10240x128xf32, #tpu.memory_space<hbm>> -> memref<1x16x128xf32, #tpu.memory_space<hbm>>
      %dma_start3A_495 = tpu.memref_squeeze %dma_start3A_494 : memref<1x16x128xf32, #tpu.memory_space<hbm>> -> memref<16x128xf32, #tpu.memory_space<hbm>>
      tpu.enqueue_dma source(%arg13 : memref<16x128xf32, #tpu.memory_space<vmem>>) target(%dma_start3A_495 : memref<16x128xf32, #tpu.memory_space<hbm>>) target_semaphore(%run_scoped3A : memref<!tpu.dma_semaphore, #tpu.memory_space<semaphore_mem>>)
      %dma_wait3A = arith.constant 0 : i32
      %dma_wait3A_496 = tpu.memref_slice %arg7[%arg0, %add3A_274, %dma_wait3A] : memref<2x10240x128xf32, #tpu.memory_space<hbm>> -> memref<1x16x128xf32, #tpu.memory_space<hbm>>
      %dma_wait3A_497 = tpu.memref_squeeze %dma_wait3A_496 : memref<1x16x128xf32, #tpu.memory_space<hbm>> -> memref<16x128xf32, #tpu.memory_space<hbm>>
      %dma_wait3A_498 = arith.constant 0 : i32
      %dma_wait3A_499 = tpu.memref_slice %arg7[%arg0, %add3A_274, %dma_wait3A_498] : memref<2x10240x128xf32, #tpu.memory_space<hbm>> -> memref<1x16x128xf32, #tpu.memory_space<hbm>>
      %dma_wait3A_500 = tpu.memref_squeeze %dma_wait3A_499 : memref<1x16x128xf32, #tpu.memory_space<hbm>> -> memref<16x128xf32, #tpu.memory_space<hbm>>
      tpu.wait_dma2 semaphore(%run_scoped3A : memref<!tpu.dma_semaphore, #tpu.memory_space<semaphore_mem>>) src(%arg13 : memref<16x128xf32, #tpu.memory_space<vmem>>) dst(%dma_wait3A_500 : memref<16x128xf32, #tpu.memory_space<hbm>>)
      tpu.yield
    }) : () -> ()
    %mul3A_275 = arith.constant 640 : i32
    %mul3A_276 = arith.muli %arg1, %mul3A_275 : i32
    %add3A_277 = arith.constant 208 : i32
    %add3A_278 = arith.addi %mul3A_276, %add3A_277 : i32
    "tpu.region"() ({
      %run_scoped3A = tpu.sem_alloc : memref<!tpu.dma_semaphore, #tpu.memory_space<semaphore_mem>>
      %dma_start3A = arith.constant 0 : i32
      %dma_start3A_491 = tpu.memref_slice %arg14[%add3A_278, %dma_start3A] : memref<10240x128xf32, #tpu.memory_space<vmem_shared>> -> memref<16x128xf32, #tpu.memory_space<vmem_shared>>
      %dma_start3A_492 = arith.constant 0 : i32
      %dma_start3A_493 = tpu.memref_slice %arg14[%add3A_278, %dma_start3A_492] : memref<10240x128xf32, #tpu.memory_space<vmem_shared>> -> memref<16x128xf32, #tpu.memory_space<vmem_shared>>
      tpu.enqueue_dma source(%dma_start3A_493 : memref<16x128xf32, #tpu.memory_space<vmem_shared>>) target(%arg13 : memref<16x128xf32, #tpu.memory_space<vmem>>) target_semaphore(%run_scoped3A : memref<!tpu.dma_semaphore, #tpu.memory_space<semaphore_mem>>)
      %dma_wait3A = arith.constant 0 : i32
      %dma_wait3A_494 = tpu.memref_slice %arg14[%add3A_278, %dma_wait3A] : memref<10240x128xf32, #tpu.memory_space<vmem_shared>> -> memref<16x128xf32, #tpu.memory_space<vmem_shared>>
      %dma_wait3A_495 = arith.constant 0 : i32
      %dma_wait3A_496 = tpu.memref_slice %arg14[%add3A_278, %dma_wait3A_495] : memref<10240x128xf32, #tpu.memory_space<vmem_shared>> -> memref<16x128xf32, #tpu.memory_space<vmem_shared>>
      tpu.wait_dma2 semaphore(%run_scoped3A : memref<!tpu.dma_semaphore, #tpu.memory_space<semaphore_mem>>) src(%dma_wait3A_496 : memref<16x128xf32, #tpu.memory_space<vmem_shared>>) dst(%arg13 : memref<16x128xf32, #tpu.memory_space<vmem>>)
      tpu.yield
    }) : () -> ()
    %mul3A_279 = arith.constant 640 : i32
    %mul3A_280 = arith.muli %arg1, %mul3A_279 : i32
    %add3A_281 = arith.constant 208 : i32
    %add3A_282 = arith.addi %mul3A_280, %add3A_281 : i32
    "tpu.region"() ({
      %run_scoped3A = tpu.sem_alloc : memref<!tpu.dma_semaphore, #tpu.memory_space<semaphore_mem>>
      %dma_start3A = arith.constant 0 : i32
      %dma_start3A_491 = tpu.memref_slice %arg7[%arg0, %add3A_282, %dma_start3A] : memref<2x10240x128xf32, #tpu.memory_space<hbm>> -> memref<1x16x128xf32, #tpu.memory_space<hbm>>
      %dma_start3A_492 = tpu.memref_squeeze %dma_start3A_491 : memref<1x16x128xf32, #tpu.memory_space<hbm>> -> memref<16x128xf32, #tpu.memory_space<hbm>>
      %dma_start3A_493 = arith.constant 0 : i32
      %dma_start3A_494 = tpu.memref_slice %arg7[%arg0, %add3A_282, %dma_start3A_493] : memref<2x10240x128xf32, #tpu.memory_space<hbm>> -> memref<1x16x128xf32, #tpu.memory_space<hbm>>
      %dma_start3A_495 = tpu.memref_squeeze %dma_start3A_494 : memref<1x16x128xf32, #tpu.memory_space<hbm>> -> memref<16x128xf32, #tpu.memory_space<hbm>>
      tpu.enqueue_dma source(%arg13 : memref<16x128xf32, #tpu.memory_space<vmem>>) target(%dma_start3A_495 : memref<16x128xf32, #tpu.memory_space<hbm>>) target_semaphore(%run_scoped3A : memref<!tpu.dma_semaphore, #tpu.memory_space<semaphore_mem>>)
      %dma_wait3A = arith.constant 0 : i32
      %dma_wait3A_496 = tpu.memref_slice %arg7[%arg0, %add3A_282, %dma_wait3A] : memref<2x10240x128xf32, #tpu.memory_space<hbm>> -> memref<1x16x128xf32, #tpu.memory_space<hbm>>
      %dma_wait3A_497 = tpu.memref_squeeze %dma_wait3A_496 : memref<1x16x128xf32, #tpu.memory_space<hbm>> -> memref<16x128xf32, #tpu.memory_space<hbm>>
      %dma_wait3A_498 = arith.constant 0 : i32
      %dma_wait3A_499 = tpu.memref_slice %arg7[%arg0, %add3A_282, %dma_wait3A_498] : memref<2x10240x128xf32, #tpu.memory_space<hbm>> -> memref<1x16x128xf32, #tpu.memory_space<hbm>>
      %dma_wait3A_500 = tpu.memref_squeeze %dma_wait3A_499 : memref<1x16x128xf32, #tpu.memory_space<hbm>> -> memref<16x128xf32, #tpu.memory_space<hbm>>
      tpu.wait_dma2 semaphore(%run_scoped3A : memref<!tpu.dma_semaphore, #tpu.memory_space<semaphore_mem>>) src(%arg13 : memref<16x128xf32, #tpu.memory_space<vmem>>) dst(%dma_wait3A_500 : memref<16x128xf32, #tpu.memory_space<hbm>>)
      tpu.yield
    }) : () -> ()
    %mul3A_283 = arith.constant 640 : i32
    %mul3A_284 = arith.muli %arg1, %mul3A_283 : i32
    %add3A_285 = arith.constant 224 : i32
    %add3A_286 = arith.addi %mul3A_284, %add3A_285 : i32
    "tpu.region"() ({
      %run_scoped3A = tpu.sem_alloc : memref<!tpu.dma_semaphore, #tpu.memory_space<semaphore_mem>>
      %dma_start3A = arith.constant 0 : i32
      %dma_start3A_491 = tpu.memref_slice %arg14[%add3A_286, %dma_start3A] : memref<10240x128xf32, #tpu.memory_space<vmem_shared>> -> memref<16x128xf32, #tpu.memory_space<vmem_shared>>
      %dma_start3A_492 = arith.constant 0 : i32
      %dma_start3A_493 = tpu.memref_slice %arg14[%add3A_286, %dma_start3A_492] : memref<10240x128xf32, #tpu.memory_space<vmem_shared>> -> memref<16x128xf32, #tpu.memory_space<vmem_shared>>
      tpu.enqueue_dma source(%dma_start3A_493 : memref<16x128xf32, #tpu.memory_space<vmem_shared>>) target(%arg13 : memref<16x128xf32, #tpu.memory_space<vmem>>) target_semaphore(%run_scoped3A : memref<!tpu.dma_semaphore, #tpu.memory_space<semaphore_mem>>)
      %dma_wait3A = arith.constant 0 : i32
      %dma_wait3A_494 = tpu.memref_slice %arg14[%add3A_286, %dma_wait3A] : memref<10240x128xf32, #tpu.memory_space<vmem_shared>> -> memref<16x128xf32, #tpu.memory_space<vmem_shared>>
      %dma_wait3A_495 = arith.constant 0 : i32
      %dma_wait3A_496 = tpu.memref_slice %arg14[%add3A_286, %dma_wait3A_495] : memref<10240x128xf32, #tpu.memory_space<vmem_shared>> -> memref<16x128xf32, #tpu.memory_space<vmem_shared>>
      tpu.wait_dma2 semaphore(%run_scoped3A : memref<!tpu.dma_semaphore, #tpu.memory_space<semaphore_mem>>) src(%dma_wait3A_496 : memref<16x128xf32, #tpu.memory_space<vmem_shared>>) dst(%arg13 : memref<16x128xf32, #tpu.memory_space<vmem>>)
      tpu.yield
    }) : () -> ()
    %mul3A_287 = arith.constant 640 : i32
    %mul3A_288 = arith.muli %arg1, %mul3A_287 : i32
    %add3A_289 = arith.constant 224 : i32
    %add3A_290 = arith.addi %mul3A_288, %add3A_289 : i32
    "tpu.region"() ({
      %run_scoped3A = tpu.sem_alloc : memref<!tpu.dma_semaphore, #tpu.memory_space<semaphore_mem>>
      %dma_start3A = arith.constant 0 : i32
      %dma_start3A_491 = tpu.memref_slice %arg7[%arg0, %add3A_290, %dma_start3A] : memref<2x10240x128xf32, #tpu.memory_space<hbm>> -> memref<1x16x128xf32, #tpu.memory_space<hbm>>
      %dma_start3A_492 = tpu.memref_squeeze %dma_start3A_491 : memref<1x16x128xf32, #tpu.memory_space<hbm>> -> memref<16x128xf32, #tpu.memory_space<hbm>>
      %dma_start3A_493 = arith.constant 0 : i32
      %dma_start3A_494 = tpu.memref_slice %arg7[%arg0, %add3A_290, %dma_start3A_493] : memref<2x10240x128xf32, #tpu.memory_space<hbm>> -> memref<1x16x128xf32, #tpu.memory_space<hbm>>
      %dma_start3A_495 = tpu.memref_squeeze %dma_start3A_494 : memref<1x16x128xf32, #tpu.memory_space<hbm>> -> memref<16x128xf32, #tpu.memory_space<hbm>>
      tpu.enqueue_dma source(%arg13 : memref<16x128xf32, #tpu.memory_space<vmem>>) target(%dma_start3A_495 : memref<16x128xf32, #tpu.memory_space<hbm>>) target_semaphore(%run_scoped3A : memref<!tpu.dma_semaphore, #tpu.memory_space<semaphore_mem>>)
      %dma_wait3A = arith.constant 0 : i32
      %dma_wait3A_496 = tpu.memref_slice %arg7[%arg0, %add3A_290, %dma_wait3A] : memref<2x10240x128xf32, #tpu.memory_space<hbm>> -> memref<1x16x128xf32, #tpu.memory_space<hbm>>
      %dma_wait3A_497 = tpu.memref_squeeze %dma_wait3A_496 : memref<1x16x128xf32, #tpu.memory_space<hbm>> -> memref<16x128xf32, #tpu.memory_space<hbm>>
      %dma_wait3A_498 = arith.constant 0 : i32
      %dma_wait3A_499 = tpu.memref_slice %arg7[%arg0, %add3A_290, %dma_wait3A_498] : memref<2x10240x128xf32, #tpu.memory_space<hbm>> -> memref<1x16x128xf32, #tpu.memory_space<hbm>>
      %dma_wait3A_500 = tpu.memref_squeeze %dma_wait3A_499 : memref<1x16x128xf32, #tpu.memory_space<hbm>> -> memref<16x128xf32, #tpu.memory_space<hbm>>
      tpu.wait_dma2 semaphore(%run_scoped3A : memref<!tpu.dma_semaphore, #tpu.memory_space<semaphore_mem>>) src(%arg13 : memref<16x128xf32, #tpu.memory_space<vmem>>) dst(%dma_wait3A_500 : memref<16x128xf32, #tpu.memory_space<hbm>>)
      tpu.yield
    }) : () -> ()
    %mul3A_291 = arith.constant 640 : i32
    %mul3A_292 = arith.muli %arg1, %mul3A_291 : i32
    %add3A_293 = arith.constant 240 : i32
    %add3A_294 = arith.addi %mul3A_292, %add3A_293 : i32
    "tpu.region"() ({
      %run_scoped3A = tpu.sem_alloc : memref<!tpu.dma_semaphore, #tpu.memory_space<semaphore_mem>>
      %dma_start3A = arith.constant 0 : i32
      %dma_start3A_491 = tpu.memref_slice %arg14[%add3A_294, %dma_start3A] : memref<10240x128xf32, #tpu.memory_space<vmem_shared>> -> memref<16x128xf32, #tpu.memory_space<vmem_shared>>
      %dma_start3A_492 = arith.constant 0 : i32
      %dma_start3A_493 = tpu.memref_slice %arg14[%add3A_294, %dma_start3A_492] : memref<10240x128xf32, #tpu.memory_space<vmem_shared>> -> memref<16x128xf32, #tpu.memory_space<vmem_shared>>
      tpu.enqueue_dma source(%dma_start3A_493 : memref<16x128xf32, #tpu.memory_space<vmem_shared>>) target(%arg13 : memref<16x128xf32, #tpu.memory_space<vmem>>) target_semaphore(%run_scoped3A : memref<!tpu.dma_semaphore, #tpu.memory_space<semaphore_mem>>)
      %dma_wait3A = arith.constant 0 : i32
      %dma_wait3A_494 = tpu.memref_slice %arg14[%add3A_294, %dma_wait3A] : memref<10240x128xf32, #tpu.memory_space<vmem_shared>> -> memref<16x128xf32, #tpu.memory_space<vmem_shared>>
      %dma_wait3A_495 = arith.constant 0 : i32
      %dma_wait3A_496 = tpu.memref_slice %arg14[%add3A_294, %dma_wait3A_495] : memref<10240x128xf32, #tpu.memory_space<vmem_shared>> -> memref<16x128xf32, #tpu.memory_space<vmem_shared>>
      tpu.wait_dma2 semaphore(%run_scoped3A : memref<!tpu.dma_semaphore, #tpu.memory_space<semaphore_mem>>) src(%dma_wait3A_496 : memref<16x128xf32, #tpu.memory_space<vmem_shared>>) dst(%arg13 : memref<16x128xf32, #tpu.memory_space<vmem>>)
      tpu.yield
    }) : () -> ()
    %mul3A_295 = arith.constant 640 : i32
    %mul3A_296 = arith.muli %arg1, %mul3A_295 : i32
    %add3A_297 = arith.constant 240 : i32
    %add3A_298 = arith.addi %mul3A_296, %add3A_297 : i32
    "tpu.region"() ({
      %run_scoped3A = tpu.sem_alloc : memref<!tpu.dma_semaphore, #tpu.memory_space<semaphore_mem>>
      %dma_start3A = arith.constant 0 : i32
      %dma_start3A_491 = tpu.memref_slice %arg7[%arg0, %add3A_298, %dma_start3A] : memref<2x10240x128xf32, #tpu.memory_space<hbm>> -> memref<1x16x128xf32, #tpu.memory_space<hbm>>
      %dma_start3A_492 = tpu.memref_squeeze %dma_start3A_491 : memref<1x16x128xf32, #tpu.memory_space<hbm>> -> memref<16x128xf32, #tpu.memory_space<hbm>>
      %dma_start3A_493 = arith.constant 0 : i32
      %dma_start3A_494 = tpu.memref_slice %arg7[%arg0, %add3A_298, %dma_start3A_493] : memref<2x10240x128xf32, #tpu.memory_space<hbm>> -> memref<1x16x128xf32, #tpu.memory_space<hbm>>
      %dma_start3A_495 = tpu.memref_squeeze %dma_start3A_494 : memref<1x16x128xf32, #tpu.memory_space<hbm>> -> memref<16x128xf32, #tpu.memory_space<hbm>>
      tpu.enqueue_dma source(%arg13 : memref<16x128xf32, #tpu.memory_space<vmem>>) target(%dma_start3A_495 : memref<16x128xf32, #tpu.memory_space<hbm>>) target_semaphore(%run_scoped3A : memref<!tpu.dma_semaphore, #tpu.memory_space<semaphore_mem>>)
      %dma_wait3A = arith.constant 0 : i32
      %dma_wait3A_496 = tpu.memref_slice %arg7[%arg0, %add3A_298, %dma_wait3A] : memref<2x10240x128xf32, #tpu.memory_space<hbm>> -> memref<1x16x128xf32, #tpu.memory_space<hbm>>
      %dma_wait3A_497 = tpu.memref_squeeze %dma_wait3A_496 : memref<1x16x128xf32, #tpu.memory_space<hbm>> -> memref<16x128xf32, #tpu.memory_space<hbm>>
      %dma_wait3A_498 = arith.constant 0 : i32
      %dma_wait3A_499 = tpu.memref_slice %arg7[%arg0, %add3A_298, %dma_wait3A_498] : memref<2x10240x128xf32, #tpu.memory_space<hbm>> -> memref<1x16x128xf32, #tpu.memory_space<hbm>>
      %dma_wait3A_500 = tpu.memref_squeeze %dma_wait3A_499 : memref<1x16x128xf32, #tpu.memory_space<hbm>> -> memref<16x128xf32, #tpu.memory_space<hbm>>
      tpu.wait_dma2 semaphore(%run_scoped3A : memref<!tpu.dma_semaphore, #tpu.memory_space<semaphore_mem>>) src(%arg13 : memref<16x128xf32, #tpu.memory_space<vmem>>) dst(%dma_wait3A_500 : memref<16x128xf32, #tpu.memory_space<hbm>>)
      tpu.yield
    }) : () -> ()
    %mul3A_299 = arith.constant 640 : i32
    %mul3A_300 = arith.muli %arg1, %mul3A_299 : i32
    %add3A_301 = arith.constant 256 : i32
    %add3A_302 = arith.addi %mul3A_300, %add3A_301 : i32
    "tpu.region"() ({
      %run_scoped3A = tpu.sem_alloc : memref<!tpu.dma_semaphore, #tpu.memory_space<semaphore_mem>>
      %dma_start3A = arith.constant 0 : i32
      %dma_start3A_491 = tpu.memref_slice %arg14[%add3A_302, %dma_start3A] : memref<10240x128xf32, #tpu.memory_space<vmem_shared>> -> memref<16x128xf32, #tpu.memory_space<vmem_shared>>
      %dma_start3A_492 = arith.constant 0 : i32
      %dma_start3A_493 = tpu.memref_slice %arg14[%add3A_302, %dma_start3A_492] : memref<10240x128xf32, #tpu.memory_space<vmem_shared>> -> memref<16x128xf32, #tpu.memory_space<vmem_shared>>
      tpu.enqueue_dma source(%dma_start3A_493 : memref<16x128xf32, #tpu.memory_space<vmem_shared>>) target(%arg13 : memref<16x128xf32, #tpu.memory_space<vmem>>) target_semaphore(%run_scoped3A : memref<!tpu.dma_semaphore, #tpu.memory_space<semaphore_mem>>)
      %dma_wait3A = arith.constant 0 : i32
      %dma_wait3A_494 = tpu.memref_slice %arg14[%add3A_302, %dma_wait3A] : memref<10240x128xf32, #tpu.memory_space<vmem_shared>> -> memref<16x128xf32, #tpu.memory_space<vmem_shared>>
      %dma_wait3A_495 = arith.constant 0 : i32
      %dma_wait3A_496 = tpu.memref_slice %arg14[%add3A_302, %dma_wait3A_495] : memref<10240x128xf32, #tpu.memory_space<vmem_shared>> -> memref<16x128xf32, #tpu.memory_space<vmem_shared>>
      tpu.wait_dma2 semaphore(%run_scoped3A : memref<!tpu.dma_semaphore, #tpu.memory_space<semaphore_mem>>) src(%dma_wait3A_496 : memref<16x128xf32, #tpu.memory_space<vmem_shared>>) dst(%arg13 : memref<16x128xf32, #tpu.memory_space<vmem>>)
      tpu.yield
    }) : () -> ()
    %mul3A_303 = arith.constant 640 : i32
    %mul3A_304 = arith.muli %arg1, %mul3A_303 : i32
    %add3A_305 = arith.constant 256 : i32
    %add3A_306 = arith.addi %mul3A_304, %add3A_305 : i32
    "tpu.region"() ({
      %run_scoped3A = tpu.sem_alloc : memref<!tpu.dma_semaphore, #tpu.memory_space<semaphore_mem>>
      %dma_start3A = arith.constant 0 : i32
      %dma_start3A_491 = tpu.memref_slice %arg7[%arg0, %add3A_306, %dma_start3A] : memref<2x10240x128xf32, #tpu.memory_space<hbm>> -> memref<1x16x128xf32, #tpu.memory_space<hbm>>
      %dma_start3A_492 = tpu.memref_squeeze %dma_start3A_491 : memref<1x16x128xf32, #tpu.memory_space<hbm>> -> memref<16x128xf32, #tpu.memory_space<hbm>>
      %dma_start3A_493 = arith.constant 0 : i32
      %dma_start3A_494 = tpu.memref_slice %arg7[%arg0, %add3A_306, %dma_start3A_493] : memref<2x10240x128xf32, #tpu.memory_space<hbm>> -> memref<1x16x128xf32, #tpu.memory_space<hbm>>
      %dma_start3A_495 = tpu.memref_squeeze %dma_start3A_494 : memref<1x16x128xf32, #tpu.memory_space<hbm>> -> memref<16x128xf32, #tpu.memory_space<hbm>>
      tpu.enqueue_dma source(%arg13 : memref<16x128xf32, #tpu.memory_space<vmem>>) target(%dma_start3A_495 : memref<16x128xf32, #tpu.memory_space<hbm>>) target_semaphore(%run_scoped3A : memref<!tpu.dma_semaphore, #tpu.memory_space<semaphore_mem>>)
      %dma_wait3A = arith.constant 0 : i32
      %dma_wait3A_496 = tpu.memref_slice %arg7[%arg0, %add3A_306, %dma_wait3A] : memref<2x10240x128xf32, #tpu.memory_space<hbm>> -> memref<1x16x128xf32, #tpu.memory_space<hbm>>
      %dma_wait3A_497 = tpu.memref_squeeze %dma_wait3A_496 : memref<1x16x128xf32, #tpu.memory_space<hbm>> -> memref<16x128xf32, #tpu.memory_space<hbm>>
      %dma_wait3A_498 = arith.constant 0 : i32
      %dma_wait3A_499 = tpu.memref_slice %arg7[%arg0, %add3A_306, %dma_wait3A_498] : memref<2x10240x128xf32, #tpu.memory_space<hbm>> -> memref<1x16x128xf32, #tpu.memory_space<hbm>>
      %dma_wait3A_500 = tpu.memref_squeeze %dma_wait3A_499 : memref<1x16x128xf32, #tpu.memory_space<hbm>> -> memref<16x128xf32, #tpu.memory_space<hbm>>
      tpu.wait_dma2 semaphore(%run_scoped3A : memref<!tpu.dma_semaphore, #tpu.memory_space<semaphore_mem>>) src(%arg13 : memref<16x128xf32, #tpu.memory_space<vmem>>) dst(%dma_wait3A_500 : memref<16x128xf32, #tpu.memory_space<hbm>>)
      tpu.yield
    }) : () -> ()
    %mul3A_307 = arith.constant 640 : i32
    %mul3A_308 = arith.muli %arg1, %mul3A_307 : i32
    %add3A_309 = arith.constant 272 : i32
    %add3A_310 = arith.addi %mul3A_308, %add3A_309 : i32
    "tpu.region"() ({
      %run_scoped3A = tpu.sem_alloc : memref<!tpu.dma_semaphore, #tpu.memory_space<semaphore_mem>>
      %dma_start3A = arith.constant 0 : i32
      %dma_start3A_491 = tpu.memref_slice %arg14[%add3A_310, %dma_start3A] : memref<10240x128xf32, #tpu.memory_space<vmem_shared>> -> memref<16x128xf32, #tpu.memory_space<vmem_shared>>
      %dma_start3A_492 = arith.constant 0 : i32
      %dma_start3A_493 = tpu.memref_slice %arg14[%add3A_310, %dma_start3A_492] : memref<10240x128xf32, #tpu.memory_space<vmem_shared>> -> memref<16x128xf32, #tpu.memory_space<vmem_shared>>
      tpu.enqueue_dma source(%dma_start3A_493 : memref<16x128xf32, #tpu.memory_space<vmem_shared>>) target(%arg13 : memref<16x128xf32, #tpu.memory_space<vmem>>) target_semaphore(%run_scoped3A : memref<!tpu.dma_semaphore, #tpu.memory_space<semaphore_mem>>)
      %dma_wait3A = arith.constant 0 : i32
      %dma_wait3A_494 = tpu.memref_slice %arg14[%add3A_310, %dma_wait3A] : memref<10240x128xf32, #tpu.memory_space<vmem_shared>> -> memref<16x128xf32, #tpu.memory_space<vmem_shared>>
      %dma_wait3A_495 = arith.constant 0 : i32
      %dma_wait3A_496 = tpu.memref_slice %arg14[%add3A_310, %dma_wait3A_495] : memref<10240x128xf32, #tpu.memory_space<vmem_shared>> -> memref<16x128xf32, #tpu.memory_space<vmem_shared>>
      tpu.wait_dma2 semaphore(%run_scoped3A : memref<!tpu.dma_semaphore, #tpu.memory_space<semaphore_mem>>) src(%dma_wait3A_496 : memref<16x128xf32, #tpu.memory_space<vmem_shared>>) dst(%arg13 : memref<16x128xf32, #tpu.memory_space<vmem>>)
      tpu.yield
    }) : () -> ()
    %mul3A_311 = arith.constant 640 : i32
    %mul3A_312 = arith.muli %arg1, %mul3A_311 : i32
    %add3A_313 = arith.constant 272 : i32
    %add3A_314 = arith.addi %mul3A_312, %add3A_313 : i32
    "tpu.region"() ({
      %run_scoped3A = tpu.sem_alloc : memref<!tpu.dma_semaphore, #tpu.memory_space<semaphore_mem>>
      %dma_start3A = arith.constant 0 : i32
      %dma_start3A_491 = tpu.memref_slice %arg7[%arg0, %add3A_314, %dma_start3A] : memref<2x10240x128xf32, #tpu.memory_space<hbm>> -> memref<1x16x128xf32, #tpu.memory_space<hbm>>
      %dma_start3A_492 = tpu.memref_squeeze %dma_start3A_491 : memref<1x16x128xf32, #tpu.memory_space<hbm>> -> memref<16x128xf32, #tpu.memory_space<hbm>>
      %dma_start3A_493 = arith.constant 0 : i32
      %dma_start3A_494 = tpu.memref_slice %arg7[%arg0, %add3A_314, %dma_start3A_493] : memref<2x10240x128xf32, #tpu.memory_space<hbm>> -> memref<1x16x128xf32, #tpu.memory_space<hbm>>
      %dma_start3A_495 = tpu.memref_squeeze %dma_start3A_494 : memref<1x16x128xf32, #tpu.memory_space<hbm>> -> memref<16x128xf32, #tpu.memory_space<hbm>>
      tpu.enqueue_dma source(%arg13 : memref<16x128xf32, #tpu.memory_space<vmem>>) target(%dma_start3A_495 : memref<16x128xf32, #tpu.memory_space<hbm>>) target_semaphore(%run_scoped3A : memref<!tpu.dma_semaphore, #tpu.memory_space<semaphore_mem>>)
      %dma_wait3A = arith.constant 0 : i32
      %dma_wait3A_496 = tpu.memref_slice %arg7[%arg0, %add3A_314, %dma_wait3A] : memref<2x10240x128xf32, #tpu.memory_space<hbm>> -> memref<1x16x128xf32, #tpu.memory_space<hbm>>
      %dma_wait3A_497 = tpu.memref_squeeze %dma_wait3A_496 : memref<1x16x128xf32, #tpu.memory_space<hbm>> -> memref<16x128xf32, #tpu.memory_space<hbm>>
      %dma_wait3A_498 = arith.constant 0 : i32
      %dma_wait3A_499 = tpu.memref_slice %arg7[%arg0, %add3A_314, %dma_wait3A_498] : memref<2x10240x128xf32, #tpu.memory_space<hbm>> -> memref<1x16x128xf32, #tpu.memory_space<hbm>>
      %dma_wait3A_500 = tpu.memref_squeeze %dma_wait3A_499 : memref<1x16x128xf32, #tpu.memory_space<hbm>> -> memref<16x128xf32, #tpu.memory_space<hbm>>
      tpu.wait_dma2 semaphore(%run_scoped3A : memref<!tpu.dma_semaphore, #tpu.memory_space<semaphore_mem>>) src(%arg13 : memref<16x128xf32, #tpu.memory_space<vmem>>) dst(%dma_wait3A_500 : memref<16x128xf32, #tpu.memory_space<hbm>>)
      tpu.yield
    }) : () -> ()
    %mul3A_315 = arith.constant 640 : i32
    %mul3A_316 = arith.muli %arg1, %mul3A_315 : i32
    %add3A_317 = arith.constant 288 : i32
    %add3A_318 = arith.addi %mul3A_316, %add3A_317 : i32
    "tpu.region"() ({
      %run_scoped3A = tpu.sem_alloc : memref<!tpu.dma_semaphore, #tpu.memory_space<semaphore_mem>>
      %dma_start3A = arith.constant 0 : i32
      %dma_start3A_491 = tpu.memref_slice %arg14[%add3A_318, %dma_start3A] : memref<10240x128xf32, #tpu.memory_space<vmem_shared>> -> memref<16x128xf32, #tpu.memory_space<vmem_shared>>
      %dma_start3A_492 = arith.constant 0 : i32
      %dma_start3A_493 = tpu.memref_slice %arg14[%add3A_318, %dma_start3A_492] : memref<10240x128xf32, #tpu.memory_space<vmem_shared>> -> memref<16x128xf32, #tpu.memory_space<vmem_shared>>
      tpu.enqueue_dma source(%dma_start3A_493 : memref<16x128xf32, #tpu.memory_space<vmem_shared>>) target(%arg13 : memref<16x128xf32, #tpu.memory_space<vmem>>) target_semaphore(%run_scoped3A : memref<!tpu.dma_semaphore, #tpu.memory_space<semaphore_mem>>)
      %dma_wait3A = arith.constant 0 : i32
      %dma_wait3A_494 = tpu.memref_slice %arg14[%add3A_318, %dma_wait3A] : memref<10240x128xf32, #tpu.memory_space<vmem_shared>> -> memref<16x128xf32, #tpu.memory_space<vmem_shared>>
      %dma_wait3A_495 = arith.constant 0 : i32
      %dma_wait3A_496 = tpu.memref_slice %arg14[%add3A_318, %dma_wait3A_495] : memref<10240x128xf32, #tpu.memory_space<vmem_shared>> -> memref<16x128xf32, #tpu.memory_space<vmem_shared>>
      tpu.wait_dma2 semaphore(%run_scoped3A : memref<!tpu.dma_semaphore, #tpu.memory_space<semaphore_mem>>) src(%dma_wait3A_496 : memref<16x128xf32, #tpu.memory_space<vmem_shared>>) dst(%arg13 : memref<16x128xf32, #tpu.memory_space<vmem>>)
      tpu.yield
    }) : () -> ()
    %mul3A_319 = arith.constant 640 : i32
    %mul3A_320 = arith.muli %arg1, %mul3A_319 : i32
    %add3A_321 = arith.constant 288 : i32
    %add3A_322 = arith.addi %mul3A_320, %add3A_321 : i32
    "tpu.region"() ({
      %run_scoped3A = tpu.sem_alloc : memref<!tpu.dma_semaphore, #tpu.memory_space<semaphore_mem>>
      %dma_start3A = arith.constant 0 : i32
      %dma_start3A_491 = tpu.memref_slice %arg7[%arg0, %add3A_322, %dma_start3A] : memref<2x10240x128xf32, #tpu.memory_space<hbm>> -> memref<1x16x128xf32, #tpu.memory_space<hbm>>
      %dma_start3A_492 = tpu.memref_squeeze %dma_start3A_491 : memref<1x16x128xf32, #tpu.memory_space<hbm>> -> memref<16x128xf32, #tpu.memory_space<hbm>>
      %dma_start3A_493 = arith.constant 0 : i32
      %dma_start3A_494 = tpu.memref_slice %arg7[%arg0, %add3A_322, %dma_start3A_493] : memref<2x10240x128xf32, #tpu.memory_space<hbm>> -> memref<1x16x128xf32, #tpu.memory_space<hbm>>
      %dma_start3A_495 = tpu.memref_squeeze %dma_start3A_494 : memref<1x16x128xf32, #tpu.memory_space<hbm>> -> memref<16x128xf32, #tpu.memory_space<hbm>>
      tpu.enqueue_dma source(%arg13 : memref<16x128xf32, #tpu.memory_space<vmem>>) target(%dma_start3A_495 : memref<16x128xf32, #tpu.memory_space<hbm>>) target_semaphore(%run_scoped3A : memref<!tpu.dma_semaphore, #tpu.memory_space<semaphore_mem>>)
      %dma_wait3A = arith.constant 0 : i32
      %dma_wait3A_496 = tpu.memref_slice %arg7[%arg0, %add3A_322, %dma_wait3A] : memref<2x10240x128xf32, #tpu.memory_space<hbm>> -> memref<1x16x128xf32, #tpu.memory_space<hbm>>
      %dma_wait3A_497 = tpu.memref_squeeze %dma_wait3A_496 : memref<1x16x128xf32, #tpu.memory_space<hbm>> -> memref<16x128xf32, #tpu.memory_space<hbm>>
      %dma_wait3A_498 = arith.constant 0 : i32
      %dma_wait3A_499 = tpu.memref_slice %arg7[%arg0, %add3A_322, %dma_wait3A_498] : memref<2x10240x128xf32, #tpu.memory_space<hbm>> -> memref<1x16x128xf32, #tpu.memory_space<hbm>>
      %dma_wait3A_500 = tpu.memref_squeeze %dma_wait3A_499 : memref<1x16x128xf32, #tpu.memory_space<hbm>> -> memref<16x128xf32, #tpu.memory_space<hbm>>
      tpu.wait_dma2 semaphore(%run_scoped3A : memref<!tpu.dma_semaphore, #tpu.memory_space<semaphore_mem>>) src(%arg13 : memref<16x128xf32, #tpu.memory_space<vmem>>) dst(%dma_wait3A_500 : memref<16x128xf32, #tpu.memory_space<hbm>>)
      tpu.yield
    }) : () -> ()
    %mul3A_323 = arith.constant 640 : i32
    %mul3A_324 = arith.muli %arg1, %mul3A_323 : i32
    %add3A_325 = arith.constant 304 : i32
    %add3A_326 = arith.addi %mul3A_324, %add3A_325 : i32
    "tpu.region"() ({
      %run_scoped3A = tpu.sem_alloc : memref<!tpu.dma_semaphore, #tpu.memory_space<semaphore_mem>>
      %dma_start3A = arith.constant 0 : i32
      %dma_start3A_491 = tpu.memref_slice %arg14[%add3A_326, %dma_start3A] : memref<10240x128xf32, #tpu.memory_space<vmem_shared>> -> memref<16x128xf32, #tpu.memory_space<vmem_shared>>
      %dma_start3A_492 = arith.constant 0 : i32
      %dma_start3A_493 = tpu.memref_slice %arg14[%add3A_326, %dma_start3A_492] : memref<10240x128xf32, #tpu.memory_space<vmem_shared>> -> memref<16x128xf32, #tpu.memory_space<vmem_shared>>
      tpu.enqueue_dma source(%dma_start3A_493 : memref<16x128xf32, #tpu.memory_space<vmem_shared>>) target(%arg13 : memref<16x128xf32, #tpu.memory_space<vmem>>) target_semaphore(%run_scoped3A : memref<!tpu.dma_semaphore, #tpu.memory_space<semaphore_mem>>)
      %dma_wait3A = arith.constant 0 : i32
      %dma_wait3A_494 = tpu.memref_slice %arg14[%add3A_326, %dma_wait3A] : memref<10240x128xf32, #tpu.memory_space<vmem_shared>> -> memref<16x128xf32, #tpu.memory_space<vmem_shared>>
      %dma_wait3A_495 = arith.constant 0 : i32
      %dma_wait3A_496 = tpu.memref_slice %arg14[%add3A_326, %dma_wait3A_495] : memref<10240x128xf32, #tpu.memory_space<vmem_shared>> -> memref<16x128xf32, #tpu.memory_space<vmem_shared>>
      tpu.wait_dma2 semaphore(%run_scoped3A : memref<!tpu.dma_semaphore, #tpu.memory_space<semaphore_mem>>) src(%dma_wait3A_496 : memref<16x128xf32, #tpu.memory_space<vmem_shared>>) dst(%arg13 : memref<16x128xf32, #tpu.memory_space<vmem>>)
      tpu.yield
    }) : () -> ()
    %mul3A_327 = arith.constant 640 : i32
    %mul3A_328 = arith.muli %arg1, %mul3A_327 : i32
    %add3A_329 = arith.constant 304 : i32
    %add3A_330 = arith.addi %mul3A_328, %add3A_329 : i32
    "tpu.region"() ({
      %run_scoped3A = tpu.sem_alloc : memref<!tpu.dma_semaphore, #tpu.memory_space<semaphore_mem>>
      %dma_start3A = arith.constant 0 : i32
      %dma_start3A_491 = tpu.memref_slice %arg7[%arg0, %add3A_330, %dma_start3A] : memref<2x10240x128xf32, #tpu.memory_space<hbm>> -> memref<1x16x128xf32, #tpu.memory_space<hbm>>
      %dma_start3A_492 = tpu.memref_squeeze %dma_start3A_491 : memref<1x16x128xf32, #tpu.memory_space<hbm>> -> memref<16x128xf32, #tpu.memory_space<hbm>>
      %dma_start3A_493 = arith.constant 0 : i32
      %dma_start3A_494 = tpu.memref_slice %arg7[%arg0, %add3A_330, %dma_start3A_493] : memref<2x10240x128xf32, #tpu.memory_space<hbm>> -> memref<1x16x128xf32, #tpu.memory_space<hbm>>
      %dma_start3A_495 = tpu.memref_squeeze %dma_start3A_494 : memref<1x16x128xf32, #tpu.memory_space<hbm>> -> memref<16x128xf32, #tpu.memory_space<hbm>>
      tpu.enqueue_dma source(%arg13 : memref<16x128xf32, #tpu.memory_space<vmem>>) target(%dma_start3A_495 : memref<16x128xf32, #tpu.memory_space<hbm>>) target_semaphore(%run_scoped3A : memref<!tpu.dma_semaphore, #tpu.memory_space<semaphore_mem>>)
      %dma_wait3A = arith.constant 0 : i32
      %dma_wait3A_496 = tpu.memref_slice %arg7[%arg0, %add3A_330, %dma_wait3A] : memref<2x10240x128xf32, #tpu.memory_space<hbm>> -> memref<1x16x128xf32, #tpu.memory_space<hbm>>
      %dma_wait3A_497 = tpu.memref_squeeze %dma_wait3A_496 : memref<1x16x128xf32, #tpu.memory_space<hbm>> -> memref<16x128xf32, #tpu.memory_space<hbm>>
      %dma_wait3A_498 = arith.constant 0 : i32
      %dma_wait3A_499 = tpu.memref_slice %arg7[%arg0, %add3A_330, %dma_wait3A_498] : memref<2x10240x128xf32, #tpu.memory_space<hbm>> -> memref<1x16x128xf32, #tpu.memory_space<hbm>>
      %dma_wait3A_500 = tpu.memref_squeeze %dma_wait3A_499 : memref<1x16x128xf32, #tpu.memory_space<hbm>> -> memref<16x128xf32, #tpu.memory_space<hbm>>
      tpu.wait_dma2 semaphore(%run_scoped3A : memref<!tpu.dma_semaphore, #tpu.memory_space<semaphore_mem>>) src(%arg13 : memref<16x128xf32, #tpu.memory_space<vmem>>) dst(%dma_wait3A_500 : memref<16x128xf32, #tpu.memory_space<hbm>>)
      tpu.yield
    }) : () -> ()
    %mul3A_331 = arith.constant 640 : i32
    %mul3A_332 = arith.muli %arg1, %mul3A_331 : i32
    %add3A_333 = arith.constant 320 : i32
    %add3A_334 = arith.addi %mul3A_332, %add3A_333 : i32
    "tpu.region"() ({
      %run_scoped3A = tpu.sem_alloc : memref<!tpu.dma_semaphore, #tpu.memory_space<semaphore_mem>>
      %dma_start3A = arith.constant 0 : i32
      %dma_start3A_491 = tpu.memref_slice %arg14[%add3A_334, %dma_start3A] : memref<10240x128xf32, #tpu.memory_space<vmem_shared>> -> memref<16x128xf32, #tpu.memory_space<vmem_shared>>
      %dma_start3A_492 = arith.constant 0 : i32
      %dma_start3A_493 = tpu.memref_slice %arg14[%add3A_334, %dma_start3A_492] : memref<10240x128xf32, #tpu.memory_space<vmem_shared>> -> memref<16x128xf32, #tpu.memory_space<vmem_shared>>
      tpu.enqueue_dma source(%dma_start3A_493 : memref<16x128xf32, #tpu.memory_space<vmem_shared>>) target(%arg13 : memref<16x128xf32, #tpu.memory_space<vmem>>) target_semaphore(%run_scoped3A : memref<!tpu.dma_semaphore, #tpu.memory_space<semaphore_mem>>)
      %dma_wait3A = arith.constant 0 : i32
      %dma_wait3A_494 = tpu.memref_slice %arg14[%add3A_334, %dma_wait3A] : memref<10240x128xf32, #tpu.memory_space<vmem_shared>> -> memref<16x128xf32, #tpu.memory_space<vmem_shared>>
      %dma_wait3A_495 = arith.constant 0 : i32
      %dma_wait3A_496 = tpu.memref_slice %arg14[%add3A_334, %dma_wait3A_495] : memref<10240x128xf32, #tpu.memory_space<vmem_shared>> -> memref<16x128xf32, #tpu.memory_space<vmem_shared>>
      tpu.wait_dma2 semaphore(%run_scoped3A : memref<!tpu.dma_semaphore, #tpu.memory_space<semaphore_mem>>) src(%dma_wait3A_496 : memref<16x128xf32, #tpu.memory_space<vmem_shared>>) dst(%arg13 : memref<16x128xf32, #tpu.memory_space<vmem>>)
      tpu.yield
    }) : () -> ()
    %mul3A_335 = arith.constant 640 : i32
    %mul3A_336 = arith.muli %arg1, %mul3A_335 : i32
    %add3A_337 = arith.constant 320 : i32
    %add3A_338 = arith.addi %mul3A_336, %add3A_337 : i32
    "tpu.region"() ({
      %run_scoped3A = tpu.sem_alloc : memref<!tpu.dma_semaphore, #tpu.memory_space<semaphore_mem>>
      %dma_start3A = arith.constant 0 : i32
      %dma_start3A_491 = tpu.memref_slice %arg7[%arg0, %add3A_338, %dma_start3A] : memref<2x10240x128xf32, #tpu.memory_space<hbm>> -> memref<1x16x128xf32, #tpu.memory_space<hbm>>
      %dma_start3A_492 = tpu.memref_squeeze %dma_start3A_491 : memref<1x16x128xf32, #tpu.memory_space<hbm>> -> memref<16x128xf32, #tpu.memory_space<hbm>>
      %dma_start3A_493 = arith.constant 0 : i32
      %dma_start3A_494 = tpu.memref_slice %arg7[%arg0, %add3A_338, %dma_start3A_493] : memref<2x10240x128xf32, #tpu.memory_space<hbm>> -> memref<1x16x128xf32, #tpu.memory_space<hbm>>
      %dma_start3A_495 = tpu.memref_squeeze %dma_start3A_494 : memref<1x16x128xf32, #tpu.memory_space<hbm>> -> memref<16x128xf32, #tpu.memory_space<hbm>>
      tpu.enqueue_dma source(%arg13 : memref<16x128xf32, #tpu.memory_space<vmem>>) target(%dma_start3A_495 : memref<16x128xf32, #tpu.memory_space<hbm>>) target_semaphore(%run_scoped3A : memref<!tpu.dma_semaphore, #tpu.memory_space<semaphore_mem>>)
      %dma_wait3A = arith.constant 0 : i32
      %dma_wait3A_496 = tpu.memref_slice %arg7[%arg0, %add3A_338, %dma_wait3A] : memref<2x10240x128xf32, #tpu.memory_space<hbm>> -> memref<1x16x128xf32, #tpu.memory_space<hbm>>
      %dma_wait3A_497 = tpu.memref_squeeze %dma_wait3A_496 : memref<1x16x128xf32, #tpu.memory_space<hbm>> -> memref<16x128xf32, #tpu.memory_space<hbm>>
      %dma_wait3A_498 = arith.constant 0 : i32
      %dma_wait3A_499 = tpu.memref_slice %arg7[%arg0, %add3A_338, %dma_wait3A_498] : memref<2x10240x128xf32, #tpu.memory_space<hbm>> -> memref<1x16x128xf32, #tpu.memory_space<hbm>>
      %dma_wait3A_500 = tpu.memref_squeeze %dma_wait3A_499 : memref<1x16x128xf32, #tpu.memory_space<hbm>> -> memref<16x128xf32, #tpu.memory_space<hbm>>
      tpu.wait_dma2 semaphore(%run_scoped3A : memref<!tpu.dma_semaphore, #tpu.memory_space<semaphore_mem>>) src(%arg13 : memref<16x128xf32, #tpu.memory_space<vmem>>) dst(%dma_wait3A_500 : memref<16x128xf32, #tpu.memory_space<hbm>>)
      tpu.yield
    }) : () -> ()
    %mul3A_339 = arith.constant 640 : i32
    %mul3A_340 = arith.muli %arg1, %mul3A_339 : i32
    %add3A_341 = arith.constant 336 : i32
    %add3A_342 = arith.addi %mul3A_340, %add3A_341 : i32
    "tpu.region"() ({
      %run_scoped3A = tpu.sem_alloc : memref<!tpu.dma_semaphore, #tpu.memory_space<semaphore_mem>>
      %dma_start3A = arith.constant 0 : i32
      %dma_start3A_491 = tpu.memref_slice %arg14[%add3A_342, %dma_start3A] : memref<10240x128xf32, #tpu.memory_space<vmem_shared>> -> memref<16x128xf32, #tpu.memory_space<vmem_shared>>
      %dma_start3A_492 = arith.constant 0 : i32
      %dma_start3A_493 = tpu.memref_slice %arg14[%add3A_342, %dma_start3A_492] : memref<10240x128xf32, #tpu.memory_space<vmem_shared>> -> memref<16x128xf32, #tpu.memory_space<vmem_shared>>
      tpu.enqueue_dma source(%dma_start3A_493 : memref<16x128xf32, #tpu.memory_space<vmem_shared>>) target(%arg13 : memref<16x128xf32, #tpu.memory_space<vmem>>) target_semaphore(%run_scoped3A : memref<!tpu.dma_semaphore, #tpu.memory_space<semaphore_mem>>)
      %dma_wait3A = arith.constant 0 : i32
      %dma_wait3A_494 = tpu.memref_slice %arg14[%add3A_342, %dma_wait3A] : memref<10240x128xf32, #tpu.memory_space<vmem_shared>> -> memref<16x128xf32, #tpu.memory_space<vmem_shared>>
      %dma_wait3A_495 = arith.constant 0 : i32
      %dma_wait3A_496 = tpu.memref_slice %arg14[%add3A_342, %dma_wait3A_495] : memref<10240x128xf32, #tpu.memory_space<vmem_shared>> -> memref<16x128xf32, #tpu.memory_space<vmem_shared>>
      tpu.wait_dma2 semaphore(%run_scoped3A : memref<!tpu.dma_semaphore, #tpu.memory_space<semaphore_mem>>) src(%dma_wait3A_496 : memref<16x128xf32, #tpu.memory_space<vmem_shared>>) dst(%arg13 : memref<16x128xf32, #tpu.memory_space<vmem>>)
      tpu.yield
    }) : () -> ()
    %mul3A_343 = arith.constant 640 : i32
    %mul3A_344 = arith.muli %arg1, %mul3A_343 : i32
    %add3A_345 = arith.constant 336 : i32
    %add3A_346 = arith.addi %mul3A_344, %add3A_345 : i32
    "tpu.region"() ({
      %run_scoped3A = tpu.sem_alloc : memref<!tpu.dma_semaphore, #tpu.memory_space<semaphore_mem>>
      %dma_start3A = arith.constant 0 : i32
      %dma_start3A_491 = tpu.memref_slice %arg7[%arg0, %add3A_346, %dma_start3A] : memref<2x10240x128xf32, #tpu.memory_space<hbm>> -> memref<1x16x128xf32, #tpu.memory_space<hbm>>
      %dma_start3A_492 = tpu.memref_squeeze %dma_start3A_491 : memref<1x16x128xf32, #tpu.memory_space<hbm>> -> memref<16x128xf32, #tpu.memory_space<hbm>>
      %dma_start3A_493 = arith.constant 0 : i32
      %dma_start3A_494 = tpu.memref_slice %arg7[%arg0, %add3A_346, %dma_start3A_493] : memref<2x10240x128xf32, #tpu.memory_space<hbm>> -> memref<1x16x128xf32, #tpu.memory_space<hbm>>
      %dma_start3A_495 = tpu.memref_squeeze %dma_start3A_494 : memref<1x16x128xf32, #tpu.memory_space<hbm>> -> memref<16x128xf32, #tpu.memory_space<hbm>>
      tpu.enqueue_dma source(%arg13 : memref<16x128xf32, #tpu.memory_space<vmem>>) target(%dma_start3A_495 : memref<16x128xf32, #tpu.memory_space<hbm>>) target_semaphore(%run_scoped3A : memref<!tpu.dma_semaphore, #tpu.memory_space<semaphore_mem>>)
      %dma_wait3A = arith.constant 0 : i32
      %dma_wait3A_496 = tpu.memref_slice %arg7[%arg0, %add3A_346, %dma_wait3A] : memref<2x10240x128xf32, #tpu.memory_space<hbm>> -> memref<1x16x128xf32, #tpu.memory_space<hbm>>
      %dma_wait3A_497 = tpu.memref_squeeze %dma_wait3A_496 : memref<1x16x128xf32, #tpu.memory_space<hbm>> -> memref<16x128xf32, #tpu.memory_space<hbm>>
      %dma_wait3A_498 = arith.constant 0 : i32
      %dma_wait3A_499 = tpu.memref_slice %arg7[%arg0, %add3A_346, %dma_wait3A_498] : memref<2x10240x128xf32, #tpu.memory_space<hbm>> -> memref<1x16x128xf32, #tpu.memory_space<hbm>>
      %dma_wait3A_500 = tpu.memref_squeeze %dma_wait3A_499 : memref<1x16x128xf32, #tpu.memory_space<hbm>> -> memref<16x128xf32, #tpu.memory_space<hbm>>
      tpu.wait_dma2 semaphore(%run_scoped3A : memref<!tpu.dma_semaphore, #tpu.memory_space<semaphore_mem>>) src(%arg13 : memref<16x128xf32, #tpu.memory_space<vmem>>) dst(%dma_wait3A_500 : memref<16x128xf32, #tpu.memory_space<hbm>>)
      tpu.yield
    }) : () -> ()
    %mul3A_347 = arith.constant 640 : i32
    %mul3A_348 = arith.muli %arg1, %mul3A_347 : i32
    %add3A_349 = arith.constant 352 : i32
    %add3A_350 = arith.addi %mul3A_348, %add3A_349 : i32
    "tpu.region"() ({
      %run_scoped3A = tpu.sem_alloc : memref<!tpu.dma_semaphore, #tpu.memory_space<semaphore_mem>>
      %dma_start3A = arith.constant 0 : i32
      %dma_start3A_491 = tpu.memref_slice %arg14[%add3A_350, %dma_start3A] : memref<10240x128xf32, #tpu.memory_space<vmem_shared>> -> memref<16x128xf32, #tpu.memory_space<vmem_shared>>
      %dma_start3A_492 = arith.constant 0 : i32
      %dma_start3A_493 = tpu.memref_slice %arg14[%add3A_350, %dma_start3A_492] : memref<10240x128xf32, #tpu.memory_space<vmem_shared>> -> memref<16x128xf32, #tpu.memory_space<vmem_shared>>
      tpu.enqueue_dma source(%dma_start3A_493 : memref<16x128xf32, #tpu.memory_space<vmem_shared>>) target(%arg13 : memref<16x128xf32, #tpu.memory_space<vmem>>) target_semaphore(%run_scoped3A : memref<!tpu.dma_semaphore, #tpu.memory_space<semaphore_mem>>)
      %dma_wait3A = arith.constant 0 : i32
      %dma_wait3A_494 = tpu.memref_slice %arg14[%add3A_350, %dma_wait3A] : memref<10240x128xf32, #tpu.memory_space<vmem_shared>> -> memref<16x128xf32, #tpu.memory_space<vmem_shared>>
      %dma_wait3A_495 = arith.constant 0 : i32
      %dma_wait3A_496 = tpu.memref_slice %arg14[%add3A_350, %dma_wait3A_495] : memref<10240x128xf32, #tpu.memory_space<vmem_shared>> -> memref<16x128xf32, #tpu.memory_space<vmem_shared>>
      tpu.wait_dma2 semaphore(%run_scoped3A : memref<!tpu.dma_semaphore, #tpu.memory_space<semaphore_mem>>) src(%dma_wait3A_496 : memref<16x128xf32, #tpu.memory_space<vmem_shared>>) dst(%arg13 : memref<16x128xf32, #tpu.memory_space<vmem>>)
      tpu.yield
    }) : () -> ()
    %mul3A_351 = arith.constant 640 : i32
    %mul3A_352 = arith.muli %arg1, %mul3A_351 : i32
    %add3A_353 = arith.constant 352 : i32
    %add3A_354 = arith.addi %mul3A_352, %add3A_353 : i32
    "tpu.region"() ({
      %run_scoped3A = tpu.sem_alloc : memref<!tpu.dma_semaphore, #tpu.memory_space<semaphore_mem>>
      %dma_start3A = arith.constant 0 : i32
      %dma_start3A_491 = tpu.memref_slice %arg7[%arg0, %add3A_354, %dma_start3A] : memref<2x10240x128xf32, #tpu.memory_space<hbm>> -> memref<1x16x128xf32, #tpu.memory_space<hbm>>
      %dma_start3A_492 = tpu.memref_squeeze %dma_start3A_491 : memref<1x16x128xf32, #tpu.memory_space<hbm>> -> memref<16x128xf32, #tpu.memory_space<hbm>>
      %dma_start3A_493 = arith.constant 0 : i32
      %dma_start3A_494 = tpu.memref_slice %arg7[%arg0, %add3A_354, %dma_start3A_493] : memref<2x10240x128xf32, #tpu.memory_space<hbm>> -> memref<1x16x128xf32, #tpu.memory_space<hbm>>
      %dma_start3A_495 = tpu.memref_squeeze %dma_start3A_494 : memref<1x16x128xf32, #tpu.memory_space<hbm>> -> memref<16x128xf32, #tpu.memory_space<hbm>>
      tpu.enqueue_dma source(%arg13 : memref<16x128xf32, #tpu.memory_space<vmem>>) target(%dma_start3A_495 : memref<16x128xf32, #tpu.memory_space<hbm>>) target_semaphore(%run_scoped3A : memref<!tpu.dma_semaphore, #tpu.memory_space<semaphore_mem>>)
      %dma_wait3A = arith.constant 0 : i32
      %dma_wait3A_496 = tpu.memref_slice %arg7[%arg0, %add3A_354, %dma_wait3A] : memref<2x10240x128xf32, #tpu.memory_space<hbm>> -> memref<1x16x128xf32, #tpu.memory_space<hbm>>
      %dma_wait3A_497 = tpu.memref_squeeze %dma_wait3A_496 : memref<1x16x128xf32, #tpu.memory_space<hbm>> -> memref<16x128xf32, #tpu.memory_space<hbm>>
      %dma_wait3A_498 = arith.constant 0 : i32
      %dma_wait3A_499 = tpu.memref_slice %arg7[%arg0, %add3A_354, %dma_wait3A_498] : memref<2x10240x128xf32, #tpu.memory_space<hbm>> -> memref<1x16x128xf32, #tpu.memory_space<hbm>>
      %dma_wait3A_500 = tpu.memref_squeeze %dma_wait3A_499 : memref<1x16x128xf32, #tpu.memory_space<hbm>> -> memref<16x128xf32, #tpu.memory_space<hbm>>
      tpu.wait_dma2 semaphore(%run_scoped3A : memref<!tpu.dma_semaphore, #tpu.memory_space<semaphore_mem>>) src(%arg13 : memref<16x128xf32, #tpu.memory_space<vmem>>) dst(%dma_wait3A_500 : memref<16x128xf32, #tpu.memory_space<hbm>>)
      tpu.yield
    }) : () -> ()
    %mul3A_355 = arith.constant 640 : i32
    %mul3A_356 = arith.muli %arg1, %mul3A_355 : i32
    %add3A_357 = arith.constant 368 : i32
    %add3A_358 = arith.addi %mul3A_356, %add3A_357 : i32
    "tpu.region"() ({
      %run_scoped3A = tpu.sem_alloc : memref<!tpu.dma_semaphore, #tpu.memory_space<semaphore_mem>>
      %dma_start3A = arith.constant 0 : i32
      %dma_start3A_491 = tpu.memref_slice %arg14[%add3A_358, %dma_start3A] : memref<10240x128xf32, #tpu.memory_space<vmem_shared>> -> memref<16x128xf32, #tpu.memory_space<vmem_shared>>
      %dma_start3A_492 = arith.constant 0 : i32
      %dma_start3A_493 = tpu.memref_slice %arg14[%add3A_358, %dma_start3A_492] : memref<10240x128xf32, #tpu.memory_space<vmem_shared>> -> memref<16x128xf32, #tpu.memory_space<vmem_shared>>
      tpu.enqueue_dma source(%dma_start3A_493 : memref<16x128xf32, #tpu.memory_space<vmem_shared>>) target(%arg13 : memref<16x128xf32, #tpu.memory_space<vmem>>) target_semaphore(%run_scoped3A : memref<!tpu.dma_semaphore, #tpu.memory_space<semaphore_mem>>)
      %dma_wait3A = arith.constant 0 : i32
      %dma_wait3A_494 = tpu.memref_slice %arg14[%add3A_358, %dma_wait3A] : memref<10240x128xf32, #tpu.memory_space<vmem_shared>> -> memref<16x128xf32, #tpu.memory_space<vmem_shared>>
      %dma_wait3A_495 = arith.constant 0 : i32
      %dma_wait3A_496 = tpu.memref_slice %arg14[%add3A_358, %dma_wait3A_495] : memref<10240x128xf32, #tpu.memory_space<vmem_shared>> -> memref<16x128xf32, #tpu.memory_space<vmem_shared>>
      tpu.wait_dma2 semaphore(%run_scoped3A : memref<!tpu.dma_semaphore, #tpu.memory_space<semaphore_mem>>) src(%dma_wait3A_496 : memref<16x128xf32, #tpu.memory_space<vmem_shared>>) dst(%arg13 : memref<16x128xf32, #tpu.memory_space<vmem>>)
      tpu.yield
    }) : () -> ()
    %mul3A_359 = arith.constant 640 : i32
    %mul3A_360 = arith.muli %arg1, %mul3A_359 : i32
    %add3A_361 = arith.constant 368 : i32
    %add3A_362 = arith.addi %mul3A_360, %add3A_361 : i32
    "tpu.region"() ({
      %run_scoped3A = tpu.sem_alloc : memref<!tpu.dma_semaphore, #tpu.memory_space<semaphore_mem>>
      %dma_start3A = arith.constant 0 : i32
      %dma_start3A_491 = tpu.memref_slice %arg7[%arg0, %add3A_362, %dma_start3A] : memref<2x10240x128xf32, #tpu.memory_space<hbm>> -> memref<1x16x128xf32, #tpu.memory_space<hbm>>
      %dma_start3A_492 = tpu.memref_squeeze %dma_start3A_491 : memref<1x16x128xf32, #tpu.memory_space<hbm>> -> memref<16x128xf32, #tpu.memory_space<hbm>>
      %dma_start3A_493 = arith.constant 0 : i32
      %dma_start3A_494 = tpu.memref_slice %arg7[%arg0, %add3A_362, %dma_start3A_493] : memref<2x10240x128xf32, #tpu.memory_space<hbm>> -> memref<1x16x128xf32, #tpu.memory_space<hbm>>
      %dma_start3A_495 = tpu.memref_squeeze %dma_start3A_494 : memref<1x16x128xf32, #tpu.memory_space<hbm>> -> memref<16x128xf32, #tpu.memory_space<hbm>>
      tpu.enqueue_dma source(%arg13 : memref<16x128xf32, #tpu.memory_space<vmem>>) target(%dma_start3A_495 : memref<16x128xf32, #tpu.memory_space<hbm>>) target_semaphore(%run_scoped3A : memref<!tpu.dma_semaphore, #tpu.memory_space<semaphore_mem>>)
      %dma_wait3A = arith.constant 0 : i32
      %dma_wait3A_496 = tpu.memref_slice %arg7[%arg0, %add3A_362, %dma_wait3A] : memref<2x10240x128xf32, #tpu.memory_space<hbm>> -> memref<1x16x128xf32, #tpu.memory_space<hbm>>
      %dma_wait3A_497 = tpu.memref_squeeze %dma_wait3A_496 : memref<1x16x128xf32, #tpu.memory_space<hbm>> -> memref<16x128xf32, #tpu.memory_space<hbm>>
      %dma_wait3A_498 = arith.constant 0 : i32
      %dma_wait3A_499 = tpu.memref_slice %arg7[%arg0, %add3A_362, %dma_wait3A_498] : memref<2x10240x128xf32, #tpu.memory_space<hbm>> -> memref<1x16x128xf32, #tpu.memory_space<hbm>>
      %dma_wait3A_500 = tpu.memref_squeeze %dma_wait3A_499 : memref<1x16x128xf32, #tpu.memory_space<hbm>> -> memref<16x128xf32, #tpu.memory_space<hbm>>
      tpu.wait_dma2 semaphore(%run_scoped3A : memref<!tpu.dma_semaphore, #tpu.memory_space<semaphore_mem>>) src(%arg13 : memref<16x128xf32, #tpu.memory_space<vmem>>) dst(%dma_wait3A_500 : memref<16x128xf32, #tpu.memory_space<hbm>>)
      tpu.yield
    }) : () -> ()
    %mul3A_363 = arith.constant 640 : i32
    %mul3A_364 = arith.muli %arg1, %mul3A_363 : i32
    %add3A_365 = arith.constant 384 : i32
    %add3A_366 = arith.addi %mul3A_364, %add3A_365 : i32
    "tpu.region"() ({
      %run_scoped3A = tpu.sem_alloc : memref<!tpu.dma_semaphore, #tpu.memory_space<semaphore_mem>>
      %dma_start3A = arith.constant 0 : i32
      %dma_start3A_491 = tpu.memref_slice %arg14[%add3A_366, %dma_start3A] : memref<10240x128xf32, #tpu.memory_space<vmem_shared>> -> memref<16x128xf32, #tpu.memory_space<vmem_shared>>
      %dma_start3A_492 = arith.constant 0 : i32
      %dma_start3A_493 = tpu.memref_slice %arg14[%add3A_366, %dma_start3A_492] : memref<10240x128xf32, #tpu.memory_space<vmem_shared>> -> memref<16x128xf32, #tpu.memory_space<vmem_shared>>
      tpu.enqueue_dma source(%dma_start3A_493 : memref<16x128xf32, #tpu.memory_space<vmem_shared>>) target(%arg13 : memref<16x128xf32, #tpu.memory_space<vmem>>) target_semaphore(%run_scoped3A : memref<!tpu.dma_semaphore, #tpu.memory_space<semaphore_mem>>)
      %dma_wait3A = arith.constant 0 : i32
      %dma_wait3A_494 = tpu.memref_slice %arg14[%add3A_366, %dma_wait3A] : memref<10240x128xf32, #tpu.memory_space<vmem_shared>> -> memref<16x128xf32, #tpu.memory_space<vmem_shared>>
      %dma_wait3A_495 = arith.constant 0 : i32
      %dma_wait3A_496 = tpu.memref_slice %arg14[%add3A_366, %dma_wait3A_495] : memref<10240x128xf32, #tpu.memory_space<vmem_shared>> -> memref<16x128xf32, #tpu.memory_space<vmem_shared>>
      tpu.wait_dma2 semaphore(%run_scoped3A : memref<!tpu.dma_semaphore, #tpu.memory_space<semaphore_mem>>) src(%dma_wait3A_496 : memref<16x128xf32, #tpu.memory_space<vmem_shared>>) dst(%arg13 : memref<16x128xf32, #tpu.memory_space<vmem>>)
      tpu.yield
    }) : () -> ()
    %mul3A_367 = arith.constant 640 : i32
    %mul3A_368 = arith.muli %arg1, %mul3A_367 : i32
    %add3A_369 = arith.constant 384 : i32
    %add3A_370 = arith.addi %mul3A_368, %add3A_369 : i32
    "tpu.region"() ({
      %run_scoped3A = tpu.sem_alloc : memref<!tpu.dma_semaphore, #tpu.memory_space<semaphore_mem>>
      %dma_start3A = arith.constant 0 : i32
      %dma_start3A_491 = tpu.memref_slice %arg7[%arg0, %add3A_370, %dma_start3A] : memref<2x10240x128xf32, #tpu.memory_space<hbm>> -> memref<1x16x128xf32, #tpu.memory_space<hbm>>
      %dma_start3A_492 = tpu.memref_squeeze %dma_start3A_491 : memref<1x16x128xf32, #tpu.memory_space<hbm>> -> memref<16x128xf32, #tpu.memory_space<hbm>>
      %dma_start3A_493 = arith.constant 0 : i32
      %dma_start3A_494 = tpu.memref_slice %arg7[%arg0, %add3A_370, %dma_start3A_493] : memref<2x10240x128xf32, #tpu.memory_space<hbm>> -> memref<1x16x128xf32, #tpu.memory_space<hbm>>
      %dma_start3A_495 = tpu.memref_squeeze %dma_start3A_494 : memref<1x16x128xf32, #tpu.memory_space<hbm>> -> memref<16x128xf32, #tpu.memory_space<hbm>>
      tpu.enqueue_dma source(%arg13 : memref<16x128xf32, #tpu.memory_space<vmem>>) target(%dma_start3A_495 : memref<16x128xf32, #tpu.memory_space<hbm>>) target_semaphore(%run_scoped3A : memref<!tpu.dma_semaphore, #tpu.memory_space<semaphore_mem>>)
      %dma_wait3A = arith.constant 0 : i32
      %dma_wait3A_496 = tpu.memref_slice %arg7[%arg0, %add3A_370, %dma_wait3A] : memref<2x10240x128xf32, #tpu.memory_space<hbm>> -> memref<1x16x128xf32, #tpu.memory_space<hbm>>
      %dma_wait3A_497 = tpu.memref_squeeze %dma_wait3A_496 : memref<1x16x128xf32, #tpu.memory_space<hbm>> -> memref<16x128xf32, #tpu.memory_space<hbm>>
      %dma_wait3A_498 = arith.constant 0 : i32
      %dma_wait3A_499 = tpu.memref_slice %arg7[%arg0, %add3A_370, %dma_wait3A_498] : memref<2x10240x128xf32, #tpu.memory_space<hbm>> -> memref<1x16x128xf32, #tpu.memory_space<hbm>>
      %dma_wait3A_500 = tpu.memref_squeeze %dma_wait3A_499 : memref<1x16x128xf32, #tpu.memory_space<hbm>> -> memref<16x128xf32, #tpu.memory_space<hbm>>
      tpu.wait_dma2 semaphore(%run_scoped3A : memref<!tpu.dma_semaphore, #tpu.memory_space<semaphore_mem>>) src(%arg13 : memref<16x128xf32, #tpu.memory_space<vmem>>) dst(%dma_wait3A_500 : memref<16x128xf32, #tpu.memory_space<hbm>>)
      tpu.yield
    }) : () -> ()
    %mul3A_371 = arith.constant 640 : i32
    %mul3A_372 = arith.muli %arg1, %mul3A_371 : i32
    %add3A_373 = arith.constant 400 : i32
    %add3A_374 = arith.addi %mul3A_372, %add3A_373 : i32
    "tpu.region"() ({
      %run_scoped3A = tpu.sem_alloc : memref<!tpu.dma_semaphore, #tpu.memory_space<semaphore_mem>>
      %dma_start3A = arith.constant 0 : i32
      %dma_start3A_491 = tpu.memref_slice %arg14[%add3A_374, %dma_start3A] : memref<10240x128xf32, #tpu.memory_space<vmem_shared>> -> memref<16x128xf32, #tpu.memory_space<vmem_shared>>
      %dma_start3A_492 = arith.constant 0 : i32
      %dma_start3A_493 = tpu.memref_slice %arg14[%add3A_374, %dma_start3A_492] : memref<10240x128xf32, #tpu.memory_space<vmem_shared>> -> memref<16x128xf32, #tpu.memory_space<vmem_shared>>
      tpu.enqueue_dma source(%dma_start3A_493 : memref<16x128xf32, #tpu.memory_space<vmem_shared>>) target(%arg13 : memref<16x128xf32, #tpu.memory_space<vmem>>) target_semaphore(%run_scoped3A : memref<!tpu.dma_semaphore, #tpu.memory_space<semaphore_mem>>)
      %dma_wait3A = arith.constant 0 : i32
      %dma_wait3A_494 = tpu.memref_slice %arg14[%add3A_374, %dma_wait3A] : memref<10240x128xf32, #tpu.memory_space<vmem_shared>> -> memref<16x128xf32, #tpu.memory_space<vmem_shared>>
      %dma_wait3A_495 = arith.constant 0 : i32
      %dma_wait3A_496 = tpu.memref_slice %arg14[%add3A_374, %dma_wait3A_495] : memref<10240x128xf32, #tpu.memory_space<vmem_shared>> -> memref<16x128xf32, #tpu.memory_space<vmem_shared>>
      tpu.wait_dma2 semaphore(%run_scoped3A : memref<!tpu.dma_semaphore, #tpu.memory_space<semaphore_mem>>) src(%dma_wait3A_496 : memref<16x128xf32, #tpu.memory_space<vmem_shared>>) dst(%arg13 : memref<16x128xf32, #tpu.memory_space<vmem>>)
      tpu.yield
    }) : () -> ()
    %mul3A_375 = arith.constant 640 : i32
    %mul3A_376 = arith.muli %arg1, %mul3A_375 : i32
    %add3A_377 = arith.constant 400 : i32
    %add3A_378 = arith.addi %mul3A_376, %add3A_377 : i32
    "tpu.region"() ({
      %run_scoped3A = tpu.sem_alloc : memref<!tpu.dma_semaphore, #tpu.memory_space<semaphore_mem>>
      %dma_start3A = arith.constant 0 : i32
      %dma_start3A_491 = tpu.memref_slice %arg7[%arg0, %add3A_378, %dma_start3A] : memref<2x10240x128xf32, #tpu.memory_space<hbm>> -> memref<1x16x128xf32, #tpu.memory_space<hbm>>
      %dma_start3A_492 = tpu.memref_squeeze %dma_start3A_491 : memref<1x16x128xf32, #tpu.memory_space<hbm>> -> memref<16x128xf32, #tpu.memory_space<hbm>>
      %dma_start3A_493 = arith.constant 0 : i32
      %dma_start3A_494 = tpu.memref_slice %arg7[%arg0, %add3A_378, %dma_start3A_493] : memref<2x10240x128xf32, #tpu.memory_space<hbm>> -> memref<1x16x128xf32, #tpu.memory_space<hbm>>
      %dma_start3A_495 = tpu.memref_squeeze %dma_start3A_494 : memref<1x16x128xf32, #tpu.memory_space<hbm>> -> memref<16x128xf32, #tpu.memory_space<hbm>>
      tpu.enqueue_dma source(%arg13 : memref<16x128xf32, #tpu.memory_space<vmem>>) target(%dma_start3A_495 : memref<16x128xf32, #tpu.memory_space<hbm>>) target_semaphore(%run_scoped3A : memref<!tpu.dma_semaphore, #tpu.memory_space<semaphore_mem>>)
      %dma_wait3A = arith.constant 0 : i32
      %dma_wait3A_496 = tpu.memref_slice %arg7[%arg0, %add3A_378, %dma_wait3A] : memref<2x10240x128xf32, #tpu.memory_space<hbm>> -> memref<1x16x128xf32, #tpu.memory_space<hbm>>
      %dma_wait3A_497 = tpu.memref_squeeze %dma_wait3A_496 : memref<1x16x128xf32, #tpu.memory_space<hbm>> -> memref<16x128xf32, #tpu.memory_space<hbm>>
      %dma_wait3A_498 = arith.constant 0 : i32
      %dma_wait3A_499 = tpu.memref_slice %arg7[%arg0, %add3A_378, %dma_wait3A_498] : memref<2x10240x128xf32, #tpu.memory_space<hbm>> -> memref<1x16x128xf32, #tpu.memory_space<hbm>>
      %dma_wait3A_500 = tpu.memref_squeeze %dma_wait3A_499 : memref<1x16x128xf32, #tpu.memory_space<hbm>> -> memref<16x128xf32, #tpu.memory_space<hbm>>
      tpu.wait_dma2 semaphore(%run_scoped3A : memref<!tpu.dma_semaphore, #tpu.memory_space<semaphore_mem>>) src(%arg13 : memref<16x128xf32, #tpu.memory_space<vmem>>) dst(%dma_wait3A_500 : memref<16x128xf32, #tpu.memory_space<hbm>>)
      tpu.yield
    }) : () -> ()
    %mul3A_379 = arith.constant 640 : i32
    %mul3A_380 = arith.muli %arg1, %mul3A_379 : i32
    %add3A_381 = arith.constant 416 : i32
    %add3A_382 = arith.addi %mul3A_380, %add3A_381 : i32
    "tpu.region"() ({
      %run_scoped3A = tpu.sem_alloc : memref<!tpu.dma_semaphore, #tpu.memory_space<semaphore_mem>>
      %dma_start3A = arith.constant 0 : i32
      %dma_start3A_491 = tpu.memref_slice %arg14[%add3A_382, %dma_start3A] : memref<10240x128xf32, #tpu.memory_space<vmem_shared>> -> memref<16x128xf32, #tpu.memory_space<vmem_shared>>
      %dma_start3A_492 = arith.constant 0 : i32
      %dma_start3A_493 = tpu.memref_slice %arg14[%add3A_382, %dma_start3A_492] : memref<10240x128xf32, #tpu.memory_space<vmem_shared>> -> memref<16x128xf32, #tpu.memory_space<vmem_shared>>
      tpu.enqueue_dma source(%dma_start3A_493 : memref<16x128xf32, #tpu.memory_space<vmem_shared>>) target(%arg13 : memref<16x128xf32, #tpu.memory_space<vmem>>) target_semaphore(%run_scoped3A : memref<!tpu.dma_semaphore, #tpu.memory_space<semaphore_mem>>)
      %dma_wait3A = arith.constant 0 : i32
      %dma_wait3A_494 = tpu.memref_slice %arg14[%add3A_382, %dma_wait3A] : memref<10240x128xf32, #tpu.memory_space<vmem_shared>> -> memref<16x128xf32, #tpu.memory_space<vmem_shared>>
      %dma_wait3A_495 = arith.constant 0 : i32
      %dma_wait3A_496 = tpu.memref_slice %arg14[%add3A_382, %dma_wait3A_495] : memref<10240x128xf32, #tpu.memory_space<vmem_shared>> -> memref<16x128xf32, #tpu.memory_space<vmem_shared>>
      tpu.wait_dma2 semaphore(%run_scoped3A : memref<!tpu.dma_semaphore, #tpu.memory_space<semaphore_mem>>) src(%dma_wait3A_496 : memref<16x128xf32, #tpu.memory_space<vmem_shared>>) dst(%arg13 : memref<16x128xf32, #tpu.memory_space<vmem>>)
      tpu.yield
    }) : () -> ()
    %mul3A_383 = arith.constant 640 : i32
    %mul3A_384 = arith.muli %arg1, %mul3A_383 : i32
    %add3A_385 = arith.constant 416 : i32
    %add3A_386 = arith.addi %mul3A_384, %add3A_385 : i32
    "tpu.region"() ({
      %run_scoped3A = tpu.sem_alloc : memref<!tpu.dma_semaphore, #tpu.memory_space<semaphore_mem>>
      %dma_start3A = arith.constant 0 : i32
      %dma_start3A_491 = tpu.memref_slice %arg7[%arg0, %add3A_386, %dma_start3A] : memref<2x10240x128xf32, #tpu.memory_space<hbm>> -> memref<1x16x128xf32, #tpu.memory_space<hbm>>
      %dma_start3A_492 = tpu.memref_squeeze %dma_start3A_491 : memref<1x16x128xf32, #tpu.memory_space<hbm>> -> memref<16x128xf32, #tpu.memory_space<hbm>>
      %dma_start3A_493 = arith.constant 0 : i32
      %dma_start3A_494 = tpu.memref_slice %arg7[%arg0, %add3A_386, %dma_start3A_493] : memref<2x10240x128xf32, #tpu.memory_space<hbm>> -> memref<1x16x128xf32, #tpu.memory_space<hbm>>
      %dma_start3A_495 = tpu.memref_squeeze %dma_start3A_494 : memref<1x16x128xf32, #tpu.memory_space<hbm>> -> memref<16x128xf32, #tpu.memory_space<hbm>>
      tpu.enqueue_dma source(%arg13 : memref<16x128xf32, #tpu.memory_space<vmem>>) target(%dma_start3A_495 : memref<16x128xf32, #tpu.memory_space<hbm>>) target_semaphore(%run_scoped3A : memref<!tpu.dma_semaphore, #tpu.memory_space<semaphore_mem>>)
      %dma_wait3A = arith.constant 0 : i32
      %dma_wait3A_496 = tpu.memref_slice %arg7[%arg0, %add3A_386, %dma_wait3A] : memref<2x10240x128xf32, #tpu.memory_space<hbm>> -> memref<1x16x128xf32, #tpu.memory_space<hbm>>
      %dma_wait3A_497 = tpu.memref_squeeze %dma_wait3A_496 : memref<1x16x128xf32, #tpu.memory_space<hbm>> -> memref<16x128xf32, #tpu.memory_space<hbm>>
      %dma_wait3A_498 = arith.constant 0 : i32
      %dma_wait3A_499 = tpu.memref_slice %arg7[%arg0, %add3A_386, %dma_wait3A_498] : memref<2x10240x128xf32, #tpu.memory_space<hbm>> -> memref<1x16x128xf32, #tpu.memory_space<hbm>>
      %dma_wait3A_500 = tpu.memref_squeeze %dma_wait3A_499 : memref<1x16x128xf32, #tpu.memory_space<hbm>> -> memref<16x128xf32, #tpu.memory_space<hbm>>
      tpu.wait_dma2 semaphore(%run_scoped3A : memref<!tpu.dma_semaphore, #tpu.memory_space<semaphore_mem>>) src(%arg13 : memref<16x128xf32, #tpu.memory_space<vmem>>) dst(%dma_wait3A_500 : memref<16x128xf32, #tpu.memory_space<hbm>>)
      tpu.yield
    }) : () -> ()
    %mul3A_387 = arith.constant 640 : i32
    %mul3A_388 = arith.muli %arg1, %mul3A_387 : i32
    %add3A_389 = arith.constant 432 : i32
    %add3A_390 = arith.addi %mul3A_388, %add3A_389 : i32
    "tpu.region"() ({
      %run_scoped3A = tpu.sem_alloc : memref<!tpu.dma_semaphore, #tpu.memory_space<semaphore_mem>>
      %dma_start3A = arith.constant 0 : i32
      %dma_start3A_491 = tpu.memref_slice %arg14[%add3A_390, %dma_start3A] : memref<10240x128xf32, #tpu.memory_space<vmem_shared>> -> memref<16x128xf32, #tpu.memory_space<vmem_shared>>
      %dma_start3A_492 = arith.constant 0 : i32
      %dma_start3A_493 = tpu.memref_slice %arg14[%add3A_390, %dma_start3A_492] : memref<10240x128xf32, #tpu.memory_space<vmem_shared>> -> memref<16x128xf32, #tpu.memory_space<vmem_shared>>
      tpu.enqueue_dma source(%dma_start3A_493 : memref<16x128xf32, #tpu.memory_space<vmem_shared>>) target(%arg13 : memref<16x128xf32, #tpu.memory_space<vmem>>) target_semaphore(%run_scoped3A : memref<!tpu.dma_semaphore, #tpu.memory_space<semaphore_mem>>)
      %dma_wait3A = arith.constant 0 : i32
      %dma_wait3A_494 = tpu.memref_slice %arg14[%add3A_390, %dma_wait3A] : memref<10240x128xf32, #tpu.memory_space<vmem_shared>> -> memref<16x128xf32, #tpu.memory_space<vmem_shared>>
      %dma_wait3A_495 = arith.constant 0 : i32
      %dma_wait3A_496 = tpu.memref_slice %arg14[%add3A_390, %dma_wait3A_495] : memref<10240x128xf32, #tpu.memory_space<vmem_shared>> -> memref<16x128xf32, #tpu.memory_space<vmem_shared>>
      tpu.wait_dma2 semaphore(%run_scoped3A : memref<!tpu.dma_semaphore, #tpu.memory_space<semaphore_mem>>) src(%dma_wait3A_496 : memref<16x128xf32, #tpu.memory_space<vmem_shared>>) dst(%arg13 : memref<16x128xf32, #tpu.memory_space<vmem>>)
      tpu.yield
    }) : () -> ()
    %mul3A_391 = arith.constant 640 : i32
    %mul3A_392 = arith.muli %arg1, %mul3A_391 : i32
    %add3A_393 = arith.constant 432 : i32
    %add3A_394 = arith.addi %mul3A_392, %add3A_393 : i32
    "tpu.region"() ({
      %run_scoped3A = tpu.sem_alloc : memref<!tpu.dma_semaphore, #tpu.memory_space<semaphore_mem>>
      %dma_start3A = arith.constant 0 : i32
      %dma_start3A_491 = tpu.memref_slice %arg7[%arg0, %add3A_394, %dma_start3A] : memref<2x10240x128xf32, #tpu.memory_space<hbm>> -> memref<1x16x128xf32, #tpu.memory_space<hbm>>
      %dma_start3A_492 = tpu.memref_squeeze %dma_start3A_491 : memref<1x16x128xf32, #tpu.memory_space<hbm>> -> memref<16x128xf32, #tpu.memory_space<hbm>>
      %dma_start3A_493 = arith.constant 0 : i32
      %dma_start3A_494 = tpu.memref_slice %arg7[%arg0, %add3A_394, %dma_start3A_493] : memref<2x10240x128xf32, #tpu.memory_space<hbm>> -> memref<1x16x128xf32, #tpu.memory_space<hbm>>
      %dma_start3A_495 = tpu.memref_squeeze %dma_start3A_494 : memref<1x16x128xf32, #tpu.memory_space<hbm>> -> memref<16x128xf32, #tpu.memory_space<hbm>>
      tpu.enqueue_dma source(%arg13 : memref<16x128xf32, #tpu.memory_space<vmem>>) target(%dma_start3A_495 : memref<16x128xf32, #tpu.memory_space<hbm>>) target_semaphore(%run_scoped3A : memref<!tpu.dma_semaphore, #tpu.memory_space<semaphore_mem>>)
      %dma_wait3A = arith.constant 0 : i32
      %dma_wait3A_496 = tpu.memref_slice %arg7[%arg0, %add3A_394, %dma_wait3A] : memref<2x10240x128xf32, #tpu.memory_space<hbm>> -> memref<1x16x128xf32, #tpu.memory_space<hbm>>
      %dma_wait3A_497 = tpu.memref_squeeze %dma_wait3A_496 : memref<1x16x128xf32, #tpu.memory_space<hbm>> -> memref<16x128xf32, #tpu.memory_space<hbm>>
      %dma_wait3A_498 = arith.constant 0 : i32
      %dma_wait3A_499 = tpu.memref_slice %arg7[%arg0, %add3A_394, %dma_wait3A_498] : memref<2x10240x128xf32, #tpu.memory_space<hbm>> -> memref<1x16x128xf32, #tpu.memory_space<hbm>>
      %dma_wait3A_500 = tpu.memref_squeeze %dma_wait3A_499 : memref<1x16x128xf32, #tpu.memory_space<hbm>> -> memref<16x128xf32, #tpu.memory_space<hbm>>
      tpu.wait_dma2 semaphore(%run_scoped3A : memref<!tpu.dma_semaphore, #tpu.memory_space<semaphore_mem>>) src(%arg13 : memref<16x128xf32, #tpu.memory_space<vmem>>) dst(%dma_wait3A_500 : memref<16x128xf32, #tpu.memory_space<hbm>>)
      tpu.yield
    }) : () -> ()
    %mul3A_395 = arith.constant 640 : i32
    %mul3A_396 = arith.muli %arg1, %mul3A_395 : i32
    %add3A_397 = arith.constant 448 : i32
    %add3A_398 = arith.addi %mul3A_396, %add3A_397 : i32
    "tpu.region"() ({
      %run_scoped3A = tpu.sem_alloc : memref<!tpu.dma_semaphore, #tpu.memory_space<semaphore_mem>>
      %dma_start3A = arith.constant 0 : i32
      %dma_start3A_491 = tpu.memref_slice %arg14[%add3A_398, %dma_start3A] : memref<10240x128xf32, #tpu.memory_space<vmem_shared>> -> memref<16x128xf32, #tpu.memory_space<vmem_shared>>
      %dma_start3A_492 = arith.constant 0 : i32
      %dma_start3A_493 = tpu.memref_slice %arg14[%add3A_398, %dma_start3A_492] : memref<10240x128xf32, #tpu.memory_space<vmem_shared>> -> memref<16x128xf32, #tpu.memory_space<vmem_shared>>
      tpu.enqueue_dma source(%dma_start3A_493 : memref<16x128xf32, #tpu.memory_space<vmem_shared>>) target(%arg13 : memref<16x128xf32, #tpu.memory_space<vmem>>) target_semaphore(%run_scoped3A : memref<!tpu.dma_semaphore, #tpu.memory_space<semaphore_mem>>)
      %dma_wait3A = arith.constant 0 : i32
      %dma_wait3A_494 = tpu.memref_slice %arg14[%add3A_398, %dma_wait3A] : memref<10240x128xf32, #tpu.memory_space<vmem_shared>> -> memref<16x128xf32, #tpu.memory_space<vmem_shared>>
      %dma_wait3A_495 = arith.constant 0 : i32
      %dma_wait3A_496 = tpu.memref_slice %arg14[%add3A_398, %dma_wait3A_495] : memref<10240x128xf32, #tpu.memory_space<vmem_shared>> -> memref<16x128xf32, #tpu.memory_space<vmem_shared>>
      tpu.wait_dma2 semaphore(%run_scoped3A : memref<!tpu.dma_semaphore, #tpu.memory_space<semaphore_mem>>) src(%dma_wait3A_496 : memref<16x128xf32, #tpu.memory_space<vmem_shared>>) dst(%arg13 : memref<16x128xf32, #tpu.memory_space<vmem>>)
      tpu.yield
    }) : () -> ()
    %mul3A_399 = arith.constant 640 : i32
    %mul3A_400 = arith.muli %arg1, %mul3A_399 : i32
    %add3A_401 = arith.constant 448 : i32
    %add3A_402 = arith.addi %mul3A_400, %add3A_401 : i32
    "tpu.region"() ({
      %run_scoped3A = tpu.sem_alloc : memref<!tpu.dma_semaphore, #tpu.memory_space<semaphore_mem>>
      %dma_start3A = arith.constant 0 : i32
      %dma_start3A_491 = tpu.memref_slice %arg7[%arg0, %add3A_402, %dma_start3A] : memref<2x10240x128xf32, #tpu.memory_space<hbm>> -> memref<1x16x128xf32, #tpu.memory_space<hbm>>
      %dma_start3A_492 = tpu.memref_squeeze %dma_start3A_491 : memref<1x16x128xf32, #tpu.memory_space<hbm>> -> memref<16x128xf32, #tpu.memory_space<hbm>>
      %dma_start3A_493 = arith.constant 0 : i32
      %dma_start3A_494 = tpu.memref_slice %arg7[%arg0, %add3A_402, %dma_start3A_493] : memref<2x10240x128xf32, #tpu.memory_space<hbm>> -> memref<1x16x128xf32, #tpu.memory_space<hbm>>
      %dma_start3A_495 = tpu.memref_squeeze %dma_start3A_494 : memref<1x16x128xf32, #tpu.memory_space<hbm>> -> memref<16x128xf32, #tpu.memory_space<hbm>>
      tpu.enqueue_dma source(%arg13 : memref<16x128xf32, #tpu.memory_space<vmem>>) target(%dma_start3A_495 : memref<16x128xf32, #tpu.memory_space<hbm>>) target_semaphore(%run_scoped3A : memref<!tpu.dma_semaphore, #tpu.memory_space<semaphore_mem>>)
      %dma_wait3A = arith.constant 0 : i32
      %dma_wait3A_496 = tpu.memref_slice %arg7[%arg0, %add3A_402, %dma_wait3A] : memref<2x10240x128xf32, #tpu.memory_space<hbm>> -> memref<1x16x128xf32, #tpu.memory_space<hbm>>
      %dma_wait3A_497 = tpu.memref_squeeze %dma_wait3A_496 : memref<1x16x128xf32, #tpu.memory_space<hbm>> -> memref<16x128xf32, #tpu.memory_space<hbm>>
      %dma_wait3A_498 = arith.constant 0 : i32
      %dma_wait3A_499 = tpu.memref_slice %arg7[%arg0, %add3A_402, %dma_wait3A_498] : memref<2x10240x128xf32, #tpu.memory_space<hbm>> -> memref<1x16x128xf32, #tpu.memory_space<hbm>>
      %dma_wait3A_500 = tpu.memref_squeeze %dma_wait3A_499 : memref<1x16x128xf32, #tpu.memory_space<hbm>> -> memref<16x128xf32, #tpu.memory_space<hbm>>
      tpu.wait_dma2 semaphore(%run_scoped3A : memref<!tpu.dma_semaphore, #tpu.memory_space<semaphore_mem>>) src(%arg13 : memref<16x128xf32, #tpu.memory_space<vmem>>) dst(%dma_wait3A_500 : memref<16x128xf32, #tpu.memory_space<hbm>>)
      tpu.yield
    }) : () -> ()
    %mul3A_403 = arith.constant 640 : i32
    %mul3A_404 = arith.muli %arg1, %mul3A_403 : i32
    %add3A_405 = arith.constant 464 : i32
    %add3A_406 = arith.addi %mul3A_404, %add3A_405 : i32
    "tpu.region"() ({
      %run_scoped3A = tpu.sem_alloc : memref<!tpu.dma_semaphore, #tpu.memory_space<semaphore_mem>>
      %dma_start3A = arith.constant 0 : i32
      %dma_start3A_491 = tpu.memref_slice %arg14[%add3A_406, %dma_start3A] : memref<10240x128xf32, #tpu.memory_space<vmem_shared>> -> memref<16x128xf32, #tpu.memory_space<vmem_shared>>
      %dma_start3A_492 = arith.constant 0 : i32
      %dma_start3A_493 = tpu.memref_slice %arg14[%add3A_406, %dma_start3A_492] : memref<10240x128xf32, #tpu.memory_space<vmem_shared>> -> memref<16x128xf32, #tpu.memory_space<vmem_shared>>
      tpu.enqueue_dma source(%dma_start3A_493 : memref<16x128xf32, #tpu.memory_space<vmem_shared>>) target(%arg13 : memref<16x128xf32, #tpu.memory_space<vmem>>) target_semaphore(%run_scoped3A : memref<!tpu.dma_semaphore, #tpu.memory_space<semaphore_mem>>)
      %dma_wait3A = arith.constant 0 : i32
      %dma_wait3A_494 = tpu.memref_slice %arg14[%add3A_406, %dma_wait3A] : memref<10240x128xf32, #tpu.memory_space<vmem_shared>> -> memref<16x128xf32, #tpu.memory_space<vmem_shared>>
      %dma_wait3A_495 = arith.constant 0 : i32
      %dma_wait3A_496 = tpu.memref_slice %arg14[%add3A_406, %dma_wait3A_495] : memref<10240x128xf32, #tpu.memory_space<vmem_shared>> -> memref<16x128xf32, #tpu.memory_space<vmem_shared>>
      tpu.wait_dma2 semaphore(%run_scoped3A : memref<!tpu.dma_semaphore, #tpu.memory_space<semaphore_mem>>) src(%dma_wait3A_496 : memref<16x128xf32, #tpu.memory_space<vmem_shared>>) dst(%arg13 : memref<16x128xf32, #tpu.memory_space<vmem>>)
      tpu.yield
    }) : () -> ()
    %mul3A_407 = arith.constant 640 : i32
    %mul3A_408 = arith.muli %arg1, %mul3A_407 : i32
    %add3A_409 = arith.constant 464 : i32
    %add3A_410 = arith.addi %mul3A_408, %add3A_409 : i32
    "tpu.region"() ({
      %run_scoped3A = tpu.sem_alloc : memref<!tpu.dma_semaphore, #tpu.memory_space<semaphore_mem>>
      %dma_start3A = arith.constant 0 : i32
      %dma_start3A_491 = tpu.memref_slice %arg7[%arg0, %add3A_410, %dma_start3A] : memref<2x10240x128xf32, #tpu.memory_space<hbm>> -> memref<1x16x128xf32, #tpu.memory_space<hbm>>
      %dma_start3A_492 = tpu.memref_squeeze %dma_start3A_491 : memref<1x16x128xf32, #tpu.memory_space<hbm>> -> memref<16x128xf32, #tpu.memory_space<hbm>>
      %dma_start3A_493 = arith.constant 0 : i32
      %dma_start3A_494 = tpu.memref_slice %arg7[%arg0, %add3A_410, %dma_start3A_493] : memref<2x10240x128xf32, #tpu.memory_space<hbm>> -> memref<1x16x128xf32, #tpu.memory_space<hbm>>
      %dma_start3A_495 = tpu.memref_squeeze %dma_start3A_494 : memref<1x16x128xf32, #tpu.memory_space<hbm>> -> memref<16x128xf32, #tpu.memory_space<hbm>>
      tpu.enqueue_dma source(%arg13 : memref<16x128xf32, #tpu.memory_space<vmem>>) target(%dma_start3A_495 : memref<16x128xf32, #tpu.memory_space<hbm>>) target_semaphore(%run_scoped3A : memref<!tpu.dma_semaphore, #tpu.memory_space<semaphore_mem>>)
      %dma_wait3A = arith.constant 0 : i32
      %dma_wait3A_496 = tpu.memref_slice %arg7[%arg0, %add3A_410, %dma_wait3A] : memref<2x10240x128xf32, #tpu.memory_space<hbm>> -> memref<1x16x128xf32, #tpu.memory_space<hbm>>
      %dma_wait3A_497 = tpu.memref_squeeze %dma_wait3A_496 : memref<1x16x128xf32, #tpu.memory_space<hbm>> -> memref<16x128xf32, #tpu.memory_space<hbm>>
      %dma_wait3A_498 = arith.constant 0 : i32
      %dma_wait3A_499 = tpu.memref_slice %arg7[%arg0, %add3A_410, %dma_wait3A_498] : memref<2x10240x128xf32, #tpu.memory_space<hbm>> -> memref<1x16x128xf32, #tpu.memory_space<hbm>>
      %dma_wait3A_500 = tpu.memref_squeeze %dma_wait3A_499 : memref<1x16x128xf32, #tpu.memory_space<hbm>> -> memref<16x128xf32, #tpu.memory_space<hbm>>
      tpu.wait_dma2 semaphore(%run_scoped3A : memref<!tpu.dma_semaphore, #tpu.memory_space<semaphore_mem>>) src(%arg13 : memref<16x128xf32, #tpu.memory_space<vmem>>) dst(%dma_wait3A_500 : memref<16x128xf32, #tpu.memory_space<hbm>>)
      tpu.yield
    }) : () -> ()
    %mul3A_411 = arith.constant 640 : i32
    %mul3A_412 = arith.muli %arg1, %mul3A_411 : i32
    %add3A_413 = arith.constant 480 : i32
    %add3A_414 = arith.addi %mul3A_412, %add3A_413 : i32
    "tpu.region"() ({
      %run_scoped3A = tpu.sem_alloc : memref<!tpu.dma_semaphore, #tpu.memory_space<semaphore_mem>>
      %dma_start3A = arith.constant 0 : i32
      %dma_start3A_491 = tpu.memref_slice %arg14[%add3A_414, %dma_start3A] : memref<10240x128xf32, #tpu.memory_space<vmem_shared>> -> memref<16x128xf32, #tpu.memory_space<vmem_shared>>
      %dma_start3A_492 = arith.constant 0 : i32
      %dma_start3A_493 = tpu.memref_slice %arg14[%add3A_414, %dma_start3A_492] : memref<10240x128xf32, #tpu.memory_space<vmem_shared>> -> memref<16x128xf32, #tpu.memory_space<vmem_shared>>
      tpu.enqueue_dma source(%dma_start3A_493 : memref<16x128xf32, #tpu.memory_space<vmem_shared>>) target(%arg13 : memref<16x128xf32, #tpu.memory_space<vmem>>) target_semaphore(%run_scoped3A : memref<!tpu.dma_semaphore, #tpu.memory_space<semaphore_mem>>)
      %dma_wait3A = arith.constant 0 : i32
      %dma_wait3A_494 = tpu.memref_slice %arg14[%add3A_414, %dma_wait3A] : memref<10240x128xf32, #tpu.memory_space<vmem_shared>> -> memref<16x128xf32, #tpu.memory_space<vmem_shared>>
      %dma_wait3A_495 = arith.constant 0 : i32
      %dma_wait3A_496 = tpu.memref_slice %arg14[%add3A_414, %dma_wait3A_495] : memref<10240x128xf32, #tpu.memory_space<vmem_shared>> -> memref<16x128xf32, #tpu.memory_space<vmem_shared>>
      tpu.wait_dma2 semaphore(%run_scoped3A : memref<!tpu.dma_semaphore, #tpu.memory_space<semaphore_mem>>) src(%dma_wait3A_496 : memref<16x128xf32, #tpu.memory_space<vmem_shared>>) dst(%arg13 : memref<16x128xf32, #tpu.memory_space<vmem>>)
      tpu.yield
    }) : () -> ()
    %mul3A_415 = arith.constant 640 : i32
    %mul3A_416 = arith.muli %arg1, %mul3A_415 : i32
    %add3A_417 = arith.constant 480 : i32
    %add3A_418 = arith.addi %mul3A_416, %add3A_417 : i32
    "tpu.region"() ({
      %run_scoped3A = tpu.sem_alloc : memref<!tpu.dma_semaphore, #tpu.memory_space<semaphore_mem>>
      %dma_start3A = arith.constant 0 : i32
      %dma_start3A_491 = tpu.memref_slice %arg7[%arg0, %add3A_418, %dma_start3A] : memref<2x10240x128xf32, #tpu.memory_space<hbm>> -> memref<1x16x128xf32, #tpu.memory_space<hbm>>
      %dma_start3A_492 = tpu.memref_squeeze %dma_start3A_491 : memref<1x16x128xf32, #tpu.memory_space<hbm>> -> memref<16x128xf32, #tpu.memory_space<hbm>>
      %dma_start3A_493 = arith.constant 0 : i32
      %dma_start3A_494 = tpu.memref_slice %arg7[%arg0, %add3A_418, %dma_start3A_493] : memref<2x10240x128xf32, #tpu.memory_space<hbm>> -> memref<1x16x128xf32, #tpu.memory_space<hbm>>
      %dma_start3A_495 = tpu.memref_squeeze %dma_start3A_494 : memref<1x16x128xf32, #tpu.memory_space<hbm>> -> memref<16x128xf32, #tpu.memory_space<hbm>>
      tpu.enqueue_dma source(%arg13 : memref<16x128xf32, #tpu.memory_space<vmem>>) target(%dma_start3A_495 : memref<16x128xf32, #tpu.memory_space<hbm>>) target_semaphore(%run_scoped3A : memref<!tpu.dma_semaphore, #tpu.memory_space<semaphore_mem>>)
      %dma_wait3A = arith.constant 0 : i32
      %dma_wait3A_496 = tpu.memref_slice %arg7[%arg0, %add3A_418, %dma_wait3A] : memref<2x10240x128xf32, #tpu.memory_space<hbm>> -> memref<1x16x128xf32, #tpu.memory_space<hbm>>
      %dma_wait3A_497 = tpu.memref_squeeze %dma_wait3A_496 : memref<1x16x128xf32, #tpu.memory_space<hbm>> -> memref<16x128xf32, #tpu.memory_space<hbm>>
      %dma_wait3A_498 = arith.constant 0 : i32
      %dma_wait3A_499 = tpu.memref_slice %arg7[%arg0, %add3A_418, %dma_wait3A_498] : memref<2x10240x128xf32, #tpu.memory_space<hbm>> -> memref<1x16x128xf32, #tpu.memory_space<hbm>>
      %dma_wait3A_500 = tpu.memref_squeeze %dma_wait3A_499 : memref<1x16x128xf32, #tpu.memory_space<hbm>> -> memref<16x128xf32, #tpu.memory_space<hbm>>
      tpu.wait_dma2 semaphore(%run_scoped3A : memref<!tpu.dma_semaphore, #tpu.memory_space<semaphore_mem>>) src(%arg13 : memref<16x128xf32, #tpu.memory_space<vmem>>) dst(%dma_wait3A_500 : memref<16x128xf32, #tpu.memory_space<hbm>>)
      tpu.yield
    }) : () -> ()
    %mul3A_419 = arith.constant 640 : i32
    %mul3A_420 = arith.muli %arg1, %mul3A_419 : i32
    %add3A_421 = arith.constant 496 : i32
    %add3A_422 = arith.addi %mul3A_420, %add3A_421 : i32
    "tpu.region"() ({
      %run_scoped3A = tpu.sem_alloc : memref<!tpu.dma_semaphore, #tpu.memory_space<semaphore_mem>>
      %dma_start3A = arith.constant 0 : i32
      %dma_start3A_491 = tpu.memref_slice %arg14[%add3A_422, %dma_start3A] : memref<10240x128xf32, #tpu.memory_space<vmem_shared>> -> memref<16x128xf32, #tpu.memory_space<vmem_shared>>
      %dma_start3A_492 = arith.constant 0 : i32
      %dma_start3A_493 = tpu.memref_slice %arg14[%add3A_422, %dma_start3A_492] : memref<10240x128xf32, #tpu.memory_space<vmem_shared>> -> memref<16x128xf32, #tpu.memory_space<vmem_shared>>
      tpu.enqueue_dma source(%dma_start3A_493 : memref<16x128xf32, #tpu.memory_space<vmem_shared>>) target(%arg13 : memref<16x128xf32, #tpu.memory_space<vmem>>) target_semaphore(%run_scoped3A : memref<!tpu.dma_semaphore, #tpu.memory_space<semaphore_mem>>)
      %dma_wait3A = arith.constant 0 : i32
      %dma_wait3A_494 = tpu.memref_slice %arg14[%add3A_422, %dma_wait3A] : memref<10240x128xf32, #tpu.memory_space<vmem_shared>> -> memref<16x128xf32, #tpu.memory_space<vmem_shared>>
      %dma_wait3A_495 = arith.constant 0 : i32
      %dma_wait3A_496 = tpu.memref_slice %arg14[%add3A_422, %dma_wait3A_495] : memref<10240x128xf32, #tpu.memory_space<vmem_shared>> -> memref<16x128xf32, #tpu.memory_space<vmem_shared>>
      tpu.wait_dma2 semaphore(%run_scoped3A : memref<!tpu.dma_semaphore, #tpu.memory_space<semaphore_mem>>) src(%dma_wait3A_496 : memref<16x128xf32, #tpu.memory_space<vmem_shared>>) dst(%arg13 : memref<16x128xf32, #tpu.memory_space<vmem>>)
      tpu.yield
    }) : () -> ()
    %mul3A_423 = arith.constant 640 : i32
    %mul3A_424 = arith.muli %arg1, %mul3A_423 : i32
    %add3A_425 = arith.constant 496 : i32
    %add3A_426 = arith.addi %mul3A_424, %add3A_425 : i32
    "tpu.region"() ({
      %run_scoped3A = tpu.sem_alloc : memref<!tpu.dma_semaphore, #tpu.memory_space<semaphore_mem>>
      %dma_start3A = arith.constant 0 : i32
      %dma_start3A_491 = tpu.memref_slice %arg7[%arg0, %add3A_426, %dma_start3A] : memref<2x10240x128xf32, #tpu.memory_space<hbm>> -> memref<1x16x128xf32, #tpu.memory_space<hbm>>
      %dma_start3A_492 = tpu.memref_squeeze %dma_start3A_491 : memref<1x16x128xf32, #tpu.memory_space<hbm>> -> memref<16x128xf32, #tpu.memory_space<hbm>>
      %dma_start3A_493 = arith.constant 0 : i32
      %dma_start3A_494 = tpu.memref_slice %arg7[%arg0, %add3A_426, %dma_start3A_493] : memref<2x10240x128xf32, #tpu.memory_space<hbm>> -> memref<1x16x128xf32, #tpu.memory_space<hbm>>
      %dma_start3A_495 = tpu.memref_squeeze %dma_start3A_494 : memref<1x16x128xf32, #tpu.memory_space<hbm>> -> memref<16x128xf32, #tpu.memory_space<hbm>>
      tpu.enqueue_dma source(%arg13 : memref<16x128xf32, #tpu.memory_space<vmem>>) target(%dma_start3A_495 : memref<16x128xf32, #tpu.memory_space<hbm>>) target_semaphore(%run_scoped3A : memref<!tpu.dma_semaphore, #tpu.memory_space<semaphore_mem>>)
      %dma_wait3A = arith.constant 0 : i32
      %dma_wait3A_496 = tpu.memref_slice %arg7[%arg0, %add3A_426, %dma_wait3A] : memref<2x10240x128xf32, #tpu.memory_space<hbm>> -> memref<1x16x128xf32, #tpu.memory_space<hbm>>
      %dma_wait3A_497 = tpu.memref_squeeze %dma_wait3A_496 : memref<1x16x128xf32, #tpu.memory_space<hbm>> -> memref<16x128xf32, #tpu.memory_space<hbm>>
      %dma_wait3A_498 = arith.constant 0 : i32
      %dma_wait3A_499 = tpu.memref_slice %arg7[%arg0, %add3A_426, %dma_wait3A_498] : memref<2x10240x128xf32, #tpu.memory_space<hbm>> -> memref<1x16x128xf32, #tpu.memory_space<hbm>>
      %dma_wait3A_500 = tpu.memref_squeeze %dma_wait3A_499 : memref<1x16x128xf32, #tpu.memory_space<hbm>> -> memref<16x128xf32, #tpu.memory_space<hbm>>
      tpu.wait_dma2 semaphore(%run_scoped3A : memref<!tpu.dma_semaphore, #tpu.memory_space<semaphore_mem>>) src(%arg13 : memref<16x128xf32, #tpu.memory_space<vmem>>) dst(%dma_wait3A_500 : memref<16x128xf32, #tpu.memory_space<hbm>>)
      tpu.yield
    }) : () -> ()
    %mul3A_427 = arith.constant 640 : i32
    %mul3A_428 = arith.muli %arg1, %mul3A_427 : i32
    %add3A_429 = arith.constant 512 : i32
    %add3A_430 = arith.addi %mul3A_428, %add3A_429 : i32
    "tpu.region"() ({
      %run_scoped3A = tpu.sem_alloc : memref<!tpu.dma_semaphore, #tpu.memory_space<semaphore_mem>>
      %dma_start3A = arith.constant 0 : i32
      %dma_start3A_491 = tpu.memref_slice %arg14[%add3A_430, %dma_start3A] : memref<10240x128xf32, #tpu.memory_space<vmem_shared>> -> memref<16x128xf32, #tpu.memory_space<vmem_shared>>
      %dma_start3A_492 = arith.constant 0 : i32
      %dma_start3A_493 = tpu.memref_slice %arg14[%add3A_430, %dma_start3A_492] : memref<10240x128xf32, #tpu.memory_space<vmem_shared>> -> memref<16x128xf32, #tpu.memory_space<vmem_shared>>
      tpu.enqueue_dma source(%dma_start3A_493 : memref<16x128xf32, #tpu.memory_space<vmem_shared>>) target(%arg13 : memref<16x128xf32, #tpu.memory_space<vmem>>) target_semaphore(%run_scoped3A : memref<!tpu.dma_semaphore, #tpu.memory_space<semaphore_mem>>)
      %dma_wait3A = arith.constant 0 : i32
      %dma_wait3A_494 = tpu.memref_slice %arg14[%add3A_430, %dma_wait3A] : memref<10240x128xf32, #tpu.memory_space<vmem_shared>> -> memref<16x128xf32, #tpu.memory_space<vmem_shared>>
      %dma_wait3A_495 = arith.constant 0 : i32
      %dma_wait3A_496 = tpu.memref_slice %arg14[%add3A_430, %dma_wait3A_495] : memref<10240x128xf32, #tpu.memory_space<vmem_shared>> -> memref<16x128xf32, #tpu.memory_space<vmem_shared>>
      tpu.wait_dma2 semaphore(%run_scoped3A : memref<!tpu.dma_semaphore, #tpu.memory_space<semaphore_mem>>) src(%dma_wait3A_496 : memref<16x128xf32, #tpu.memory_space<vmem_shared>>) dst(%arg13 : memref<16x128xf32, #tpu.memory_space<vmem>>)
      tpu.yield
    }) : () -> ()
    %mul3A_431 = arith.constant 640 : i32
    %mul3A_432 = arith.muli %arg1, %mul3A_431 : i32
    %add3A_433 = arith.constant 512 : i32
    %add3A_434 = arith.addi %mul3A_432, %add3A_433 : i32
    "tpu.region"() ({
      %run_scoped3A = tpu.sem_alloc : memref<!tpu.dma_semaphore, #tpu.memory_space<semaphore_mem>>
      %dma_start3A = arith.constant 0 : i32
      %dma_start3A_491 = tpu.memref_slice %arg7[%arg0, %add3A_434, %dma_start3A] : memref<2x10240x128xf32, #tpu.memory_space<hbm>> -> memref<1x16x128xf32, #tpu.memory_space<hbm>>
      %dma_start3A_492 = tpu.memref_squeeze %dma_start3A_491 : memref<1x16x128xf32, #tpu.memory_space<hbm>> -> memref<16x128xf32, #tpu.memory_space<hbm>>
      %dma_start3A_493 = arith.constant 0 : i32
      %dma_start3A_494 = tpu.memref_slice %arg7[%arg0, %add3A_434, %dma_start3A_493] : memref<2x10240x128xf32, #tpu.memory_space<hbm>> -> memref<1x16x128xf32, #tpu.memory_space<hbm>>
      %dma_start3A_495 = tpu.memref_squeeze %dma_start3A_494 : memref<1x16x128xf32, #tpu.memory_space<hbm>> -> memref<16x128xf32, #tpu.memory_space<hbm>>
      tpu.enqueue_dma source(%arg13 : memref<16x128xf32, #tpu.memory_space<vmem>>) target(%dma_start3A_495 : memref<16x128xf32, #tpu.memory_space<hbm>>) target_semaphore(%run_scoped3A : memref<!tpu.dma_semaphore, #tpu.memory_space<semaphore_mem>>)
      %dma_wait3A = arith.constant 0 : i32
      %dma_wait3A_496 = tpu.memref_slice %arg7[%arg0, %add3A_434, %dma_wait3A] : memref<2x10240x128xf32, #tpu.memory_space<hbm>> -> memref<1x16x128xf32, #tpu.memory_space<hbm>>
      %dma_wait3A_497 = tpu.memref_squeeze %dma_wait3A_496 : memref<1x16x128xf32, #tpu.memory_space<hbm>> -> memref<16x128xf32, #tpu.memory_space<hbm>>
      %dma_wait3A_498 = arith.constant 0 : i32
      %dma_wait3A_499 = tpu.memref_slice %arg7[%arg0, %add3A_434, %dma_wait3A_498] : memref<2x10240x128xf32, #tpu.memory_space<hbm>> -> memref<1x16x128xf32, #tpu.memory_space<hbm>>
      %dma_wait3A_500 = tpu.memref_squeeze %dma_wait3A_499 : memref<1x16x128xf32, #tpu.memory_space<hbm>> -> memref<16x128xf32, #tpu.memory_space<hbm>>
      tpu.wait_dma2 semaphore(%run_scoped3A : memref<!tpu.dma_semaphore, #tpu.memory_space<semaphore_mem>>) src(%arg13 : memref<16x128xf32, #tpu.memory_space<vmem>>) dst(%dma_wait3A_500 : memref<16x128xf32, #tpu.memory_space<hbm>>)
      tpu.yield
    }) : () -> ()
    %mul3A_435 = arith.constant 640 : i32
    %mul3A_436 = arith.muli %arg1, %mul3A_435 : i32
    %add3A_437 = arith.constant 528 : i32
    %add3A_438 = arith.addi %mul3A_436, %add3A_437 : i32
    "tpu.region"() ({
      %run_scoped3A = tpu.sem_alloc : memref<!tpu.dma_semaphore, #tpu.memory_space<semaphore_mem>>
      %dma_start3A = arith.constant 0 : i32
      %dma_start3A_491 = tpu.memref_slice %arg14[%add3A_438, %dma_start3A] : memref<10240x128xf32, #tpu.memory_space<vmem_shared>> -> memref<16x128xf32, #tpu.memory_space<vmem_shared>>
      %dma_start3A_492 = arith.constant 0 : i32
      %dma_start3A_493 = tpu.memref_slice %arg14[%add3A_438, %dma_start3A_492] : memref<10240x128xf32, #tpu.memory_space<vmem_shared>> -> memref<16x128xf32, #tpu.memory_space<vmem_shared>>
      tpu.enqueue_dma source(%dma_start3A_493 : memref<16x128xf32, #tpu.memory_space<vmem_shared>>) target(%arg13 : memref<16x128xf32, #tpu.memory_space<vmem>>) target_semaphore(%run_scoped3A : memref<!tpu.dma_semaphore, #tpu.memory_space<semaphore_mem>>)
      %dma_wait3A = arith.constant 0 : i32
      %dma_wait3A_494 = tpu.memref_slice %arg14[%add3A_438, %dma_wait3A] : memref<10240x128xf32, #tpu.memory_space<vmem_shared>> -> memref<16x128xf32, #tpu.memory_space<vmem_shared>>
      %dma_wait3A_495 = arith.constant 0 : i32
      %dma_wait3A_496 = tpu.memref_slice %arg14[%add3A_438, %dma_wait3A_495] : memref<10240x128xf32, #tpu.memory_space<vmem_shared>> -> memref<16x128xf32, #tpu.memory_space<vmem_shared>>
      tpu.wait_dma2 semaphore(%run_scoped3A : memref<!tpu.dma_semaphore, #tpu.memory_space<semaphore_mem>>) src(%dma_wait3A_496 : memref<16x128xf32, #tpu.memory_space<vmem_shared>>) dst(%arg13 : memref<16x128xf32, #tpu.memory_space<vmem>>)
      tpu.yield
    }) : () -> ()
    %mul3A_439 = arith.constant 640 : i32
    %mul3A_440 = arith.muli %arg1, %mul3A_439 : i32
    %add3A_441 = arith.constant 528 : i32
    %add3A_442 = arith.addi %mul3A_440, %add3A_441 : i32
    "tpu.region"() ({
      %run_scoped3A = tpu.sem_alloc : memref<!tpu.dma_semaphore, #tpu.memory_space<semaphore_mem>>
      %dma_start3A = arith.constant 0 : i32
      %dma_start3A_491 = tpu.memref_slice %arg7[%arg0, %add3A_442, %dma_start3A] : memref<2x10240x128xf32, #tpu.memory_space<hbm>> -> memref<1x16x128xf32, #tpu.memory_space<hbm>>
      %dma_start3A_492 = tpu.memref_squeeze %dma_start3A_491 : memref<1x16x128xf32, #tpu.memory_space<hbm>> -> memref<16x128xf32, #tpu.memory_space<hbm>>
      %dma_start3A_493 = arith.constant 0 : i32
      %dma_start3A_494 = tpu.memref_slice %arg7[%arg0, %add3A_442, %dma_start3A_493] : memref<2x10240x128xf32, #tpu.memory_space<hbm>> -> memref<1x16x128xf32, #tpu.memory_space<hbm>>
      %dma_start3A_495 = tpu.memref_squeeze %dma_start3A_494 : memref<1x16x128xf32, #tpu.memory_space<hbm>> -> memref<16x128xf32, #tpu.memory_space<hbm>>
      tpu.enqueue_dma source(%arg13 : memref<16x128xf32, #tpu.memory_space<vmem>>) target(%dma_start3A_495 : memref<16x128xf32, #tpu.memory_space<hbm>>) target_semaphore(%run_scoped3A : memref<!tpu.dma_semaphore, #tpu.memory_space<semaphore_mem>>)
      %dma_wait3A = arith.constant 0 : i32
      %dma_wait3A_496 = tpu.memref_slice %arg7[%arg0, %add3A_442, %dma_wait3A] : memref<2x10240x128xf32, #tpu.memory_space<hbm>> -> memref<1x16x128xf32, #tpu.memory_space<hbm>>
      %dma_wait3A_497 = tpu.memref_squeeze %dma_wait3A_496 : memref<1x16x128xf32, #tpu.memory_space<hbm>> -> memref<16x128xf32, #tpu.memory_space<hbm>>
      %dma_wait3A_498 = arith.constant 0 : i32
      %dma_wait3A_499 = tpu.memref_slice %arg7[%arg0, %add3A_442, %dma_wait3A_498] : memref<2x10240x128xf32, #tpu.memory_space<hbm>> -> memref<1x16x128xf32, #tpu.memory_space<hbm>>
      %dma_wait3A_500 = tpu.memref_squeeze %dma_wait3A_499 : memref<1x16x128xf32, #tpu.memory_space<hbm>> -> memref<16x128xf32, #tpu.memory_space<hbm>>
      tpu.wait_dma2 semaphore(%run_scoped3A : memref<!tpu.dma_semaphore, #tpu.memory_space<semaphore_mem>>) src(%arg13 : memref<16x128xf32, #tpu.memory_space<vmem>>) dst(%dma_wait3A_500 : memref<16x128xf32, #tpu.memory_space<hbm>>)
      tpu.yield
    }) : () -> ()
    %mul3A_443 = arith.constant 640 : i32
    %mul3A_444 = arith.muli %arg1, %mul3A_443 : i32
    %add3A_445 = arith.constant 544 : i32
    %add3A_446 = arith.addi %mul3A_444, %add3A_445 : i32
    "tpu.region"() ({
      %run_scoped3A = tpu.sem_alloc : memref<!tpu.dma_semaphore, #tpu.memory_space<semaphore_mem>>
      %dma_start3A = arith.constant 0 : i32
      %dma_start3A_491 = tpu.memref_slice %arg14[%add3A_446, %dma_start3A] : memref<10240x128xf32, #tpu.memory_space<vmem_shared>> -> memref<16x128xf32, #tpu.memory_space<vmem_shared>>
      %dma_start3A_492 = arith.constant 0 : i32
      %dma_start3A_493 = tpu.memref_slice %arg14[%add3A_446, %dma_start3A_492] : memref<10240x128xf32, #tpu.memory_space<vmem_shared>> -> memref<16x128xf32, #tpu.memory_space<vmem_shared>>
      tpu.enqueue_dma source(%dma_start3A_493 : memref<16x128xf32, #tpu.memory_space<vmem_shared>>) target(%arg13 : memref<16x128xf32, #tpu.memory_space<vmem>>) target_semaphore(%run_scoped3A : memref<!tpu.dma_semaphore, #tpu.memory_space<semaphore_mem>>)
      %dma_wait3A = arith.constant 0 : i32
      %dma_wait3A_494 = tpu.memref_slice %arg14[%add3A_446, %dma_wait3A] : memref<10240x128xf32, #tpu.memory_space<vmem_shared>> -> memref<16x128xf32, #tpu.memory_space<vmem_shared>>
      %dma_wait3A_495 = arith.constant 0 : i32
      %dma_wait3A_496 = tpu.memref_slice %arg14[%add3A_446, %dma_wait3A_495] : memref<10240x128xf32, #tpu.memory_space<vmem_shared>> -> memref<16x128xf32, #tpu.memory_space<vmem_shared>>
      tpu.wait_dma2 semaphore(%run_scoped3A : memref<!tpu.dma_semaphore, #tpu.memory_space<semaphore_mem>>) src(%dma_wait3A_496 : memref<16x128xf32, #tpu.memory_space<vmem_shared>>) dst(%arg13 : memref<16x128xf32, #tpu.memory_space<vmem>>)
      tpu.yield
    }) : () -> ()
    %mul3A_447 = arith.constant 640 : i32
    %mul3A_448 = arith.muli %arg1, %mul3A_447 : i32
    %add3A_449 = arith.constant 544 : i32
    %add3A_450 = arith.addi %mul3A_448, %add3A_449 : i32
    "tpu.region"() ({
      %run_scoped3A = tpu.sem_alloc : memref<!tpu.dma_semaphore, #tpu.memory_space<semaphore_mem>>
      %dma_start3A = arith.constant 0 : i32
      %dma_start3A_491 = tpu.memref_slice %arg7[%arg0, %add3A_450, %dma_start3A] : memref<2x10240x128xf32, #tpu.memory_space<hbm>> -> memref<1x16x128xf32, #tpu.memory_space<hbm>>
      %dma_start3A_492 = tpu.memref_squeeze %dma_start3A_491 : memref<1x16x128xf32, #tpu.memory_space<hbm>> -> memref<16x128xf32, #tpu.memory_space<hbm>>
      %dma_start3A_493 = arith.constant 0 : i32
      %dma_start3A_494 = tpu.memref_slice %arg7[%arg0, %add3A_450, %dma_start3A_493] : memref<2x10240x128xf32, #tpu.memory_space<hbm>> -> memref<1x16x128xf32, #tpu.memory_space<hbm>>
      %dma_start3A_495 = tpu.memref_squeeze %dma_start3A_494 : memref<1x16x128xf32, #tpu.memory_space<hbm>> -> memref<16x128xf32, #tpu.memory_space<hbm>>
      tpu.enqueue_dma source(%arg13 : memref<16x128xf32, #tpu.memory_space<vmem>>) target(%dma_start3A_495 : memref<16x128xf32, #tpu.memory_space<hbm>>) target_semaphore(%run_scoped3A : memref<!tpu.dma_semaphore, #tpu.memory_space<semaphore_mem>>)
      %dma_wait3A = arith.constant 0 : i32
      %dma_wait3A_496 = tpu.memref_slice %arg7[%arg0, %add3A_450, %dma_wait3A] : memref<2x10240x128xf32, #tpu.memory_space<hbm>> -> memref<1x16x128xf32, #tpu.memory_space<hbm>>
      %dma_wait3A_497 = tpu.memref_squeeze %dma_wait3A_496 : memref<1x16x128xf32, #tpu.memory_space<hbm>> -> memref<16x128xf32, #tpu.memory_space<hbm>>
      %dma_wait3A_498 = arith.constant 0 : i32
      %dma_wait3A_499 = tpu.memref_slice %arg7[%arg0, %add3A_450, %dma_wait3A_498] : memref<2x10240x128xf32, #tpu.memory_space<hbm>> -> memref<1x16x128xf32, #tpu.memory_space<hbm>>
      %dma_wait3A_500 = tpu.memref_squeeze %dma_wait3A_499 : memref<1x16x128xf32, #tpu.memory_space<hbm>> -> memref<16x128xf32, #tpu.memory_space<hbm>>
      tpu.wait_dma2 semaphore(%run_scoped3A : memref<!tpu.dma_semaphore, #tpu.memory_space<semaphore_mem>>) src(%arg13 : memref<16x128xf32, #tpu.memory_space<vmem>>) dst(%dma_wait3A_500 : memref<16x128xf32, #tpu.memory_space<hbm>>)
      tpu.yield
    }) : () -> ()
    %mul3A_451 = arith.constant 640 : i32
    %mul3A_452 = arith.muli %arg1, %mul3A_451 : i32
    %add3A_453 = arith.constant 560 : i32
    %add3A_454 = arith.addi %mul3A_452, %add3A_453 : i32
    "tpu.region"() ({
      %run_scoped3A = tpu.sem_alloc : memref<!tpu.dma_semaphore, #tpu.memory_space<semaphore_mem>>
      %dma_start3A = arith.constant 0 : i32
      %dma_start3A_491 = tpu.memref_slice %arg14[%add3A_454, %dma_start3A] : memref<10240x128xf32, #tpu.memory_space<vmem_shared>> -> memref<16x128xf32, #tpu.memory_space<vmem_shared>>
      %dma_start3A_492 = arith.constant 0 : i32
      %dma_start3A_493 = tpu.memref_slice %arg14[%add3A_454, %dma_start3A_492] : memref<10240x128xf32, #tpu.memory_space<vmem_shared>> -> memref<16x128xf32, #tpu.memory_space<vmem_shared>>
      tpu.enqueue_dma source(%dma_start3A_493 : memref<16x128xf32, #tpu.memory_space<vmem_shared>>) target(%arg13 : memref<16x128xf32, #tpu.memory_space<vmem>>) target_semaphore(%run_scoped3A : memref<!tpu.dma_semaphore, #tpu.memory_space<semaphore_mem>>)
      %dma_wait3A = arith.constant 0 : i32
      %dma_wait3A_494 = tpu.memref_slice %arg14[%add3A_454, %dma_wait3A] : memref<10240x128xf32, #tpu.memory_space<vmem_shared>> -> memref<16x128xf32, #tpu.memory_space<vmem_shared>>
      %dma_wait3A_495 = arith.constant 0 : i32
      %dma_wait3A_496 = tpu.memref_slice %arg14[%add3A_454, %dma_wait3A_495] : memref<10240x128xf32, #tpu.memory_space<vmem_shared>> -> memref<16x128xf32, #tpu.memory_space<vmem_shared>>
      tpu.wait_dma2 semaphore(%run_scoped3A : memref<!tpu.dma_semaphore, #tpu.memory_space<semaphore_mem>>) src(%dma_wait3A_496 : memref<16x128xf32, #tpu.memory_space<vmem_shared>>) dst(%arg13 : memref<16x128xf32, #tpu.memory_space<vmem>>)
      tpu.yield
    }) : () -> ()
    %mul3A_455 = arith.constant 640 : i32
    %mul3A_456 = arith.muli %arg1, %mul3A_455 : i32
    %add3A_457 = arith.constant 560 : i32
    %add3A_458 = arith.addi %mul3A_456, %add3A_457 : i32
    "tpu.region"() ({
      %run_scoped3A = tpu.sem_alloc : memref<!tpu.dma_semaphore, #tpu.memory_space<semaphore_mem>>
      %dma_start3A = arith.constant 0 : i32
      %dma_start3A_491 = tpu.memref_slice %arg7[%arg0, %add3A_458, %dma_start3A] : memref<2x10240x128xf32, #tpu.memory_space<hbm>> -> memref<1x16x128xf32, #tpu.memory_space<hbm>>
      %dma_start3A_492 = tpu.memref_squeeze %dma_start3A_491 : memref<1x16x128xf32, #tpu.memory_space<hbm>> -> memref<16x128xf32, #tpu.memory_space<hbm>>
      %dma_start3A_493 = arith.constant 0 : i32
      %dma_start3A_494 = tpu.memref_slice %arg7[%arg0, %add3A_458, %dma_start3A_493] : memref<2x10240x128xf32, #tpu.memory_space<hbm>> -> memref<1x16x128xf32, #tpu.memory_space<hbm>>
      %dma_start3A_495 = tpu.memref_squeeze %dma_start3A_494 : memref<1x16x128xf32, #tpu.memory_space<hbm>> -> memref<16x128xf32, #tpu.memory_space<hbm>>
      tpu.enqueue_dma source(%arg13 : memref<16x128xf32, #tpu.memory_space<vmem>>) target(%dma_start3A_495 : memref<16x128xf32, #tpu.memory_space<hbm>>) target_semaphore(%run_scoped3A : memref<!tpu.dma_semaphore, #tpu.memory_space<semaphore_mem>>)
      %dma_wait3A = arith.constant 0 : i32
      %dma_wait3A_496 = tpu.memref_slice %arg7[%arg0, %add3A_458, %dma_wait3A] : memref<2x10240x128xf32, #tpu.memory_space<hbm>> -> memref<1x16x128xf32, #tpu.memory_space<hbm>>
      %dma_wait3A_497 = tpu.memref_squeeze %dma_wait3A_496 : memref<1x16x128xf32, #tpu.memory_space<hbm>> -> memref<16x128xf32, #tpu.memory_space<hbm>>
      %dma_wait3A_498 = arith.constant 0 : i32
      %dma_wait3A_499 = tpu.memref_slice %arg7[%arg0, %add3A_458, %dma_wait3A_498] : memref<2x10240x128xf32, #tpu.memory_space<hbm>> -> memref<1x16x128xf32, #tpu.memory_space<hbm>>
      %dma_wait3A_500 = tpu.memref_squeeze %dma_wait3A_499 : memref<1x16x128xf32, #tpu.memory_space<hbm>> -> memref<16x128xf32, #tpu.memory_space<hbm>>
      tpu.wait_dma2 semaphore(%run_scoped3A : memref<!tpu.dma_semaphore, #tpu.memory_space<semaphore_mem>>) src(%arg13 : memref<16x128xf32, #tpu.memory_space<vmem>>) dst(%dma_wait3A_500 : memref<16x128xf32, #tpu.memory_space<hbm>>)
      tpu.yield
    }) : () -> ()
    %mul3A_459 = arith.constant 640 : i32
    %mul3A_460 = arith.muli %arg1, %mul3A_459 : i32
    %add3A_461 = arith.constant 576 : i32
    %add3A_462 = arith.addi %mul3A_460, %add3A_461 : i32
    "tpu.region"() ({
      %run_scoped3A = tpu.sem_alloc : memref<!tpu.dma_semaphore, #tpu.memory_space<semaphore_mem>>
      %dma_start3A = arith.constant 0 : i32
      %dma_start3A_491 = tpu.memref_slice %arg14[%add3A_462, %dma_start3A] : memref<10240x128xf32, #tpu.memory_space<vmem_shared>> -> memref<16x128xf32, #tpu.memory_space<vmem_shared>>
      %dma_start3A_492 = arith.constant 0 : i32
      %dma_start3A_493 = tpu.memref_slice %arg14[%add3A_462, %dma_start3A_492] : memref<10240x128xf32, #tpu.memory_space<vmem_shared>> -> memref<16x128xf32, #tpu.memory_space<vmem_shared>>
      tpu.enqueue_dma source(%dma_start3A_493 : memref<16x128xf32, #tpu.memory_space<vmem_shared>>) target(%arg13 : memref<16x128xf32, #tpu.memory_space<vmem>>) target_semaphore(%run_scoped3A : memref<!tpu.dma_semaphore, #tpu.memory_space<semaphore_mem>>)
      %dma_wait3A = arith.constant 0 : i32
      %dma_wait3A_494 = tpu.memref_slice %arg14[%add3A_462, %dma_wait3A] : memref<10240x128xf32, #tpu.memory_space<vmem_shared>> -> memref<16x128xf32, #tpu.memory_space<vmem_shared>>
      %dma_wait3A_495 = arith.constant 0 : i32
      %dma_wait3A_496 = tpu.memref_slice %arg14[%add3A_462, %dma_wait3A_495] : memref<10240x128xf32, #tpu.memory_space<vmem_shared>> -> memref<16x128xf32, #tpu.memory_space<vmem_shared>>
      tpu.wait_dma2 semaphore(%run_scoped3A : memref<!tpu.dma_semaphore, #tpu.memory_space<semaphore_mem>>) src(%dma_wait3A_496 : memref<16x128xf32, #tpu.memory_space<vmem_shared>>) dst(%arg13 : memref<16x128xf32, #tpu.memory_space<vmem>>)
      tpu.yield
    }) : () -> ()
    %mul3A_463 = arith.constant 640 : i32
    %mul3A_464 = arith.muli %arg1, %mul3A_463 : i32
    %add3A_465 = arith.constant 576 : i32
    %add3A_466 = arith.addi %mul3A_464, %add3A_465 : i32
    "tpu.region"() ({
      %run_scoped3A = tpu.sem_alloc : memref<!tpu.dma_semaphore, #tpu.memory_space<semaphore_mem>>
      %dma_start3A = arith.constant 0 : i32
      %dma_start3A_491 = tpu.memref_slice %arg7[%arg0, %add3A_466, %dma_start3A] : memref<2x10240x128xf32, #tpu.memory_space<hbm>> -> memref<1x16x128xf32, #tpu.memory_space<hbm>>
      %dma_start3A_492 = tpu.memref_squeeze %dma_start3A_491 : memref<1x16x128xf32, #tpu.memory_space<hbm>> -> memref<16x128xf32, #tpu.memory_space<hbm>>
      %dma_start3A_493 = arith.constant 0 : i32
      %dma_start3A_494 = tpu.memref_slice %arg7[%arg0, %add3A_466, %dma_start3A_493] : memref<2x10240x128xf32, #tpu.memory_space<hbm>> -> memref<1x16x128xf32, #tpu.memory_space<hbm>>
      %dma_start3A_495 = tpu.memref_squeeze %dma_start3A_494 : memref<1x16x128xf32, #tpu.memory_space<hbm>> -> memref<16x128xf32, #tpu.memory_space<hbm>>
      tpu.enqueue_dma source(%arg13 : memref<16x128xf32, #tpu.memory_space<vmem>>) target(%dma_start3A_495 : memref<16x128xf32, #tpu.memory_space<hbm>>) target_semaphore(%run_scoped3A : memref<!tpu.dma_semaphore, #tpu.memory_space<semaphore_mem>>)
      %dma_wait3A = arith.constant 0 : i32
      %dma_wait3A_496 = tpu.memref_slice %arg7[%arg0, %add3A_466, %dma_wait3A] : memref<2x10240x128xf32, #tpu.memory_space<hbm>> -> memref<1x16x128xf32, #tpu.memory_space<hbm>>
      %dma_wait3A_497 = tpu.memref_squeeze %dma_wait3A_496 : memref<1x16x128xf32, #tpu.memory_space<hbm>> -> memref<16x128xf32, #tpu.memory_space<hbm>>
      %dma_wait3A_498 = arith.constant 0 : i32
      %dma_wait3A_499 = tpu.memref_slice %arg7[%arg0, %add3A_466, %dma_wait3A_498] : memref<2x10240x128xf32, #tpu.memory_space<hbm>> -> memref<1x16x128xf32, #tpu.memory_space<hbm>>
      %dma_wait3A_500 = tpu.memref_squeeze %dma_wait3A_499 : memref<1x16x128xf32, #tpu.memory_space<hbm>> -> memref<16x128xf32, #tpu.memory_space<hbm>>
      tpu.wait_dma2 semaphore(%run_scoped3A : memref<!tpu.dma_semaphore, #tpu.memory_space<semaphore_mem>>) src(%arg13 : memref<16x128xf32, #tpu.memory_space<vmem>>) dst(%dma_wait3A_500 : memref<16x128xf32, #tpu.memory_space<hbm>>)
      tpu.yield
    }) : () -> ()
    %mul3A_467 = arith.constant 640 : i32
    %mul3A_468 = arith.muli %arg1, %mul3A_467 : i32
    %add3A_469 = arith.constant 592 : i32
    %add3A_470 = arith.addi %mul3A_468, %add3A_469 : i32
    "tpu.region"() ({
      %run_scoped3A = tpu.sem_alloc : memref<!tpu.dma_semaphore, #tpu.memory_space<semaphore_mem>>
      %dma_start3A = arith.constant 0 : i32
      %dma_start3A_491 = tpu.memref_slice %arg14[%add3A_470, %dma_start3A] : memref<10240x128xf32, #tpu.memory_space<vmem_shared>> -> memref<16x128xf32, #tpu.memory_space<vmem_shared>>
      %dma_start3A_492 = arith.constant 0 : i32
      %dma_start3A_493 = tpu.memref_slice %arg14[%add3A_470, %dma_start3A_492] : memref<10240x128xf32, #tpu.memory_space<vmem_shared>> -> memref<16x128xf32, #tpu.memory_space<vmem_shared>>
      tpu.enqueue_dma source(%dma_start3A_493 : memref<16x128xf32, #tpu.memory_space<vmem_shared>>) target(%arg13 : memref<16x128xf32, #tpu.memory_space<vmem>>) target_semaphore(%run_scoped3A : memref<!tpu.dma_semaphore, #tpu.memory_space<semaphore_mem>>)
      %dma_wait3A = arith.constant 0 : i32
      %dma_wait3A_494 = tpu.memref_slice %arg14[%add3A_470, %dma_wait3A] : memref<10240x128xf32, #tpu.memory_space<vmem_shared>> -> memref<16x128xf32, #tpu.memory_space<vmem_shared>>
      %dma_wait3A_495 = arith.constant 0 : i32
      %dma_wait3A_496 = tpu.memref_slice %arg14[%add3A_470, %dma_wait3A_495] : memref<10240x128xf32, #tpu.memory_space<vmem_shared>> -> memref<16x128xf32, #tpu.memory_space<vmem_shared>>
      tpu.wait_dma2 semaphore(%run_scoped3A : memref<!tpu.dma_semaphore, #tpu.memory_space<semaphore_mem>>) src(%dma_wait3A_496 : memref<16x128xf32, #tpu.memory_space<vmem_shared>>) dst(%arg13 : memref<16x128xf32, #tpu.memory_space<vmem>>)
      tpu.yield
    }) : () -> ()
    %mul3A_471 = arith.constant 640 : i32
    %mul3A_472 = arith.muli %arg1, %mul3A_471 : i32
    %add3A_473 = arith.constant 592 : i32
    %add3A_474 = arith.addi %mul3A_472, %add3A_473 : i32
    "tpu.region"() ({
      %run_scoped3A = tpu.sem_alloc : memref<!tpu.dma_semaphore, #tpu.memory_space<semaphore_mem>>
      %dma_start3A = arith.constant 0 : i32
      %dma_start3A_491 = tpu.memref_slice %arg7[%arg0, %add3A_474, %dma_start3A] : memref<2x10240x128xf32, #tpu.memory_space<hbm>> -> memref<1x16x128xf32, #tpu.memory_space<hbm>>
      %dma_start3A_492 = tpu.memref_squeeze %dma_start3A_491 : memref<1x16x128xf32, #tpu.memory_space<hbm>> -> memref<16x128xf32, #tpu.memory_space<hbm>>
      %dma_start3A_493 = arith.constant 0 : i32
      %dma_start3A_494 = tpu.memref_slice %arg7[%arg0, %add3A_474, %dma_start3A_493] : memref<2x10240x128xf32, #tpu.memory_space<hbm>> -> memref<1x16x128xf32, #tpu.memory_space<hbm>>
      %dma_start3A_495 = tpu.memref_squeeze %dma_start3A_494 : memref<1x16x128xf32, #tpu.memory_space<hbm>> -> memref<16x128xf32, #tpu.memory_space<hbm>>
      tpu.enqueue_dma source(%arg13 : memref<16x128xf32, #tpu.memory_space<vmem>>) target(%dma_start3A_495 : memref<16x128xf32, #tpu.memory_space<hbm>>) target_semaphore(%run_scoped3A : memref<!tpu.dma_semaphore, #tpu.memory_space<semaphore_mem>>)
      %dma_wait3A = arith.constant 0 : i32
      %dma_wait3A_496 = tpu.memref_slice %arg7[%arg0, %add3A_474, %dma_wait3A] : memref<2x10240x128xf32, #tpu.memory_space<hbm>> -> memref<1x16x128xf32, #tpu.memory_space<hbm>>
      %dma_wait3A_497 = tpu.memref_squeeze %dma_wait3A_496 : memref<1x16x128xf32, #tpu.memory_space<hbm>> -> memref<16x128xf32, #tpu.memory_space<hbm>>
      %dma_wait3A_498 = arith.constant 0 : i32
      %dma_wait3A_499 = tpu.memref_slice %arg7[%arg0, %add3A_474, %dma_wait3A_498] : memref<2x10240x128xf32, #tpu.memory_space<hbm>> -> memref<1x16x128xf32, #tpu.memory_space<hbm>>
      %dma_wait3A_500 = tpu.memref_squeeze %dma_wait3A_499 : memref<1x16x128xf32, #tpu.memory_space<hbm>> -> memref<16x128xf32, #tpu.memory_space<hbm>>
      tpu.wait_dma2 semaphore(%run_scoped3A : memref<!tpu.dma_semaphore, #tpu.memory_space<semaphore_mem>>) src(%arg13 : memref<16x128xf32, #tpu.memory_space<vmem>>) dst(%dma_wait3A_500 : memref<16x128xf32, #tpu.memory_space<hbm>>)
      tpu.yield
    }) : () -> ()
    %mul3A_475 = arith.constant 640 : i32
    %mul3A_476 = arith.muli %arg1, %mul3A_475 : i32
    %add3A_477 = arith.constant 608 : i32
    %add3A_478 = arith.addi %mul3A_476, %add3A_477 : i32
    "tpu.region"() ({
      %run_scoped3A = tpu.sem_alloc : memref<!tpu.dma_semaphore, #tpu.memory_space<semaphore_mem>>
      %dma_start3A = arith.constant 0 : i32
      %dma_start3A_491 = tpu.memref_slice %arg14[%add3A_478, %dma_start3A] : memref<10240x128xf32, #tpu.memory_space<vmem_shared>> -> memref<16x128xf32, #tpu.memory_space<vmem_shared>>
      %dma_start3A_492 = arith.constant 0 : i32
      %dma_start3A_493 = tpu.memref_slice %arg14[%add3A_478, %dma_start3A_492] : memref<10240x128xf32, #tpu.memory_space<vmem_shared>> -> memref<16x128xf32, #tpu.memory_space<vmem_shared>>
      tpu.enqueue_dma source(%dma_start3A_493 : memref<16x128xf32, #tpu.memory_space<vmem_shared>>) target(%arg13 : memref<16x128xf32, #tpu.memory_space<vmem>>) target_semaphore(%run_scoped3A : memref<!tpu.dma_semaphore, #tpu.memory_space<semaphore_mem>>)
      %dma_wait3A = arith.constant 0 : i32
      %dma_wait3A_494 = tpu.memref_slice %arg14[%add3A_478, %dma_wait3A] : memref<10240x128xf32, #tpu.memory_space<vmem_shared>> -> memref<16x128xf32, #tpu.memory_space<vmem_shared>>
      %dma_wait3A_495 = arith.constant 0 : i32
      %dma_wait3A_496 = tpu.memref_slice %arg14[%add3A_478, %dma_wait3A_495] : memref<10240x128xf32, #tpu.memory_space<vmem_shared>> -> memref<16x128xf32, #tpu.memory_space<vmem_shared>>
      tpu.wait_dma2 semaphore(%run_scoped3A : memref<!tpu.dma_semaphore, #tpu.memory_space<semaphore_mem>>) src(%dma_wait3A_496 : memref<16x128xf32, #tpu.memory_space<vmem_shared>>) dst(%arg13 : memref<16x128xf32, #tpu.memory_space<vmem>>)
      tpu.yield
    }) : () -> ()
    %mul3A_479 = arith.constant 640 : i32
    %mul3A_480 = arith.muli %arg1, %mul3A_479 : i32
    %add3A_481 = arith.constant 608 : i32
    %add3A_482 = arith.addi %mul3A_480, %add3A_481 : i32
    "tpu.region"() ({
      %run_scoped3A = tpu.sem_alloc : memref<!tpu.dma_semaphore, #tpu.memory_space<semaphore_mem>>
      %dma_start3A = arith.constant 0 : i32
      %dma_start3A_491 = tpu.memref_slice %arg7[%arg0, %add3A_482, %dma_start3A] : memref<2x10240x128xf32, #tpu.memory_space<hbm>> -> memref<1x16x128xf32, #tpu.memory_space<hbm>>
      %dma_start3A_492 = tpu.memref_squeeze %dma_start3A_491 : memref<1x16x128xf32, #tpu.memory_space<hbm>> -> memref<16x128xf32, #tpu.memory_space<hbm>>
      %dma_start3A_493 = arith.constant 0 : i32
      %dma_start3A_494 = tpu.memref_slice %arg7[%arg0, %add3A_482, %dma_start3A_493] : memref<2x10240x128xf32, #tpu.memory_space<hbm>> -> memref<1x16x128xf32, #tpu.memory_space<hbm>>
      %dma_start3A_495 = tpu.memref_squeeze %dma_start3A_494 : memref<1x16x128xf32, #tpu.memory_space<hbm>> -> memref<16x128xf32, #tpu.memory_space<hbm>>
      tpu.enqueue_dma source(%arg13 : memref<16x128xf32, #tpu.memory_space<vmem>>) target(%dma_start3A_495 : memref<16x128xf32, #tpu.memory_space<hbm>>) target_semaphore(%run_scoped3A : memref<!tpu.dma_semaphore, #tpu.memory_space<semaphore_mem>>)
      %dma_wait3A = arith.constant 0 : i32
      %dma_wait3A_496 = tpu.memref_slice %arg7[%arg0, %add3A_482, %dma_wait3A] : memref<2x10240x128xf32, #tpu.memory_space<hbm>> -> memref<1x16x128xf32, #tpu.memory_space<hbm>>
      %dma_wait3A_497 = tpu.memref_squeeze %dma_wait3A_496 : memref<1x16x128xf32, #tpu.memory_space<hbm>> -> memref<16x128xf32, #tpu.memory_space<hbm>>
      %dma_wait3A_498 = arith.constant 0 : i32
      %dma_wait3A_499 = tpu.memref_slice %arg7[%arg0, %add3A_482, %dma_wait3A_498] : memref<2x10240x128xf32, #tpu.memory_space<hbm>> -> memref<1x16x128xf32, #tpu.memory_space<hbm>>
      %dma_wait3A_500 = tpu.memref_squeeze %dma_wait3A_499 : memref<1x16x128xf32, #tpu.memory_space<hbm>> -> memref<16x128xf32, #tpu.memory_space<hbm>>
      tpu.wait_dma2 semaphore(%run_scoped3A : memref<!tpu.dma_semaphore, #tpu.memory_space<semaphore_mem>>) src(%arg13 : memref<16x128xf32, #tpu.memory_space<vmem>>) dst(%dma_wait3A_500 : memref<16x128xf32, #tpu.memory_space<hbm>>)
      tpu.yield
    }) : () -> ()
    %mul3A_483 = arith.constant 640 : i32
    %mul3A_484 = arith.muli %arg1, %mul3A_483 : i32
    %add3A_485 = arith.constant 624 : i32
    %add3A_486 = arith.addi %mul3A_484, %add3A_485 : i32
    "tpu.region"() ({
      %run_scoped3A = tpu.sem_alloc : memref<!tpu.dma_semaphore, #tpu.memory_space<semaphore_mem>>
      %dma_start3A = arith.constant 0 : i32
      %dma_start3A_491 = tpu.memref_slice %arg14[%add3A_486, %dma_start3A] : memref<10240x128xf32, #tpu.memory_space<vmem_shared>> -> memref<16x128xf32, #tpu.memory_space<vmem_shared>>
      %dma_start3A_492 = arith.constant 0 : i32
      %dma_start3A_493 = tpu.memref_slice %arg14[%add3A_486, %dma_start3A_492] : memref<10240x128xf32, #tpu.memory_space<vmem_shared>> -> memref<16x128xf32, #tpu.memory_space<vmem_shared>>
      tpu.enqueue_dma source(%dma_start3A_493 : memref<16x128xf32, #tpu.memory_space<vmem_shared>>) target(%arg13 : memref<16x128xf32, #tpu.memory_space<vmem>>) target_semaphore(%run_scoped3A : memref<!tpu.dma_semaphore, #tpu.memory_space<semaphore_mem>>)
      %dma_wait3A = arith.constant 0 : i32
      %dma_wait3A_494 = tpu.memref_slice %arg14[%add3A_486, %dma_wait3A] : memref<10240x128xf32, #tpu.memory_space<vmem_shared>> -> memref<16x128xf32, #tpu.memory_space<vmem_shared>>
      %dma_wait3A_495 = arith.constant 0 : i32
      %dma_wait3A_496 = tpu.memref_slice %arg14[%add3A_486, %dma_wait3A_495] : memref<10240x128xf32, #tpu.memory_space<vmem_shared>> -> memref<16x128xf32, #tpu.memory_space<vmem_shared>>
      tpu.wait_dma2 semaphore(%run_scoped3A : memref<!tpu.dma_semaphore, #tpu.memory_space<semaphore_mem>>) src(%dma_wait3A_496 : memref<16x128xf32, #tpu.memory_space<vmem_shared>>) dst(%arg13 : memref<16x128xf32, #tpu.memory_space<vmem>>)
      tpu.yield
    }) : () -> ()
    %mul3A_487 = arith.constant 640 : i32
    %mul3A_488 = arith.muli %arg1, %mul3A_487 : i32
    %add3A_489 = arith.constant 624 : i32
    %add3A_490 = arith.addi %mul3A_488, %add3A_489 : i32
    "tpu.region"() ({
      %run_scoped3A = tpu.sem_alloc : memref<!tpu.dma_semaphore, #tpu.memory_space<semaphore_mem>>
      %dma_start3A = arith.constant 0 : i32
      %dma_start3A_491 = tpu.memref_slice %arg7[%arg0, %add3A_490, %dma_start3A] : memref<2x10240x128xf32, #tpu.memory_space<hbm>> -> memref<1x16x128xf32, #tpu.memory_space<hbm>>
      %dma_start3A_492 = tpu.memref_squeeze %dma_start3A_491 : memref<1x16x128xf32, #tpu.memory_space<hbm>> -> memref<16x128xf32, #tpu.memory_space<hbm>>
      %dma_start3A_493 = arith.constant 0 : i32
      %dma_start3A_494 = tpu.memref_slice %arg7[%arg0, %add3A_490, %dma_start3A_493] : memref<2x10240x128xf32, #tpu.memory_space<hbm>> -> memref<1x16x128xf32, #tpu.memory_space<hbm>>
      %dma_start3A_495 = tpu.memref_squeeze %dma_start3A_494 : memref<1x16x128xf32, #tpu.memory_space<hbm>> -> memref<16x128xf32, #tpu.memory_space<hbm>>
      tpu.enqueue_dma source(%arg13 : memref<16x128xf32, #tpu.memory_space<vmem>>) target(%dma_start3A_495 : memref<16x128xf32, #tpu.memory_space<hbm>>) target_semaphore(%run_scoped3A : memref<!tpu.dma_semaphore, #tpu.memory_space<semaphore_mem>>)
      %dma_wait3A = arith.constant 0 : i32
      %dma_wait3A_496 = tpu.memref_slice %arg7[%arg0, %add3A_490, %dma_wait3A] : memref<2x10240x128xf32, #tpu.memory_space<hbm>> -> memref<1x16x128xf32, #tpu.memory_space<hbm>>
      %dma_wait3A_497 = tpu.memref_squeeze %dma_wait3A_496 : memref<1x16x128xf32, #tpu.memory_space<hbm>> -> memref<16x128xf32, #tpu.memory_space<hbm>>
      %dma_wait3A_498 = arith.constant 0 : i32
      %dma_wait3A_499 = tpu.memref_slice %arg7[%arg0, %add3A_490, %dma_wait3A_498] : memref<2x10240x128xf32, #tpu.memory_space<hbm>> -> memref<1x16x128xf32, #tpu.memory_space<hbm>>
      %dma_wait3A_500 = tpu.memref_squeeze %dma_wait3A_499 : memref<1x16x128xf32, #tpu.memory_space<hbm>> -> memref<16x128xf32, #tpu.memory_space<hbm>>
      tpu.wait_dma2 semaphore(%run_scoped3A : memref<!tpu.dma_semaphore, #tpu.memory_space<semaphore_mem>>) src(%arg13 : memref<16x128xf32, #tpu.memory_space<vmem>>) dst(%dma_wait3A_500 : memref<16x128xf32, #tpu.memory_space<hbm>>)
      tpu.yield
    }) : () -> ()
    return
  }
}

module attributes {stable_mosaic.version = 14 : i64} {
  func.func @_scale_body(%arg0: memref<10000x128xf32, #tpu.memory_space<vmem>>, %arg1: memref<2x10000x16xf32, #tpu.memory_space<vmem>>, %arg2: memref<2x10000x128xf32, #tpu.memory_space<vmem>>) attributes {dimension_semantics = [], scalar_prefetch = 0 : i64, scratch_operands = 0 : i64, tpu.core_type = #tpu.core_type<tc>} {
    %get3A = arith.constant 0 : index
    %get3A_0 = arith.constant 0 : index
    %get3A_1 = vector.load %arg0[%get3A, %get3A_0] : memref<10000x128xf32, #tpu.memory_space<vmem>>, vector<10000x128xf32>
    %get3A_2 = arith.constant 0 : index
    %get3A_3 = arith.constant 0 : index
    %get3A_4 = arith.constant 0 : index
    %get3A_5 = vector.load %arg1[%get3A_2, %get3A_3, %get3A_4] : memref<2x10000x16xf32, #tpu.memory_space<vmem>>, vector<1x10000x16xf32>
    %get3A_6 = vector.shape_cast %get3A_5 : vector<1x10000x16xf32> to vector<10000x16xf32>
    %slice3A = vector.extract_strided_slice %get3A_6 {offsets = [0, 0], sizes = [10000, 1], strides = [1, 1]} : vector<10000x16xf32> to vector<10000x1xf32>
    %gt3A = arith.constant 0.000000e+00 : f32
    %gt3A_7 = vector.broadcast %gt3A : f32 to vector<10000x1xf32>
    %gt3A_8 = arith.cmpf ogt, %slice3A, %gt3A_7 : vector<10000x1xf32>
    %rsqrt3A = math.rsqrt %slice3A : vector<10000x1xf32>
    %jit3A = arith.constant 0.000000e+00 : f32
    %broadcast_in_dim3A = vector.broadcast %jit3A : f32 to vector<10000x1xf32>
    %select_n3A = arith.select %gt3A_8, %rsqrt3A, %broadcast_in_dim3A : vector<10000x1xi1>, vector<10000x1xf32>
    %mul3A = vector.broadcast %select_n3A : vector<10000x1xf32> to vector<10000x128xf32>
    %mul3A_9 = arith.mulf %get3A_1, %mul3A : vector<10000x128xf32>
    %swap3A = arith.constant 0 : index
    %swap3A_10 = arith.constant 0 : index
    %swap3A_11 = arith.constant 0 : index
    %swap3A_12 = vector.load %arg2[%swap3A, %swap3A_10, %swap3A_11] : memref<2x10000x128xf32, #tpu.memory_space<vmem>>, vector<1x10000x128xf32>
    %swap3A_13 = vector.shape_cast %swap3A_12 : vector<1x10000x128xf32> to vector<10000x128xf32>
    %swap3A_14 = vector.shape_cast %mul3A_9 : vector<10000x128xf32> to vector<1x10000x128xf32>
    tpu.vector_store %arg2[%swap3A, %swap3A_10, %swap3A_11], %swap3A_14 {strides = array<i32>} : memref<2x10000x128xf32, #tpu.memory_space<vmem>>, vector<1x10000x128xf32>,
    %get3A_15 = arith.constant 1 : index
    %get3A_16 = arith.constant 0 : index
    %get3A_17 = arith.constant 0 : index
    %get3A_18 = vector.load %arg1[%get3A_15, %get3A_16, %get3A_17] : memref<2x10000x16xf32, #tpu.memory_space<vmem>>, vector<1x10000x16xf32>
    %get3A_19 = vector.shape_cast %get3A_18 : vector<1x10000x16xf32> to vector<10000x16xf32>
    %slice3A_20 = vector.extract_strided_slice %get3A_19 {offsets = [0, 0], sizes = [10000, 1], strides = [1, 1]} : vector<10000x16xf32> to vector<10000x1xf32>
    %gt3A_21 = arith.constant 0.000000e+00 : f32
    %gt3A_22 = vector.broadcast %gt3A_21 : f32 to vector<10000x1xf32>
    %gt3A_23 = arith.cmpf ogt, %slice3A_20, %gt3A_22 : vector<10000x1xf32>
    %rsqrt3A_24 = math.rsqrt %slice3A_20 : vector<10000x1xf32>
    %jit3A_25 = arith.constant 0.000000e+00 : f32
    %broadcast_in_dim3A_26 = vector.broadcast %jit3A_25 : f32 to vector<10000x1xf32>
    %select_n3A_27 = arith.select %gt3A_23, %rsqrt3A_24, %broadcast_in_dim3A_26 : vector<10000x1xi1>, vector<10000x1xf32>
    %mul3A_28 = vector.broadcast %select_n3A_27 : vector<10000x1xf32> to vector<10000x128xf32>
    %mul3A_29 = arith.mulf %get3A_1, %mul3A_28 : vector<10000x128xf32>
    %swap3A_30 = arith.constant 1 : index
    %swap3A_31 = arith.constant 0 : index
    %swap3A_32 = arith.constant 0 : index
    %swap3A_33 = vector.load %arg2[%swap3A_30, %swap3A_31, %swap3A_32] : memref<2x10000x128xf32, #tpu.memory_space<vmem>>, vector<1x10000x128xf32>
    %swap3A_34 = vector.shape_cast %swap3A_33 : vector<1x10000x128xf32> to vector<10000x128xf32>
    %swap3A_35 = vector.shape_cast %mul3A_29 : vector<10000x128xf32> to vector<1x10000x128xf32>
    tpu.vector_store %arg2[%swap3A_30, %swap3A_31, %swap3A_32], %swap3A_35 {strides = array<i32>} : memref<2x10000x128xf32, #tpu.memory_space<vmem>>, vector<1x10000x128xf32>,
    return
  }
}

module attributes {stable_mosaic.version = 14 : i64} {
  func.func @_dense_body(%arg0: memref<2x10240x128xf32, #tpu.memory_space<vmem>>, %arg1: memref<2x10000x16xf32, #tpu.memory_space<vmem>>, %arg2: memref<10000x128xf32, #tpu.memory_space<vmem>>, %arg3: memref<401x128xf32, #tpu.memory_space<vmem>>, %arg4: memref<128x128xf32, #tpu.memory_space<vmem>>, %arg5: memref<128x128xf32, #tpu.memory_space<vmem>>, %arg6: memref<128x128xf32, #tpu.memory_space<vmem>>, %arg7: memref<128x128xf32, #tpu.memory_space<vmem>>, %arg8: memref<1x128xf32, #tpu.memory_space<vmem>>, %arg9: memref<1x128xf32, #tpu.memory_space<vmem>>, %arg10: memref<1x128xf32, #tpu.memory_space<vmem>>, %arg11: memref<1x128xf32, #tpu.memory_space<vmem>>, %arg12: memref<10000x128xf32, #tpu.memory_space<vmem>>, %arg13: memref<400x128xf32, #tpu.memory_space<vmem>>) attributes {dimension_semantics = [], scalar_prefetch = 0 : i64, scratch_operands = 0 : i64, tpu.core_type = #tpu.core_type<tc>} {
    %get3A = arith.constant 0 : index
    %get3A_0 = arith.constant 0 : index
    %get3A_1 = arith.constant 0 : index
    %get3A_2 = vector.load %arg1[%get3A, %get3A_0, %get3A_1] : memref<2x10000x16xf32, #tpu.memory_space<vmem>>, vector<1x10000x16xf32>
    %get3A_3 = vector.shape_cast %get3A_2 : vector<1x10000x16xf32> to vector<10000x16xf32>
    %slice3A = vector.extract_strided_slice %get3A_3 {offsets = [0, 0], sizes = [10000, 1], strides = [1, 1]} : vector<10000x16xf32> to vector<10000x1xf32>
    %get3A_4 = arith.constant 1 : index
    %get3A_5 = arith.constant 0 : index
    %get3A_6 = arith.constant 0 : index
    %get3A_7 = vector.load %arg1[%get3A_4, %get3A_5, %get3A_6] : memref<2x10000x16xf32, #tpu.memory_space<vmem>>, vector<1x10000x16xf32>
    %get3A_8 = vector.shape_cast %get3A_7 : vector<1x10000x16xf32> to vector<10000x16xf32>
    %slice3A_9 = vector.extract_strided_slice %get3A_8 {offsets = [0, 0], sizes = [10000, 1], strides = [1, 1]} : vector<10000x16xf32> to vector<10000x1xf32>
    %gt3A = arith.constant 0.000000e+00 : f32
    %gt3A_10 = vector.broadcast %gt3A : f32 to vector<10000x1xf32>
    %gt3A_11 = arith.cmpf ogt, %slice3A, %gt3A_10 : vector<10000x1xf32>
    %rsqrt3A = math.rsqrt %slice3A : vector<10000x1xf32>
    %jit3A = arith.constant 0.000000e+00 : f32
    %broadcast_in_dim3A = vector.broadcast %jit3A : f32 to vector<10000x1xf32>
    %select_n3A = arith.select %gt3A_11, %rsqrt3A, %broadcast_in_dim3A : vector<10000x1xi1>, vector<10000x1xf32>
    %gt3A_12 = arith.constant 0.000000e+00 : f32
    %gt3A_13 = vector.broadcast %gt3A_12 : f32 to vector<10000x1xf32>
    %gt3A_14 = arith.cmpf ogt, %slice3A_9, %gt3A_13 : vector<10000x1xf32>
    %rsqrt3A_15 = math.rsqrt %slice3A_9 : vector<10000x1xf32>
    %jit3A_16 = arith.constant 0.000000e+00 : f32
    %broadcast_in_dim3A_17 = vector.broadcast %jit3A_16 : f32 to vector<10000x1xf32>
    %select_n3A_18 = arith.select %gt3A_14, %rsqrt3A_15, %broadcast_in_dim3A_17 : vector<10000x1xi1>, vector<10000x1xf32>
    %get3A_19 = arith.constant 0 : index
    %get3A_20 = arith.constant 0 : index
    %get3A_21 = arith.constant 0 : index
    %get3A_22 = vector.load %arg0[%get3A_19, %get3A_20, %get3A_21] : memref<2x10240x128xf32, #tpu.memory_space<vmem>>, vector<1x10240x128xf32>
    %get3A_23 = vector.shape_cast %get3A_22 : vector<1x10240x128xf32> to vector<10240x128xf32>
    %slice3A_24 = vector.extract_strided_slice %get3A_23 {offsets = [0, 0], sizes = [10000, 128], strides = [1, 1]} : vector<10240x128xf32> to vector<10000x128xf32>
    %mul3A = vector.broadcast %select_n3A : vector<10000x1xf32> to vector<10000x128xf32>
    %mul3A_25 = arith.mulf %slice3A_24, %mul3A : vector<10000x128xf32>
    %get3A_26 = arith.constant 1 : index
    %get3A_27 = arith.constant 0 : index
    %get3A_28 = arith.constant 0 : index
    %get3A_29 = vector.load %arg0[%get3A_26, %get3A_27, %get3A_28] : memref<2x10240x128xf32, #tpu.memory_space<vmem>>, vector<1x10240x128xf32>
    %get3A_30 = vector.shape_cast %get3A_29 : vector<1x10240x128xf32> to vector<10240x128xf32>
    %slice3A_31 = vector.extract_strided_slice %get3A_30 {offsets = [0, 0], sizes = [10000, 128], strides = [1, 1]} : vector<10240x128xf32> to vector<10000x128xf32>
    %mul3A_32 = vector.broadcast %select_n3A_18 : vector<10000x1xf32> to vector<10000x128xf32>
    %mul3A_33 = arith.mulf %slice3A_31, %mul3A_32 : vector<10000x128xf32>
    %get3A_34 = arith.constant 0 : index
    %get3A_35 = arith.constant 0 : index
    %get3A_36 = vector.load %arg2[%get3A_34, %get3A_35] : memref<10000x128xf32, #tpu.memory_space<vmem>>, vector<10000x128xf32>
    %get3A_37 = arith.constant 0 : index
    %get3A_38 = arith.constant 0 : index
    %get3A_39 = vector.load %arg8[%get3A_37, %get3A_38] : memref<1x128xf32, #tpu.memory_space<vmem>>, vector<1x128xf32>
    %get3A_40 = vector.shape_cast %get3A_39 : vector<1x128xf32> to vector<128xf32>
    %slice3A_41 = vector.extract_strided_slice %get3A_36 {offsets = [0, 0], sizes = [10000, 64], strides = [1, 1]} : vector<10000x128xf32> to vector<10000x64xf32>
    %slice3A_42 = vector.extract_strided_slice %get3A_36 {offsets = [0, 64], sizes = [10000, 64], strides = [1, 1]} : vector<10000x128xf32> to vector<10000x64xf32>
    %slice3A_43 = vector.extract_strided_slice %get3A_40 {offsets = [0], sizes = [64], strides = [1]} : vector<128xf32> to vector<64xf32>
    %slice3A_44 = vector.extract_strided_slice %get3A_40 {offsets = [64], sizes = [64], strides = [1]} : vector<128xf32> to vector<64xf32>
    %broadcast_in_dim3A_45 = vector.shape_cast %slice3A_43 : vector<64xf32> to vector<1x64xf32>
    %mul3A_46 = vector.broadcast %broadcast_in_dim3A_45 : vector<1x64xf32> to vector<10000x64xf32>
    %mul3A_47 = arith.mulf %slice3A_41, %mul3A_46 : vector<10000x64xf32>
    %broadcast_in_dim3A_48 = vector.shape_cast %slice3A_44 : vector<64xf32> to vector<1x64xf32>
    %mul3A_49 = vector.broadcast %broadcast_in_dim3A_48 : vector<1x64xf32> to vector<10000x64xf32>
    %mul3A_50 = arith.mulf %slice3A_42, %mul3A_49 : vector<10000x64xf32>
    %sub3A = arith.subf %mul3A_47, %mul3A_50 : vector<10000x64xf32>
    %broadcast_in_dim3A_51 = vector.shape_cast %slice3A_44 : vector<64xf32> to vector<1x64xf32>
    %mul3A_52 = vector.broadcast %broadcast_in_dim3A_51 : vector<1x64xf32> to vector<10000x64xf32>
    %mul3A_53 = arith.mulf %slice3A_41, %mul3A_52 : vector<10000x64xf32>
    %broadcast_in_dim3A_54 = vector.shape_cast %slice3A_43 : vector<64xf32> to vector<1x64xf32>
    %mul3A_55 = vector.broadcast %broadcast_in_dim3A_54 : vector<1x64xf32> to vector<10000x64xf32>
    %mul3A_56 = arith.mulf %slice3A_42, %mul3A_55 : vector<10000x64xf32>
    %add3A = arith.addf %mul3A_53, %mul3A_56 : vector<10000x64xf32>
    %concatenate3A = tpu.concatenate %sub3A, %add3A in 1 : vector<10000x64xf32>, vector<10000x64xf32> -> vector<10000x128xf32>
    %get3A_57 = arith.constant 0 : index
    %get3A_58 = arith.constant 0 : index
    %get3A_59 = vector.load %arg4[%get3A_57, %get3A_58] : memref<128x128xf32, #tpu.memory_space<vmem>>, vector<128x128xf32>
    %dot_general3A = arith.constant dense<0.000000e+00> : vector<10000x128xf32>
    %dot_general3A_60 = tpu.matmul %mul3A_25, %get3A_59, %dot_general3A {dimension_numbers = #tpu.dot_dimension_numbers<[1], [0], [0], [1], [0, 0, 1, 1], [], []>, transpose_lhs_hint = false} : vector<10000x128xf32>, vector<128x128xf32>, vector<10000x128xf32> -> vector<10000x128xf32>
    %get3A_61 = arith.constant 0 : index
    %get3A_62 = arith.constant 0 : index
    %get3A_63 = vector.load %arg5[%get3A_61, %get3A_62] : memref<128x128xf32, #tpu.memory_space<vmem>>, vector<128x128xf32>
    %dot_general3A_64 = arith.constant dense<0.000000e+00> : vector<10000x128xf32>
    %dot_general3A_65 = tpu.matmul %mul3A_33, %get3A_63, %dot_general3A_64 {dimension_numbers = #tpu.dot_dimension_numbers<[1], [0], [0], [1], [0, 0, 1, 1], [], []>, transpose_lhs_hint = false} : vector<10000x128xf32>, vector<128x128xf32>, vector<10000x128xf32> -> vector<10000x128xf32>
    %add3A_66 = arith.addf %dot_general3A_60, %dot_general3A_65 : vector<10000x128xf32>
    %get3A_67 = arith.constant 0 : index
    %get3A_68 = arith.constant 0 : index
    %get3A_69 = vector.load %arg6[%get3A_67, %get3A_68] : memref<128x128xf32, #tpu.memory_space<vmem>>, vector<128x128xf32>
    %dot_general3A_70 = arith.constant dense<0.000000e+00> : vector<10000x128xf32>
    %dot_general3A_71 = tpu.matmul %concatenate3A, %get3A_69, %dot_general3A_70 {dimension_numbers = #tpu.dot_dimension_numbers<[1], [0], [0], [1], [0, 0, 1, 1], [], []>, transpose_lhs_hint = false} : vector<10000x128xf32>, vector<128x128xf32>, vector<10000x128xf32> -> vector<10000x128xf32>
    %add3A_72 = arith.addf %add3A_66, %dot_general3A_71 : vector<10000x128xf32>
    %mul3A_73 = arith.constant 0.333333343 : f32
    %mul3A_74 = vector.broadcast %mul3A_73 : f32 to vector<10000x128xf32>
    %mul3A_75 = arith.mulf %add3A_72, %mul3A_74 : vector<10000x128xf32>
    %get3A_76 = arith.constant 0 : index
    %get3A_77 = arith.constant 0 : index
    %get3A_78 = vector.load %arg9[%get3A_76, %get3A_77] : memref<1x128xf32, #tpu.memory_space<vmem>>, vector<1x128xf32>
    %get3A_79 = vector.shape_cast %get3A_78 : vector<1x128xf32> to vector<128xf32>
    %broadcast_in_dim3A_80 = vector.shape_cast %get3A_79 : vector<128xf32> to vector<1x128xf32>
    %add3A_81 = vector.broadcast %broadcast_in_dim3A_80 : vector<1x128xf32> to vector<10000x128xf32>
    %add3A_82 = arith.addf %mul3A_75, %add3A_81 : vector<10000x128xf32>
    %reduce_sum3A = arith.constant dense<0.000000e+00> : vector<128xf32>
    %reduce_sum3A_83 = vector.multi_reduction <add>, %add3A_82, %reduce_sum3A [0] : vector<10000x128xf32> to vector<128xf32>
    %broadcast_in_dim3A_84 = vector.shape_cast %reduce_sum3A_83 : vector<128xf32> to vector<1x128xf32>
    %div3A = arith.constant 1.000000e+04 : f32
    %div3A_85 = vector.broadcast %div3A : f32 to vector<1x128xf32>
    %div3A_86 = arith.divf %broadcast_in_dim3A_84, %div3A_85 : vector<1x128xf32>
    %sub3A_87 = vector.broadcast %div3A_86 : vector<1x128xf32> to vector<10000x128xf32>
    %sub3A_88 = arith.subf %add3A_82, %sub3A_87 : vector<10000x128xf32>
    %integer_pow3A = arith.mulf %sub3A_88, %sub3A_88 : vector<10000x128xf32>
    %reduce_sum3A_89 = arith.constant dense<0.000000e+00> : vector<128xf32>
    %reduce_sum3A_90 = vector.multi_reduction <add>, %integer_pow3A, %reduce_sum3A_89 [0] : vector<10000x128xf32> to vector<128xf32>
    %broadcast_in_dim3A_91 = vector.shape_cast %reduce_sum3A_90 : vector<128xf32> to vector<1x128xf32>
    %div3A_92 = arith.constant 1.000000e+04 : f32
    %div3A_93 = vector.broadcast %div3A_92 : f32 to vector<1x128xf32>
    %div3A_94 = arith.divf %broadcast_in_dim3A_91, %div3A_93 : vector<1x128xf32>
    %sub3A_95 = vector.broadcast %div3A_86 : vector<1x128xf32> to vector<10000x128xf32>
    %sub3A_96 = arith.subf %add3A_82, %sub3A_95 : vector<10000x128xf32>
    %add3A_97 = arith.constant 9.99999974E-6 : f32
    %add3A_98 = vector.broadcast %add3A_97 : f32 to vector<1x128xf32>
    %add3A_99 = arith.addf %div3A_94, %add3A_98 : vector<1x128xf32>
    %rsqrt3A_100 = math.rsqrt %add3A_99 : vector<1x128xf32>
    %mul3A_101 = vector.broadcast %rsqrt3A_100 : vector<1x128xf32> to vector<10000x128xf32>
    %mul3A_102 = arith.mulf %sub3A_96, %mul3A_101 : vector<10000x128xf32>
    %get3A_103 = arith.constant 0 : index
    %get3A_104 = arith.constant 0 : index
    %get3A_105 = vector.load %arg10[%get3A_103, %get3A_104] : memref<1x128xf32, #tpu.memory_space<vmem>>, vector<1x128xf32>
    %get3A_106 = vector.shape_cast %get3A_105 : vector<1x128xf32> to vector<128xf32>
    %broadcast_in_dim3A_107 = vector.shape_cast %get3A_106 : vector<128xf32> to vector<1x128xf32>
    %mul3A_108 = vector.broadcast %broadcast_in_dim3A_107 : vector<1x128xf32> to vector<10000x128xf32>
    %mul3A_109 = arith.mulf %mul3A_102, %mul3A_108 : vector<10000x128xf32>
    %get3A_110 = arith.constant 0 : index
    %get3A_111 = arith.constant 0 : index
    %get3A_112 = vector.load %arg11[%get3A_110, %get3A_111] : memref<1x128xf32, #tpu.memory_space<vmem>>, vector<1x128xf32>
    %get3A_113 = vector.shape_cast %get3A_112 : vector<1x128xf32> to vector<128xf32>
    %broadcast_in_dim3A_114 = vector.shape_cast %get3A_113 : vector<128xf32> to vector<1x128xf32>
    %add3A_115 = vector.broadcast %broadcast_in_dim3A_114 : vector<1x128xf32> to vector<10000x128xf32>
    %add3A_116 = arith.addf %mul3A_109, %add3A_115 : vector<10000x128xf32>
    %tanh3A = math.tanh %add3A_116 : vector<10000x128xf32>
    %swap3A = arith.constant 0 : index
    %swap3A_117 = arith.constant 0 : index
    %swap3A_118 = vector.load %arg12[%swap3A, %swap3A_117] : memref<10000x128xf32, #tpu.memory_space<vmem>>, vector<10000x128xf32>
    tpu.vector_store %arg12[%swap3A, %swap3A_117], %tanh3A {strides = array<i32>} : memref<10000x128xf32, #tpu.memory_space<vmem>>, vector<10000x128xf32>,
    %get3A_119 = arith.constant 0 : index
    %get3A_120 = arith.constant 0 : index
    %get3A_121 = vector.load %arg3[%get3A_119, %get3A_120] : memref<401x128xf32, #tpu.memory_space<vmem>>, vector<401x128xf32>
    %get3A_122 = arith.constant 0 : index
    %get3A_123 = arith.constant 0 : index
    %get3A_124 = vector.load %arg7[%get3A_122, %get3A_123] : memref<128x128xf32, #tpu.memory_space<vmem>>, vector<128x128xf32>
    %dot_general3A_125 = arith.constant dense<0.000000e+00> : vector<401x128xf32>
    %dot_general3A_126 = tpu.matmul %get3A_121, %get3A_124, %dot_general3A_125 {dimension_numbers = #tpu.dot_dimension_numbers<[1], [0], [0], [1], [0, 0, 1, 1], [], []>, transpose_lhs_hint = false} : vector<401x128xf32>, vector<128x128xf32>, vector<401x128xf32> -> vector<401x128xf32>
    %slice3A_127 = vector.extract_strided_slice %dot_general3A_126 {offsets = [0, 0], sizes = [400, 128], strides = [1, 1]} : vector<401x128xf32> to vector<400x128xf32>
    %swap3A_128 = arith.constant 0 : index
    %swap3A_129 = arith.constant 0 : index
    %swap3A_130 = vector.load %arg13[%swap3A_128, %swap3A_129] : memref<400x128xf32, #tpu.memory_space<vmem>>, vector<400x128xf32>
    tpu.vector_store %arg13[%swap3A_128, %swap3A_129], %slice3A_127 {strides = array<i32>} : memref<400x128xf32, #tpu.memory_space<vmem>>, vector<400x128xf32>,
    return
  }
}

</mosaic_0001>

<sc_bundles>
// kernel: kernel.6.cloned.1.call-start
scs
__scs_entry_jumppad:
0x0: {  	(pc) =	sbr.rel $0x88, $3  }
0x1: {  	(tag) =	ssettag $0x0;
	lr =	simm.s32 $0x1  }
0x2: {  	[smem:$0x3F95] =	sst lr;
	_ =	strace $0xD0000000  }
0x3: {  	_ = 	snop  }
0x4: {  	_ = 	snop  }
0x5: {  	_ = 	snop  }
0x6: {  	_ = 	snop  }
0x7: {  	_ = 	snop  }
__scs_overlays_trampoline_lowered:
0x8: {  	[smem:$0x3FA4] =	sst s0  }
0x9: {  	[smem:$0x3FA5] =	sst s1  }
0xa: {  	[smem:$0x3FA6] =	sst s2  }
0xb: {  	[smem:$0x3FA7] =	sst s3  }
0xc: {  	[smem:$0x3FA8] =	sst s4  }
0xd: {  	[smem:$0x3FA9] =	sst s5  }
0xe: {  	[smem:$0x3FAA] =	sst s6  }
0xf: {  	[smem:$0x3FAB] =	sst s7  }
0x10: {  	[smem:$0x3FAC] =	sst s8  }
0x11: {  	[smem:$0x3FAD] =	sst s9;
	s0 =	simm.s32 @!p0 $0x0  }
0x12: {  	s1 =	sld [smem:$0x3F93];
	s0 =	simm.s32 @p0 $0x1  }
0x13: {  	[smem:$0x3FAE] =	sst s0;
	s0 =	simm.s32 @!p1 $0x0  }
0x14: {  	s2 =	sld [smem:$0x3F92];
	s0 =	simm.s32 @p1 $0x1  }
0x15: {  	[smem:$0x3FAF] =	sst s0;
	s0 =	simm.s32 @!p2 $0x0  }
0x16: {  	s3 =	sld [smem:$0x3FDB];
	s0 =	simm.s32 @p2 $0x1  }
0x17: {  	s4 =	simm.s32 $0x1BF5;
	[smem:$0x3FB1] =	sst s0  }
0x18: {  	s0 =	sld [smem:$0x3F94];
	_ =	swait.ge [sflag:s4], $0x0  }
0x19: {  	s7 =	sld [smem:$0x3F95]  }
0x1a: {  	s8 =	sadd.s32 $0xFFFFE003, lr  }
0x1b: {  	s9 =	sadd.s32 $0xFFFFFEF7, lr;
	s5 =	simm.s32 $0xFFFFFFFF;
	p2 =	slt.u32 s8, $0xFFFFF086  }
0x1c: {  	p1 =	slt.u32 s9, $0xF7A;
	s5 =	simm.s32 @!p2 $0x0  }
0x1d: {  	s5 =	simm.s32 @p1 $0x1;
	p0 =	seq.s32 s7, s2  }
0x1e: {  	s7 =	smul.u32 @!p0 $0xF7A, s2;
	p2 =	seq.s32 @!p0 s5, $0x0  }
0x1f: {  	s9 =	smul.u32 $0xF7A, s1;
	s8 =	simm.s32 @!p0 $0x1BF5;
	p2 =	por !p2, p0  }
0x20: {  	[sflag:s8] =	ssyncset.s32 @!p0 $0xFFFFF086;
	s6 =	sadd.s32 @!p0 s3, s7;
	s7 =	simm.s32 @!p0 $0x108  }
0x21: {  	s3 =	sadd.s32 s3, s9;
	s6 =	sadd.s32 @!p0 $0x88, s6;
	s7 =	simm.s32 @p2 $0x1082  }
0x22: {  	[simem:s7], [sflag:s8] =	dma.local @!p0 [hbm:s6], $0xF7A  }
0x23: {  	s9 =	sor.u32 $0xD0000000, s2;
	s6 =	simm.s32 $0x108;
	_ =	swait.ge @!p0 [sflag:s8], $0x0  }
0x24: {  	s3 =	sadd.s32 $0x88, s3;
	s6 =	simm.s32 @!p1 $0x1082;
	[sflag:s4] =	ssyncset.s32 $0xFFFFF086  }
0x25: {  	[simem:s6], [sflag:s4] =	dma.local [hbm:s3], $0xF7A  }
0x26: {  	[smem:$0x3F95] =	sst s1;
	(tag) =	ssettag s2;
	_ =	strace s9  }
0x27: {  	s1 =	sld [smem:$0x3FA5]  }
0x28: {  	s2 =	sld [smem:$0x3FA6]  }
0x29: {  	s4 =	sld [smem:$0x3FA8]  }
0x2a: {  	p0 =	seq.s32 s5, $0x0;
	s5 =	sld [smem:$0x3FA9]  }
0x2b: {  	s6 =	sld [smem:$0x3FAA]  }
0x2c: {  	s7 =	sld [smem:$0x3FAB]  }
0x2d: {  	s3 =	simm.s32 $0x108;
	s8 =	sld [smem:$0x3FAC]  }
0x2e: {  	s3 =	simm.s32 @!p0 $0x1082;
	s9 =	sld [smem:$0x3FAD]  }
0x2f: {  	lr =	sadd.s32 s0, s3;
	s0 =	sld [smem:$0x3FA4]  }
0x30: {  	s3 =	sld [smem:$0x3FA7]  }
0x31: {  	[smem:$0x3FB0] =	sst s10  }
0x32: {  	s10 =	sld [smem:$0x3FAE];
	_ =	sdelay $0x3  }
0x33: {  	p0 =	seq.s32 s10, $0x1;
	s10 =	sld [smem:$0x3FB0];
	_ =	sdelay $0x3  }
0x34: {  	[smem:$0x3FB0] =	sst s10  }
0x35: {  	s10 =	sld [smem:$0x3FAF];
	_ =	sdelay $0x3  }
0x36: {  	p1 =	seq.s32 s10, $0x1;
	s10 =	sld [smem:$0x3FB0];
	_ =	sdelay $0x3  }
0x37: {  	[smem:$0x3FB0] =	sst s10  }
0x38: {  	s10 =	sld [smem:$0x3FB1]  }
0x39: {  	_ = 	snop;
	(pc) =	sbr.ind lr, $3  }
0x3a: {  	_ = 	snop  }
0x3b: {  	_ = 	snop  }
0x3c: {  	p2 =	seq.s32 s10, $0x1;
	s10 =	sld [smem:$0x3FB0]  }
0x3d: {  	_ =	shalt  }
0x3e: {  	_ =	shalt  }
0x3f: {  	_ =	shalt  }
0x40: {  	_ =	shalt  }
0x41: {  	_ =	shalt  }
0x42: {  	_ =	shalt  }
0x43: {  	_ =	shalt  }
0x44: {  	_ =	shalt  }
0x45: {  	_ =	shalt  }
0x46: {  	_ =	shalt  }
0x47: {  	_ =	shalt  }
0x48: {  	_ =	shalt  }
0x49: {  	_ =	shalt  }
0x4a: {  	_ =	shalt  }
0x4b: {  	_ =	shalt  }
0x4c: {  	_ =	shalt  }
0x4d: {  	_ =	shalt  }
0x4e: {  	_ =	shalt  }
0x4f: {  	_ =	shalt  }
0x50: {  	_ =	shalt  }
0x51: {  	_ =	shalt  }
0x52: {  	_ =	shalt  }
0x53: {  	_ =	shalt  }
0x54: {  	_ =	shalt  }
0x55: {  	_ =	shalt  }
0x56: {  	_ =	shalt  }
0x57: {  	_ =	shalt  }
0x58: {  	_ =	shalt  }
0x59: {  	_ =	shalt  }
0x5a: {  	_ =	shalt  }
0x5b: {  	_ =	shalt  }
0x5c: {  	_ =	shalt  }
0x5d: {  	_ =	shalt  }
0x5e: {  	_ =	shalt  }
0x5f: {  	_ =	shalt  }
0x60: {  	_ =	shalt  }
0x61: {  	_ =	shalt  }
0x62: {  	_ =	shalt  }
0x63: {  	_ =	shalt  }
0x64: {  	_ =	shalt  }
0x65: {  	_ =	shalt  }
0x66: {  	_ =	shalt  }
0x67: {  	_ =	shalt  }
0x68: {  	_ =	shalt  }
0x69: {  	_ =	shalt  }
0x6a: {  	_ =	shalt  }
0x6b: {  	_ =	shalt  }
0x6c: {  	_ =	shalt  }
0x6d: {  	_ =	shalt  }
0x6e: {  	_ =	shalt  }
0x6f: {  	_ =	shalt  }
0x70: {  	_ =	shalt  }
0x71: {  	_ =	shalt  }
0x72: {  	_ =	shalt  }
0x73: {  	_ =	shalt  }
0x74: {  	_ =	shalt  }
0x75: {  	_ =	shalt  }
0x76: {  	_ =	shalt  }
0x77: {  	_ =	shalt  }
0x78: {  	_ =	shalt  }
0x79: {  	_ =	shalt  }
0x7a: {  	_ =	shalt  }
0x7b: {  	_ =	shalt  }
0x7c: {  	_ =	shalt  }
0x7d: {  	_ =	shalt  }
0x7e: {  	_ =	shalt  }
0x7f: {  	_ =	shalt  }
0x80: {  	_ =	shalt  }
0x81: {  	_ =	shalt  }
0x82: {  	_ =	shalt  }
0x83: {  	_ =	shalt  }
0x84: {  	_ =	shalt  }
0x85: {  	_ =	shalt  }
0x86: {  	_ =	shalt  }
0x87: {  	_ =	shalt  }
.Lfunc_end0:
.L_simem_size_0:
called_computation_lowered:
.L_overlay_start_0:
0x88: {  	s2 =	sld [smem:$0x3FD9]  }
0x89: {  	s3 =	sld [smem:$0x3FFE];
	_ =	sdelay $0x1  }
0x8a: {  	s1 =	srdreg.scid  }
0x8b: {  	s0 =	sand.u32 $0x1, s1  }
0x8c: {  	s14 =	sshll.u32 s0, $0xA;
	s2 =	sadd.s32 s3, s2  }
0x8d: {  	s2 =	sadd.s32 s2, s14  }
0x8e: {  	[smem:$0x3FBC] =	sst s2  }
0x8f: {  	_ = 	snop  }
0x90: {  	s2 =	sld [smem:$0x3FD0];
	_ =	sdelay $0x2  }
0x91: {  	s15 =	simm.s32 $0xA;
	s4 =	simm.s32 $0x10  }
0x92: {  	[smem:s4], [sflag:s15] =	dma.local [hbm:s2], $0x1  }
0x93: {  	_ =	swait.eq [sflag:s15], $0x1  }
0x94: {  	[sflag:s15] =	ssyncset.done $0x0  }
0x95: {  	[sflag:s15] =	ssyncadd.s32 $0xFFFFFFFF  }
0x96: {  	s16 =	sld [smem:$0x10];
	(tm) =	ssettm $0x1  }
0x97: {  	s17 =	sld [smem:$0x3FFB];
	_ =	sdelay $0x3  }
0x98: {  	_ =	strace s17  }
0x99: {  	s3 =	sld [smem:$0x3FFC];
	_ =	sdelay $0x3  }
0x9a: {  	_ =	strace s3  }
0x9b: {  	s3 =	sld [smem:$0x3FFD];
	_ =	sdelay $0x3  }
0x9c: {  	_ =	strace s3  }
0x9d: {  	_ =	strace $0x8FFFFFFF  }
0x9e: {  	s18 =	sld [smem:$0x3FDB];
	_ =	sdelay $0x1  }
0x9f: {  	s19 =	simm.s32 $_scs_section_size  }
0xa0: {  	s5 =	simm.s32 $_size__tile_overlayer_lowered;
	s6 =	simm.s32 $_tile_overlayer_lowered  }
0xa1: {  	s22 =	simm.s32 $0x1BFF;
	s21 =	sshll.u32 s6, $0x1;
	s3 =	sadd.s32 s19, s18  }
0xa2: {  	s7 =	simm.s32 $0x0;
	s20 =	sshll.u32 s5, $0x1;
	s5 =	sadd.s32 s21, s3  }
0xa3: {  	[timem:s7], [sflag:s22] =	dma.local [hbm:s5], s20  }
0xa4: {  	_ =	swait.ge [sflag:s22], s20  }
0xa5: {  	s4 =	ssub.s32 $0x0, s20;
	[sflag:s22] =	ssyncset.done $0x0  }
0xa6: {  	[sflag:s22] =	ssyncadd.s32 s4;
	_ =	sdelay $0x1  }
0xa7: {  	s23 =	simm.s32 $0x1B8B  }
0xa8: {  	_ =	swait.ge [sflag:s23], $0x1  }
0xa9: {  	[sflag:s23] =	ssyncset.done $0x0  }
0xaa: {  	s25 =	simm.s32 $0x1B8E;
	s24 =	sld [smem:$0x3FFE];
	[sflag:s23] =	ssyncadd.s32 $0xFFFFFFFF  }
0xab: {  	s26 =	simm.s32 $execute0_lowered;
	[smem:$0x3FD2] =	sst s25  }
0xac: {  	s5 =	sshll.u32 s26, $0x1;
	_ =	strace $0x80000046;
	[dreg:$0x1] =	wrdreg $0xFFFFFFFF  }
0xad: {  	s28 =	simm.s32 $_size_execute0_lowered;
	s3 =	sadd.s32 s3, s5;
	[dreg:$0x0] =	wrdreg $0x0  }
0xae: {  	s5 =	sshll.u32 s28, $0x1;
	[dreg:$0x2] =	wrdreg s3  }
0xaf: {  	[dreg:$0x3] =	wrdreg s5  }
0xb0: {  	[dreg:$0x4] =	wrdreg $0xC0  }
0xb1: {  	_ =	task [dreg:s7], $0x5FFFF  }
0xb2: {  	[dreg:$0x1] =	wrdreg $0xFFFFFFFF  }
0xb3: {  	[dreg:$0x0] =	wrdreg $0x60  }
0xb4: {  	[dreg:$0x2] =	wrdreg s24  }
0xb5: {  	[dreg:$0x3] =	wrdreg s16  }
0xb6: {  	[dreg:$0x4] =	wrdreg $0x37800  }
0xb7: {  	[dreg:$0x5] =	wrdreg $0x9  }
0xb8: {  	_ =	task.clear_ibuf [dreg:s7], $0x6FFFF;
	_ =	strace $0x90000046  }
0xb9: {  	s29 =	simm.s32 $0x9;
	_ =	strace $0x80000048  }
0xba: {  	_ =	swait.ge [sflag:s29], $0x1  }
0xbb: {  	[sflag:s29] =	ssyncadd.s32 $0xFFFFFFFF  }
0xbc: {  	_ =	strace $0x90000048  }
0xbd: {  	_ =	sfence  }
0xbe: {  	s30 =	sld [smem:$0x0];
	_ =	sdelay $0x2  }
0xbf: {  	s31 =	sshll.u32 s1, $0xD;
	s1 =	sshrl.u32 s1, $0x2  }
0xc0: {  	s3 =	sand.u32 $0x4000, s31;
	s1 =	sadd.s32 s1, s30  }
0xc1: {  	s0 =	sor.u32 s3, s0;
	s1 =	sshll.u32 s1, $0x11  }
0xc2: {  	s0 =	sor.u32 s1, s0  }
0xc3: {  	s0 =	sadd.s32 $0x8F2B, s0  }
0xc4: {  	[sflag:s0] =	ssyncadd.remote.s32 $0x1  }
0xc5: {  	_ =	sfence.sel $0xFFFF  }
0xc6: {  	[dreg:$0x0] =	wrdreg $0xFFFFFFFF;
	(pc) =	sbr.abs _section_cstart, $3  }
0xc7: {  	[dreg:$0x1] =	wrdreg $0xFFFFFFFF  }
0xc8: {  	_ =	task.clear_ibuf [dreg:s7], $0x2FFFF;
	_ =	strace $0x9FFFFFFF  }
0xc9: {  	(tm) =	ssettm $0x7FFFFFFF  }
tec
execute0_lowered:
.L_overlay_start_1:
0x0: {  	(tag) =	ssettag $0x1  }
0x1: {  	s4 =	rddreg [dreg:$0x0]  }
0x2: {  	s14 =	rddreg [dreg:$0x1]  }
0x3: {  	s0 =	srdreg.scid;
	s2 =	rddreg [dreg:$0x2]  }
0x4: {  	s1 =	rddreg [dreg:$0x3];
	s5 =	sand.u32 $0x1, s0  }
0x5: {  	s3 =	simm.s32 $0x0;
	s0 =	stileid.u32;
	s6 =	smul.u32 $0x27800, s5  }
0x6: {  	s19 =	simm.s32 $0x2780;
	s20 =	simm.s32 $0x0;
	s7 =	smul.u32 $0x2780, s0  }
0x7: {  	[smem:$0x7FF] =	sst s3;
	s30 =	ssub.s32 $0x2, s5;
	s8 =	smul.u32 $0x2800, s0  }
0x8: {  	_ =	strace $0x80000047;
	s16 =	smul.u32 $0x28000, s5;
	s31 =	sshrl.u32 s30, $0x1  }
0x9: {  	s6 =	sadd.s32 s7, s6;
	s15 =	ssub.s32 s30, s31;
	s10 =	sadd.s32 $0x800, s8  }
0xa: {  	s12 =	sadd.s32 $0x1000, s8;
	s13 =	sadd.s32 $0x1800, s8;
	s17 =	sadd.s32 $0x2000, s8  }
0xb: {  	s11 =	sadd.s32 s8, s16;
	s6 =	sshrl.u32 s6, $0x3;
	s5 =	sadd.s32 s10, s2  }
0xc: {  	s7 =	sadd.s32 s13, s2;
	s10 =	sadd.s32 s16, s10;
	s11 =	sshrl.u32 s11, $0x3  }
0xd: {  	s13 =	sadd.s32 s16, s13;
	s15 =	smax.u32 s15, $0x1;
	s9 =	sadd.s32 s6, s4  }
0xe: {  	s4 =	sadd.s32 s8, s2;
	s6 =	sadd.s32 s12, s2;
	s8 =	sadd.s32 s17, s2  }
0xf: {  	s18 =	sshrl.u32 s10, $0x3;
	s10 =	sadd.s32 s14, s11;
	s12 =	sadd.s32 s16, s12  }
0x10: {  	s16 =	sadd.s32 s16, s17;
	s13 =	sshrl.u32 s13, $0x3;
	s17 =	simm.s32 $0x1  }
0x11: {  	s9 =	sadd.s32 $0x2C00, s9;
	s11 =	sadd.s32 s14, s18;
	s12 =	sshrl.u32 s12, $0x3  }
0x12: {  	s16 =	sshrl.u32 s16, $0x3;
	s13 =	sadd.s32 s14, s13;
	s18 =	simm.s32 $0x80  }
0x13: {  	v0 =	vimm.f32 $1.000000000e+00;
	v1 =	vimm.f32 $0.0e+00;
	s12 =	sadd.s32 s14, s12;
	s14 =	sadd.s32 s14, s16;
	s16 =	simm.s32 $0x2F80  }
.LBB2_1:
0x14: {  	s21 =	simm.s32 $0x40;
	s22 =	simm.s32 $0x0  }
.LBB2_2:
0x15: {  	p0 =	sne.s32 s21, $0x1FC0;
	[tilespmem:s22+$0x2780] =	vst v0;
	s23 =	smov.u32 s21;
	s21 =	sadd.s32 $0x40, s21  }
.Ltmp0:
0x16: {  	[tilespmem:s22+$0x2F80] =	vst v1;
	(pc) =	sbr.rel @p0 .LBB2_2-.Ltmp0, $2  }
0x17: {  	_ =	sdelay $0x2  }
0x18: {  	s22 =	sshra.s32 s23, $0x2  }
0x19: {  	[tilespmem:s22+$0x2780] =	vst v0  }
0x1a: {  	[tilespmem:s22+$0x2F80] =	vst v1  }
0x1b: {  	[spmem:s4] =	stream.linear.scatter [tilespmem:s16], [sflag:$0x1], $0x800, $0x38;
	[tilespmem:$0x5F80] =	vst v63  }
0x1c: {  	_ =	swait.ge [sflag:s17], $0x800  }
0x1d: {  	[sflag:s17] =	ssyncset.done $0x0  }
0x1e: {  	[sflag:s17] =	ssyncadd.s32 $0xFFFFF800  }
0x1f: {  	[spmem:s5] =	stream.linear.scatter [tilespmem:s16], [sflag:$0x1], $0x800, $0x38;
	[tilespmem:$0x5F80] =	vst v63  }
0x20: {  	_ =	swait.ge [sflag:s17], $0x800  }
0x21: {  	[sflag:s17] =	ssyncset.done $0x0  }
0x22: {  	[sflag:s17] =	ssyncadd.s32 $0xFFFFF800  }
0x23: {  	[spmem:s6] =	stream.linear.scatter [tilespmem:s16], [sflag:$0x1], $0x800, $0x38;
	[tilespmem:$0x5F80] =	vst v63  }
0x24: {  	_ =	swait.ge [sflag:s17], $0x800  }
0x25: {  	[sflag:s17] =	ssyncset.done $0x0  }
0x26: {  	[sflag:s17] =	ssyncadd.s32 $0xFFFFF800  }
0x27: {  	[spmem:s7] =	stream.linear.scatter [tilespmem:s16], [sflag:$0x1], $0x800, $0x38;
	[tilespmem:$0x5F80] =	vst v63  }
0x28: {  	_ =	swait.ge [sflag:s17], $0x800  }
0x29: {  	[sflag:s17] =	ssyncset.done $0x0  }
0x2a: {  	[sflag:s17] =	ssyncadd.s32 $0xFFFFF800  }
0x2b: {  	[spmem:s8] =	stream.linear.scatter [tilespmem:s16], [sflag:$0x1], $0x800, $0x38;
	[tilespmem:$0x5F80] =	vst v63  }
0x2c: {  	_ =	swait.ge [sflag:s17], $0x800  }
0x2d: {  	[sflag:s17] =	ssyncset.done $0x0  }
0x2e: {  	[sflag:s17] =	ssyncadd.s32 $0xFFFFF800  }
0x2f: {  	s21 =	simm.s32 $0x0;
	[bflag:$0x0] =	sbarrier.arrive $0xFFFF  }
0x30: {  	[tilespmem:s21], [sflag:$0x1] =	stream.linear.gather [hbm4b:s9+s21], $0x2780, $0x38;
	[tilespmem:$0x5F80] =	vst v63  }
0x31: {  	_ =	swait.ge [sflag:s17], $0x2780  }
0x32: {  	[sflag:s17] =	ssyncset.done $0x0  }
0x33: {  	s31 =	simm.s32 $0x0;
	[sflag:s17] =	ssyncadd.s32 $0xFFFFD880  }
0x34: {  	[spmem:s2] =	stream.indirect.scatter.add.f32 [tilespmem:s19], [sflag:$0x1], $0x10, s31, s18, $0xb8;
	[tilespmem:$0x5F80] =	vst v63  }
0x35: {  	_ =	swait.ge [sflag:s17], $0x800  }
0x36: {  	s21 =	simm.s32 $0x200;
	[sflag:s17] =	ssyncset.done $0x0  }
.LBB2_4:
0x37: {  	s22 =	sshra.s32 s21, $0x2;
	[sflag:s17] =	ssyncadd.s32 $0xFFFFF800;
	p0 =	sne.s32 s21, $0x9C00  }
0x38: {  	[spmem:s2] =	stream.indirect.scatter.add.f32 [tilespmem:s19], [sflag:$0x1], $0x10, s22, s18, $0xb8;
	[tilespmem:$0x5F80] =	vst v63  }
.Ltmp1:
0x39: {  	_ = 	snop;
	(pc) =	sbr.rel @p0 .LBB2_4-.Ltmp1, $4  }
0x3a: {  	_ = 	snop  }
0x3b: {  	s21 =	sadd.s32 $0x200, s21  }
0x3c: {  	_ =	swait.ge [sflag:s17], $0x800  }
0x3d: {  	[sflag:s17] =	ssyncset.done $0x0  }
0x3e: {  	[sflag:s17] =	ssyncadd.s32 $0xFFFFF800  }
0x3f: {  	[bflag:$0x0] =	sbarrier.arrive $0xFFFF  }
0x40: {  	[tilespmem:s16], [sflag:$0x1] =	stream.linear.gather [spmem:s4], $0x800, $0x38;
	[tilespmem:$0x5F80] =	vst v63  }
0x41: {  	_ =	swait.ge [sflag:s17], $0x800  }
0x42: {  	[sflag:s17] =	ssyncset.done $0x0  }
0x43: {  	[sflag:s17] =	ssyncadd.s32 $0xFFFFF800  }
0x44: {  	[hbm4b:s10+s3] =	stream.linear.scatter [tilespmem:s16], [sflag:$0x1], $0x800, $0x38;
	[tilespmem:$0x5F80] =	vst v63  }
0x45: {  	_ =	swait.ge [sflag:s17], $0x800  }
0x46: {  	[sflag:s17] =	ssyncset.done $0x0  }
0x47: {  	[sflag:s17] =	ssyncadd.s32 $0xFFFFF800  }
0x48: {  	[tilespmem:s16], [sflag:$0x1] =	stream.linear.gather [spmem:s5], $0x800, $0x38;
	[tilespmem:$0x5F80] =	vst v63  }
0x49: {  	_ =	swait.ge [sflag:s17], $0x800  }
0x4a: {  	[sflag:s17] =	ssyncset.done $0x0  }
0x4b: {  	[sflag:s17] =	ssyncadd.s32 $0xFFFFF800  }
0x4c: {  	[hbm4b:s11+s3] =	stream.linear.scatter [tilespmem:s16], [sflag:$0x1], $0x800, $0x38;
	[tilespmem:$0x5F80] =	vst v63  }
0x4d: {  	_ =	swait.ge [sflag:s17], $0x800  }
0x4e: {  	[sflag:s17] =	ssyncset.done $0x0  }
0x4f: {  	[sflag:s17] =	ssyncadd.s32 $0xFFFFF800  }
0x50: {  	[tilespmem:s16], [sflag:$0x1] =	stream.linear.gather [spmem:s6], $0x800, $0x38;
	[tilespmem:$0x5F80] =	vst v63  }
0x51: {  	_ =	swait.ge [sflag:s17], $0x800  }
0x52: {  	[sflag:s17] =	ssyncset.done $0x0  }
0x53: {  	[sflag:s17] =	ssyncadd.s32 $0xFFFFF800  }
0x54: {  	[hbm4b:s12+s3] =	stream.linear.scatter [tilespmem:s16], [sflag:$0x1], $0x800, $0x38;
	[tilespmem:$0x5F80] =	vst v63  }
0x55: {  	_ =	swait.ge [sflag:s17], $0x800  }
0x56: {  	[sflag:s17] =	ssyncset.done $0x0  }
0x57: {  	[sflag:s17] =	ssyncadd.s32 $0xFFFFF800  }
0x58: {  	[tilespmem:s16], [sflag:$0x1] =	stream.linear.gather [spmem:s7], $0x800, $0x38;
	[tilespmem:$0x5F80] =	vst v63  }
0x59: {  	_ =	swait.ge [sflag:s17], $0x800  }
0x5a: {  	[sflag:s17] =	ssyncset.done $0x0  }
0x5b: {  	[sflag:s17] =	ssyncadd.s32 $0xFFFFF800  }
0x5c: {  	[hbm4b:s13+s3] =	stream.linear.scatter [tilespmem:s16], [sflag:$0x1], $0x800, $0x38;
	[tilespmem:$0x5F80] =	vst v63  }
0x5d: {  	_ =	swait.ge [sflag:s17], $0x800  }
0x5e: {  	[sflag:s17] =	ssyncset.done $0x0  }
0x5f: {  	[sflag:s17] =	ssyncadd.s32 $0xFFFFF800  }
0x60: {  	[tilespmem:s16], [sflag:$0x1] =	stream.linear.gather [spmem:s8], $0x800, $0x38;
	[tilespmem:$0x5F80] =	vst v63  }
0x61: {  	s20 =	sadd.s32 $0x1, s20;
	_ =	swait.ge [sflag:s17], $0x800  }
0x62: {  	p0 =	sne.s32 s20, s15;
	[sflag:s17] =	ssyncset.done $0x0  }
.Ltmp2:
0x63: {  	[sflag:s17] =	ssyncadd.s32 $0xFFFFF800;
	(pc) =	sbr.rel @p0 .LBB2_1-.Ltmp2, $4  }
0x64: {  	[hbm4b:s14+s3] =	stream.linear.scatter [tilespmem:s16], [sflag:$0x1], $0x800, $0x38;
	[tilespmem:$0x5F80] =	vst v63  }
0x65: {  	_ =	swait.ge [sflag:s17], $0x800  }
0x66: {  	[sflag:s17] =	ssyncset.done $0x0  }
0x67: {  	[sflag:s17] =	ssyncadd.s32 $0xFFFFF800  }
0x68: {  	_ =	sfence.sel $0x180000  }
0x69: {  	[bflag:$0x0] =	sbarrier.arrive $0xFFFF  }
0x6a: {  	p0 =	sne.s32 s0, $0x0;
	_ =	strace $0x90000047  }
0x6b: {  	s0 =	sadd.s32 @!p0 $0x100000, s1;
	[bflag:$0x2] =	sbarrier.arrive $0xFFFF  }
0x6c: {  	[sflag:s0] =	ssyncadd.tile.s32 @!p0 $0x1;
	_ =	shalt  }
.Lfunc_end2:
_tile_overlayer_lowered:
.L_overlay_start_2:
0x6d: {  	(tag) =	ssettag $0x2  }
0x6e: {  	s0 =	rddreg [dreg:$0x0];
	s2 =	stileid.u32  }
0x6f: {  	s1 =	rddreg [dreg:$0x1];
	p0 =	sne.s32 s2, $0x0  }
0x70: {  	s3 =	rddreg [dreg:$0x2];
	[bflag:$0x3] =	sbarrier.arrive $0xFFFF;
	s2 =	simm.s32 @!p0 $0x1C01  }
0x71: {  	[timem:s3], [sflag:s2] =	dma.local @!p0 [hbm:s0], s1  }
0x72: {  	s0 =	simm.s32 @!p0 $0x1  }
0x73: {  	_ =	swait.ge @!p0 [sflag:s0], s1  }
0x74: {  	s1 =	ssub.s32 @!p0 $0x0, s1;
	[sflag:s0] =	ssyncset.done @!p0 $0x0  }
0x75: {  	[sflag:s0] =	ssyncadd.s32 @!p0 s1  }
0x76: {  	[bflag:$0x3] =	sbarrier.arrive $0xFFFF  }
0x77: {  	_ =	shalt  }

// kernel: kernel.9.cloned.1.call-start
scs
__scs_entry_jumppad:
0x0: {  	(pc) =	sbr.rel $0x88, $3  }
0x1: {  	(tag) =	ssettag $0x0;
	lr =	simm.s32 $0x1  }
0x2: {  	[smem:$0x3F95] =	sst lr;
	_ =	strace $0xD0000000  }
0x3: {  	_ = 	snop  }
0x4: {  	_ = 	snop  }
0x5: {  	_ = 	snop  }
0x6: {  	_ = 	snop  }
0x7: {  	_ = 	snop  }
__scs_overlays_trampoline_lowered:
0x8: {  	[smem:$0x3FA4] =	sst s0  }
0x9: {  	[smem:$0x3FA5] =	sst s1  }
0xa: {  	[smem:$0x3FA6] =	sst s2  }
0xb: {  	[smem:$0x3FA7] =	sst s3  }
0xc: {  	[smem:$0x3FA8] =	sst s4  }
0xd: {  	[smem:$0x3FA9] =	sst s5  }
0xe: {  	[smem:$0x3FAA] =	sst s6  }
0xf: {  	[smem:$0x3FAB] =	sst s7  }
0x10: {  	[smem:$0x3FAC] =	sst s8  }
0x11: {  	[smem:$0x3FAD] =	sst s9;
	s0 =	simm.s32 @!p0 $0x0  }
0x12: {  	s1 =	sld [smem:$0x3F93];
	s0 =	simm.s32 @p0 $0x1  }
0x13: {  	[smem:$0x3FAE] =	sst s0;
	s0 =	simm.s32 @!p1 $0x0  }
0x14: {  	s2 =	sld [smem:$0x3F92];
	s0 =	simm.s32 @p1 $0x1  }
0x15: {  	[smem:$0x3FAF] =	sst s0;
	s0 =	simm.s32 @!p2 $0x0  }
0x16: {  	s3 =	sld [smem:$0x3FDB];
	s0 =	simm.s32 @p2 $0x1  }
0x17: {  	s4 =	simm.s32 $0x1BF5;
	[smem:$0x3FB1] =	sst s0  }
0x18: {  	s0 =	sld [smem:$0x3F94];
	_ =	swait.ge [sflag:s4], $0x0  }
0x19: {  	s7 =	sld [smem:$0x3F95]  }
0x1a: {  	s8 =	sadd.s32 $0xFFFFE003, lr  }
0x1b: {  	s9 =	sadd.s32 $0xFFFFFEF7, lr;
	s5 =	simm.s32 $0xFFFFFFFF;
	p2 =	slt.u32 s8, $0xFFFFF086  }
0x1c: {  	p1 =	slt.u32 s9, $0xF7A;
	s5 =	simm.s32 @!p2 $0x0  }
0x1d: {  	s5 =	simm.s32 @p1 $0x1;
	p0 =	seq.s32 s7, s2  }
0x1e: {  	s7 =	smul.u32 @!p0 $0xF7A, s2;
	p2 =	seq.s32 @!p0 s5, $0x0  }
0x1f: {  	s9 =	smul.u32 $0xF7A, s1;
	s8 =	simm.s32 @!p0 $0x1BF5;
	p2 =	por !p2, p0  }
0x20: {  	[sflag:s8] =	ssyncset.s32 @!p0 $0xFFFFF086;
	s6 =	sadd.s32 @!p0 s3, s7;
	s7 =	simm.s32 @!p0 $0x108  }
0x21: {  	s3 =	sadd.s32 s3, s9;
	s6 =	sadd.s32 @!p0 $0x88, s6;
	s7 =	simm.s32 @p2 $0x1082  }
0x22: {  	[simem:s7], [sflag:s8] =	dma.local @!p0 [hbm:s6], $0xF7A  }
0x23: {  	s9 =	sor.u32 $0xD0000000, s2;
	s6 =	simm.s32 $0x108;
	_ =	swait.ge @!p0 [sflag:s8], $0x0  }
0x24: {  	s3 =	sadd.s32 $0x88, s3;
	s6 =	simm.s32 @!p1 $0x1082;
	[sflag:s4] =	ssyncset.s32 $0xFFFFF086  }
0x25: {  	[simem:s6], [sflag:s4] =	dma.local [hbm:s3], $0xF7A  }
0x26: {  	[smem:$0x3F95] =	sst s1;
	(tag) =	ssettag s2;
	_ =	strace s9  }
0x27: {  	s1 =	sld [smem:$0x3FA5]  }
0x28: {  	s2 =	sld [smem:$0x3FA6]  }
0x29: {  	s4 =	sld [smem:$0x3FA8]  }
0x2a: {  	p0 =	seq.s32 s5, $0x0;
	s5 =	sld [smem:$0x3FA9]  }
0x2b: {  	s6 =	sld [smem:$0x3FAA]  }
0x2c: {  	s7 =	sld [smem:$0x3FAB]  }
0x2d: {  	s3 =	simm.s32 $0x108;
	s8 =	sld [smem:$0x3FAC]  }
0x2e: {  	s3 =	simm.s32 @!p0 $0x1082;
	s9 =	sld [smem:$0x3FAD]  }
0x2f: {  	lr =	sadd.s32 s0, s3;
	s0 =	sld [smem:$0x3FA4]  }
0x30: {  	s3 =	sld [smem:$0x3FA7]  }
0x31: {  	[smem:$0x3FB0] =	sst s10  }
0x32: {  	s10 =	sld [smem:$0x3FAE];
	_ =	sdelay $0x3  }
0x33: {  	p0 =	seq.s32 s10, $0x1;
	s10 =	sld [smem:$0x3FB0];
	_ =	sdelay $0x3  }
0x34: {  	[smem:$0x3FB0] =	sst s10  }
0x35: {  	s10 =	sld [smem:$0x3FAF];
	_ =	sdelay $0x3  }
0x36: {  	p1 =	seq.s32 s10, $0x1;
	s10 =	sld [smem:$0x3FB0];
	_ =	sdelay $0x3  }
0x37: {  	[smem:$0x3FB0] =	sst s10  }
0x38: {  	s10 =	sld [smem:$0x3FB1]  }
0x39: {  	_ = 	snop;
	(pc) =	sbr.ind lr, $3  }
0x3a: {  	_ = 	snop  }
0x3b: {  	_ = 	snop  }
0x3c: {  	p2 =	seq.s32 s10, $0x1;
	s10 =	sld [smem:$0x3FB0]  }
0x3d: {  	_ =	shalt  }
0x3e: {  	_ =	shalt  }
0x3f: {  	_ =	shalt  }
0x40: {  	_ =	shalt  }
0x41: {  	_ =	shalt  }
0x42: {  	_ =	shalt  }
0x43: {  	_ =	shalt  }
0x44: {  	_ =	shalt  }
0x45: {  	_ =	shalt  }
0x46: {  	_ =	shalt  }
0x47: {  	_ =	shalt  }
0x48: {  	_ =	shalt  }
0x49: {  	_ =	shalt  }
0x4a: {  	_ =	shalt  }
0x4b: {  	_ =	shalt  }
0x4c: {  	_ =	shalt  }
0x4d: {  	_ =	shalt  }
0x4e: {  	_ =	shalt  }
0x4f: {  	_ =	shalt  }
0x50: {  	_ =	shalt  }
0x51: {  	_ =	shalt  }
0x52: {  	_ =	shalt  }
0x53: {  	_ =	shalt  }
0x54: {  	_ =	shalt  }
0x55: {  	_ =	shalt  }
0x56: {  	_ =	shalt  }
0x57: {  	_ =	shalt  }
0x58: {  	_ =	shalt  }
0x59: {  	_ =	shalt  }
0x5a: {  	_ =	shalt  }
0x5b: {  	_ =	shalt  }
0x5c: {  	_ =	shalt  }
0x5d: {  	_ =	shalt  }
0x5e: {  	_ =	shalt  }
0x5f: {  	_ =	shalt  }
0x60: {  	_ =	shalt  }
0x61: {  	_ =	shalt  }
0x62: {  	_ =	shalt  }
0x63: {  	_ =	shalt  }
0x64: {  	_ =	shalt  }
0x65: {  	_ =	shalt  }
0x66: {  	_ =	shalt  }
0x67: {  	_ =	shalt  }
0x68: {  	_ =	shalt  }
0x69: {  	_ =	shalt  }
0x6a: {  	_ =	shalt  }
0x6b: {  	_ =	shalt  }
0x6c: {  	_ =	shalt  }
0x6d: {  	_ =	shalt  }
0x6e: {  	_ =	shalt  }
0x6f: {  	_ =	shalt  }
0x70: {  	_ =	shalt  }
0x71: {  	_ =	shalt  }
0x72: {  	_ =	shalt  }
0x73: {  	_ =	shalt  }
0x74: {  	_ =	shalt  }
0x75: {  	_ =	shalt  }
0x76: {  	_ =	shalt  }
0x77: {  	_ =	shalt  }
0x78: {  	_ =	shalt  }
0x79: {  	_ =	shalt  }
0x7a: {  	_ =	shalt  }
0x7b: {  	_ =	shalt  }
0x7c: {  	_ =	shalt  }
0x7d: {  	_ =	shalt  }
0x7e: {  	_ =	shalt  }
0x7f: {  	_ =	shalt  }
0x80: {  	_ =	shalt  }
0x81: {  	_ =	shalt  }
0x82: {  	_ =	shalt  }
0x83: {  	_ =	shalt  }
0x84: {  	_ =	shalt  }
0x85: {  	_ =	shalt  }
0x86: {  	_ =	shalt  }
0x87: {  	_ =	shalt  }
.Lfunc_end0:
.L_simem_size_0:
called_computation.1_lowered:
.L_overlay_start_0:
0x88: {  	s2 =	sld [smem:$0x3FD9]  }
0x89: {  	s3 =	sld [smem:$0x3FFE];
	_ =	sdelay $0x1  }
0x8a: {  	s1 =	srdreg.scid  }
0x8b: {  	s0 =	sand.u32 $0x1, s1  }
0x8c: {  	s16 =	sshll.u32 s0, $0xA;
	s2 =	sadd.s32 s3, s2  }
0x8d: {  	s2 =	sadd.s32 s2, s16  }
0x8e: {  	[smem:$0x3FBC] =	sst s2  }
0x8f: {  	_ = 	snop  }
0x90: {  	(tm) =	ssettm $0x1  }
0x91: {  	s17 =	sld [smem:$0x3FFB];
	_ =	sdelay $0x3  }
0x92: {  	_ =	strace s17  }
0x93: {  	s2 =	sld [smem:$0x3FFC];
	_ =	sdelay $0x3  }
0x94: {  	_ =	strace s2  }
0x95: {  	s2 =	sld [smem:$0x3FFD];
	_ =	sdelay $0x3  }
0x96: {  	_ =	strace s2  }
0x97: {  	_ =	strace $0x8FFFFFFF  }
0x98: {  	s18 =	sld [smem:$0x3FDB];
	_ =	sdelay $0x1  }
0x99: {  	s19 =	simm.s32 $_scs_section_size  }
0x9a: {  	s4 =	simm.s32 $_size__tile_overlayer_lowered;
	s5 =	simm.s32 $_tile_overlayer_lowered  }
0x9b: {  	s22 =	simm.s32 $0x1BFF;
	s21 =	sshll.u32 s5, $0x1;
	s2 =	sadd.s32 s19, s18  }
0x9c: {  	s6 =	simm.s32 $0x0;
	s20 =	sshll.u32 s4, $0x1;
	s4 =	sadd.s32 s21, s2  }
0x9d: {  	[timem:s6], [sflag:s22] =	dma.local [hbm:s4], s20  }
0x9e: {  	_ =	swait.ge [sflag:s22], s20  }
0x9f: {  	s3 =	ssub.s32 $0x0, s20;
	[sflag:s22] =	ssyncset.done $0x0  }
0xa0: {  	[sflag:s22] =	ssyncadd.s32 s3;
	_ =	sdelay $0x1  }
0xa1: {  	s23 =	simm.s32 $0x1B8B  }
0xa2: {  	_ =	swait.ge [sflag:s23], $0x1  }
0xa3: {  	[sflag:s23] =	ssyncset.done $0x0  }
0xa4: {  	s25 =	simm.s32 $0x1B8E;
	s24 =	sld [smem:$0x3FFE];
	[sflag:s23] =	ssyncadd.s32 $0xFFFFFFFF  }
0xa5: {  	s26 =	simm.s32 $execute0_lowered;
	[smem:$0x3FD2] =	sst s25  }
0xa6: {  	s4 =	sshll.u32 s26, $0x1;
	_ =	strace $0x80000049;
	[dreg:$0x1] =	wrdreg $0xFFFFFFFF  }
0xa7: {  	s28 =	simm.s32 $_size_execute0_lowered;
	s2 =	sadd.s32 s2, s4;
	[dreg:$0x0] =	wrdreg $0x0  }
0xa8: {  	s4 =	sshll.u32 s28, $0x1;
	[dreg:$0x2] =	wrdreg s2  }
0xa9: {  	[dreg:$0x3] =	wrdreg s4  }
0xaa: {  	[dreg:$0x4] =	wrdreg $0xC0  }
0xab: {  	_ =	task [dreg:s6], $0x5FFFF  }
0xac: {  	[dreg:$0x1] =	wrdreg $0xFFFFFFFF  }
0xad: {  	[dreg:$0x0] =	wrdreg $0x60  }
0xae: {  	[dreg:$0x2] =	wrdreg s24  }
0xaf: {  	[dreg:$0x3] =	wrdreg $0xB0800  }
0xb0: {  	[dreg:$0x4] =	wrdreg $0x9  }
0xb1: {  	_ =	task.clear_ibuf [dreg:s6], $0x5FFFF;
	_ =	strace $0x90000049  }
0xb2: {  	s29 =	simm.s32 $0x9;
	_ =	strace $0x8000004B  }
0xb3: {  	_ =	swait.ge [sflag:s29], $0x1  }
0xb4: {  	[sflag:s29] =	ssyncadd.s32 $0xFFFFFFFF  }
0xb5: {  	_ =	strace $0x9000004B  }
0xb6: {  	_ =	sfence  }
0xb7: {  	s30 =	sld [smem:$0x0];
	_ =	sdelay $0x2  }
0xb8: {  	s31 =	sshll.u32 s1, $0xD;
	s1 =	sshrl.u32 s1, $0x2  }
0xb9: {  	s3 =	sand.u32 $0x4000, s31;
	s1 =	sadd.s32 s1, s30  }
0xba: {  	s0 =	sor.u32 s3, s0;
	s1 =	sshll.u32 s1, $0x11  }
0xbb: {  	s0 =	sor.u32 s1, s0  }
0xbc: {  	s0 =	sadd.s32 $0x8F2B, s0  }
0xbd: {  	[sflag:s0] =	ssyncadd.remote.s32 $0x1  }
0xbe: {  	_ =	sfence.sel $0xFFFF  }
0xbf: {  	[dreg:$0x0] =	wrdreg $0xFFFFFFFF;
	(pc) =	sbr.abs _section_cstart, $3  }
0xc0: {  	[dreg:$0x1] =	wrdreg $0xFFFFFFFF  }
0xc1: {  	_ =	task.clear_ibuf [dreg:s6], $0x2FFFF;
	_ =	strace $0x9FFFFFFF  }
0xc2: {  	(tm) =	ssettm $0x7FFFFFFF  }
0xc3: {  	_ =	shalt  }
tec
execute0_lowered:
.L_overlay_start_1:
0x0: {  	(tag) =	ssettag $0x1  }
0x1: {  	s3 =	stileid.u32  }
0x2: {  	s4 =	smul.u32 $0x2780, s3  }
0x3: {  	s3 =	smul.u32 $0x14000, s3  }
0x4: {  	s18 =	rddreg [dreg:$0x0];
	s1 =	simm.s32 $0x0  }
0x5: {  	s0 =	srdreg.scid;
	[smem:$0x7FF] =	sst s1;
	s16 =	sor.u32 $0x800, s3  }
0x6: {  	s0 =	sand.u32 $0x1, s0;
	s17 =	sor.u32 $0x1000, s3;
	[smem:$0x7CB] =	sst s16  }
0x7: {  	s15 =	sadd.s32 $0xC0200, s18;
	s6 =	sor.u32 $0x1800, s3;
	[smem:$0x7CD] =	sst s17  }
0x8: {  	s2 =	smul.u32 $0x27800, s0;
	s7 =	sor.u32 $0x2000, s3;
	[smem:$0x7CF] =	sst s6  }
0x9: {  	s5 =	ssub.s32 $0x2, s0;
	s8 =	sor.u32 $0x2800, s3;
	[smem:$0x7D1] =	sst s7  }
0xa: {  	s12 =	smul.u32 $0x140000, s0;
	s9 =	sor.u32 $0x3000, s3;
	[smem:$0x7D3] =	sst s8  }
0xb: {  	s14 =	sshrl.u32 s5, $0x1;
	s10 =	sor.u32 $0x3800, s3;
	[smem:$0x7D5] =	sst s9  }
0xc: {  	s11 =	sadd.s32 $0x4000, s3;
	s13 =	sadd.s32 $0x4800, s3;
	[smem:$0x7D7] =	sst s10  }
0xd: {  	s2 =	sadd.s32 s4, s2;
	s4 =	ssub.s32 s5, s14;
	[smem:$0x7D9] =	sst s11  }
0xe: {  	s0 =	sadd.s32 s3, s12;
	[smem:$0x7DB] =	sst s13;
	s20 =	sadd.s32 s12, s17  }
0xf: {  	s21 =	sadd.s32 s12, s6;
	s22 =	sadd.s32 s12, s7;
	s26 =	sadd.s32 s12, s8  }
0x10: {  	s28 =	sadd.s32 s12, s9;
	s29 =	sadd.s32 s12, s10;
	s5 =	sadd.s32 s12, s11  }
0x11: {  	s6 =	sadd.s32 $0x5000, s3;
	s7 =	sadd.s32 s12, s13;
	s11 =	sadd.s32 $0x5800, s3  }
0x12: {  	s13 =	sadd.s32 $0x6000, s3;
	[smem:$0x7FC] =	sst s4;
	s4 =	sadd.s32 s12, s16  }
0x13: {  	s0 =	sshrl.u32 s0, $0x3;
	s23 =	sshrl.u32 s21, $0x3;
	s24 =	sshrl.u32 s22, $0x3  }
0x14: {  	s30 =	sshrl.u32 s28, $0x3;
	s31 =	sshrl.u32 s29, $0x3;
	[smem:$0x7DD] =	sst s6  }
0x15: {  	s8 =	sshrl.u32 s7, $0x3;
	s9 =	sadd.s32 s12, s6;
	[smem:$0x7DF] =	sst s11  }
0x16: {  	[smem:$0x7E1] =	sst s13;
	s14 =	sadd.s32 s12, s11;
	s16 =	sadd.s32 $0x6800, s3  }
0x17: {  	s17 =	sadd.s32 s12, s13;
	s22 =	sadd.s32 $0x7000, s3;
	s4 =	sshrl.u32 s4, $0x3  }
0x18: {  	s0 =	sadd.s32 s15, s0;
	s25 =	sadd.s32 s15, s24;
	[smem:$0x7E3] =	sst s16  }
0x19: {  	s10 =	sshrl.u32 s9, $0x3;
	[smem:$0x7E5] =	sst s22;
	s24 =	sadd.s32 s12, s22  }
0x1a: {  	s22 =	sadd.s32 $0xD000, s3;
	[dreg:$0x3] =	wrdreg s0;
	s19 =	sadd.s32 s15, s4  }
0x1b: {  	s0 =	sshrl.u32 s20, $0x3;
	[dreg:$0x7] =	wrdreg s25;
	s4 =	sadd.s32 s15, s31  }
0x1c: {  	s20 =	sadd.s32 s12, s16;
	s25 =	sadd.s32 $0x8000, s3;
	[dreg:$0x4] =	wrdreg s19  }
0x1d: {  	s31 =	sadd.s32 $0x8800, s3;
	s0 =	sadd.s32 s15, s0;
	[dreg:$0xa] =	wrdreg s4  }
0x1e: {  	s19 =	sshrl.u32 s17, $0x3;
	s21 =	sshrl.u32 s20, $0x3;
	[smem:$0x7E9] =	sst s25  }
0x1f: {  	s29 =	sadd.s32 s12, s25;
	[smem:$0x7EB] =	sst s31;
	s4 =	sadd.s32 s12, s31  }
0x20: {  	s31 =	sadd.s32 $0xA800, s3;
	[dreg:$0x5] =	wrdreg s0;
	s0 =	sadd.s32 s15, s23  }
0x21: {  	s25 =	sadd.s32 $0xB800, s3;
	s23 =	sadd.s32 $0x7800, s3;
	[dreg:$0x6] =	wrdreg s0  }
0x22: {  	s16 =	sadd.s32 s12, s25;
	s0 =	sshrl.u32 s26, $0x3;
	[smem:$0x7E7] =	sst s23  }
0x23: {  	s26 =	sadd.s32 s12, s23;
	s23 =	sadd.s32 $0xC800, s3;
	s0 =	sadd.s32 s15, s0  }
0x24: {  	s28 =	sshrl.u32 s26, $0x3;
	[dreg:$0x8] =	wrdreg s0;
	s0 =	sadd.s32 s15, s30  }
0x25: {  	s26 =	sadd.s32 $0xB000, s3;
	[dreg:$0x9] =	wrdreg s0;
	s0 =	sshrl.u32 s5, $0x3  }
0x26: {  	s20 =	sadd.s32 s12, s23;
	s30 =	sshrl.u32 s29, $0x3;
	s0 =	sadd.s32 s15, s0  }
0x27: {  	s29 =	sadd.s32 $0x9800, s3;
	[dreg:$0xb] =	wrdreg s0;
	s0 =	sadd.s32 s15, s8  }
0x28: {  	s13 =	sadd.s32 s12, s26;
	[dreg:$0xc] =	wrdreg s0;
	s0 =	sadd.s32 s15, s10  }
0x29: {  	s7 =	sadd.s32 s12, s29;
	[dreg:$0xd] =	wrdreg s0;
	s0 =	sshrl.u32 s14, $0x3  }
0x2a: {  	s8 =	sshrl.u32 s7, $0x3;
	s10 =	sadd.s32 s12, s31;
	s0 =	sadd.s32 s15, s0  }
0x2b: {  	s11 =	sshrl.u32 s10, $0x3;
	[dreg:$0xe] =	wrdreg s0;
	s0 =	sadd.s32 s15, s19  }
0x2c: {  	s14 =	sshrl.u32 s13, $0x3;
	[dreg:$0xf] =	wrdreg s0;
	s0 =	sadd.s32 s15, s21  }
0x2d: {  	s21 =	sshrl.u32 s20, $0x3;
	[dreg:$0x10] =	wrdreg s0;
	s0 =	sshrl.u32 s24, $0x3  }
0x2e: {  	s20 =	sadd.s32 $0xE000, s3;
	s24 =	sadd.s32 $0xC000, s3;
	s0 =	sadd.s32 s15, s0  }
0x2f: {  	s7 =	sadd.s32 s12, s20;
	[dreg:$0x11] =	wrdreg s0;
	s0 =	sadd.s32 s15, s28  }
0x30: {  	s28 =	sadd.s32 $0x9000, s3;
	[dreg:$0x12] =	wrdreg s0;
	s0 =	sadd.s32 s15, s30  }
0x31: {  	s5 =	sadd.s32 s12, s28;
	[dreg:$0x13] =	wrdreg s0;
	s0 =	sshrl.u32 s4, $0x3  }
0x32: {  	s17 =	sadd.s32 s12, s24;
	s6 =	sshrl.u32 s5, $0x3;
	s0 =	sadd.s32 s15, s0  }
0x33: {  	s30 =	sadd.s32 $0xA000, s3;
	[dreg:$0x14] =	wrdreg s0;
	s0 =	sadd.s32 s15, s6  }
0x34: {  	s9 =	sadd.s32 s12, s30;
	[dreg:$0x15] =	wrdreg s0;
	s0 =	sadd.s32 s15, s8  }
0x35: {  	s19 =	sshrl.u32 s17, $0x3;
	[dreg:$0x16] =	wrdreg s0;
	s0 =	sshrl.u32 s9, $0x3  }
0x36: {  	s4 =	sadd.s32 s12, s22;
	s8 =	sshrl.u32 s7, $0x3;
	s0 =	sadd.s32 s15, s0  }
0x37: {  	[dreg:$0x17] =	wrdreg s0;
	s0 =	sadd.s32 s15, s11;
	s11 =	sadd.s32 $0xF800, s3  }
0x38: {  	[dreg:$0x18] =	wrdreg s0;
	s0 =	sadd.s32 s15, s14;
	s14 =	sadd.s32 $0xF000, s3  }
0x39: {  	[dreg:$0x19] =	wrdreg s0;
	s0 =	sshrl.u32 s16, $0x3;
	s10 =	sadd.s32 s12, s14  }
0x3a: {  	s16 =	sadd.s32 s12, s11;
	s0 =	sadd.s32 s15, s0;
	s13 =	sshrl.u32 s10, $0x3  }
0x3b: {  	s17 =	sshrl.u32 s16, $0x3;
	[dreg:$0x1a] =	wrdreg s0;
	s0 =	sadd.s32 s15, s19  }
0x3c: {  	[dreg:$0x1b] =	wrdreg s0;
	s0 =	sadd.s32 s15, s21;
	s21 =	sadd.s32 $0xD800, s3  }
0x3d: {  	[dreg:$0x1c] =	wrdreg s0;
	s0 =	sshrl.u32 s4, $0x3;
	s5 =	sadd.s32 s12, s21  }
0x3e: {  	s10 =	sadd.s32 $0x10000, s3;
	s0 =	sadd.s32 s15, s0;
	s6 =	sshrl.u32 s5, $0x3  }
0x3f: {  	s19 =	sadd.s32 $0xE800, s3;
	[dreg:$0x1d] =	wrdreg s0;
	s0 =	sadd.s32 s15, s6  }
0x40: {  	s9 =	sadd.s32 s12, s19;
	[dreg:$0x1e] =	wrdreg s0;
	s0 =	sadd.s32 s15, s8  }
0x41: {  	s4 =	sadd.s32 s12, s10;
	[dreg:$0x1f] =	wrdreg s0;
	s0 =	sshrl.u32 s9, $0x3  }
0x42: {  	s8 =	sadd.s32 $0x11000, s3;
	s9 =	sadd.s32 $0x10800, s3;
	s0 =	sadd.s32 s15, s0  }
0x43: {  	s7 =	sadd.s32 s12, s8;
	[smem:$0x7BF] =	sst s0;
	s0 =	sadd.s32 s15, s13  }
0x44: {  	s5 =	sadd.s32 s12, s9;
	[smem:$0x7C0] =	sst s0;
	s0 =	sadd.s32 s15, s17  }
0x45: {  	s6 =	sshrl.u32 s5, $0x3;
	[smem:$0x7C1] =	sst s0;
	s0 =	sshrl.u32 s4, $0x3  }
0x46: {  	s13 =	sshrl.u32 s7, $0x3;
	s7 =	sadd.s32 $0x11800, s3;
	s0 =	sadd.s32 s15, s0  }
0x47: {  	s16 =	sadd.s32 s12, s7;
	[smem:$0x7C2] =	sst s0;
	s0 =	sadd.s32 s15, s6  }
0x48: {  	s16 =	sshrl.u32 s16, $0x3;
	[smem:$0x7C3] =	sst s0;
	s0 =	sadd.s32 s15, s13  }
0x49: {  	s6 =	sadd.s32 $0x12800, s3;
	[smem:$0x7C4] =	sst s0;
	s0 =	sadd.s32 $0x12000, s3  }
0x4a: {  	s4 =	sadd.s32 $0x13000, s3;
	s13 =	sadd.s32 s12, s6;
	s17 =	sadd.s32 s12, s0  }
0x4b: {  	s16 =	sadd.s32 s15, s16;
	s13 =	sshrl.u32 s13, $0x3;
	s5 =	sshrl.u32 s17, $0x3  }
0x4c: {  	[smem:$0x7C5] =	sst s16;
	s17 =	sadd.s32 s15, s13;
	s5 =	sadd.s32 s15, s5  }
0x4d: {  	s13 =	sadd.s32 s12, s4;
	[smem:$0x7C6] =	sst s5;
	s5 =	sadd.s32 $0x13800, s3  }
0x4e: {  	[smem:$0x7C7] =	sst s17;
	s16 =	sshrl.u32 s13, $0x3;
	s17 =	sadd.s32 s12, s5  }
0x4f: {  	s16 =	sadd.s32 s15, s16;
	s12 =	rddreg [dreg:$0x1];
	s13 =	sshrl.u32 s17, $0x3  }
0x50: {  	[smem:$0x7C8] =	sst s16;
	s16 =	sadd.s32 s15, s13  }
0x51: {  	s3 =	sadd.s32 s3, s12;
	[smem:$0x7C9] =	sst s16  }
0x52: {  	_ =	strace $0x8000004A;
	[smem:$0x7CA] =	sst s3  }
0x53: {  	s3 =	sld [smem:$0x7CB];
	_ =	sdelay $0x2  }
0x54: {  	s3 =	sadd.s32 s3, s12  }
0x55: {  	[smem:$0x7CC] =	sst s3  }
0x56: {  	s3 =	sld [smem:$0x7CD];
	_ =	sdelay $0x2  }
0x57: {  	s3 =	sadd.s32 s3, s12  }
0x58: {  	[smem:$0x7CE] =	sst s3  }
0x59: {  	s3 =	sld [smem:$0x7CF];
	_ =	sdelay $0x2  }
0x5a: {  	s3 =	sadd.s32 s3, s12  }
0x5b: {  	[smem:$0x7D0] =	sst s3  }
0x5c: {  	s3 =	sld [smem:$0x7D1];
	_ =	sdelay $0x2  }
0x5d: {  	s3 =	sadd.s32 s3, s12  }
0x5e: {  	[smem:$0x7D2] =	sst s3  }
0x5f: {  	s3 =	sld [smem:$0x7D3];
	_ =	sdelay $0x2  }
0x60: {  	s3 =	sadd.s32 s3, s12  }
0x61: {  	[smem:$0x7D4] =	sst s3  }
0x62: {  	s3 =	sld [smem:$0x7D5];
	_ =	sdelay $0x2  }
0x63: {  	s3 =	sadd.s32 s3, s12  }
0x64: {  	[smem:$0x7D6] =	sst s3  }
0x65: {  	s3 =	sld [smem:$0x7D7];
	_ =	sdelay $0x2  }
0x66: {  	s3 =	sadd.s32 s3, s12  }
0x67: {  	[smem:$0x7D8] =	sst s3  }
0x68: {  	s3 =	sld [smem:$0x7D9];
	_ =	sdelay $0x2  }
0x69: {  	s3 =	sadd.s32 s3, s12  }
0x6a: {  	[smem:$0x7DA] =	sst s3  }
0x6b: {  	s3 =	sld [smem:$0x7DB];
	_ =	sdelay $0x2  }
0x6c: {  	s3 =	sadd.s32 s3, s12  }
0x6d: {  	[smem:$0x7DC] =	sst s3  }
0x6e: {  	s3 =	sld [smem:$0x7DD];
	_ =	sdelay $0x2  }
0x6f: {  	s3 =	sadd.s32 s3, s12  }
0x70: {  	[smem:$0x7DE] =	sst s3  }
0x71: {  	s3 =	sld [smem:$0x7DF];
	_ =	sdelay $0x2  }
0x72: {  	s3 =	sadd.s32 s3, s12  }
0x73: {  	[smem:$0x7E0] =	sst s3  }
0x74: {  	s3 =	sld [smem:$0x7E1];
	_ =	sdelay $0x1  }
0x75: {  	s28 =	sadd.s32 s28, s12  }
0x76: {  	[smem:$0x7ED] =	sst s28;
	s3 =	sadd.s32 s3, s12  }
0x77: {  	[smem:$0x7E2] =	sst s3  }
0x78: {  	s29 =	sadd.s32 s29, s12;
	s3 =	sld [smem:$0x7E3]  }
0x79: {  	s30 =	sadd.s32 s30, s12;
	[smem:$0x7EE] =	sst s29  }
0x7a: {  	s31 =	sadd.s32 s31, s12;
	[smem:$0x7EF] =	sst s30  }
0x7b: {  	[smem:$0x7F0] =	sst s31;
	s3 =	sadd.s32 s3, s12  }
0x7c: {  	[smem:$0x7E4] =	sst s3  }
0x7d: {  	s28 =	sadd.s32 s22, s12;
	s3 =	sld [smem:$0x7E5]  }
0x7e: {  	s29 =	sadd.s32 s21, s12;
	[smem:$0x7F1] =	sst s28  }
0x7f: {  	s17 =	sshrl.u32 s2, $0x3;
	s30 =	sadd.s32 s20, s12;
	[smem:$0x7F2] =	sst s29  }
0x80: {  	s26 =	sadd.s32 s26, s12;
	[smem:$0x7F3] =	sst s30;
	s3 =	sadd.s32 s3, s12  }
0x81: {  	s25 =	sadd.s32 s25, s12;
	s24 =	sadd.s32 s24, s12;
	[smem:$0x7E6] =	sst s3  }
0x82: {  	s23 =	sadd.s32 s23, s12;
	s31 =	sadd.s32 s19, s12;
	s3 =	sld [smem:$0x7E7]  }
0x83: {  	s0 =	sadd.s32 s0, s12;
	s19 =	sadd.s32 s14, s12;
	[smem:$0x7F4] =	sst s31  }
0x84: {  	s4 =	sadd.s32 s4, s12;
	s20 =	sadd.s32 s11, s12;
	[smem:$0x7F5] =	sst s19  }
0x85: {  	s5 =	sadd.s32 s5, s12;
	[smem:$0x7F6] =	sst s20;
	s3 =	sadd.s32 s3, s12  }
0x86: {  	s13 =	sadd.s32 s17, s18;
	s15 =	sadd.s32 $0x16800, s18;
	[smem:$0x7E8] =	sst s3  }
0x87: {  	s17 =	sadd.s32 $0x70200, s18;
	s21 =	sadd.s32 s10, s12;
	s3 =	sld [smem:$0x7E9]  }
0x88: {  	s16 =	sadd.s32 $0xCA00, s18;
	s22 =	sadd.s32 s9, s12;
	[smem:$0x7F7] =	sst s21  }
0x89: {  	s18 =	sadd.s32 $0x20600, s18;
	s9 =	simm.s32 $0x2800;
	[smem:$0x7F8] =	sst s22  }
0x8a: {  	s10 =	simm.s32 $0x80;
	s31 =	sld [smem:$0x7FC];
	s3 =	sadd.s32 s3, s12  }
0x8b: {  	s11 =	simm.s32 $0x2880;
	s14 =	simm.s32 $0x1;
	[smem:$0x7EA] =	sst s3  }
0x8c: {  	s28 =	sadd.s32 s8, s12;
	s29 =	sadd.s32 s7, s12;
	s3 =	sld [smem:$0x7EB]  }
0x8d: {  	s30 =	sadd.s32 $0x2C00, s13;
	s7 =	simm.s32 $0x3;
	[smem:$0x7F9] =	sst s28  }
0x8e: {  	s8 =	simm.s32 $0x2780;
	s13 =	simm.s32 $0x6880;
	[smem:$0x7FA] =	sst s29  }
0x8f: {  	s19 =	simm.s32 $0x2;
	[smem:$0x7FB] =	sst s30;
	s3 =	sadd.s32 s3, s12  }
0x90: {  	[smem:$0x7EC] =	sst s3;
	s3 =	sadd.s32 s6, s12;
	s6 =	smax.u32 s31, $0x1  }
0x91: {  	v0 =	vimm.f32 $0.0e+00;
	s20 =	simm.s32 $0x0;
	[smem:$0x7FD] =	sst s6;
	s6 =	simm.s32 $0xA880  }
.LBB2_1:
0x92: {  	s21 =	simm.s32 $0x0;
	s22 =	simm.s32 $0x200  }
.LBB2_2:
0x93: {  	p0 =	sne.s32 s22, $0x1E00;
	[tilespmem:s21+$0xA8F0] =	vst v0  }
0x94: {  	[tilespmem:s21+$0xA880] =	vst v0  }
0x95: {  	[tilespmem:s21+$0xA890] =	vst v0  }
.Ltmp0:
0x96: {  	[tilespmem:s21+$0xA8A0] =	vst v0;
	(pc) =	sbr.rel @p0 .LBB2_2-.Ltmp0, $4  }
0x97: {  	[tilespmem:s21+$0xA8B0] =	vst v0  }
0x98: {  	[tilespmem:s21+$0xA8C0] =	vst v0  }
0x99: {  	[tilespmem:s21+$0xA8D0] =	vst v0  }
0x9a: {  	[tilespmem:s21+$0xA8E0] =	vst v0;
	s21 =	sshra.s32 s22, $0x2;
	s22 =	sadd.s32 $0x200, s22  }
0x9b: {  	[tilespmem:s21+$0xA8F0] =	vst v0  }
0x9c: {  	[tilespmem:s21+$0xA880] =	vst v0  }
0x9d: {  	[tilespmem:s21+$0xA890] =	vst v0  }
0x9e: {  	[tilespmem:s21+$0xA8A0] =	vst v0  }
0x9f: {  	[tilespmem:s21+$0xA8B0] =	vst v0  }
0xa0: {  	[tilespmem:s21+$0xA8C0] =	vst v0;
	s22 =	sld [smem:$0x7CA]  }
0xa1: {  	[tilespmem:s21+$0xA8D0] =	vst v0  }
0xa2: {  	[tilespmem:s21+$0xA8E0] =	vst v0  }
0xa3: {  	[spmem:s22] =	stream.linear.scatter [tilespmem:s6], [sflag:$0x3], $0x800, $0x38;
	[tilespmem:$0x1F080] =	vst v63  }
0xa4: {  	_ =	swait.ge [sflag:s7], $0x800  }
0xa5: {  	s22 =	sld [smem:$0x7CC]  }
0xa6: {  	[sflag:s7] =	ssyncset.done $0x0  }
0xa7: {  	[sflag:s7] =	ssyncadd.s32 $0xFFFFF800  }
0xa8: {  	[spmem:s22] =	stream.linear.scatter [tilespmem:s6], [sflag:$0x3], $0x800, $0x38;
	[tilespmem:$0x1F080] =	vst v63  }
0xa9: {  	_ =	swait.ge [sflag:s7], $0x800  }
0xaa: {  	s22 =	sld [smem:$0x7CE]  }
0xab: {  	[sflag:s7] =	ssyncset.done $0x0  }
0xac: {  	[sflag:s7] =	ssyncadd.s32 $0xFFFFF800  }
0xad: {  	[spmem:s22] =	stream.linear.scatter [tilespmem:s6], [sflag:$0x3], $0x800, $0x38;
	[tilespmem:$0x1F080] =	vst v63  }
0xae: {  	_ =	swait.ge [sflag:s7], $0x800  }
0xaf: {  	s22 =	sld [smem:$0x7D0]  }
0xb0: {  	[sflag:s7] =	ssyncset.done $0x0  }
0xb1: {  	[sflag:s7] =	ssyncadd.s32 $0xFFFFF800  }
0xb2: {  	[spmem:s22] =	stream.linear.scatter [tilespmem:s6], [sflag:$0x3], $0x800, $0x38;
	[tilespmem:$0x1F080] =	vst v63  }
0xb3: {  	_ =	swait.ge [sflag:s7], $0x800  }
0xb4: {  	s22 =	sld [smem:$0x7D2]  }
0xb5: {  	[sflag:s7] =	ssyncset.done $0x0  }
0xb6: {  	[sflag:s7] =	ssyncadd.s32 $0xFFFFF800  }
0xb7: {  	[spmem:s22] =	stream.linear.scatter [tilespmem:s6], [sflag:$0x3], $0x800, $0x38;
	[tilespmem:$0x1F080] =	vst v63  }
0xb8: {  	_ =	swait.ge [sflag:s7], $0x800  }
0xb9: {  	s22 =	sld [smem:$0x7D4]  }
0xba: {  	[sflag:s7] =	ssyncset.done $0x0  }
0xbb: {  	[sflag:s7] =	ssyncadd.s32 $0xFFFFF800  }
0xbc: {  	[spmem:s22] =	stream.linear.scatter [tilespmem:s6], [sflag:$0x3], $0x800, $0x38;
	[tilespmem:$0x1F080] =	vst v63  }
0xbd: {  	_ =	swait.ge [sflag:s7], $0x800  }
0xbe: {  	s22 =	sld [smem:$0x7D6]  }
0xbf: {  	[sflag:s7] =	ssyncset.done $0x0  }
0xc0: {  	[sflag:s7] =	ssyncadd.s32 $0xFFFFF800  }
0xc1: {  	[spmem:s22] =	stream.linear.scatter [tilespmem:s6], [sflag:$0x3], $0x800, $0x38;
	[tilespmem:$0x1F080] =	vst v63  }
0xc2: {  	_ =	swait.ge [sflag:s7], $0x800  }
0xc3: {  	s22 =	sld [smem:$0x7D8]  }
0xc4: {  	[sflag:s7] =	ssyncset.done $0x0  }
0xc5: {  	[sflag:s7] =	ssyncadd.s32 $0xFFFFF800  }
0xc6: {  	[spmem:s22] =	stream.linear.scatter [tilespmem:s6], [sflag:$0x3], $0x800, $0x38;
	[tilespmem:$0x1F080] =	vst v63  }
0xc7: {  	_ =	swait.ge [sflag:s7], $0x800  }
0xc8: {  	s22 =	sld [smem:$0x7DA]  }
0xc9: {  	[sflag:s7] =	ssyncset.done $0x0  }
0xca: {  	[sflag:s7] =	ssyncadd.s32 $0xFFFFF800  }
0xcb: {  	[spmem:s22] =	stream.linear.scatter [tilespmem:s6], [sflag:$0x3], $0x800, $0x38;
	[tilespmem:$0x1F080] =	vst v63  }
0xcc: {  	_ =	swait.ge [sflag:s7], $0x800  }
0xcd: {  	s22 =	sld [smem:$0x7DC]  }
0xce: {  	[sflag:s7] =	ssyncset.done $0x0  }
0xcf: {  	[sflag:s7] =	ssyncadd.s32 $0xFFFFF800  }
0xd0: {  	[spmem:s22] =	stream.linear.scatter [tilespmem:s6], [sflag:$0x3], $0x800, $0x38;
	[tilespmem:$0x1F080] =	vst v63  }
0xd1: {  	_ =	swait.ge [sflag:s7], $0x800  }
0xd2: {  	s22 =	sld [smem:$0x7DE]  }
0xd3: {  	[sflag:s7] =	ssyncset.done $0x0  }
0xd4: {  	[sflag:s7] =	ssyncadd.s32 $0xFFFFF800  }
0xd5: {  	[spmem:s22] =	stream.linear.scatter [tilespmem:s6], [sflag:$0x3], $0x800, $0x38;
	[tilespmem:$0x1F080] =	vst v63  }
0xd6: {  	_ =	swait.ge [sflag:s7], $0x800  }
0xd7: {  	s22 =	sld [smem:$0x7E0]  }
0xd8: {  	[sflag:s7] =	ssyncset.done $0x0  }
0xd9: {  	[sflag:s7] =	ssyncadd.s32 $0xFFFFF800  }
0xda: {  	[spmem:s22] =	stream.linear.scatter [tilespmem:s6], [sflag:$0x3], $0x800, $0x38;
	[tilespmem:$0x1F080] =	vst v63  }
0xdb: {  	_ =	swait.ge [sflag:s7], $0x800  }
0xdc: {  	s22 =	sld [smem:$0x7E2]  }
0xdd: {  	[sflag:s7] =	ssyncset.done $0x0  }
0xde: {  	[sflag:s7] =	ssyncadd.s32 $0xFFFFF800  }
0xdf: {  	[spmem:s22] =	stream.linear.scatter [tilespmem:s6], [sflag:$0x3], $0x800, $0x38;
	[tilespmem:$0x1F080] =	vst v63  }
0xe0: {  	_ =	swait.ge [sflag:s7], $0x800  }
0xe1: {  	s22 =	sld [smem:$0x7E4]  }
0xe2: {  	[sflag:s7] =	ssyncset.done $0x0  }
0xe3: {  	[sflag:s7] =	ssyncadd.s32 $0xFFFFF800  }
0xe4: {  	[spmem:s22] =	stream.linear.scatter [tilespmem:s6], [sflag:$0x3], $0x800, $0x38;
	[tilespmem:$0x1F080] =	vst v63  }
0xe5: {  	_ =	swait.ge [sflag:s7], $0x800  }
0xe6: {  	s22 =	sld [smem:$0x7E6]  }
0xe7: {  	[sflag:s7] =	ssyncset.done $0x0  }
0xe8: {  	[sflag:s7] =	ssyncadd.s32 $0xFFFFF800  }
0xe9: {  	[spmem:s22] =	stream.linear.scatter [tilespmem:s6], [sflag:$0x3], $0x800, $0x38;
	[tilespmem:$0x1F080] =	vst v63  }
0xea: {  	_ =	swait.ge [sflag:s7], $0x800  }
0xeb: {  	s22 =	sld [smem:$0x7E8]  }
0xec: {  	[sflag:s7] =	ssyncset.done $0x0  }
0xed: {  	[sflag:s7] =	ssyncadd.s32 $0xFFFFF800  }
0xee: {  	[spmem:s22] =	stream.linear.scatter [tilespmem:s6], [sflag:$0x3], $0x800, $0x38;
	[tilespmem:$0x1F080] =	vst v63  }
0xef: {  	_ =	swait.ge [sflag:s7], $0x800  }
0xf0: {  	s22 =	sld [smem:$0x7EA]  }
0xf1: {  	[sflag:s7] =	ssyncset.done $0x0  }
0xf2: {  	[sflag:s7] =	ssyncadd.s32 $0xFFFFF800  }
0xf3: {  	[spmem:s22] =	stream.linear.scatter [tilespmem:s6], [sflag:$0x3], $0x800, $0x38;
	[tilespmem:$0x1F080] =	vst v63  }
0xf4: {  	_ =	swait.ge [sflag:s7], $0x800  }
0xf5: {  	s22 =	sld [smem:$0x7EC]  }
0xf6: {  	[sflag:s7] =	ssyncset.done $0x0  }
0xf7: {  	[sflag:s7] =	ssyncadd.s32 $0xFFFFF800  }
0xf8: {  	[spmem:s22] =	stream.linear.scatter [tilespmem:s6], [sflag:$0x3], $0x800, $0x38;
	[tilespmem:$0x1F080] =	vst v63  }
0xf9: {  	_ =	swait.ge [sflag:s7], $0x800  }
0xfa: {  	s22 =	sld [smem:$0x7ED]  }
0xfb: {  	[sflag:s7] =	ssyncset.done $0x0  }
0xfc: {  	[sflag:s7] =	ssyncadd.s32 $0xFFFFF800  }
0xfd: {  	[spmem:s22] =	stream.linear.scatter [tilespmem:s6], [sflag:$0x3], $0x800, $0x38;
	[tilespmem:$0x1F080] =	vst v63  }
0xfe: {  	_ =	swait.ge [sflag:s7], $0x800  }
0xff: {  	s22 =	sld [smem:$0x7EE]  }
0x100: {  	[sflag:s7] =	ssyncset.done $0x0  }
0x101: {  	[sflag:s7] =	ssyncadd.s32 $0xFFFFF800  }
0x102: {  	[spmem:s22] =	stream.linear.scatter [tilespmem:s6], [sflag:$0x3], $0x800, $0x38;
	[tilespmem:$0x1F080] =	vst v63  }
0x103: {  	_ =	swait.ge [sflag:s7], $0x800  }
0x104: {  	s22 =	sld [smem:$0x7EF]  }
0x105: {  	[sflag:s7] =	ssyncset.done $0x0  }
0x106: {  	[sflag:s7] =	ssyncadd.s32 $0xFFFFF800  }
0x107: {  	[spmem:s22] =	stream.linear.scatter [tilespmem:s6], [sflag:$0x3], $0x800, $0x38;
	[tilespmem:$0x1F080] =	vst v63  }
0x108: {  	_ =	swait.ge [sflag:s7], $0x800  }
0x109: {  	s22 =	sld [smem:$0x7F0]  }
0x10a: {  	[sflag:s7] =	ssyncset.done $0x0  }
0x10b: {  	[sflag:s7] =	ssyncadd.s32 $0xFFFFF800  }
0x10c: {  	[spmem:s22] =	stream.linear.scatter [tilespmem:s6], [sflag:$0x3], $0x800, $0x38;
	[tilespmem:$0x1F080] =	vst v63  }
0x10d: {  	_ =	swait.ge [sflag:s7], $0x800  }
0x10e: {  	[sflag:s7] =	ssyncset.done $0x0  }
0x10f: {  	[sflag:s7] =	ssyncadd.s32 $0xFFFFF800  }
0x110: {  	[spmem:s26] =	stream.linear.scatter [tilespmem:s6], [sflag:$0x3], $0x800, $0x38;
	[tilespmem:$0x1F080] =	vst v63  }
0x111: {  	_ =	swait.ge [sflag:s7], $0x800  }
0x112: {  	[sflag:s7] =	ssyncset.done $0x0  }
0x113: {  	[sflag:s7] =	ssyncadd.s32 $0xFFFFF800  }
0x114: {  	[spmem:s25] =	stream.linear.scatter [tilespmem:s6], [sflag:$0x3], $0x800, $0x38;
	[tilespmem:$0x1F080] =	vst v63  }
0x115: {  	_ =	swait.ge [sflag:s7], $0x800  }
0x116: {  	[sflag:s7] =	ssyncset.done $0x0  }
0x117: {  	[sflag:s7] =	ssyncadd.s32 $0xFFFFF800  }
0x118: {  	[spmem:s24] =	stream.linear.scatter [tilespmem:s6], [sflag:$0x3], $0x800, $0x38;
	[tilespmem:$0x1F080] =	vst v63  }
0x119: {  	_ =	swait.ge [sflag:s7], $0x800  }
0x11a: {  	[sflag:s7] =	ssyncset.done $0x0  }
0x11b: {  	[sflag:s7] =	ssyncadd.s32 $0xFFFFF800  }
0x11c: {  	[spmem:s23] =	stream.linear.scatter [tilespmem:s6], [sflag:$0x3], $0x800, $0x38;
	[tilespmem:$0x1F080] =	vst v63  }
0x11d: {  	_ =	swait.ge [sflag:s7], $0x800  }
0x11e: {  	s22 =	sld [smem:$0x7F1]  }
0x11f: {  	[sflag:s7] =	ssyncset.done $0x0  }
0x120: {  	[sflag:s7] =	ssyncadd.s32 $0xFFFFF800  }
0x121: {  	[spmem:s22] =	stream.linear.scatter [tilespmem:s6], [sflag:$0x3], $0x800, $0x38;
	[tilespmem:$0x1F080] =	vst v63  }
0x122: {  	_ =	swait.ge [sflag:s7], $0x800  }
0x123: {  	s31 =	smov.u32 s23;
	s23 =	sld [smem:$0x7F2]  }
0x124: {  	[sflag:s7] =	ssyncset.done $0x0  }
0x125: {  	[sflag:s7] =	ssyncadd.s32 $0xFFFFF800  }
0x126: {  	[spmem:s23] =	stream.linear.scatter [tilespmem:s6], [sflag:$0x3], $0x800, $0x38;
	[tilespmem:$0x1F080] =	vst v63  }
0x127: {  	_ =	swait.ge [sflag:s7], $0x800  }
0x128: {  	s30 =	smov.u32 s24;
	s24 =	sld [smem:$0x7F3]  }
0x129: {  	[sflag:s7] =	ssyncset.done $0x0  }
0x12a: {  	[sflag:s7] =	ssyncadd.s32 $0xFFFFF800  }
0x12b: {  	[spmem:s24] =	stream.linear.scatter [tilespmem:s6], [sflag:$0x3], $0x800, $0x38;
	[tilespmem:$0x1F080] =	vst v63  }
0x12c: {  	_ =	swait.ge [sflag:s7], $0x800  }
0x12d: {  	s29 =	smov.u32 s25;
	s25 =	sld [smem:$0x7F4]  }
0x12e: {  	[sflag:s7] =	ssyncset.done $0x0  }
0x12f: {  	[sflag:s7] =	ssyncadd.s32 $0xFFFFF800  }
0x130: {  	[spmem:s25] =	stream.linear.scatter [tilespmem:s6], [sflag:$0x3], $0x800, $0x38;
	[tilespmem:$0x1F080] =	vst v63  }
0x131: {  	_ =	swait.ge [sflag:s7], $0x800  }
0x132: {  	s28 =	smov.u32 s26;
	s26 =	sld [smem:$0x7F5]  }
0x133: {  	[sflag:s7] =	ssyncset.done $0x0  }
0x134: {  	[sflag:s7] =	ssyncadd.s32 $0xFFFFF800  }
0x135: {  	[spmem:s26] =	stream.linear.scatter [tilespmem:s6], [sflag:$0x3], $0x800, $0x38;
	[tilespmem:$0x1F080] =	vst v63  }
0x136: {  	_ =	swait.ge [sflag:s7], $0x800  }
0x137: {  	s22 =	sld [smem:$0x7F6]  }
0x138: {  	[sflag:s7] =	ssyncset.done $0x0  }
0x139: {  	[sflag:s7] =	ssyncadd.s32 $0xFFFFF800  }
0x13a: {  	[spmem:s22] =	stream.linear.scatter [tilespmem:s6], [sflag:$0x3], $0x800, $0x38;
	[tilespmem:$0x1F080] =	vst v63  }
0x13b: {  	_ =	swait.ge [sflag:s7], $0x800  }
0x13c: {  	s23 =	sld [smem:$0x7F7]  }
0x13d: {  	[sflag:s7] =	ssyncset.done $0x0  }
0x13e: {  	[sflag:s7] =	ssyncadd.s32 $0xFFFFF800  }
0x13f: {  	[spmem:s23] =	stream.linear.scatter [tilespmem:s6], [sflag:$0x3], $0x800, $0x38;
	[tilespmem:$0x1F080] =	vst v63  }
0x140: {  	_ =	swait.ge [sflag:s7], $0x800  }
0x141: {  	s24 =	sld [smem:$0x7F8]  }
0x142: {  	[sflag:s7] =	ssyncset.done $0x0  }
0x143: {  	[sflag:s7] =	ssyncadd.s32 $0xFFFFF800  }
0x144: {  	[spmem:s24] =	stream.linear.scatter [tilespmem:s6], [sflag:$0x3], $0x800, $0x38;
	[tilespmem:$0x1F080] =	vst v63  }
0x145: {  	_ =	swait.ge [sflag:s7], $0x800  }
0x146: {  	s25 =	sld [smem:$0x7F9]  }
0x147: {  	[sflag:s7] =	ssyncset.done $0x0  }
0x148: {  	[sflag:s7] =	ssyncadd.s32 $0xFFFFF800  }
0x149: {  	[spmem:s25] =	stream.linear.scatter [tilespmem:s6], [sflag:$0x3], $0x800, $0x38;
	[tilespmem:$0x1F080] =	vst v63  }
0x14a: {  	_ =	swait.ge [sflag:s7], $0x800  }
0x14b: {  	s26 =	sld [smem:$0x7FA]  }
0x14c: {  	[sflag:s7] =	ssyncset.done $0x0  }
0x14d: {  	[sflag:s7] =	ssyncadd.s32 $0xFFFFF800  }
0x14e: {  	[spmem:s26] =	stream.linear.scatter [tilespmem:s6], [sflag:$0x3], $0x800, $0x38;
	[tilespmem:$0x1F080] =	vst v63  }
0x14f: {  	_ =	swait.ge [sflag:s7], $0x800  }
0x150: {  	[sflag:s7] =	ssyncset.done $0x0  }
0x151: {  	[sflag:s7] =	ssyncadd.s32 $0xFFFFF800  }
0x152: {  	[spmem:s0] =	stream.linear.scatter [tilespmem:s6], [sflag:$0x3], $0x800, $0x38;
	[tilespmem:$0x1F080] =	vst v63  }
0x153: {  	_ =	swait.ge [sflag:s7], $0x800  }
0x154: {  	[sflag:s7] =	ssyncset.done $0x0  }
0x155: {  	[sflag:s7] =	ssyncadd.s32 $0xFFFFF800  }
0x156: {  	[spmem:s3] =	stream.linear.scatter [tilespmem:s6], [sflag:$0x3], $0x800, $0x38;
	[tilespmem:$0x1F080] =	vst v63  }
0x157: {  	_ =	swait.ge [sflag:s7], $0x800  }
0x158: {  	[sflag:s7] =	ssyncset.done $0x0  }
0x159: {  	[sflag:s7] =	ssyncadd.s32 $0xFFFFF800  }
0x15a: {  	[spmem:s4] =	stream.linear.scatter [tilespmem:s6], [sflag:$0x3], $0x800, $0x38;
	[tilespmem:$0x1F080] =	vst v63  }
0x15b: {  	_ =	swait.ge [sflag:s7], $0x800  }
0x15c: {  	[sflag:s7] =	ssyncset.done $0x0  }
0x15d: {  	[sflag:s7] =	ssyncadd.s32 $0xFFFFF800  }
0x15e: {  	[spmem:s5] =	stream.linear.scatter [tilespmem:s6], [sflag:$0x3], $0x800, $0x38;
	[tilespmem:$0x1F080] =	vst v63  }
0x15f: {  	_ =	swait.ge [sflag:s7], $0x800  }
0x160: {  	[sflag:s7] =	ssyncset.done $0x0  }
0x161: {  	[sflag:s7] =	ssyncadd.s32 $0xFFFFF800  }
0x162: {  	[bflag:$0x0] =	sbarrier.arrive $0xFFFF  }
0x163: {  	s22 =	sld [smem:$0x7FB];
	_ =	sdelay $0x1  }
0x164: {  	s21 =	simm.s32 $0x0  }
0x165: {  	[tilespmem:s21], [sflag:$0x3] =	stream.linear.gather [hbm4b:s22+s21], $0x2780, $0x38;
	[tilespmem:$0x1F080] =	vst v63  }
0x166: {  	_ =	swait.ge [sflag:s7], $0x2780  }
0x167: {  	[sflag:s7] =	ssyncset.done $0x0  }
0x168: {  	s22 =	simm.s32 $0x0;
	[sflag:s7] =	ssyncadd.s32 $0xFFFFD880  }
.LBB2_4:
0x169: {  	s23 =	sshll.u32 s22, $0x7  }
0x16a: {  	s24 =	sadd.s32 s2, s23  }
0x16b: {  	s24 =	sshrl.u32 s24, $0x3  }
0x16c: {  	s25 =	sadd.s32 s15, s24  }
0x16d: {  	[tilespmem:s8], [sflag:$0x3] =	stream.linear.gather [hbm4b:s25+s21], $0x80, $0x38;
	[tilespmem:$0x1F080] =	vst v63  }
0x16e: {  	_ =	swait.ge [sflag:s7], $0x80  }
0x16f: {  	[sflag:s7] =	ssyncset.done $0x0  }
0x170: {  	s24 =	sadd.s32 s16, s24;
	[sflag:s7] =	ssyncadd.s32 $0xFFFFFF80  }
0x171: {  	[tilespmem:s9], [sflag:$0x3] =	stream.linear.gather [hbm4b:s24+s21], $0x80, $0x38;
	[tilespmem:$0x1F080] =	vst v63  }
0x172: {  	_ =	swait.ge [sflag:s7], $0x80  }
0x173: {  	[sflag:s7] =	ssyncset.done $0x0  }
0x174: {  	[sflag:s7] =	ssyncadd.s32 $0xFFFFFF80  }
0x175: {  	[tilespmem:s11], [sflag:$0x1] =	stream.indirect.gather [hbm4b:s17+s10], $0x80, s8, s10, $0xb8;
	[tilespmem:$0x1F080] =	vst v63  }
0x176: {  	_ = 	snop  }
0x177: {  	[tilespmem:s13], [sflag:$0x2] =	stream.indirect.gather [hbm4b:s18+s10], $0x80, s9, s10, $0xb8;
	[tilespmem:$0x1F080] =	vst v63  }
0x178: {  	_ =	swait.ge [sflag:s14], $0x4000  }
0x179: {  	[sflag:s14] =	ssyncset.done $0x0  }
0x17a: {  	[sflag:s14] =	ssyncadd.s32 $0xFFFFC000  }
0x17b: {  	_ =	swait.ge [sflag:s19], $0x4000  }
0x17c: {  	[sflag:s19] =	ssyncset.done $0x0  }
0x17d: {  	s24 =	simm.s32 $0x0;
	[sflag:s19] =	ssyncadd.s32 $0xFFFFC000  }
0x17e: {  	v1 =	vld [tilespmem:s24+$0x6890]  }
0x17f: {  	v8 =	vld [tilespmem:s24+$0x68A0]  }
0x180: {  	v7 =	vld [tilespmem:s24+$0x68F0]  }
0x181: {  	v11 =	vld [tilespmem:s24+$0x68E0]  }
0x182: {  	v4 =	vld [tilespmem:s24+$0x28E0]  }
0x183: {  	v15 =	vld [tilespmem:s24+$0x28F0]  }
0x184: {  	v2 =	vld [tilespmem:s24+$0x68C0]  }
0x185: {  	v14 =	vld [tilespmem:s24+$0x28B0]  }
0x186: {  	v13 =	vld [tilespmem:s24+$0x28A0]  }
0x187: {  	v16 =	vld [tilespmem:s24+$0x68B0]  }
0x188: {  	v5 =	vld [tilespmem:s24+$0x2890]  }
0x189: {  	v6 =	vld [tilespmem:s24+$0x28C0];
	v3 =	vmul.f32 v11, v4;
	v9 =	vmul.f32 v8, v4  }
0x18a: {  	v4 =	vld [tilespmem:s24+$0x68D0];
	v10 =	vmul.f32 v7, v15;
	v12 =	vmul.f32 v7, v14  }
0x18b: {  	v7 =	vld [tilespmem:s24+$0x6880];
	v8 =	vmul.f32 v8, v13;
	v13 =	vmul.f32 v11, v13  }
0x18c: {  	s25 =	simm.s32 $0x200;
	v11 =	vld [tilespmem:s24+$0x2880];
	v14 =	vmul.f32 v16, v14;
	v15 =	vmul.f32 v16, v15  }
.LBB2_5:
0x18d: {  	s26 =	sshra.s32 s25, $0x2;
	p0 =	sne.s32 s25, $0xFE00;
	s25 =	sadd.s32 $0x200, s25;
	v16 =	vld [tilespmem:s24+$0x28D0]  }
0x18e: {  	v17 =	vld [tilespmem:s26+$0x6890];
	v12 =	vadd.f32 v12, v15  }
0x18f: {  	v9 =	vadd.f32 v13, v9;
	v19 =	vmul.f32 v4, v5;
	v15 =	vld [tilespmem:s26+$0x68A0];
	v18 =	vmul.f32 v2, v6  }
0x190: {  	v5 =	vmul.f32 v1, v5;
	v10 =	vsub.f32 v14, v10;
	v13 =	vld [tilespmem:s26+$0x68F0];
	[tilespmem:s24+$0x28F0] =	vst v12  }
0x191: {  	v6 =	vmul.f32 v7, v6;
	v14 =	vld [tilespmem:s26+$0x68E0];
	v2 =	vmul.f32 v2, v11;
	[tilespmem:s24+$0x28E0] =	vst v9  }
0x192: {  	v7 =	vmul.f32 v7, v11;
	v9 =	vld [tilespmem:s26+$0x28E0];
	v4 =	vmul.f32 v4, v16;
	[tilespmem:s24+$0x28B0] =	vst v10  }
0x193: {  	v3 =	vsub.f32 v8, v3;
	v10 =	vmul.f32 v1, v16;
	v20 =	vld [tilespmem:s26+$0x28F0];
	v6 =	vadd.f32 v2, v6;
	v1 =	vmovc v17  }
0x194: {  	v7 =	vsub.f32 v7, v18;
	v2 =	vld [tilespmem:s26+$0x68C0];
	v4 =	vsub.f32 v5, v4  }
0x195: {  	v8 =	vadd.f32 v19, v10;
	v16 =	vld [tilespmem:s26+$0x28B0];
	[tilespmem:s24+$0x28A0] =	vst v3  }
0x196: {  	v11 =	vld [tilespmem:s26+$0x28A0];
	[tilespmem:s24+$0x2880] =	vst v7  }
0x197: {  	v3 =	vmul.f32 v14, v9;
	v9 =	vmul.f32 v15, v9;
	v17 =	vld [tilespmem:s26+$0x68B0];
	[tilespmem:s24+$0x2890] =	vst v4  }
.Ltmp1:
0x198: {  	v5 =	vld [tilespmem:s26+$0x2890];
	v10 =	vmul.f32 v13, v20;
	[tilespmem:s24+$0x28D0] =	vst v8;
	(pc) =	sbr.rel @p0 .LBB2_5-.Ltmp1, $4  }
0x199: {  	v4 =	vld [tilespmem:s26+$0x68D0];
	[tilespmem:s24+$0x28C0] =	vst v6;
	s24 =	smov.u32 s26  }
0x19a: {  	v6 =	vld [tilespmem:s24+$0x28C0];
	v12 =	vmul.f32 v13, v16  }
0x19b: {  	v7 =	vld [tilespmem:s24+$0x6880];
	v8 =	vmul.f32 v15, v11;
	v13 =	vmul.f32 v14, v11  }
0x19c: {  	v11 =	vld [tilespmem:s24+$0x2880];
	v14 =	vmul.f32 v17, v16;
	v15 =	vmul.f32 v17, v20  }
0x19d: {  	_ = 	snop  }
0x19e: {  	v16 =	vld [tilespmem:s24+$0x28D0]  }
0x19f: {  	v9 =	vadd.f32 v13, v9  }
0x1a0: {  	v3 =	vsub.f32 v8, v3  }
0x1a1: {  	v12 =	vadd.f32 v12, v15;
	v56 =	vmul.f32 v2, v6;
	[tilespmem:s24+$0x28E0] =	vst v9;
	v57 =	vmul.f32 v7, v11  }
0x1a2: {  	v10 =	vsub.f32 v14, v10;
	[tilespmem:s24+$0x28A0] =	vst v3;
	v62 =	vmul.f32 v7, v6;
	v2 =	vmul.f32 v2, v11  }
0x1a3: {  	v58 =	vmul.f32 v1, v5;
	[tilespmem:s24+$0x28F0] =	vst v12;
	v59 =	vmul.f32 v4, v16;
	v61 =	vsub.f32 v57, v56  }
0x1a4: {  	v60 =	vmul.f32 v4, v5;
	[tilespmem:s24+$0x28B0] =	vst v10;
	v1 =	vmul.f32 v1, v16;
	v2 =	vadd.f32 v2, v62  }
0x1a5: {  	v63 =	vsub.f32 v58, v59;
	[tilespmem:s24+$0x2880] =	vst v61  }
0x1a6: {  	s22 =	sadd.s32 $0x1, s22;
	v1 =	vadd.f32 v60, v1;
	[tilespmem:s24+$0x28C0] =	vst v2  }
0x1a7: {  	p0 =	sne.s32 s22, $0x4F;
	[tilespmem:s24+$0x2890] =	vst v63  }
.Ltmp2:
0x1a8: {  	[tilespmem:s24+$0x28D0] =	vst v1;
	(pc) =	sbr.rel @p0 .LBB2_4-.Ltmp2, $4  }
0x1a9: {  	[spmem:s12] =	stream.indirect.scatter.add.f32 [tilespmem:s11], [sflag:$0x3], $0x80, s23, s10, $0xb8;
	[tilespmem:$0x1F080] =	vst v63  }
0x1aa: {  	_ =	swait.ge [sflag:s7], $0x4000  }
0x1ab: {  	[sflag:s7] =	ssyncset.done $0x0  }
0x1ac: {  	[sflag:s7] =	ssyncadd.s32 $0xFFFFC000  }
0x1ad: {  	[bflag:$0x0] =	sbarrier.arrive $0xFFFF  }
0x1ae: {  	s21 =	sld [smem:$0x7CA];
	_ =	sdelay $0x2  }
0x1af: {  	[tilespmem:s6], [sflag:$0x3] =	stream.linear.gather [spmem:s21], $0x800, $0x38;
	[tilespmem:$0x1F080] =	vst v63  }
0x1b0: {  	_ =	swait.ge [sflag:s7], $0x800  }
0x1b1: {  	[sflag:s7] =	ssyncset.done $0x0  }
0x1b2: {  	s24 =	rddreg [dreg:$0x3];
	[sflag:s7] =	ssyncadd.s32 $0xFFFFF800  }
0x1b3: {  	[hbm4b:s24+s1] =	stream.linear.scatter [tilespmem:s6], [sflag:$0x3], $0x800, $0x38;
	[tilespmem:$0x1F080] =	vst v63  }
0x1b4: {  	_ =	swait.ge [sflag:s7], $0x800  }
0x1b5: {  	s25 =	sld [smem:$0x7CC]  }
0x1b6: {  	[sflag:s7] =	ssyncset.done $0x0  }
0x1b7: {  	[sflag:s7] =	ssyncadd.s32 $0xFFFFF800  }
0x1b8: {  	[tilespmem:s6], [sflag:$0x3] =	stream.linear.gather [spmem:s25], $0x800, $0x38;
	[tilespmem:$0x1F080] =	vst v63  }
0x1b9: {  	_ =	swait.ge [sflag:s7], $0x800  }
0x1ba: {  	[sflag:s7] =	ssyncset.done $0x0  }
0x1bb: {  	s26 =	rddreg [dreg:$0x4];
	[sflag:s7] =	ssyncadd.s32 $0xFFFFF800  }
0x1bc: {  	[hbm4b:s26+s1] =	stream.linear.scatter [tilespmem:s6], [sflag:$0x3], $0x800, $0x38;
	[tilespmem:$0x1F080] =	vst v63  }
0x1bd: {  	_ =	swait.ge [sflag:s7], $0x800  }
0x1be: {  	s22 =	sld [smem:$0x7CE]  }
0x1bf: {  	[sflag:s7] =	ssyncset.done $0x0  }
0x1c0: {  	[sflag:s7] =	ssyncadd.s32 $0xFFFFF800  }
0x1c1: {  	[tilespmem:s6], [sflag:$0x3] =	stream.linear.gather [spmem:s22], $0x800, $0x38;
	[tilespmem:$0x1F080] =	vst v63  }
0x1c2: {  	_ =	swait.ge [sflag:s7], $0x800  }
0x1c3: {  	[sflag:s7] =	ssyncset.done $0x0  }
0x1c4: {  	s23 =	rddreg [dreg:$0x5];
	[sflag:s7] =	ssyncadd.s32 $0xFFFFF800  }
0x1c5: {  	[hbm4b:s23+s1] =	stream.linear.scatter [tilespmem:s6], [sflag:$0x3], $0x800, $0x38;
	[tilespmem:$0x1F080] =	vst v63  }
0x1c6: {  	_ =	swait.ge [sflag:s7], $0x800  }
0x1c7: {  	s24 =	sld [smem:$0x7D0]  }
0x1c8: {  	[sflag:s7] =	ssyncset.done $0x0  }
0x1c9: {  	[sflag:s7] =	ssyncadd.s32 $0xFFFFF800  }
0x1ca: {  	[tilespmem:s6], [sflag:$0x3] =	stream.linear.gather [spmem:s24], $0x800, $0x38;
	[tilespmem:$0x1F080] =	vst v63  }
0x1cb: {  	_ =	swait.ge [sflag:s7], $0x800  }
0x1cc: {  	[sflag:s7] =	ssyncset.done $0x0  }
0x1cd: {  	s25 =	rddreg [dreg:$0x6];
	[sflag:s7] =	ssyncadd.s32 $0xFFFFF800  }
0x1ce: {  	[hbm4b:s25+s1] =	stream.linear.scatter [tilespmem:s6], [sflag:$0x3], $0x800, $0x38;
	[tilespmem:$0x1F080] =	vst v63  }
0x1cf: {  	_ =	swait.ge [sflag:s7], $0x800  }
0x1d0: {  	s26 =	sld [smem:$0x7D2]  }
0x1d1: {  	[sflag:s7] =	ssyncset.done $0x0  }
0x1d2: {  	[sflag:s7] =	ssyncadd.s32 $0xFFFFF800  }
0x1d3: {  	[tilespmem:s6], [sflag:$0x3] =	stream.linear.gather [spmem:s26], $0x800, $0x38;
	[tilespmem:$0x1F080] =	vst v63  }
0x1d4: {  	_ =	swait.ge [sflag:s7], $0x800  }
0x1d5: {  	[sflag:s7] =	ssyncset.done $0x0  }
0x1d6: {  	s22 =	rddreg [dreg:$0x7];
	[sflag:s7] =	ssyncadd.s32 $0xFFFFF800  }
0x1d7: {  	[hbm4b:s22+s1] =	stream.linear.scatter [tilespmem:s6], [sflag:$0x3], $0x800, $0x38;
	[tilespmem:$0x1F080] =	vst v63  }
0x1d8: {  	_ =	swait.ge [sflag:s7], $0x800  }
0x1d9: {  	s23 =	sld [smem:$0x7D4]  }
0x1da: {  	[sflag:s7] =	ssyncset.done $0x0  }
0x1db: {  	[sflag:s7] =	ssyncadd.s32 $0xFFFFF800  }
0x1dc: {  	[tilespmem:s6], [sflag:$0x3] =	stream.linear.gather [spmem:s23], $0x800, $0x38;
	[tilespmem:$0x1F080] =	vst v63  }
0x1dd: {  	_ =	swait.ge [sflag:s7], $0x800  }
0x1de: {  	[sflag:s7] =	ssyncset.done $0x0  }
0x1df: {  	s24 =	rddreg [dreg:$0x8];
	[sflag:s7] =	ssyncadd.s32 $0xFFFFF800  }
0x1e0: {  	[hbm4b:s24+s1] =	stream.linear.scatter [tilespmem:s6], [sflag:$0x3], $0x800, $0x38;
	[tilespmem:$0x1F080] =	vst v63  }
0x1e1: {  	_ =	swait.ge [sflag:s7], $0x800  }
0x1e2: {  	s25 =	sld [smem:$0x7D6]  }
0x1e3: {  	[sflag:s7] =	ssyncset.done $0x0  }
0x1e4: {  	[sflag:s7] =	ssyncadd.s32 $0xFFFFF800  }
0x1e5: {  	[tilespmem:s6], [sflag:$0x3] =	stream.linear.gather [spmem:s25], $0x800, $0x38;
	[tilespmem:$0x1F080] =	vst v63  }
0x1e6: {  	_ =	swait.ge [sflag:s7], $0x800  }
0x1e7: {  	[sflag:s7] =	ssyncset.done $0x0  }
0x1e8: {  	s26 =	rddreg [dreg:$0x9];
	[sflag:s7] =	ssyncadd.s32 $0xFFFFF800  }
0x1e9: {  	[hbm4b:s26+s1] =	stream.linear.scatter [tilespmem:s6], [sflag:$0x3], $0x800, $0x38;
	[tilespmem:$0x1F080] =	vst v63  }
0x1ea: {  	_ =	swait.ge [sflag:s7], $0x800  }
0x1eb: {  	s22 =	sld [smem:$0x7D8]  }
0x1ec: {  	[sflag:s7] =	ssyncset.done $0x0  }
0x1ed: {  	[sflag:s7] =	ssyncadd.s32 $0xFFFFF800  }
0x1ee: {  	[tilespmem:s6], [sflag:$0x3] =	stream.linear.gather [spmem:s22], $0x800, $0x38;
	[tilespmem:$0x1F080] =	vst v63  }
0x1ef: {  	_ =	swait.ge [sflag:s7], $0x800  }
0x1f0: {  	[sflag:s7] =	ssyncset.done $0x0  }
0x1f1: {  	s23 =	rddreg [dreg:$0xa];
	[sflag:s7] =	ssyncadd.s32 $0xFFFFF800  }
0x1f2: {  	[hbm4b:s23+s1] =	stream.linear.scatter [tilespmem:s6], [sflag:$0x3], $0x800, $0x38;
	[tilespmem:$0x1F080] =	vst v63  }
0x1f3: {  	_ =	swait.ge [sflag:s7], $0x800  }
0x1f4: {  	s24 =	sld [smem:$0x7DA]  }
0x1f5: {  	[sflag:s7] =	ssyncset.done $0x0  }
0x1f6: {  	[sflag:s7] =	ssyncadd.s32 $0xFFFFF800  }
0x1f7: {  	[tilespmem:s6], [sflag:$0x3] =	stream.linear.gather [spmem:s24], $0x800, $0x38;
	[tilespmem:$0x1F080] =	vst v63  }
0x1f8: {  	_ =	swait.ge [sflag:s7], $0x800  }
0x1f9: {  	[sflag:s7] =	ssyncset.done $0x0  }
0x1fa: {  	s25 =	rddreg [dreg:$0xb];
	[sflag:s7] =	ssyncadd.s32 $0xFFFFF800  }
0x1fb: {  	[hbm4b:s25+s1] =	stream.linear.scatter [tilespmem:s6], [sflag:$0x3], $0x800, $0x38;
	[tilespmem:$0x1F080] =	vst v63  }
0x1fc: {  	_ =	swait.ge [sflag:s7], $0x800  }
0x1fd: {  	s26 =	sld [smem:$0x7DC]  }
0x1fe: {  	[sflag:s7] =	ssyncset.done $0x0  }
0x1ff: {  	[sflag:s7] =	ssyncadd.s32 $0xFFFFF800  }
0x200: {  	[tilespmem:s6], [sflag:$0x3] =	stream.linear.gather [spmem:s26], $0x800, $0x38;
	[tilespmem:$0x1F080] =	vst v63  }
0x201: {  	_ =	swait.ge [sflag:s7], $0x800  }
0x202: {  	[sflag:s7] =	ssyncset.done $0x0  }
0x203: {  	s22 =	rddreg [dreg:$0xc];
	[sflag:s7] =	ssyncadd.s32 $0xFFFFF800  }
0x204: {  	[hbm4b:s22+s1] =	stream.linear.scatter [tilespmem:s6], [sflag:$0x3], $0x800, $0x38;
	[tilespmem:$0x1F080] =	vst v63  }
0x205: {  	_ =	swait.ge [sflag:s7], $0x800  }
0x206: {  	s23 =	sld [smem:$0x7DE]  }
0x207: {  	[sflag:s7] =	ssyncset.done $0x0  }
0x208: {  	[sflag:s7] =	ssyncadd.s32 $0xFFFFF800  }
0x209: {  	[tilespmem:s6], [sflag:$0x3] =	stream.linear.gather [spmem:s23], $0x800, $0x38;
	[tilespmem:$0x1F080] =	vst v63  }
0x20a: {  	_ =	swait.ge [sflag:s7], $0x800  }
0x20b: {  	[sflag:s7] =	ssyncset.done $0x0  }
0x20c: {  	s24 =	rddreg [dreg:$0xd];
	[sflag:s7] =	ssyncadd.s32 $0xFFFFF800  }
0x20d: {  	[hbm4b:s24+s1] =	stream.linear.scatter [tilespmem:s6], [sflag:$0x3], $0x800, $0x38;
	[tilespmem:$0x1F080] =	vst v63  }
0x20e: {  	_ =	swait.ge [sflag:s7], $0x800  }
0x20f: {  	s25 =	sld [smem:$0x7E0]  }
0x210: {  	[sflag:s7] =	ssyncset.done $0x0  }
0x211: {  	[sflag:s7] =	ssyncadd.s32 $0xFFFFF800  }
0x212: {  	[tilespmem:s6], [sflag:$0x3] =	stream.linear.gather [spmem:s25], $0x800, $0x38;
	[tilespmem:$0x1F080] =	vst v63  }
0x213: {  	_ =	swait.ge [sflag:s7], $0x800  }
0x214: {  	[sflag:s7] =	ssyncset.done $0x0  }
0x215: {  	s26 =	rddreg [dreg:$0xe];
	[sflag:s7] =	ssyncadd.s32 $0xFFFFF800  }
0x216: {  	[hbm4b:s26+s1] =	stream.linear.scatter [tilespmem:s6], [sflag:$0x3], $0x800, $0x38;
	[tilespmem:$0x1F080] =	vst v63  }
0x217: {  	_ =	swait.ge [sflag:s7], $0x800  }
0x218: {  	s22 =	sld [smem:$0x7E2]  }
0x219: {  	[sflag:s7] =	ssyncset.done $0x0  }
0x21a: {  	[sflag:s7] =	ssyncadd.s32 $0xFFFFF800  }
0x21b: {  	[tilespmem:s6], [sflag:$0x3] =	stream.linear.gather [spmem:s22], $0x800, $0x38;
	[tilespmem:$0x1F080] =	vst v63  }
0x21c: {  	_ =	swait.ge [sflag:s7], $0x800  }
0x21d: {  	[sflag:s7] =	ssyncset.done $0x0  }
0x21e: {  	s23 =	rddreg [dreg:$0xf];
	[sflag:s7] =	ssyncadd.s32 $0xFFFFF800  }
0x21f: {  	[hbm4b:s23+s1] =	stream.linear.scatter [tilespmem:s6], [sflag:$0x3], $0x800, $0x38;
	[tilespmem:$0x1F080] =	vst v63  }
0x220: {  	_ =	swait.ge [sflag:s7], $0x800  }
0x221: {  	s24 =	sld [smem:$0x7E4]  }
0x222: {  	[sflag:s7] =	ssyncset.done $0x0  }
0x223: {  	[sflag:s7] =	ssyncadd.s32 $0xFFFFF800  }
0x224: {  	[tilespmem:s6], [sflag:$0x3] =	stream.linear.gather [spmem:s24], $0x800, $0x38;
	[tilespmem:$0x1F080] =	vst v63  }
0x225: {  	_ =	swait.ge [sflag:s7], $0x800  }
0x226: {  	[sflag:s7] =	ssyncset.done $0x0  }
0x227: {  	s25 =	rddreg [dreg:$0x10];
	[sflag:s7] =	ssyncadd.s32 $0xFFFFF800  }
0x228: {  	[hbm4b:s25+s1] =	stream.linear.scatter [tilespmem:s6], [sflag:$0x3], $0x800, $0x38;
	[tilespmem:$0x1F080] =	vst v63  }
0x229: {  	_ =	swait.ge [sflag:s7], $0x800  }
0x22a: {  	s26 =	sld [smem:$0x7E6]  }
0x22b: {  	[sflag:s7] =	ssyncset.done $0x0  }
0x22c: {  	[sflag:s7] =	ssyncadd.s32 $0xFFFFF800  }
0x22d: {  	[tilespmem:s6], [sflag:$0x3] =	stream.linear.gather [spmem:s26], $0x800, $0x38;
	[tilespmem:$0x1F080] =	vst v63  }
0x22e: {  	_ =	swait.ge [sflag:s7], $0x800  }
0x22f: {  	[sflag:s7] =	ssyncset.done $0x0  }
0x230: {  	s22 =	rddreg [dreg:$0x11];
	[sflag:s7] =	ssyncadd.s32 $0xFFFFF800  }
0x231: {  	[hbm4b:s22+s1] =	stream.linear.scatter [tilespmem:s6], [sflag:$0x3], $0x800, $0x38;
	[tilespmem:$0x1F080] =	vst v63  }
0x232: {  	_ =	swait.ge [sflag:s7], $0x800  }
0x233: {  	s23 =	sld [smem:$0x7E8]  }
0x234: {  	[sflag:s7] =	ssyncset.done $0x0  }
0x235: {  	[sflag:s7] =	ssyncadd.s32 $0xFFFFF800  }
0x236: {  	[tilespmem:s6], [sflag:$0x3] =	stream.linear.gather [spmem:s23], $0x800, $0x38;
	[tilespmem:$0x1F080] =	vst v63  }
0x237: {  	_ =	swait.ge [sflag:s7], $0x800  }
0x238: {  	[sflag:s7] =	ssyncset.done $0x0  }
0x239: {  	s24 =	rddreg [dreg:$0x12];
	[sflag:s7] =	ssyncadd.s32 $0xFFFFF800  }
0x23a: {  	[hbm4b:s24+s1] =	stream.linear.scatter [tilespmem:s6], [sflag:$0x3], $0x800, $0x38;
	[tilespmem:$0x1F080] =	vst v63  }
0x23b: {  	_ =	swait.ge [sflag:s7], $0x800  }
0x23c: {  	s25 =	sld [smem:$0x7EA]  }
0x23d: {  	[sflag:s7] =	ssyncset.done $0x0  }
0x23e: {  	[sflag:s7] =	ssyncadd.s32 $0xFFFFF800  }
0x23f: {  	[tilespmem:s6], [sflag:$0x3] =	stream.linear.gather [spmem:s25], $0x800, $0x38;
	[tilespmem:$0x1F080] =	vst v63  }
0x240: {  	_ =	swait.ge [sflag:s7], $0x800  }
0x241: {  	[sflag:s7] =	ssyncset.done $0x0  }
0x242: {  	s26 =	rddreg [dreg:$0x13];
	[sflag:s7] =	ssyncadd.s32 $0xFFFFF800  }
0x243: {  	[hbm4b:s26+s1] =	stream.linear.scatter [tilespmem:s6], [sflag:$0x3], $0x800, $0x38;
	[tilespmem:$0x1F080] =	vst v63  }
0x244: {  	_ =	swait.ge [sflag:s7], $0x800  }
0x245: {  	s22 =	sld [smem:$0x7EC]  }
0x246: {  	[sflag:s7] =	ssyncset.done $0x0  }
0x247: {  	[sflag:s7] =	ssyncadd.s32 $0xFFFFF800  }
0x248: {  	[tilespmem:s6], [sflag:$0x3] =	stream.linear.gather [spmem:s22], $0x800, $0x38;
	[tilespmem:$0x1F080] =	vst v63  }
0x249: {  	_ =	swait.ge [sflag:s7], $0x800  }
0x24a: {  	[sflag:s7] =	ssyncset.done $0x0  }
0x24b: {  	s23 =	rddreg [dreg:$0x14];
	[sflag:s7] =	ssyncadd.s32 $0xFFFFF800  }
0x24c: {  	[hbm4b:s23+s1] =	stream.linear.scatter [tilespmem:s6], [sflag:$0x3], $0x800, $0x38;
	[tilespmem:$0x1F080] =	vst v63  }
0x24d: {  	_ =	swait.ge [sflag:s7], $0x800  }
0x24e: {  	s24 =	sld [smem:$0x7ED]  }
0x24f: {  	[sflag:s7] =	ssyncset.done $0x0  }
0x250: {  	[sflag:s7] =	ssyncadd.s32 $0xFFFFF800  }
0x251: {  	[tilespmem:s6], [sflag:$0x3] =	stream.linear.gather [spmem:s24], $0x800, $0x38;
	[tilespmem:$0x1F080] =	vst v63  }
0x252: {  	_ =	swait.ge [sflag:s7], $0x800  }
0x253: {  	[sflag:s7] =	ssyncset.done $0x0  }
0x254: {  	s25 =	rddreg [dreg:$0x15];
	[sflag:s7] =	ssyncadd.s32 $0xFFFFF800  }
0x255: {  	[hbm4b:s25+s1] =	stream.linear.scatter [tilespmem:s6], [sflag:$0x3], $0x800, $0x38;
	[tilespmem:$0x1F080] =	vst v63  }
0x256: {  	_ =	swait.ge [sflag:s7], $0x800  }
0x257: {  	s26 =	sld [smem:$0x7EE]  }
0x258: {  	[sflag:s7] =	ssyncset.done $0x0  }
0x259: {  	[sflag:s7] =	ssyncadd.s32 $0xFFFFF800  }
0x25a: {  	[tilespmem:s6], [sflag:$0x3] =	stream.linear.gather [spmem:s26], $0x800, $0x38;
	[tilespmem:$0x1F080] =	vst v63  }
0x25b: {  	_ =	swait.ge [sflag:s7], $0x800  }
0x25c: {  	[sflag:s7] =	ssyncset.done $0x0  }
0x25d: {  	s22 =	rddreg [dreg:$0x16];
	[sflag:s7] =	ssyncadd.s32 $0xFFFFF800  }
0x25e: {  	[hbm4b:s22+s1] =	stream.linear.scatter [tilespmem:s6], [sflag:$0x3], $0x800, $0x38;
	[tilespmem:$0x1F080] =	vst v63  }
0x25f: {  	_ =	swait.ge [sflag:s7], $0x800  }
0x260: {  	s23 =	sld [smem:$0x7EF]  }
0x261: {  	[sflag:s7] =	ssyncset.done $0x0  }
0x262: {  	[sflag:s7] =	ssyncadd.s32 $0xFFFFF800  }
0x263: {  	[tilespmem:s6], [sflag:$0x3] =	stream.linear.gather [spmem:s23], $0x800, $0x38;
	[tilespmem:$0x1F080] =	vst v63  }
0x264: {  	_ =	swait.ge [sflag:s7], $0x800  }
0x265: {  	[sflag:s7] =	ssyncset.done $0x0  }
0x266: {  	s24 =	rddreg [dreg:$0x17];
	[sflag:s7] =	ssyncadd.s32 $0xFFFFF800  }
0x267: {  	[hbm4b:s24+s1] =	stream.linear.scatter [tilespmem:s6], [sflag:$0x3], $0x800, $0x38;
	[tilespmem:$0x1F080] =	vst v63  }
0x268: {  	_ =	swait.ge [sflag:s7], $0x800  }
0x269: {  	s25 =	sld [smem:$0x7F0]  }
0x26a: {  	[sflag:s7] =	ssyncset.done $0x0  }
0x26b: {  	[sflag:s7] =	ssyncadd.s32 $0xFFFFF800  }
0x26c: {  	[tilespmem:s6], [sflag:$0x3] =	stream.linear.gather [spmem:s25], $0x800, $0x38;
	[tilespmem:$0x1F080] =	vst v63  }
0x26d: {  	_ =	swait.ge [sflag:s7], $0x800  }
0x26e: {  	[sflag:s7] =	ssyncset.done $0x0  }
0x26f: {  	s26 =	rddreg [dreg:$0x18];
	[sflag:s7] =	ssyncadd.s32 $0xFFFFF800  }
0x270: {  	[hbm4b:s26+s1] =	stream.linear.scatter [tilespmem:s6], [sflag:$0x3], $0x800, $0x38;
	[tilespmem:$0x1F080] =	vst v63  }
0x271: {  	_ =	swait.ge [sflag:s7], $0x800  }
0x272: {  	[sflag:s7] =	ssyncset.done $0x0  }
0x273: {  	[sflag:s7] =	ssyncadd.s32 $0xFFFFF800  }
0x274: {  	[tilespmem:s6], [sflag:$0x3] =	stream.linear.gather [spmem:s28], $0x800, $0x38;
	[tilespmem:$0x1F080] =	vst v63  }
0x275: {  	_ =	swait.ge [sflag:s7], $0x800  }
0x276: {  	[sflag:s7] =	ssyncset.done $0x0  }
0x277: {  	s26 =	smov.u32 s28;
	s28 =	rddreg [dreg:$0x19];
	[sflag:s7] =	ssyncadd.s32 $0xFFFFF800  }
0x278: {  	[hbm4b:s28+s1] =	stream.linear.scatter [tilespmem:s6], [sflag:$0x3], $0x800, $0x38;
	[tilespmem:$0x1F080] =	vst v63  }
0x279: {  	_ =	swait.ge [sflag:s7], $0x800  }
0x27a: {  	[sflag:s7] =	ssyncset.done $0x0  }
0x27b: {  	[sflag:s7] =	ssyncadd.s32 $0xFFFFF800  }
0x27c: {  	[tilespmem:s6], [sflag:$0x3] =	stream.linear.gather [spmem:s29], $0x800, $0x38;
	[tilespmem:$0x1F080] =	vst v63  }
0x27d: {  	_ =	swait.ge [sflag:s7], $0x800  }
0x27e: {  	[sflag:s7] =	ssyncset.done $0x0  }
0x27f: {  	s25 =	smov.u32 s29;
	s29 =	rddreg [dreg:$0x1a];
	[sflag:s7] =	ssyncadd.s32 $0xFFFFF800  }
0x280: {  	[hbm4b:s29+s1] =	stream.linear.scatter [tilespmem:s6], [sflag:$0x3], $0x800, $0x38;
	[tilespmem:$0x1F080] =	vst v63  }
0x281: {  	_ =	swait.ge [sflag:s7], $0x800  }
0x282: {  	[sflag:s7] =	ssyncset.done $0x0  }
0x283: {  	[sflag:s7] =	ssyncadd.s32 $0xFFFFF800  }
0x284: {  	[tilespmem:s6], [sflag:$0x3] =	stream.linear.gather [spmem:s30], $0x800, $0x38;
	[tilespmem:$0x1F080] =	vst v63  }
0x285: {  	_ =	swait.ge [sflag:s7], $0x800  }
0x286: {  	[sflag:s7] =	ssyncset.done $0x0  }
0x287: {  	s24 =	smov.u32 s30;
	s30 =	rddreg [dreg:$0x1b];
	[sflag:s7] =	ssyncadd.s32 $0xFFFFF800  }
0x288: {  	[hbm4b:s30+s1] =	stream.linear.scatter [tilespmem:s6], [sflag:$0x3], $0x800, $0x38;
	[tilespmem:$0x1F080] =	vst v63  }
0x289: {  	_ =	swait.ge [sflag:s7], $0x800  }
0x28a: {  	[sflag:s7] =	ssyncset.done $0x0  }
0x28b: {  	[sflag:s7] =	ssyncadd.s32 $0xFFFFF800  }
0x28c: {  	[tilespmem:s6], [sflag:$0x3] =	stream.linear.gather [spmem:s31], $0x800, $0x38;
	[tilespmem:$0x1F080] =	vst v63  }
0x28d: {  	_ =	swait.ge [sflag:s7], $0x800  }
0x28e: {  	[sflag:s7] =	ssyncset.done $0x0  }
0x28f: {  	s23 =	smov.u32 s31;
	s31 =	rddreg [dreg:$0x1c];
	[sflag:s7] =	ssyncadd.s32 $0xFFFFF800  }
0x290: {  	[hbm4b:s31+s1] =	stream.linear.scatter [tilespmem:s6], [sflag:$0x3], $0x800, $0x38;
	[tilespmem:$0x1F080] =	vst v63  }
0x291: {  	_ =	swait.ge [sflag:s7], $0x800  }
0x292: {  	s22 =	sld [smem:$0x7F1]  }
0x293: {  	[sflag:s7] =	ssyncset.done $0x0  }
0x294: {  	[sflag:s7] =	ssyncadd.s32 $0xFFFFF800  }
0x295: {  	[tilespmem:s6], [sflag:$0x3] =	stream.linear.gather [spmem:s22], $0x800, $0x38;
	[tilespmem:$0x1F080] =	vst v63  }
0x296: {  	_ =	swait.ge [sflag:s7], $0x800  }
0x297: {  	[sflag:s7] =	ssyncset.done $0x0  }
0x298: {  	s28 =	rddreg [dreg:$0x1d];
	[sflag:s7] =	ssyncadd.s32 $0xFFFFF800  }
0x299: {  	[hbm4b:s28+s1] =	stream.linear.scatter [tilespmem:s6], [sflag:$0x3], $0x800, $0x38;
	[tilespmem:$0x1F080] =	vst v63  }
0x29a: {  	_ =	swait.ge [sflag:s7], $0x800  }
0x29b: {  	s29 =	sld [smem:$0x7F2]  }
0x29c: {  	[sflag:s7] =	ssyncset.done $0x0  }
0x29d: {  	[sflag:s7] =	ssyncadd.s32 $0xFFFFF800  }
0x29e: {  	[tilespmem:s6], [sflag:$0x3] =	stream.linear.gather [spmem:s29], $0x800, $0x38;
	[tilespmem:$0x1F080] =	vst v63  }
0x29f: {  	_ =	swait.ge [sflag:s7], $0x800  }
0x2a0: {  	[sflag:s7] =	ssyncset.done $0x0  }
0x2a1: {  	s30 =	rddreg [dreg:$0x1e];
	[sflag:s7] =	ssyncadd.s32 $0xFFFFF800  }
0x2a2: {  	[hbm4b:s30+s1] =	stream.linear.scatter [tilespmem:s6], [sflag:$0x3], $0x800, $0x38;
	[tilespmem:$0x1F080] =	vst v63  }
0x2a3: {  	_ =	swait.ge [sflag:s7], $0x800  }
0x2a4: {  	s31 =	sld [smem:$0x7F3]  }
0x2a5: {  	[sflag:s7] =	ssyncset.done $0x0  }
0x2a6: {  	[sflag:s7] =	ssyncadd.s32 $0xFFFFF800  }
0x2a7: {  	[tilespmem:s6], [sflag:$0x3] =	stream.linear.gather [spmem:s31], $0x800, $0x38;
	[tilespmem:$0x1F080] =	vst v63  }
0x2a8: {  	_ =	swait.ge [sflag:s7], $0x800  }
0x2a9: {  	[sflag:s7] =	ssyncset.done $0x0  }
0x2aa: {  	s22 =	rddreg [dreg:$0x1f];
	[sflag:s7] =	ssyncadd.s32 $0xFFFFF800  }
0x2ab: {  	[hbm4b:s22+s1] =	stream.linear.scatter [tilespmem:s6], [sflag:$0x3], $0x800, $0x38;
	[tilespmem:$0x1F080] =	vst v63  }
0x2ac: {  	_ =	swait.ge [sflag:s7], $0x800  }
0x2ad: {  	s28 =	sld [smem:$0x7F4]  }
0x2ae: {  	[sflag:s7] =	ssyncset.done $0x0  }
0x2af: {  	[sflag:s7] =	ssyncadd.s32 $0xFFFFF800  }
0x2b0: {  	[tilespmem:s6], [sflag:$0x3] =	stream.linear.gather [spmem:s28], $0x800, $0x38;
	[tilespmem:$0x1F080] =	vst v63  }
0x2b1: {  	_ =	swait.ge [sflag:s7], $0x800  }
0x2b2: {  	s29 =	sld [smem:$0x7BF]  }
0x2b3: {  	[sflag:s7] =	ssyncset.done $0x0  }
0x2b4: {  	[sflag:s7] =	ssyncadd.s32 $0xFFFFF800  }
0x2b5: {  	[hbm4b:s29+s1] =	stream.linear.scatter [tilespmem:s6], [sflag:$0x3], $0x800, $0x38;
	[tilespmem:$0x1F080] =	vst v63  }
0x2b6: {  	_ =	swait.ge [sflag:s7], $0x800  }
0x2b7: {  	s30 =	sld [smem:$0x7F5]  }
0x2b8: {  	[sflag:s7] =	ssyncset.done $0x0  }
0x2b9: {  	[sflag:s7] =	ssyncadd.s32 $0xFFFFF800  }
0x2ba: {  	[tilespmem:s6], [sflag:$0x3] =	stream.linear.gather [spmem:s30], $0x800, $0x38;
	[tilespmem:$0x1F080] =	vst v63  }
0x2bb: {  	_ =	swait.ge [sflag:s7], $0x800  }
0x2bc: {  	s31 =	sld [smem:$0x7C0]  }
0x2bd: {  	[sflag:s7] =	ssyncset.done $0x0  }
0x2be: {  	[sflag:s7] =	ssyncadd.s32 $0xFFFFF800  }
0x2bf: {  	[hbm4b:s31+s1] =	stream.linear.scatter [tilespmem:s6], [sflag:$0x3], $0x800, $0x38;
	[tilespmem:$0x1F080] =	vst v63  }
0x2c0: {  	_ =	swait.ge [sflag:s7], $0x800  }
0x2c1: {  	s22 =	sld [smem:$0x7F6]  }
0x2c2: {  	[sflag:s7] =	ssyncset.done $0x0  }
0x2c3: {  	[sflag:s7] =	ssyncadd.s32 $0xFFFFF800  }
0x2c4: {  	[tilespmem:s6], [sflag:$0x3] =	stream.linear.gather [spmem:s22], $0x800, $0x38;
	[tilespmem:$0x1F080] =	vst v63  }
0x2c5: {  	_ =	swait.ge [sflag:s7], $0x800  }
0x2c6: {  	s28 =	sld [smem:$0x7C1]  }
0x2c7: {  	[sflag:s7] =	ssyncset.done $0x0  }
0x2c8: {  	[sflag:s7] =	ssyncadd.s32 $0xFFFFF800  }
0x2c9: {  	[hbm4b:s28+s1] =	stream.linear.scatter [tilespmem:s6], [sflag:$0x3], $0x800, $0x38;
	[tilespmem:$0x1F080] =	vst v63  }
0x2ca: {  	_ =	swait.ge [sflag:s7], $0x800  }
0x2cb: {  	s29 =	sld [smem:$0x7F7]  }
0x2cc: {  	[sflag:s7] =	ssyncset.done $0x0  }
0x2cd: {  	[sflag:s7] =	ssyncadd.s32 $0xFFFFF800  }
0x2ce: {  	[tilespmem:s6], [sflag:$0x3] =	stream.linear.gather [spmem:s29], $0x800, $0x38;
	[tilespmem:$0x1F080] =	vst v63  }
0x2cf: {  	_ =	swait.ge [sflag:s7], $0x800  }
0x2d0: {  	s30 =	sld [smem:$0x7C2]  }
0x2d1: {  	[sflag:s7] =	ssyncset.done $0x0  }
0x2d2: {  	[sflag:s7] =	ssyncadd.s32 $0xFFFFF800  }
0x2d3: {  	[hbm4b:s30+s1] =	stream.linear.scatter [tilespmem:s6], [sflag:$0x3], $0x800, $0x38;
	[tilespmem:$0x1F080] =	vst v63  }
0x2d4: {  	_ =	swait.ge [sflag:s7], $0x800  }
0x2d5: {  	s31 =	sld [smem:$0x7F8]  }
0x2d6: {  	[sflag:s7] =	ssyncset.done $0x0  }
0x2d7: {  	[sflag:s7] =	ssyncadd.s32 $0xFFFFF800  }
0x2d8: {  	[tilespmem:s6], [sflag:$0x3] =	stream.linear.gather [spmem:s31], $0x800, $0x38;
	[tilespmem:$0x1F080] =	vst v63  }
0x2d9: {  	_ =	swait.ge [sflag:s7], $0x800  }
0x2da: {  	s22 =	sld [smem:$0x7C3]  }
0x2db: {  	[sflag:s7] =	ssyncset.done $0x0  }
0x2dc: {  	[sflag:s7] =	ssyncadd.s32 $0xFFFFF800  }
0x2dd: {  	[hbm4b:s22+s1] =	stream.linear.scatter [tilespmem:s6], [sflag:$0x3], $0x800, $0x38;
	[tilespmem:$0x1F080] =	vst v63  }
0x2de: {  	_ =	swait.ge [sflag:s7], $0x800  }
0x2df: {  	s28 =	sld [smem:$0x7F9]  }
0x2e0: {  	[sflag:s7] =	ssyncset.done $0x0  }
0x2e1: {  	[sflag:s7] =	ssyncadd.s32 $0xFFFFF800  }
0x2e2: {  	[tilespmem:s6], [sflag:$0x3] =	stream.linear.gather [spmem:s28], $0x800, $0x38;
	[tilespmem:$0x1F080] =	vst v63  }
0x2e3: {  	_ =	swait.ge [sflag:s7], $0x800  }
0x2e4: {  	s29 =	sld [smem:$0x7C4]  }
0x2e5: {  	[sflag:s7] =	ssyncset.done $0x0  }
0x2e6: {  	[sflag:s7] =	ssyncadd.s32 $0xFFFFF800  }
0x2e7: {  	[hbm4b:s29+s1] =	stream.linear.scatter [tilespmem:s6], [sflag:$0x3], $0x800, $0x38;
	[tilespmem:$0x1F080] =	vst v63  }
0x2e8: {  	_ =	swait.ge [sflag:s7], $0x800  }
0x2e9: {  	s30 =	sld [smem:$0x7FA]  }
0x2ea: {  	[sflag:s7] =	ssyncset.done $0x0  }
0x2eb: {  	[sflag:s7] =	ssyncadd.s32 $0xFFFFF800  }
0x2ec: {  	[tilespmem:s6], [sflag:$0x3] =	stream.linear.gather [spmem:s30], $0x800, $0x38;
	[tilespmem:$0x1F080] =	vst v63  }
0x2ed: {  	_ =	swait.ge [sflag:s7], $0x800  }
0x2ee: {  	s31 =	sld [smem:$0x7C5]  }
0x2ef: {  	[sflag:s7] =	ssyncset.done $0x0  }
0x2f0: {  	[sflag:s7] =	ssyncadd.s32 $0xFFFFF800  }
0x2f1: {  	[hbm4b:s31+s1] =	stream.linear.scatter [tilespmem:s6], [sflag:$0x3], $0x800, $0x38;
	[tilespmem:$0x1F080] =	vst v63  }
0x2f2: {  	_ =	swait.ge [sflag:s7], $0x800  }
0x2f3: {  	[sflag:s7] =	ssyncset.done $0x0  }
0x2f4: {  	[sflag:s7] =	ssyncadd.s32 $0xFFFFF800  }
0x2f5: {  	[tilespmem:s6], [sflag:$0x3] =	stream.linear.gather [spmem:s0], $0x800, $0x38;
	[tilespmem:$0x1F080] =	vst v63  }
0x2f6: {  	_ =	swait.ge [sflag:s7], $0x800  }
0x2f7: {  	s22 =	sld [smem:$0x7C6]  }
0x2f8: {  	[sflag:s7] =	ssyncset.done $0x0  }
0x2f9: {  	[sflag:s7] =	ssyncadd.s32 $0xFFFFF800  }
0x2fa: {  	[hbm4b:s22+s1] =	stream.linear.scatter [tilespmem:s6], [sflag:$0x3], $0x800, $0x38;
	[tilespmem:$0x1F080] =	vst v63  }
0x2fb: {  	_ =	swait.ge [sflag:s7], $0x800  }
0x2fc: {  	[sflag:s7] =	ssyncset.done $0x0  }
0x2fd: {  	[sflag:s7] =	ssyncadd.s32 $0xFFFFF800  }
0x2fe: {  	[tilespmem:s6], [sflag:$0x3] =	stream.linear.gather [spmem:s3], $0x800, $0x38;
	[tilespmem:$0x1F080] =	vst v63  }
0x2ff: {  	_ =	swait.ge [sflag:s7], $0x800  }
0x300: {  	s28 =	sld [smem:$0x7C7]  }
0x301: {  	[sflag:s7] =	ssyncset.done $0x0  }
0x302: {  	[sflag:s7] =	ssyncadd.s32 $0xFFFFF800  }
0x303: {  	[hbm4b:s28+s1] =	stream.linear.scatter [tilespmem:s6], [sflag:$0x3], $0x800, $0x38;
	[tilespmem:$0x1F080] =	vst v63  }
0x304: {  	_ =	swait.ge [sflag:s7], $0x800  }
0x305: {  	[sflag:s7] =	ssyncset.done $0x0  }
0x306: {  	[sflag:s7] =	ssyncadd.s32 $0xFFFFF800  }
0x307: {  	[tilespmem:s6], [sflag:$0x3] =	stream.linear.gather [spmem:s4], $0x800, $0x38;
	[tilespmem:$0x1F080] =	vst v63  }
0x308: {  	_ =	swait.ge [sflag:s7], $0x800  }
0x309: {  	s29 =	sld [smem:$0x7C8]  }
0x30a: {  	[sflag:s7] =	ssyncset.done $0x0  }
0x30b: {  	[sflag:s7] =	ssyncadd.s32 $0xFFFFF800  }
0x30c: {  	[hbm4b:s29+s1] =	stream.linear.scatter [tilespmem:s6], [sflag:$0x3], $0x800, $0x38;
	[tilespmem:$0x1F080] =	vst v63  }
0x30d: {  	_ =	swait.ge [sflag:s7], $0x800  }
0x30e: {  	[sflag:s7] =	ssyncset.done $0x0  }
0x30f: {  	[sflag:s7] =	ssyncadd.s32 $0xFFFFF800  }
0x310: {  	[tilespmem:s6], [sflag:$0x3] =	stream.linear.gather [spmem:s5], $0x800, $0x38;
	[tilespmem:$0x1F080] =	vst v63  }
0x311: {  	_ =	swait.ge [sflag:s7], $0x800  }
0x312: {  	s30 =	sld [smem:$0x7C9]  }
0x313: {  	[sflag:s7] =	ssyncset.done $0x0  }
0x314: {  	[sflag:s7] =	ssyncadd.s32 $0xFFFFF800  }
0x315: {  	[hbm4b:s30+s1] =	stream.linear.scatter [tilespmem:s6], [sflag:$0x3], $0x800, $0x38;
	[tilespmem:$0x1F080] =	vst v63  }
0x316: {  	_ =	swait.ge [sflag:s7], $0x800  }
0x317: {  	s31 =	sld [smem:$0x7FD];
	_ =	sdelay $0x1  }
0x318: {  	s20 =	sadd.s32 $0x1, s20  }
0x319: {  	p0 =	sne.s32 s20, s31  }
.Ltmp3:
0x31a: {  	_ = 	snop;
	(pc) =	sbr.rel @p0 .LBB2_1-.Ltmp3, $3  }
0x31b: {  	_ =	sdelay $0x1  }
0x31c: {  	[sflag:s7] =	ssyncset.done $0x0  }
0x31d: {  	[sflag:s7] =	ssyncadd.s32 $0xFFFFF800  }
0x31e: {  	_ =	sfence.sel $0x180000  }
0x31f: {  	[bflag:$0x0] =	sbarrier.arrive $0xFFFF  }
0x320: {  	_ =	strace $0x9000004A  }
0x321: {  	s0 =	stileid.u32;
	[bflag:$0x2] =	sbarrier.arrive $0xFFFF  }
0x322: {  	p0 =	sne.s32 s0, $0x0;
	s0 =	rddreg [dreg:$0x2]  }
0x323: {  	s0 =	sadd.s32 @!p0 $0x100000, s0  }
0x324: {  	[sflag:s0] =	ssyncadd.tile.s32 @!p0 $0x1;
	_ =	shalt  }
.Lfunc_end2:
_tile_overlayer_lowered:
.L_overlay_start_2:
0x325: {  	(tag) =	ssettag $0x2  }
0x326: {  	s0 =	rddreg [dreg:$0x0];
	s2 =	stileid.u32  }
0x327: {  	s1 =	rddreg [dreg:$0x1];
	p0 =	sne.s32 s2, $0x0  }
0x328: {  	s3 =	rddreg [dreg:$0x2];
	[bflag:$0x3] =	sbarrier.arrive $0xFFFF;
	s2 =	simm.s32 @!p0 $0x1C03  }
0x329: {  	[timem:s3], [sflag:s2] =	dma.local @!p0 [hbm:s0], s1  }
0x32a: {  	s0 =	simm.s32 @!p0 $0x3  }
0x32b: {  	_ =	swait.ge @!p0 [sflag:s0], s1  }
0x32c: {  	s1 =	ssub.s32 @!p0 $0x0, s1;
	[sflag:s0] =	ssyncset.done @!p0 $0x0  }
0x32d: {  	[sflag:s0] =	ssyncadd.s32 @!p0 s1  }
0x32e: {  	[bflag:$0x3] =	sbarrier.arrive $0xFFFF  }
0x32f: {  	_ =	shalt  }

</sc_bundles>
